<compile_context>
chip_gen: v7x
topology: tpu7x:2x2x1
jax: 0.10.2.dev20260603
libtpu: 0.0.44.dev20260713+nightly
codegen_flags: <defaults>
</compile_context>

<pallas_src>
import functools

import jax
import jax.numpy as jnp
from jax import lax
from jax.experimental import pallas as pl
from jax.experimental.pallas import tpu as pltpu, tpu_sc as plsc

VOCAB = 100000
MAX_LEN = 200
DIM = 32
BATCH = 4096

NC, NS, L = 2, 16, 16
NW = NC * NS
NCALLS = 1
BC = BATCH // NCALLS
SEQ_PER_W = BC // NW
SEQ_PER_GROUP = 4
GROUP = SEQ_PER_GROUP * MAX_LEN
NGROUPS = SEQ_PER_W // SEQ_PER_GROUP
GCHUNK = 80
NBUF = 4
PRIME = NBUF - 1


def _make_kernel():
  mesh = plsc.VectorSubcoreMesh(
      core_axis_name="c", subcore_axis_name="s", num_cores=NC, num_subcores=NS
  )

  @functools.partial(
      pl.kernel,
      mesh=mesh,
      compiler_params=pltpu.CompilerParams(use_tc_tiling_on_sc=False),
      out_type=jax.ShapeDtypeStruct((BC, MAX_LEN, 128), jnp.float32),
      scratch_types=[
          [pltpu.VMEM((SEQ_PER_GROUP, 256), jnp.int32) for _ in range(NBUF)],
          [pltpu.VMEM((SEQ_PER_GROUP, MAX_LEN, DIM), jnp.float32)
           for _ in range(NBUF)],
          pltpu.VMEM((MAX_LEN, DIM), jnp.float32),
          [pltpu.SemaphoreType.DMA for _ in range(NBUF)],
          [pltpu.SemaphoreType.DMA for _ in range(NBUF)],
      ],
  )
  def k(x_hbm, table_hbm, pos_hbm, out_hbm, idx_v, rows_v, pos_v, gsem, wsem):
    wid = lax.axis_index("s") * NC + lax.axis_index("c")
    pltpu.sync_copy(pos_hbm, pos_v)
    w_seq = wid * SEQ_PER_W

    def fire_group(g, b):
      seq0 = w_seq + g * SEQ_PER_GROUP
      pltpu.sync_copy(x_hbm.at[pl.ds(seq0, SEQ_PER_GROUP)], idx_v[b])
      for s in range(SEQ_PER_GROUP):
        off = 0
        for c in (GCHUNK, GCHUNK, MAX_LEN - 2 * GCHUNK):
          pltpu.async_copy(
              table_hbm.at[idx_v[b].at[s].at[pl.ds(off, c)]],
              rows_v[b].at[s].at[pl.ds(off, c)],
              gsem[b],
          )
          off += c

    def wait_gathers(b):
      pltpu.make_async_copy(
          out_hbm.at[pl.ds(0, SEQ_PER_GROUP), :, pl.ds(0, DIM)],
          rows_v[b], gsem[b],
      ).wait()

    def wait_write(b):
      pltpu.make_async_copy(
          rows_v[b], out_hbm.at[pl.ds(0, SEQ_PER_GROUP), :, pl.ds(0, DIM)],
          wsem[b],
      ).wait()

    for p in range(PRIME):
      fire_group(p, p)

    def h_body(h, carry):
      for b in range(NBUF):
        g = h * NBUF + b
        bf = (b + PRIME) % NBUF
        gf = g + PRIME

        @pl.when(jnp.logical_and(gf < NGROUPS, g >= 1))
        def _():
          wait_write(bf)
          fire_group(gf, bf)

        @pl.when(jnp.logical_and(gf < NGROUPS, g < 1))
        def _():
          fire_group(gf, bf)

        wait_gathers(b)

        def add_body(l, c):
          p0 = pos_v[l, pl.ds(0, L)]
          p1 = pos_v[l, pl.ds(L, L)]
          for s in range(SEQ_PER_GROUP):
            rows_v[b][s, l, pl.ds(0, L)] = rows_v[b][s, l, pl.ds(0, L)] + p0
            rows_v[b][s, l, pl.ds(L, L)] = rows_v[b][s, l, pl.ds(L, L)] + p1
          return c
        lax.fori_loop(0, MAX_LEN, add_body, 0)

        pltpu.async_copy(
            rows_v[b],
            out_hbm.at[pl.ds(w_seq + g * SEQ_PER_GROUP, SEQ_PER_GROUP),
                       :, pl.ds(0, DIM)],
            wsem[b],
        )
      return carry

    lax.fori_loop(0, NGROUPS // NBUF, h_body, 0)

    for b in range(NBUF):
      wait_write(b)

  return k


_kernel_cache = []


def kernel(x, token_table, pos_table):
  if not _kernel_cache:
    _kernel_cache.append(_make_kernel())
  k = _kernel_cache[0]
  xi = jnp.pad(x.astype(jnp.int32), ((0, 0), (0, 256 - MAX_LEN)))
  parts = [
      k(xi[i * BC:(i + 1) * BC], token_table, pos_table)
      for i in range(NCALLS)
  ]
  return jnp.concatenate(parts, axis=0)[:, :, :DIM]

# --- scband reference (transcript-rebuilt; emitter-appended) ---
"""Pipeline reference for scband-token-and-position-embedding-22385369547339 (READ-ONLY COPY).

The authoritative reference and input builder live on the scoring server;
editing this copy changes nothing except your own understanding.
"""

import jax, jax.numpy as jnp
import numpy as np

VOCAB = 100000
MAX_LEN = 200
DIM = 32
BATCH = 4096

def setup_inputs(seed: int = 0) -> dict:
    key = jax.random.key(seed)
    k1, k2, k3 = jax.random.split(key, 3)
    x = jax.random.randint(k1, (BATCH, MAX_LEN), 0, VOCAB, dtype=jnp.int64 if jax.config.jax_enable_x64 else jnp.int32)
    token_table = jax.random.normal(k2, (VOCAB, DIM), dtype=jnp.float32) * 0.05
    pos_table = jax.random.normal(k3, (MAX_LEN, DIM), dtype=jnp.float32) * 0.05
    return {"x": x, "token_table": token_table, "pos_table": pos_table}

def reference(x, token_table, pos_table):
    seq_len = x.shape[-1]
    positions = jnp.arange(seq_len)
    pos_emb = jnp.take(pos_table, positions, axis=0)          # [L, D]
    tok_emb = jnp.take(token_table, x, axis=0)                # [B, L, D]
    return tok_emb + pos_emb[None, :, :]

if __name__ == "__main__":
    import jax
    _d = setup_inputs()
    print(jax.jit(kernel)(*tuple(_d.values())))

</pallas_src>

<mosaic_0001>
#map = affine_map<(d0, d1) -> (0, 0)>
#map1 = affine_map<(d0, d1) -> (0, 0, 0)>
module attributes {stable_mosaic.version = 14 : i64} {
  func.func @k(%arg0: i32, %arg1: i32, %arg2: memref<4096x256xi32, #tpu.memory_space<hbm>>, %arg3: memref<100000x32xf32, #tpu.memory_space<hbm>>, %arg4: memref<200x32xf32, #tpu.memory_space<hbm>>, %arg5: memref<4096x200x128xf32, #tpu.memory_space<hbm>>, %arg6: memref<4x256xi32, #tpu.memory_space<vmem>>, %arg7: memref<4x256xi32, #tpu.memory_space<vmem>>, %arg8: memref<4x256xi32, #tpu.memory_space<vmem>>, %arg9: memref<4x256xi32, #tpu.memory_space<vmem>>, %arg10: memref<4x200x32xf32, #tpu.memory_space<vmem>>, %arg11: memref<4x200x32xf32, #tpu.memory_space<vmem>>, %arg12: memref<4x200x32xf32, #tpu.memory_space<vmem>>, %arg13: memref<4x200x32xf32, #tpu.memory_space<vmem>>, %arg14: memref<200x32xf32, #tpu.memory_space<vmem>>, %arg15: memref<!tpu.dma_semaphore, #tpu.memory_space<semaphore_mem>>, %arg16: memref<!tpu.dma_semaphore, #tpu.memory_space<semaphore_mem>>, %arg17: memref<!tpu.dma_semaphore, #tpu.memory_space<semaphore_mem>>, %arg18: memref<!tpu.dma_semaphore, #tpu.memory_space<semaphore_mem>>, %arg19: memref<!tpu.dma_semaphore, #tpu.memory_space<semaphore_mem>>, %arg20: memref<!tpu.dma_semaphore, #tpu.memory_space<semaphore_mem>>, %arg21: memref<!tpu.dma_semaphore, #tpu.memory_space<semaphore_mem>>, %arg22: memref<!tpu.dma_semaphore, #tpu.memory_space<semaphore_mem>>) attributes {dimension_semantics = [#tpu.dimension_semantics<core_parallel>, #tpu.dimension_semantics<subcore_parallel>], iteration_bounds = array<i64: 2, 16>, scalar_prefetch = 0 : i64, scratch_operands = 17 : i64, tpu.core_type = #tpu.core_type<sc_vector_subcore>, window_params = [{transform_indices = #map}, {transform_indices = #map}, {transform_indices = #map}, {transform_indices = #map1}]} {
    %mul3A = arith.constant 2 : i32
    %mul3A_0 = arith.muli %arg1, %mul3A : i32
    %add3A = arith.addi %mul3A_0, %arg0 : i32
    "tpu.region"() ({
      %run_scoped3A = tpu.sem_alloc : memref<!tpu.dma_semaphore, #tpu.memory_space<semaphore_mem>>
      tpu.enqueue_dma source(%arg4 : memref<200x32xf32, #tpu.memory_space<hbm>>) target(%arg14 : memref<200x32xf32, #tpu.memory_space<vmem>>) target_semaphore(%run_scoped3A : memref<!tpu.dma_semaphore, #tpu.memory_space<semaphore_mem>>)
      tpu.wait_dma2 semaphore(%run_scoped3A : memref<!tpu.dma_semaphore, #tpu.memory_space<semaphore_mem>>) src(%arg4 : memref<200x32xf32, #tpu.memory_space<hbm>>) dst(%arg14 : memref<200x32xf32, #tpu.memory_space<vmem>>)
      tpu.yield
    }) : () -> ()
    %mul3A_1 = arith.constant 128 : i32
    %mul3A_2 = arith.muli %add3A, %mul3A_1 : i32
    %add3A_3 = arith.constant 0 : i32
    %add3A_4 = arith.addi %mul3A_2, %add3A_3 : i32
    "tpu.region"() ({
      %run_scoped3A = tpu.sem_alloc : memref<!tpu.dma_semaphore, #tpu.memory_space<semaphore_mem>>
      %dma_start3A_656 = arith.constant 0 : i32
      %dma_start3A_657 = tpu.memref_slice %arg2[%add3A_4, %dma_start3A_656] : memref<4096x256xi32, #tpu.memory_space<hbm>> -> memref<4x256xi32, #tpu.memory_space<hbm>>
      %dma_start3A_658 = arith.constant 0 : i32
      %dma_start3A_659 = tpu.memref_slice %arg2[%add3A_4, %dma_start3A_658] : memref<4096x256xi32, #tpu.memory_space<hbm>> -> memref<4x256xi32, #tpu.memory_space<hbm>>
      tpu.enqueue_dma source(%dma_start3A_659 : memref<4x256xi32, #tpu.memory_space<hbm>>) target(%arg6 : memref<4x256xi32, #tpu.memory_space<vmem>>) target_semaphore(%run_scoped3A : memref<!tpu.dma_semaphore, #tpu.memory_space<semaphore_mem>>)
      %dma_wait3A_660 = arith.constant 0 : i32
      %dma_wait3A_661 = tpu.memref_slice %arg2[%add3A_4, %dma_wait3A_660] : memref<4096x256xi32, #tpu.memory_space<hbm>> -> memref<4x256xi32, #tpu.memory_space<hbm>>
      %dma_wait3A_662 = arith.constant 0 : i32
      %dma_wait3A_663 = tpu.memref_slice %arg2[%add3A_4, %dma_wait3A_662] : memref<4096x256xi32, #tpu.memory_space<hbm>> -> memref<4x256xi32, #tpu.memory_space<hbm>>
      tpu.wait_dma2 semaphore(%run_scoped3A : memref<!tpu.dma_semaphore, #tpu.memory_space<semaphore_mem>>) src(%dma_wait3A_663 : memref<4x256xi32, #tpu.memory_space<hbm>>) dst(%arg6 : memref<4x256xi32, #tpu.memory_space<vmem>>)
      tpu.yield
    }) : () -> ()
    %dma_start3A = arith.constant 0 : i32
    %dma_start3A_5 = arith.constant 0 : i32
    %dma_start3A_6 = arith.constant 0 : i32
    %dma_start3A_7 = arith.constant 0 : i32
    %dma_start3A_8 = tpu.memref_slice %arg10[%dma_start3A_5, %dma_start3A_6, %dma_start3A_7] : memref<4x200x32xf32, #tpu.memory_space<vmem>> -> memref<1x200x32xf32, #tpu.memory_space<vmem>>
    %dma_start3A_9 = tpu.memref_squeeze %dma_start3A_8 : memref<1x200x32xf32, #tpu.memory_space<vmem>> -> memref<200x32xf32, #tpu.memory_space<vmem>>
    %dma_start3A_10 = arith.constant 0 : i32
    %dma_start3A_11 = arith.constant 0 : i32
    %dma_start3A_12 = tpu.memref_slice %dma_start3A_9[%dma_start3A_10, %dma_start3A_11] : memref<200x32xf32, #tpu.memory_space<vmem>> -> memref<80x32xf32, #tpu.memory_space<vmem>>
    %dma_start3A_13 = arith.constant 0 : i32
    %dma_start3A_14 = tpu.memref_slice %arg6[%dma_start3A, %dma_start3A_13] : memref<4x256xi32, #tpu.memory_space<vmem>> -> memref<1x256xi32, #tpu.memory_space<vmem>>
    %dma_start3A_15 = tpu.memref_squeeze %dma_start3A_14 : memref<1x256xi32, #tpu.memory_space<vmem>> -> memref<256xi32, #tpu.memory_space<vmem>>
    %dma_start3A_16 = arith.constant 0 : i32
    %dma_start3A_17 = tpu.memref_slice %dma_start3A_15[%dma_start3A_16] : memref<256xi32, #tpu.memory_space<vmem>> -> memref<80xi32, #tpu.memory_space<vmem>>
    %dma_start3A_18 = arith.constant 0 : i32
    %dma_start3A_19 = arith.constant 0 : i32
    %dma_start3A_20 = tpu.memref_slice %arg3[%dma_start3A_18, %dma_start3A_19] : memref<100000x32xf32, #tpu.memory_space<hbm>> -> memref<100000x32xf32, #tpu.memory_space<hbm>>
    tpu.enqueue_indirect_dma source(%dma_start3A_20 : memref<100000x32xf32, #tpu.memory_space<hbm>>) target(%dma_start3A_12 : memref<80x32xf32, #tpu.memory_space<vmem>>) offsets(%dma_start3A_17 : memref<80xi32, #tpu.memory_space<vmem>>) semaphore(%arg15 : memref<!tpu.dma_semaphore, #tpu.memory_space<semaphore_mem>>)
    %dma_start3A_21 = arith.constant 0 : i32
    %dma_start3A_22 = arith.constant 0 : i32
    %dma_start3A_23 = arith.constant 0 : i32
    %dma_start3A_24 = arith.constant 0 : i32
    %dma_start3A_25 = tpu.memref_slice %arg10[%dma_start3A_22, %dma_start3A_23, %dma_start3A_24] : memref<4x200x32xf32, #tpu.memory_space<vmem>> -> memref<1x200x32xf32, #tpu.memory_space<vmem>>
    %dma_start3A_26 = tpu.memref_squeeze %dma_start3A_25 : memref<1x200x32xf32, #tpu.memory_space<vmem>> -> memref<200x32xf32, #tpu.memory_space<vmem>>
    %dma_start3A_27 = arith.constant 80 : i32
    %dma_start3A_28 = arith.constant 0 : i32
    %dma_start3A_29 = tpu.memref_slice %dma_start3A_26[%dma_start3A_27, %dma_start3A_28] : memref<200x32xf32, #tpu.memory_space<vmem>> -> memref<80x32xf32, #tpu.memory_space<vmem>>
    %dma_start3A_30 = arith.constant 0 : i32
    %dma_start3A_31 = tpu.memref_slice %arg6[%dma_start3A_21, %dma_start3A_30] : memref<4x256xi32, #tpu.memory_space<vmem>> -> memref<1x256xi32, #tpu.memory_space<vmem>>
    %dma_start3A_32 = tpu.memref_squeeze %dma_start3A_31 : memref<1x256xi32, #tpu.memory_space<vmem>> -> memref<256xi32, #tpu.memory_space<vmem>>
    %dma_start3A_33 = arith.constant 80 : i32
    %dma_start3A_34 = tpu.memref_slice %dma_start3A_32[%dma_start3A_33] : memref<256xi32, #tpu.memory_space<vmem>> -> memref<80xi32, #tpu.memory_space<vmem>>
    %dma_start3A_35 = arith.constant 0 : i32
    %dma_start3A_36 = arith.constant 0 : i32
    %dma_start3A_37 = tpu.memref_slice %arg3[%dma_start3A_35, %dma_start3A_36] : memref<100000x32xf32, #tpu.memory_space<hbm>> -> memref<100000x32xf32, #tpu.memory_space<hbm>>
    tpu.enqueue_indirect_dma source(%dma_start3A_37 : memref<100000x32xf32, #tpu.memory_space<hbm>>) target(%dma_start3A_29 : memref<80x32xf32, #tpu.memory_space<vmem>>) offsets(%dma_start3A_34 : memref<80xi32, #tpu.memory_space<vmem>>) semaphore(%arg15 : memref<!tpu.dma_semaphore, #tpu.memory_space<semaphore_mem>>)
    %dma_start3A_38 = arith.constant 0 : i32
    %dma_start3A_39 = arith.constant 0 : i32
    %dma_start3A_40 = arith.constant 0 : i32
    %dma_start3A_41 = arith.constant 0 : i32
    %dma_start3A_42 = tpu.memref_slice %arg10[%dma_start3A_39, %dma_start3A_40, %dma_start3A_41] : memref<4x200x32xf32, #tpu.memory_space<vmem>> -> memref<1x200x32xf32, #tpu.memory_space<vmem>>
    %dma_start3A_43 = tpu.memref_squeeze %dma_start3A_42 : memref<1x200x32xf32, #tpu.memory_space<vmem>> -> memref<200x32xf32, #tpu.memory_space<vmem>>
    %dma_start3A_44 = arith.constant 160 : i32
    %dma_start3A_45 = arith.constant 0 : i32
    %dma_start3A_46 = tpu.memref_slice %dma_start3A_43[%dma_start3A_44, %dma_start3A_45] : memref<200x32xf32, #tpu.memory_space<vmem>> -> memref<40x32xf32, #tpu.memory_space<vmem>>
    %dma_start3A_47 = arith.constant 0 : i32
    %dma_start3A_48 = tpu.memref_slice %arg6[%dma_start3A_38, %dma_start3A_47] : memref<4x256xi32, #tpu.memory_space<vmem>> -> memref<1x256xi32, #tpu.memory_space<vmem>>
    %dma_start3A_49 = tpu.memref_squeeze %dma_start3A_48 : memref<1x256xi32, #tpu.memory_space<vmem>> -> memref<256xi32, #tpu.memory_space<vmem>>
    %dma_start3A_50 = arith.constant 160 : i32
    %dma_start3A_51 = tpu.memref_slice %dma_start3A_49[%dma_start3A_50] : memref<256xi32, #tpu.memory_space<vmem>> -> memref<40xi32, #tpu.memory_space<vmem>>
    %dma_start3A_52 = arith.constant 0 : i32
    %dma_start3A_53 = arith.constant 0 : i32
    %dma_start3A_54 = tpu.memref_slice %arg3[%dma_start3A_52, %dma_start3A_53] : memref<100000x32xf32, #tpu.memory_space<hbm>> -> memref<100000x32xf32, #tpu.memory_space<hbm>>
    tpu.enqueue_indirect_dma source(%dma_start3A_54 : memref<100000x32xf32, #tpu.memory_space<hbm>>) target(%dma_start3A_46 : memref<40x32xf32, #tpu.memory_space<vmem>>) offsets(%dma_start3A_51 : memref<40xi32, #tpu.memory_space<vmem>>) semaphore(%arg15 : memref<!tpu.dma_semaphore, #tpu.memory_space<semaphore_mem>>)
    %dma_start3A_55 = arith.constant 1 : i32
    %dma_start3A_56 = arith.constant 1 : i32
    %dma_start3A_57 = arith.constant 0 : i32
    %dma_start3A_58 = arith.constant 0 : i32
    %dma_start3A_59 = tpu.memref_slice %arg10[%dma_start3A_56, %dma_start3A_57, %dma_start3A_58] : memref<4x200x32xf32, #tpu.memory_space<vmem>> -> memref<1x200x32xf32, #tpu.memory_space<vmem>>
    %dma_start3A_60 = tpu.memref_squeeze %dma_start3A_59 : memref<1x200x32xf32, #tpu.memory_space<vmem>> -> memref<200x32xf32, #tpu.memory_space<vmem>>
    %dma_start3A_61 = arith.constant 0 : i32
    %dma_start3A_62 = arith.constant 0 : i32
    %dma_start3A_63 = tpu.memref_slice %dma_start3A_60[%dma_start3A_61, %dma_start3A_62] : memref<200x32xf32, #tpu.memory_space<vmem>> -> memref<80x32xf32, #tpu.memory_space<vmem>>
    %dma_start3A_64 = arith.constant 0 : i32
    %dma_start3A_65 = tpu.memref_slice %arg6[%dma_start3A_55, %dma_start3A_64] : memref<4x256xi32, #tpu.memory_space<vmem>> -> memref<1x256xi32, #tpu.memory_space<vmem>>
    %dma_start3A_66 = tpu.memref_squeeze %dma_start3A_65 : memref<1x256xi32, #tpu.memory_space<vmem>> -> memref<256xi32, #tpu.memory_space<vmem>>
    %dma_start3A_67 = arith.constant 0 : i32
    %dma_start3A_68 = tpu.memref_slice %dma_start3A_66[%dma_start3A_67] : memref<256xi32, #tpu.memory_space<vmem>> -> memref<80xi32, #tpu.memory_space<vmem>>
    %dma_start3A_69 = arith.constant 0 : i32
    %dma_start3A_70 = arith.constant 0 : i32
    %dma_start3A_71 = tpu.memref_slice %arg3[%dma_start3A_69, %dma_start3A_70] : memref<100000x32xf32, #tpu.memory_space<hbm>> -> memref<100000x32xf32, #tpu.memory_space<hbm>>
    tpu.enqueue_indirect_dma source(%dma_start3A_71 : memref<100000x32xf32, #tpu.memory_space<hbm>>) target(%dma_start3A_63 : memref<80x32xf32, #tpu.memory_space<vmem>>) offsets(%dma_start3A_68 : memref<80xi32, #tpu.memory_space<vmem>>) semaphore(%arg15 : memref<!tpu.dma_semaphore, #tpu.memory_space<semaphore_mem>>)
    %dma_start3A_72 = arith.constant 1 : i32
    %dma_start3A_73 = arith.constant 1 : i32
    %dma_start3A_74 = arith.constant 0 : i32
    %dma_start3A_75 = arith.constant 0 : i32
    %dma_start3A_76 = tpu.memref_slice %arg10[%dma_start3A_73, %dma_start3A_74, %dma_start3A_75] : memref<4x200x32xf32, #tpu.memory_space<vmem>> -> memref<1x200x32xf32, #tpu.memory_space<vmem>>
    %dma_start3A_77 = tpu.memref_squeeze %dma_start3A_76 : memref<1x200x32xf32, #tpu.memory_space<vmem>> -> memref<200x32xf32, #tpu.memory_space<vmem>>
    %dma_start3A_78 = arith.constant 80 : i32
    %dma_start3A_79 = arith.constant 0 : i32
    %dma_start3A_80 = tpu.memref_slice %dma_start3A_77[%dma_start3A_78, %dma_start3A_79] : memref<200x32xf32, #tpu.memory_space<vmem>> -> memref<80x32xf32, #tpu.memory_space<vmem>>
    %dma_start3A_81 = arith.constant 0 : i32
    %dma_start3A_82 = tpu.memref_slice %arg6[%dma_start3A_72, %dma_start3A_81] : memref<4x256xi32, #tpu.memory_space<vmem>> -> memref<1x256xi32, #tpu.memory_space<vmem>>
    %dma_start3A_83 = tpu.memref_squeeze %dma_start3A_82 : memref<1x256xi32, #tpu.memory_space<vmem>> -> memref<256xi32, #tpu.memory_space<vmem>>
    %dma_start3A_84 = arith.constant 80 : i32
    %dma_start3A_85 = tpu.memref_slice %dma_start3A_83[%dma_start3A_84] : memref<256xi32, #tpu.memory_space<vmem>> -> memref<80xi32, #tpu.memory_space<vmem>>
    %dma_start3A_86 = arith.constant 0 : i32
    %dma_start3A_87 = arith.constant 0 : i32
    %dma_start3A_88 = tpu.memref_slice %arg3[%dma_start3A_86, %dma_start3A_87] : memref<100000x32xf32, #tpu.memory_space<hbm>> -> memref<100000x32xf32, #tpu.memory_space<hbm>>
    tpu.enqueue_indirect_dma source(%dma_start3A_88 : memref<100000x32xf32, #tpu.memory_space<hbm>>) target(%dma_start3A_80 : memref<80x32xf32, #tpu.memory_space<vmem>>) offsets(%dma_start3A_85 : memref<80xi32, #tpu.memory_space<vmem>>) semaphore(%arg15 : memref<!tpu.dma_semaphore, #tpu.memory_space<semaphore_mem>>)
    %dma_start3A_89 = arith.constant 1 : i32
    %dma_start3A_90 = arith.constant 1 : i32
    %dma_start3A_91 = arith.constant 0 : i32
    %dma_start3A_92 = arith.constant 0 : i32
    %dma_start3A_93 = tpu.memref_slice %arg10[%dma_start3A_90, %dma_start3A_91, %dma_start3A_92] : memref<4x200x32xf32, #tpu.memory_space<vmem>> -> memref<1x200x32xf32, #tpu.memory_space<vmem>>
    %dma_start3A_94 = tpu.memref_squeeze %dma_start3A_93 : memref<1x200x32xf32, #tpu.memory_space<vmem>> -> memref<200x32xf32, #tpu.memory_space<vmem>>
    %dma_start3A_95 = arith.constant 160 : i32
    %dma_start3A_96 = arith.constant 0 : i32
    %dma_start3A_97 = tpu.memref_slice %dma_start3A_94[%dma_start3A_95, %dma_start3A_96] : memref<200x32xf32, #tpu.memory_space<vmem>> -> memref<40x32xf32, #tpu.memory_space<vmem>>
    %dma_start3A_98 = arith.constant 0 : i32
    %dma_start3A_99 = tpu.memref_slice %arg6[%dma_start3A_89, %dma_start3A_98] : memref<4x256xi32, #tpu.memory_space<vmem>> -> memref<1x256xi32, #tpu.memory_space<vmem>>
    %dma_start3A_100 = tpu.memref_squeeze %dma_start3A_99 : memref<1x256xi32, #tpu.memory_space<vmem>> -> memref<256xi32, #tpu.memory_space<vmem>>
    %dma_start3A_101 = arith.constant 160 : i32
    %dma_start3A_102 = tpu.memref_slice %dma_start3A_100[%dma_start3A_101] : memref<256xi32, #tpu.memory_space<vmem>> -> memref<40xi32, #tpu.memory_space<vmem>>
    %dma_start3A_103 = arith.constant 0 : i32
    %dma_start3A_104 = arith.constant 0 : i32
    %dma_start3A_105 = tpu.memref_slice %arg3[%dma_start3A_103, %dma_start3A_104] : memref<100000x32xf32, #tpu.memory_space<hbm>> -> memref<100000x32xf32, #tpu.memory_space<hbm>>
    tpu.enqueue_indirect_dma source(%dma_start3A_105 : memref<100000x32xf32, #tpu.memory_space<hbm>>) target(%dma_start3A_97 : memref<40x32xf32, #tpu.memory_space<vmem>>) offsets(%dma_start3A_102 : memref<40xi32, #tpu.memory_space<vmem>>) semaphore(%arg15 : memref<!tpu.dma_semaphore, #tpu.memory_space<semaphore_mem>>)
    %dma_start3A_106 = arith.constant 2 : i32
    %dma_start3A_107 = arith.constant 2 : i32
    %dma_start3A_108 = arith.constant 0 : i32
    %dma_start3A_109 = arith.constant 0 : i32
    %dma_start3A_110 = tpu.memref_slice %arg10[%dma_start3A_107, %dma_start3A_108, %dma_start3A_109] : memref<4x200x32xf32, #tpu.memory_space<vmem>> -> memref<1x200x32xf32, #tpu.memory_space<vmem>>
    %dma_start3A_111 = tpu.memref_squeeze %dma_start3A_110 : memref<1x200x32xf32, #tpu.memory_space<vmem>> -> memref<200x32xf32, #tpu.memory_space<vmem>>
    %dma_start3A_112 = arith.constant 0 : i32
    %dma_start3A_113 = arith.constant 0 : i32
    %dma_start3A_114 = tpu.memref_slice %dma_start3A_111[%dma_start3A_112, %dma_start3A_113] : memref<200x32xf32, #tpu.memory_space<vmem>> -> memref<80x32xf32, #tpu.memory_space<vmem>>
    %dma_start3A_115 = arith.constant 0 : i32
    %dma_start3A_116 = tpu.memref_slice %arg6[%dma_start3A_106, %dma_start3A_115] : memref<4x256xi32, #tpu.memory_space<vmem>> -> memref<1x256xi32, #tpu.memory_space<vmem>>
    %dma_start3A_117 = tpu.memref_squeeze %dma_start3A_116 : memref<1x256xi32, #tpu.memory_space<vmem>> -> memref<256xi32, #tpu.memory_space<vmem>>
    %dma_start3A_118 = arith.constant 0 : i32
    %dma_start3A_119 = tpu.memref_slice %dma_start3A_117[%dma_start3A_118] : memref<256xi32, #tpu.memory_space<vmem>> -> memref<80xi32, #tpu.memory_space<vmem>>
    %dma_start3A_120 = arith.constant 0 : i32
    %dma_start3A_121 = arith.constant 0 : i32
    %dma_start3A_122 = tpu.memref_slice %arg3[%dma_start3A_120, %dma_start3A_121] : memref<100000x32xf32, #tpu.memory_space<hbm>> -> memref<100000x32xf32, #tpu.memory_space<hbm>>
    tpu.enqueue_indirect_dma source(%dma_start3A_122 : memref<100000x32xf32, #tpu.memory_space<hbm>>) target(%dma_start3A_114 : memref<80x32xf32, #tpu.memory_space<vmem>>) offsets(%dma_start3A_119 : memref<80xi32, #tpu.memory_space<vmem>>) semaphore(%arg15 : memref<!tpu.dma_semaphore, #tpu.memory_space<semaphore_mem>>)
    %dma_start3A_123 = arith.constant 2 : i32
    %dma_start3A_124 = arith.constant 2 : i32
    %dma_start3A_125 = arith.constant 0 : i32
    %dma_start3A_126 = arith.constant 0 : i32
    %dma_start3A_127 = tpu.memref_slice %arg10[%dma_start3A_124, %dma_start3A_125, %dma_start3A_126] : memref<4x200x32xf32, #tpu.memory_space<vmem>> -> memref<1x200x32xf32, #tpu.memory_space<vmem>>
    %dma_start3A_128 = tpu.memref_squeeze %dma_start3A_127 : memref<1x200x32xf32, #tpu.memory_space<vmem>> -> memref<200x32xf32, #tpu.memory_space<vmem>>
    %dma_start3A_129 = arith.constant 80 : i32
    %dma_start3A_130 = arith.constant 0 : i32
    %dma_start3A_131 = tpu.memref_slice %dma_start3A_128[%dma_start3A_129, %dma_start3A_130] : memref<200x32xf32, #tpu.memory_space<vmem>> -> memref<80x32xf32, #tpu.memory_space<vmem>>
    %dma_start3A_132 = arith.constant 0 : i32
    %dma_start3A_133 = tpu.memref_slice %arg6[%dma_start3A_123, %dma_start3A_132] : memref<4x256xi32, #tpu.memory_space<vmem>> -> memref<1x256xi32, #tpu.memory_space<vmem>>
    %dma_start3A_134 = tpu.memref_squeeze %dma_start3A_133 : memref<1x256xi32, #tpu.memory_space<vmem>> -> memref<256xi32, #tpu.memory_space<vmem>>
    %dma_start3A_135 = arith.constant 80 : i32
    %dma_start3A_136 = tpu.memref_slice %dma_start3A_134[%dma_start3A_135] : memref<256xi32, #tpu.memory_space<vmem>> -> memref<80xi32, #tpu.memory_space<vmem>>
    %dma_start3A_137 = arith.constant 0 : i32
    %dma_start3A_138 = arith.constant 0 : i32
    %dma_start3A_139 = tpu.memref_slice %arg3[%dma_start3A_137, %dma_start3A_138] : memref<100000x32xf32, #tpu.memory_space<hbm>> -> memref<100000x32xf32, #tpu.memory_space<hbm>>
    tpu.enqueue_indirect_dma source(%dma_start3A_139 : memref<100000x32xf32, #tpu.memory_space<hbm>>) target(%dma_start3A_131 : memref<80x32xf32, #tpu.memory_space<vmem>>) offsets(%dma_start3A_136 : memref<80xi32, #tpu.memory_space<vmem>>) semaphore(%arg15 : memref<!tpu.dma_semaphore, #tpu.memory_space<semaphore_mem>>)
    %dma_start3A_140 = arith.constant 2 : i32
    %dma_start3A_141 = arith.constant 2 : i32
    %dma_start3A_142 = arith.constant 0 : i32
    %dma_start3A_143 = arith.constant 0 : i32
    %dma_start3A_144 = tpu.memref_slice %arg10[%dma_start3A_141, %dma_start3A_142, %dma_start3A_143] : memref<4x200x32xf32, #tpu.memory_space<vmem>> -> memref<1x200x32xf32, #tpu.memory_space<vmem>>
    %dma_start3A_145 = tpu.memref_squeeze %dma_start3A_144 : memref<1x200x32xf32, #tpu.memory_space<vmem>> -> memref<200x32xf32, #tpu.memory_space<vmem>>
    %dma_start3A_146 = arith.constant 160 : i32
    %dma_start3A_147 = arith.constant 0 : i32
    %dma_start3A_148 = tpu.memref_slice %dma_start3A_145[%dma_start3A_146, %dma_start3A_147] : memref<200x32xf32, #tpu.memory_space<vmem>> -> memref<40x32xf32, #tpu.memory_space<vmem>>
    %dma_start3A_149 = arith.constant 0 : i32
    %dma_start3A_150 = tpu.memref_slice %arg6[%dma_start3A_140, %dma_start3A_149] : memref<4x256xi32, #tpu.memory_space<vmem>> -> memref<1x256xi32, #tpu.memory_space<vmem>>
    %dma_start3A_151 = tpu.memref_squeeze %dma_start3A_150 : memref<1x256xi32, #tpu.memory_space<vmem>> -> memref<256xi32, #tpu.memory_space<vmem>>
    %dma_start3A_152 = arith.constant 160 : i32
    %dma_start3A_153 = tpu.memref_slice %dma_start3A_151[%dma_start3A_152] : memref<256xi32, #tpu.memory_space<vmem>> -> memref<40xi32, #tpu.memory_space<vmem>>
    %dma_start3A_154 = arith.constant 0 : i32
    %dma_start3A_155 = arith.constant 0 : i32
    %dma_start3A_156 = tpu.memref_slice %arg3[%dma_start3A_154, %dma_start3A_155] : memref<100000x32xf32, #tpu.memory_space<hbm>> -> memref<100000x32xf32, #tpu.memory_space<hbm>>
    tpu.enqueue_indirect_dma source(%dma_start3A_156 : memref<100000x32xf32, #tpu.memory_space<hbm>>) target(%dma_start3A_148 : memref<40x32xf32, #tpu.memory_space<vmem>>) offsets(%dma_start3A_153 : memref<40xi32, #tpu.memory_space<vmem>>) semaphore(%arg15 : memref<!tpu.dma_semaphore, #tpu.memory_space<semaphore_mem>>)
    %dma_start3A_157 = arith.constant 3 : i32
    %dma_start3A_158 = arith.constant 3 : i32
    %dma_start3A_159 = arith.constant 0 : i32
    %dma_start3A_160 = arith.constant 0 : i32
    %dma_start3A_161 = tpu.memref_slice %arg10[%dma_start3A_158, %dma_start3A_159, %dma_start3A_160] : memref<4x200x32xf32, #tpu.memory_space<vmem>> -> memref<1x200x32xf32, #tpu.memory_space<vmem>>
    %dma_start3A_162 = tpu.memref_squeeze %dma_start3A_161 : memref<1x200x32xf32, #tpu.memory_space<vmem>> -> memref<200x32xf32, #tpu.memory_space<vmem>>
    %dma_start3A_163 = arith.constant 0 : i32
    %dma_start3A_164 = arith.constant 0 : i32
    %dma_start3A_165 = tpu.memref_slice %dma_start3A_162[%dma_start3A_163, %dma_start3A_164] : memref<200x32xf32, #tpu.memory_space<vmem>> -> memref<80x32xf32, #tpu.memory_space<vmem>>
    %dma_start3A_166 = arith.constant 0 : i32
    %dma_start3A_167 = tpu.memref_slice %arg6[%dma_start3A_157, %dma_start3A_166] : memref<4x256xi32, #tpu.memory_space<vmem>> -> memref<1x256xi32, #tpu.memory_space<vmem>>
    %dma_start3A_168 = tpu.memref_squeeze %dma_start3A_167 : memref<1x256xi32, #tpu.memory_space<vmem>> -> memref<256xi32, #tpu.memory_space<vmem>>
    %dma_start3A_169 = arith.constant 0 : i32
    %dma_start3A_170 = tpu.memref_slice %dma_start3A_168[%dma_start3A_169] : memref<256xi32, #tpu.memory_space<vmem>> -> memref<80xi32, #tpu.memory_space<vmem>>
    %dma_start3A_171 = arith.constant 0 : i32
    %dma_start3A_172 = arith.constant 0 : i32
    %dma_start3A_173 = tpu.memref_slice %arg3[%dma_start3A_171, %dma_start3A_172] : memref<100000x32xf32, #tpu.memory_space<hbm>> -> memref<100000x32xf32, #tpu.memory_space<hbm>>
    tpu.enqueue_indirect_dma source(%dma_start3A_173 : memref<100000x32xf32, #tpu.memory_space<hbm>>) target(%dma_start3A_165 : memref<80x32xf32, #tpu.memory_space<vmem>>) offsets(%dma_start3A_170 : memref<80xi32, #tpu.memory_space<vmem>>) semaphore(%arg15 : memref<!tpu.dma_semaphore, #tpu.memory_space<semaphore_mem>>)
    %dma_start3A_174 = arith.constant 3 : i32
    %dma_start3A_175 = arith.constant 3 : i32
    %dma_start3A_176 = arith.constant 0 : i32
    %dma_start3A_177 = arith.constant 0 : i32
    %dma_start3A_178 = tpu.memref_slice %arg10[%dma_start3A_175, %dma_start3A_176, %dma_start3A_177] : memref<4x200x32xf32, #tpu.memory_space<vmem>> -> memref<1x200x32xf32, #tpu.memory_space<vmem>>
    %dma_start3A_179 = tpu.memref_squeeze %dma_start3A_178 : memref<1x200x32xf32, #tpu.memory_space<vmem>> -> memref<200x32xf32, #tpu.memory_space<vmem>>
    %dma_start3A_180 = arith.constant 80 : i32
    %dma_start3A_181 = arith.constant 0 : i32
    %dma_start3A_182 = tpu.memref_slice %dma_start3A_179[%dma_start3A_180, %dma_start3A_181] : memref<200x32xf32, #tpu.memory_space<vmem>> -> memref<80x32xf32, #tpu.memory_space<vmem>>
    %dma_start3A_183 = arith.constant 0 : i32
    %dma_start3A_184 = tpu.memref_slice %arg6[%dma_start3A_174, %dma_start3A_183] : memref<4x256xi32, #tpu.memory_space<vmem>> -> memref<1x256xi32, #tpu.memory_space<vmem>>
    %dma_start3A_185 = tpu.memref_squeeze %dma_start3A_184 : memref<1x256xi32, #tpu.memory_space<vmem>> -> memref<256xi32, #tpu.memory_space<vmem>>
    %dma_start3A_186 = arith.constant 80 : i32
    %dma_start3A_187 = tpu.memref_slice %dma_start3A_185[%dma_start3A_186] : memref<256xi32, #tpu.memory_space<vmem>> -> memref<80xi32, #tpu.memory_space<vmem>>
    %dma_start3A_188 = arith.constant 0 : i32
    %dma_start3A_189 = arith.constant 0 : i32
    %dma_start3A_190 = tpu.memref_slice %arg3[%dma_start3A_188, %dma_start3A_189] : memref<100000x32xf32, #tpu.memory_space<hbm>> -> memref<100000x32xf32, #tpu.memory_space<hbm>>
    tpu.enqueue_indirect_dma source(%dma_start3A_190 : memref<100000x32xf32, #tpu.memory_space<hbm>>) target(%dma_start3A_182 : memref<80x32xf32, #tpu.memory_space<vmem>>) offsets(%dma_start3A_187 : memref<80xi32, #tpu.memory_space<vmem>>) semaphore(%arg15 : memref<!tpu.dma_semaphore, #tpu.memory_space<semaphore_mem>>)
    %dma_start3A_191 = arith.constant 3 : i32
    %dma_start3A_192 = arith.constant 3 : i32
    %dma_start3A_193 = arith.constant 0 : i32
    %dma_start3A_194 = arith.constant 0 : i32
    %dma_start3A_195 = tpu.memref_slice %arg10[%dma_start3A_192, %dma_start3A_193, %dma_start3A_194] : memref<4x200x32xf32, #tpu.memory_space<vmem>> -> memref<1x200x32xf32, #tpu.memory_space<vmem>>
    %dma_start3A_196 = tpu.memref_squeeze %dma_start3A_195 : memref<1x200x32xf32, #tpu.memory_space<vmem>> -> memref<200x32xf32, #tpu.memory_space<vmem>>
    %dma_start3A_197 = arith.constant 160 : i32
    %dma_start3A_198 = arith.constant 0 : i32
    %dma_start3A_199 = tpu.memref_slice %dma_start3A_196[%dma_start3A_197, %dma_start3A_198] : memref<200x32xf32, #tpu.memory_space<vmem>> -> memref<40x32xf32, #tpu.memory_space<vmem>>
    %dma_start3A_200 = arith.constant 0 : i32
    %dma_start3A_201 = tpu.memref_slice %arg6[%dma_start3A_191, %dma_start3A_200] : memref<4x256xi32, #tpu.memory_space<vmem>> -> memref<1x256xi32, #tpu.memory_space<vmem>>
    %dma_start3A_202 = tpu.memref_squeeze %dma_start3A_201 : memref<1x256xi32, #tpu.memory_space<vmem>> -> memref<256xi32, #tpu.memory_space<vmem>>
    %dma_start3A_203 = arith.constant 160 : i32
    %dma_start3A_204 = tpu.memref_slice %dma_start3A_202[%dma_start3A_203] : memref<256xi32, #tpu.memory_space<vmem>> -> memref<40xi32, #tpu.memory_space<vmem>>
    %dma_start3A_205 = arith.constant 0 : i32
    %dma_start3A_206 = arith.constant 0 : i32
    %dma_start3A_207 = tpu.memref_slice %arg3[%dma_start3A_205, %dma_start3A_206] : memref<100000x32xf32, #tpu.memory_space<hbm>> -> memref<100000x32xf32, #tpu.memory_space<hbm>>
    tpu.enqueue_indirect_dma source(%dma_start3A_207 : memref<100000x32xf32, #tpu.memory_space<hbm>>) target(%dma_start3A_199 : memref<40x32xf32, #tpu.memory_space<vmem>>) offsets(%dma_start3A_204 : memref<40xi32, #tpu.memory_space<vmem>>) semaphore(%arg15 : memref<!tpu.dma_semaphore, #tpu.memory_space<semaphore_mem>>)
    %add3A_208 = arith.constant 4 : i32
    %add3A_209 = arith.addi %mul3A_2, %add3A_208 : i32
    "tpu.region"() ({
      %run_scoped3A = tpu.sem_alloc : memref<!tpu.dma_semaphore, #tpu.memory_space<semaphore_mem>>
      %dma_start3A_656 = arith.constant 0 : i32
      %dma_start3A_657 = tpu.memref_slice %arg2[%add3A_209, %dma_start3A_656] : memref<4096x256xi32, #tpu.memory_space<hbm>> -> memref<4x256xi32, #tpu.memory_space<hbm>>
      %dma_start3A_658 = arith.constant 0 : i32
      %dma_start3A_659 = tpu.memref_slice %arg2[%add3A_209, %dma_start3A_658] : memref<4096x256xi32, #tpu.memory_space<hbm>> -> memref<4x256xi32, #tpu.memory_space<hbm>>
      tpu.enqueue_dma source(%dma_start3A_659 : memref<4x256xi32, #tpu.memory_space<hbm>>) target(%arg7 : memref<4x256xi32, #tpu.memory_space<vmem>>) target_semaphore(%run_scoped3A : memref<!tpu.dma_semaphore, #tpu.memory_space<semaphore_mem>>)
      %dma_wait3A_660 = arith.constant 0 : i32
      %dma_wait3A_661 = tpu.memref_slice %arg2[%add3A_209, %dma_wait3A_660] : memref<4096x256xi32, #tpu.memory_space<hbm>> -> memref<4x256xi32, #tpu.memory_space<hbm>>
      %dma_wait3A_662 = arith.constant 0 : i32
      %dma_wait3A_663 = tpu.memref_slice %arg2[%add3A_209, %dma_wait3A_662] : memref<4096x256xi32, #tpu.memory_space<hbm>> -> memref<4x256xi32, #tpu.memory_space<hbm>>
      tpu.wait_dma2 semaphore(%run_scoped3A : memref<!tpu.dma_semaphore, #tpu.memory_space<semaphore_mem>>) src(%dma_wait3A_663 : memref<4x256xi32, #tpu.memory_space<hbm>>) dst(%arg7 : memref<4x256xi32, #tpu.memory_space<vmem>>)
      tpu.yield
    }) : () -> ()
    %dma_start3A_210 = arith.constant 0 : i32
    %dma_start3A_211 = arith.constant 0 : i32
    %dma_start3A_212 = arith.constant 0 : i32
    %dma_start3A_213 = arith.constant 0 : i32
    %dma_start3A_214 = tpu.memref_slice %arg11[%dma_start3A_211, %dma_start3A_212, %dma_start3A_213] : memref<4x200x32xf32, #tpu.memory_space<vmem>> -> memref<1x200x32xf32, #tpu.memory_space<vmem>>
    %dma_start3A_215 = tpu.memref_squeeze %dma_start3A_214 : memref<1x200x32xf32, #tpu.memory_space<vmem>> -> memref<200x32xf32, #tpu.memory_space<vmem>>
    %dma_start3A_216 = arith.constant 0 : i32
    %dma_start3A_217 = arith.constant 0 : i32
    %dma_start3A_218 = tpu.memref_slice %dma_start3A_215[%dma_start3A_216, %dma_start3A_217] : memref<200x32xf32, #tpu.memory_space<vmem>> -> memref<80x32xf32, #tpu.memory_space<vmem>>
    %dma_start3A_219 = arith.constant 0 : i32
    %dma_start3A_220 = tpu.memref_slice %arg7[%dma_start3A_210, %dma_start3A_219] : memref<4x256xi32, #tpu.memory_space<vmem>> -> memref<1x256xi32, #tpu.memory_space<vmem>>
    %dma_start3A_221 = tpu.memref_squeeze %dma_start3A_220 : memref<1x256xi32, #tpu.memory_space<vmem>> -> memref<256xi32, #tpu.memory_space<vmem>>
    %dma_start3A_222 = arith.constant 0 : i32
    %dma_start3A_223 = tpu.memref_slice %dma_start3A_221[%dma_start3A_222] : memref<256xi32, #tpu.memory_space<vmem>> -> memref<80xi32, #tpu.memory_space<vmem>>
    %dma_start3A_224 = arith.constant 0 : i32
    %dma_start3A_225 = arith.constant 0 : i32
    %dma_start3A_226 = tpu.memref_slice %arg3[%dma_start3A_224, %dma_start3A_225] : memref<100000x32xf32, #tpu.memory_space<hbm>> -> memref<100000x32xf32, #tpu.memory_space<hbm>>
    tpu.enqueue_indirect_dma source(%dma_start3A_226 : memref<100000x32xf32, #tpu.memory_space<hbm>>) target(%dma_start3A_218 : memref<80x32xf32, #tpu.memory_space<vmem>>) offsets(%dma_start3A_223 : memref<80xi32, #tpu.memory_space<vmem>>) semaphore(%arg16 : memref<!tpu.dma_semaphore, #tpu.memory_space<semaphore_mem>>)
    %dma_start3A_227 = arith.constant 0 : i32
    %dma_start3A_228 = arith.constant 0 : i32
    %dma_start3A_229 = arith.constant 0 : i32
    %dma_start3A_230 = arith.constant 0 : i32
    %dma_start3A_231 = tpu.memref_slice %arg11[%dma_start3A_228, %dma_start3A_229, %dma_start3A_230] : memref<4x200x32xf32, #tpu.memory_space<vmem>> -> memref<1x200x32xf32, #tpu.memory_space<vmem>>
    %dma_start3A_232 = tpu.memref_squeeze %dma_start3A_231 : memref<1x200x32xf32, #tpu.memory_space<vmem>> -> memref<200x32xf32, #tpu.memory_space<vmem>>
    %dma_start3A_233 = arith.constant 80 : i32
    %dma_start3A_234 = arith.constant 0 : i32
    %dma_start3A_235 = tpu.memref_slice %dma_start3A_232[%dma_start3A_233, %dma_start3A_234] : memref<200x32xf32, #tpu.memory_space<vmem>> -> memref<80x32xf32, #tpu.memory_space<vmem>>
    %dma_start3A_236 = arith.constant 0 : i32
    %dma_start3A_237 = tpu.memref_slice %arg7[%dma_start3A_227, %dma_start3A_236] : memref<4x256xi32, #tpu.memory_space<vmem>> -> memref<1x256xi32, #tpu.memory_space<vmem>>
    %dma_start3A_238 = tpu.memref_squeeze %dma_start3A_237 : memref<1x256xi32, #tpu.memory_space<vmem>> -> memref<256xi32, #tpu.memory_space<vmem>>
    %dma_start3A_239 = arith.constant 80 : i32
    %dma_start3A_240 = tpu.memref_slice %dma_start3A_238[%dma_start3A_239] : memref<256xi32, #tpu.memory_space<vmem>> -> memref<80xi32, #tpu.memory_space<vmem>>
    %dma_start3A_241 = arith.constant 0 : i32
    %dma_start3A_242 = arith.constant 0 : i32
    %dma_start3A_243 = tpu.memref_slice %arg3[%dma_start3A_241, %dma_start3A_242] : memref<100000x32xf32, #tpu.memory_space<hbm>> -> memref<100000x32xf32, #tpu.memory_space<hbm>>
    tpu.enqueue_indirect_dma source(%dma_start3A_243 : memref<100000x32xf32, #tpu.memory_space<hbm>>) target(%dma_start3A_235 : memref<80x32xf32, #tpu.memory_space<vmem>>) offsets(%dma_start3A_240 : memref<80xi32, #tpu.memory_space<vmem>>) semaphore(%arg16 : memref<!tpu.dma_semaphore, #tpu.memory_space<semaphore_mem>>)
    %dma_start3A_244 = arith.constant 0 : i32
    %dma_start3A_245 = arith.constant 0 : i32
    %dma_start3A_246 = arith.constant 0 : i32
    %dma_start3A_247 = arith.constant 0 : i32
    %dma_start3A_248 = tpu.memref_slice %arg11[%dma_start3A_245, %dma_start3A_246, %dma_start3A_247] : memref<4x200x32xf32, #tpu.memory_space<vmem>> -> memref<1x200x32xf32, #tpu.memory_space<vmem>>
    %dma_start3A_249 = tpu.memref_squeeze %dma_start3A_248 : memref<1x200x32xf32, #tpu.memory_space<vmem>> -> memref<200x32xf32, #tpu.memory_space<vmem>>
    %dma_start3A_250 = arith.constant 160 : i32
    %dma_start3A_251 = arith.constant 0 : i32
    %dma_start3A_252 = tpu.memref_slice %dma_start3A_249[%dma_start3A_250, %dma_start3A_251] : memref<200x32xf32, #tpu.memory_space<vmem>> -> memref<40x32xf32, #tpu.memory_space<vmem>>
    %dma_start3A_253 = arith.constant 0 : i32
    %dma_start3A_254 = tpu.memref_slice %arg7[%dma_start3A_244, %dma_start3A_253] : memref<4x256xi32, #tpu.memory_space<vmem>> -> memref<1x256xi32, #tpu.memory_space<vmem>>
    %dma_start3A_255 = tpu.memref_squeeze %dma_start3A_254 : memref<1x256xi32, #tpu.memory_space<vmem>> -> memref<256xi32, #tpu.memory_space<vmem>>
    %dma_start3A_256 = arith.constant 160 : i32
    %dma_start3A_257 = tpu.memref_slice %dma_start3A_255[%dma_start3A_256] : memref<256xi32, #tpu.memory_space<vmem>> -> memref<40xi32, #tpu.memory_space<vmem>>
    %dma_start3A_258 = arith.constant 0 : i32
    %dma_start3A_259 = arith.constant 0 : i32
    %dma_start3A_260 = tpu.memref_slice %arg3[%dma_start3A_258, %dma_start3A_259] : memref<100000x32xf32, #tpu.memory_space<hbm>> -> memref<100000x32xf32, #tpu.memory_space<hbm>>
    tpu.enqueue_indirect_dma source(%dma_start3A_260 : memref<100000x32xf32, #tpu.memory_space<hbm>>) target(%dma_start3A_252 : memref<40x32xf32, #tpu.memory_space<vmem>>) offsets(%dma_start3A_257 : memref<40xi32, #tpu.memory_space<vmem>>) semaphore(%arg16 : memref<!tpu.dma_semaphore, #tpu.memory_space<semaphore_mem>>)
    %dma_start3A_261 = arith.constant 1 : i32
    %dma_start3A_262 = arith.constant 1 : i32
    %dma_start3A_263 = arith.constant 0 : i32
    %dma_start3A_264 = arith.constant 0 : i32
    %dma_start3A_265 = tpu.memref_slice %arg11[%dma_start3A_262, %dma_start3A_263, %dma_start3A_264] : memref<4x200x32xf32, #tpu.memory_space<vmem>> -> memref<1x200x32xf32, #tpu.memory_space<vmem>>
    %dma_start3A_266 = tpu.memref_squeeze %dma_start3A_265 : memref<1x200x32xf32, #tpu.memory_space<vmem>> -> memref<200x32xf32, #tpu.memory_space<vmem>>
    %dma_start3A_267 = arith.constant 0 : i32
    %dma_start3A_268 = arith.constant 0 : i32
    %dma_start3A_269 = tpu.memref_slice %dma_start3A_266[%dma_start3A_267, %dma_start3A_268] : memref<200x32xf32, #tpu.memory_space<vmem>> -> memref<80x32xf32, #tpu.memory_space<vmem>>
    %dma_start3A_270 = arith.constant 0 : i32
    %dma_start3A_271 = tpu.memref_slice %arg7[%dma_start3A_261, %dma_start3A_270] : memref<4x256xi32, #tpu.memory_space<vmem>> -> memref<1x256xi32, #tpu.memory_space<vmem>>
    %dma_start3A_272 = tpu.memref_squeeze %dma_start3A_271 : memref<1x256xi32, #tpu.memory_space<vmem>> -> memref<256xi32, #tpu.memory_space<vmem>>
    %dma_start3A_273 = arith.constant 0 : i32
    %dma_start3A_274 = tpu.memref_slice %dma_start3A_272[%dma_start3A_273] : memref<256xi32, #tpu.memory_space<vmem>> -> memref<80xi32, #tpu.memory_space<vmem>>
    %dma_start3A_275 = arith.constant 0 : i32
    %dma_start3A_276 = arith.constant 0 : i32
    %dma_start3A_277 = tpu.memref_slice %arg3[%dma_start3A_275, %dma_start3A_276] : memref<100000x32xf32, #tpu.memory_space<hbm>> -> memref<100000x32xf32, #tpu.memory_space<hbm>>
    tpu.enqueue_indirect_dma source(%dma_start3A_277 : memref<100000x32xf32, #tpu.memory_space<hbm>>) target(%dma_start3A_269 : memref<80x32xf32, #tpu.memory_space<vmem>>) offsets(%dma_start3A_274 : memref<80xi32, #tpu.memory_space<vmem>>) semaphore(%arg16 : memref<!tpu.dma_semaphore, #tpu.memory_space<semaphore_mem>>)
    %dma_start3A_278 = arith.constant 1 : i32
    %dma_start3A_279 = arith.constant 1 : i32
    %dma_start3A_280 = arith.constant 0 : i32
    %dma_start3A_281 = arith.constant 0 : i32
    %dma_start3A_282 = tpu.memref_slice %arg11[%dma_start3A_279, %dma_start3A_280, %dma_start3A_281] : memref<4x200x32xf32, #tpu.memory_space<vmem>> -> memref<1x200x32xf32, #tpu.memory_space<vmem>>
    %dma_start3A_283 = tpu.memref_squeeze %dma_start3A_282 : memref<1x200x32xf32, #tpu.memory_space<vmem>> -> memref<200x32xf32, #tpu.memory_space<vmem>>
    %dma_start3A_284 = arith.constant 80 : i32
    %dma_start3A_285 = arith.constant 0 : i32
    %dma_start3A_286 = tpu.memref_slice %dma_start3A_283[%dma_start3A_284, %dma_start3A_285] : memref<200x32xf32, #tpu.memory_space<vmem>> -> memref<80x32xf32, #tpu.memory_space<vmem>>
    %dma_start3A_287 = arith.constant 0 : i32
    %dma_start3A_288 = tpu.memref_slice %arg7[%dma_start3A_278, %dma_start3A_287] : memref<4x256xi32, #tpu.memory_space<vmem>> -> memref<1x256xi32, #tpu.memory_space<vmem>>
    %dma_start3A_289 = tpu.memref_squeeze %dma_start3A_288 : memref<1x256xi32, #tpu.memory_space<vmem>> -> memref<256xi32, #tpu.memory_space<vmem>>
    %dma_start3A_290 = arith.constant 80 : i32
    %dma_start3A_291 = tpu.memref_slice %dma_start3A_289[%dma_start3A_290] : memref<256xi32, #tpu.memory_space<vmem>> -> memref<80xi32, #tpu.memory_space<vmem>>
    %dma_start3A_292 = arith.constant 0 : i32
    %dma_start3A_293 = arith.constant 0 : i32
    %dma_start3A_294 = tpu.memref_slice %arg3[%dma_start3A_292, %dma_start3A_293] : memref<100000x32xf32, #tpu.memory_space<hbm>> -> memref<100000x32xf32, #tpu.memory_space<hbm>>
    tpu.enqueue_indirect_dma source(%dma_start3A_294 : memref<100000x32xf32, #tpu.memory_space<hbm>>) target(%dma_start3A_286 : memref<80x32xf32, #tpu.memory_space<vmem>>) offsets(%dma_start3A_291 : memref<80xi32, #tpu.memory_space<vmem>>) semaphore(%arg16 : memref<!tpu.dma_semaphore, #tpu.memory_space<semaphore_mem>>)
    %dma_start3A_295 = arith.constant 1 : i32
    %dma_start3A_296 = arith.constant 1 : i32
    %dma_start3A_297 = arith.constant 0 : i32
    %dma_start3A_298 = arith.constant 0 : i32
    %dma_start3A_299 = tpu.memref_slice %arg11[%dma_start3A_296, %dma_start3A_297, %dma_start3A_298] : memref<4x200x32xf32, #tpu.memory_space<vmem>> -> memref<1x200x32xf32, #tpu.memory_space<vmem>>
    %dma_start3A_300 = tpu.memref_squeeze %dma_start3A_299 : memref<1x200x32xf32, #tpu.memory_space<vmem>> -> memref<200x32xf32, #tpu.memory_space<vmem>>
    %dma_start3A_301 = arith.constant 160 : i32
    %dma_start3A_302 = arith.constant 0 : i32
    %dma_start3A_303 = tpu.memref_slice %dma_start3A_300[%dma_start3A_301, %dma_start3A_302] : memref<200x32xf32, #tpu.memory_space<vmem>> -> memref<40x32xf32, #tpu.memory_space<vmem>>
    %dma_start3A_304 = arith.constant 0 : i32
    %dma_start3A_305 = tpu.memref_slice %arg7[%dma_start3A_295, %dma_start3A_304] : memref<4x256xi32, #tpu.memory_space<vmem>> -> memref<1x256xi32, #tpu.memory_space<vmem>>
    %dma_start3A_306 = tpu.memref_squeeze %dma_start3A_305 : memref<1x256xi32, #tpu.memory_space<vmem>> -> memref<256xi32, #tpu.memory_space<vmem>>
    %dma_start3A_307 = arith.constant 160 : i32
    %dma_start3A_308 = tpu.memref_slice %dma_start3A_306[%dma_start3A_307] : memref<256xi32, #tpu.memory_space<vmem>> -> memref<40xi32, #tpu.memory_space<vmem>>
    %dma_start3A_309 = arith.constant 0 : i32
    %dma_start3A_310 = arith.constant 0 : i32
    %dma_start3A_311 = tpu.memref_slice %arg3[%dma_start3A_309, %dma_start3A_310] : memref<100000x32xf32, #tpu.memory_space<hbm>> -> memref<100000x32xf32, #tpu.memory_space<hbm>>
    tpu.enqueue_indirect_dma source(%dma_start3A_311 : memref<100000x32xf32, #tpu.memory_space<hbm>>) target(%dma_start3A_303 : memref<40x32xf32, #tpu.memory_space<vmem>>) offsets(%dma_start3A_308 : memref<40xi32, #tpu.memory_space<vmem>>) semaphore(%arg16 : memref<!tpu.dma_semaphore, #tpu.memory_space<semaphore_mem>>)
    %dma_start3A_312 = arith.constant 2 : i32
    %dma_start3A_313 = arith.constant 2 : i32
    %dma_start3A_314 = arith.constant 0 : i32
    %dma_start3A_315 = arith.constant 0 : i32
    %dma_start3A_316 = tpu.memref_slice %arg11[%dma_start3A_313, %dma_start3A_314, %dma_start3A_315] : memref<4x200x32xf32, #tpu.memory_space<vmem>> -> memref<1x200x32xf32, #tpu.memory_space<vmem>>
    %dma_start3A_317 = tpu.memref_squeeze %dma_start3A_316 : memref<1x200x32xf32, #tpu.memory_space<vmem>> -> memref<200x32xf32, #tpu.memory_space<vmem>>
    %dma_start3A_318 = arith.constant 0 : i32
    %dma_start3A_319 = arith.constant 0 : i32
    %dma_start3A_320 = tpu.memref_slice %dma_start3A_317[%dma_start3A_318, %dma_start3A_319] : memref<200x32xf32, #tpu.memory_space<vmem>> -> memref<80x32xf32, #tpu.memory_space<vmem>>
    %dma_start3A_321 = arith.constant 0 : i32
    %dma_start3A_322 = tpu.memref_slice %arg7[%dma_start3A_312, %dma_start3A_321] : memref<4x256xi32, #tpu.memory_space<vmem>> -> memref<1x256xi32, #tpu.memory_space<vmem>>
    %dma_start3A_323 = tpu.memref_squeeze %dma_start3A_322 : memref<1x256xi32, #tpu.memory_space<vmem>> -> memref<256xi32, #tpu.memory_space<vmem>>
    %dma_start3A_324 = arith.constant 0 : i32
    %dma_start3A_325 = tpu.memref_slice %dma_start3A_323[%dma_start3A_324] : memref<256xi32, #tpu.memory_space<vmem>> -> memref<80xi32, #tpu.memory_space<vmem>>
    %dma_start3A_326 = arith.constant 0 : i32
    %dma_start3A_327 = arith.constant 0 : i32
    %dma_start3A_328 = tpu.memref_slice %arg3[%dma_start3A_326, %dma_start3A_327] : memref<100000x32xf32, #tpu.memory_space<hbm>> -> memref<100000x32xf32, #tpu.memory_space<hbm>>
    tpu.enqueue_indirect_dma source(%dma_start3A_328 : memref<100000x32xf32, #tpu.memory_space<hbm>>) target(%dma_start3A_320 : memref<80x32xf32, #tpu.memory_space<vmem>>) offsets(%dma_start3A_325 : memref<80xi32, #tpu.memory_space<vmem>>) semaphore(%arg16 : memref<!tpu.dma_semaphore, #tpu.memory_space<semaphore_mem>>)
    %dma_start3A_329 = arith.constant 2 : i32
    %dma_start3A_330 = arith.constant 2 : i32
    %dma_start3A_331 = arith.constant 0 : i32
    %dma_start3A_332 = arith.constant 0 : i32
    %dma_start3A_333 = tpu.memref_slice %arg11[%dma_start3A_330, %dma_start3A_331, %dma_start3A_332] : memref<4x200x32xf32, #tpu.memory_space<vmem>> -> memref<1x200x32xf32, #tpu.memory_space<vmem>>
    %dma_start3A_334 = tpu.memref_squeeze %dma_start3A_333 : memref<1x200x32xf32, #tpu.memory_space<vmem>> -> memref<200x32xf32, #tpu.memory_space<vmem>>
    %dma_start3A_335 = arith.constant 80 : i32
    %dma_start3A_336 = arith.constant 0 : i32
    %dma_start3A_337 = tpu.memref_slice %dma_start3A_334[%dma_start3A_335, %dma_start3A_336] : memref<200x32xf32, #tpu.memory_space<vmem>> -> memref<80x32xf32, #tpu.memory_space<vmem>>
    %dma_start3A_338 = arith.constant 0 : i32
    %dma_start3A_339 = tpu.memref_slice %arg7[%dma_start3A_329, %dma_start3A_338] : memref<4x256xi32, #tpu.memory_space<vmem>> -> memref<1x256xi32, #tpu.memory_space<vmem>>
    %dma_start3A_340 = tpu.memref_squeeze %dma_start3A_339 : memref<1x256xi32, #tpu.memory_space<vmem>> -> memref<256xi32, #tpu.memory_space<vmem>>
    %dma_start3A_341 = arith.constant 80 : i32
    %dma_start3A_342 = tpu.memref_slice %dma_start3A_340[%dma_start3A_341] : memref<256xi32, #tpu.memory_space<vmem>> -> memref<80xi32, #tpu.memory_space<vmem>>
    %dma_start3A_343 = arith.constant 0 : i32
    %dma_start3A_344 = arith.constant 0 : i32
    %dma_start3A_345 = tpu.memref_slice %arg3[%dma_start3A_343, %dma_start3A_344] : memref<100000x32xf32, #tpu.memory_space<hbm>> -> memref<100000x32xf32, #tpu.memory_space<hbm>>
    tpu.enqueue_indirect_dma source(%dma_start3A_345 : memref<100000x32xf32, #tpu.memory_space<hbm>>) target(%dma_start3A_337 : memref<80x32xf32, #tpu.memory_space<vmem>>) offsets(%dma_start3A_342 : memref<80xi32, #tpu.memory_space<vmem>>) semaphore(%arg16 : memref<!tpu.dma_semaphore, #tpu.memory_space<semaphore_mem>>)
    %dma_start3A_346 = arith.constant 2 : i32
    %dma_start3A_347 = arith.constant 2 : i32
    %dma_start3A_348 = arith.constant 0 : i32
    %dma_start3A_349 = arith.constant 0 : i32
    %dma_start3A_350 = tpu.memref_slice %arg11[%dma_start3A_347, %dma_start3A_348, %dma_start3A_349] : memref<4x200x32xf32, #tpu.memory_space<vmem>> -> memref<1x200x32xf32, #tpu.memory_space<vmem>>
    %dma_start3A_351 = tpu.memref_squeeze %dma_start3A_350 : memref<1x200x32xf32, #tpu.memory_space<vmem>> -> memref<200x32xf32, #tpu.memory_space<vmem>>
    %dma_start3A_352 = arith.constant 160 : i32
    %dma_start3A_353 = arith.constant 0 : i32
    %dma_start3A_354 = tpu.memref_slice %dma_start3A_351[%dma_start3A_352, %dma_start3A_353] : memref<200x32xf32, #tpu.memory_space<vmem>> -> memref<40x32xf32, #tpu.memory_space<vmem>>
    %dma_start3A_355 = arith.constant 0 : i32
    %dma_start3A_356 = tpu.memref_slice %arg7[%dma_start3A_346, %dma_start3A_355] : memref<4x256xi32, #tpu.memory_space<vmem>> -> memref<1x256xi32, #tpu.memory_space<vmem>>
    %dma_start3A_357 = tpu.memref_squeeze %dma_start3A_356 : memref<1x256xi32, #tpu.memory_space<vmem>> -> memref<256xi32, #tpu.memory_space<vmem>>
    %dma_start3A_358 = arith.constant 160 : i32
    %dma_start3A_359 = tpu.memref_slice %dma_start3A_357[%dma_start3A_358] : memref<256xi32, #tpu.memory_space<vmem>> -> memref<40xi32, #tpu.memory_space<vmem>>
    %dma_start3A_360 = arith.constant 0 : i32
    %dma_start3A_361 = arith.constant 0 : i32
    %dma_start3A_362 = tpu.memref_slice %arg3[%dma_start3A_360, %dma_start3A_361] : memref<100000x32xf32, #tpu.memory_space<hbm>> -> memref<100000x32xf32, #tpu.memory_space<hbm>>
    tpu.enqueue_indirect_dma source(%dma_start3A_362 : memref<100000x32xf32, #tpu.memory_space<hbm>>) target(%dma_start3A_354 : memref<40x32xf32, #tpu.memory_space<vmem>>) offsets(%dma_start3A_359 : memref<40xi32, #tpu.memory_space<vmem>>) semaphore(%arg16 : memref<!tpu.dma_semaphore, #tpu.memory_space<semaphore_mem>>)
    %dma_start3A_363 = arith.constant 3 : i32
    %dma_start3A_364 = arith.constant 3 : i32
    %dma_start3A_365 = arith.constant 0 : i32
    %dma_start3A_366 = arith.constant 0 : i32
    %dma_start3A_367 = tpu.memref_slice %arg11[%dma_start3A_364, %dma_start3A_365, %dma_start3A_366] : memref<4x200x32xf32, #tpu.memory_space<vmem>> -> memref<1x200x32xf32, #tpu.memory_space<vmem>>
    %dma_start3A_368 = tpu.memref_squeeze %dma_start3A_367 : memref<1x200x32xf32, #tpu.memory_space<vmem>> -> memref<200x32xf32, #tpu.memory_space<vmem>>
    %dma_start3A_369 = arith.constant 0 : i32
    %dma_start3A_370 = arith.constant 0 : i32
    %dma_start3A_371 = tpu.memref_slice %dma_start3A_368[%dma_start3A_369, %dma_start3A_370] : memref<200x32xf32, #tpu.memory_space<vmem>> -> memref<80x32xf32, #tpu.memory_space<vmem>>
    %dma_start3A_372 = arith.constant 0 : i32
    %dma_start3A_373 = tpu.memref_slice %arg7[%dma_start3A_363, %dma_start3A_372] : memref<4x256xi32, #tpu.memory_space<vmem>> -> memref<1x256xi32, #tpu.memory_space<vmem>>
    %dma_start3A_374 = tpu.memref_squeeze %dma_start3A_373 : memref<1x256xi32, #tpu.memory_space<vmem>> -> memref<256xi32, #tpu.memory_space<vmem>>
    %dma_start3A_375 = arith.constant 0 : i32
    %dma_start3A_376 = tpu.memref_slice %dma_start3A_374[%dma_start3A_375] : memref<256xi32, #tpu.memory_space<vmem>> -> memref<80xi32, #tpu.memory_space<vmem>>
    %dma_start3A_377 = arith.constant 0 : i32
    %dma_start3A_378 = arith.constant 0 : i32
    %dma_start3A_379 = tpu.memref_slice %arg3[%dma_start3A_377, %dma_start3A_378] : memref<100000x32xf32, #tpu.memory_space<hbm>> -> memref<100000x32xf32, #tpu.memory_space<hbm>>
    tpu.enqueue_indirect_dma source(%dma_start3A_379 : memref<100000x32xf32, #tpu.memory_space<hbm>>) target(%dma_start3A_371 : memref<80x32xf32, #tpu.memory_space<vmem>>) offsets(%dma_start3A_376 : memref<80xi32, #tpu.memory_space<vmem>>) semaphore(%arg16 : memref<!tpu.dma_semaphore, #tpu.memory_space<semaphore_mem>>)
    %dma_start3A_380 = arith.constant 3 : i32
    %dma_start3A_381 = arith.constant 3 : i32
    %dma_start3A_382 = arith.constant 0 : i32
    %dma_start3A_383 = arith.constant 0 : i32
    %dma_start3A_384 = tpu.memref_slice %arg11[%dma_start3A_381, %dma_start3A_382, %dma_start3A_383] : memref<4x200x32xf32, #tpu.memory_space<vmem>> -> memref<1x200x32xf32, #tpu.memory_space<vmem>>
    %dma_start3A_385 = tpu.memref_squeeze %dma_start3A_384 : memref<1x200x32xf32, #tpu.memory_space<vmem>> -> memref<200x32xf32, #tpu.memory_space<vmem>>
    %dma_start3A_386 = arith.constant 80 : i32
    %dma_start3A_387 = arith.constant 0 : i32
    %dma_start3A_388 = tpu.memref_slice %dma_start3A_385[%dma_start3A_386, %dma_start3A_387] : memref<200x32xf32, #tpu.memory_space<vmem>> -> memref<80x32xf32, #tpu.memory_space<vmem>>
    %dma_start3A_389 = arith.constant 0 : i32
    %dma_start3A_390 = tpu.memref_slice %arg7[%dma_start3A_380, %dma_start3A_389] : memref<4x256xi32, #tpu.memory_space<vmem>> -> memref<1x256xi32, #tpu.memory_space<vmem>>
    %dma_start3A_391 = tpu.memref_squeeze %dma_start3A_390 : memref<1x256xi32, #tpu.memory_space<vmem>> -> memref<256xi32, #tpu.memory_space<vmem>>
    %dma_start3A_392 = arith.constant 80 : i32
    %dma_start3A_393 = tpu.memref_slice %dma_start3A_391[%dma_start3A_392] : memref<256xi32, #tpu.memory_space<vmem>> -> memref<80xi32, #tpu.memory_space<vmem>>
    %dma_start3A_394 = arith.constant 0 : i32
    %dma_start3A_395 = arith.constant 0 : i32
    %dma_start3A_396 = tpu.memref_slice %arg3[%dma_start3A_394, %dma_start3A_395] : memref<100000x32xf32, #tpu.memory_space<hbm>> -> memref<100000x32xf32, #tpu.memory_space<hbm>>
    tpu.enqueue_indirect_dma source(%dma_start3A_396 : memref<100000x32xf32, #tpu.memory_space<hbm>>) target(%dma_start3A_388 : memref<80x32xf32, #tpu.memory_space<vmem>>) offsets(%dma_start3A_393 : memref<80xi32, #tpu.memory_space<vmem>>) semaphore(%arg16 : memref<!tpu.dma_semaphore, #tpu.memory_space<semaphore_mem>>)
    %dma_start3A_397 = arith.constant 3 : i32
    %dma_start3A_398 = arith.constant 3 : i32
    %dma_start3A_399 = arith.constant 0 : i32
    %dma_start3A_400 = arith.constant 0 : i32
    %dma_start3A_401 = tpu.memref_slice %arg11[%dma_start3A_398, %dma_start3A_399, %dma_start3A_400] : memref<4x200x32xf32, #tpu.memory_space<vmem>> -> memref<1x200x32xf32, #tpu.memory_space<vmem>>
    %dma_start3A_402 = tpu.memref_squeeze %dma_start3A_401 : memref<1x200x32xf32, #tpu.memory_space<vmem>> -> memref<200x32xf32, #tpu.memory_space<vmem>>
    %dma_start3A_403 = arith.constant 160 : i32
    %dma_start3A_404 = arith.constant 0 : i32
    %dma_start3A_405 = tpu.memref_slice %dma_start3A_402[%dma_start3A_403, %dma_start3A_404] : memref<200x32xf32, #tpu.memory_space<vmem>> -> memref<40x32xf32, #tpu.memory_space<vmem>>
    %dma_start3A_406 = arith.constant 0 : i32
    %dma_start3A_407 = tpu.memref_slice %arg7[%dma_start3A_397, %dma_start3A_406] : memref<4x256xi32, #tpu.memory_space<vmem>> -> memref<1x256xi32, #tpu.memory_space<vmem>>
    %dma_start3A_408 = tpu.memref_squeeze %dma_start3A_407 : memref<1x256xi32, #tpu.memory_space<vmem>> -> memref<256xi32, #tpu.memory_space<vmem>>
    %dma_start3A_409 = arith.constant 160 : i32
    %dma_start3A_410 = tpu.memref_slice %dma_start3A_408[%dma_start3A_409] : memref<256xi32, #tpu.memory_space<vmem>> -> memref<40xi32, #tpu.memory_space<vmem>>
    %dma_start3A_411 = arith.constant 0 : i32
    %dma_start3A_412 = arith.constant 0 : i32
    %dma_start3A_413 = tpu.memref_slice %arg3[%dma_start3A_411, %dma_start3A_412] : memref<100000x32xf32, #tpu.memory_space<hbm>> -> memref<100000x32xf32, #tpu.memory_space<hbm>>
    tpu.enqueue_indirect_dma source(%dma_start3A_413 : memref<100000x32xf32, #tpu.memory_space<hbm>>) target(%dma_start3A_405 : memref<40x32xf32, #tpu.memory_space<vmem>>) offsets(%dma_start3A_410 : memref<40xi32, #tpu.memory_space<vmem>>) semaphore(%arg16 : memref<!tpu.dma_semaphore, #tpu.memory_space<semaphore_mem>>)
    %add3A_414 = arith.constant 8 : i32
    %add3A_415 = arith.addi %mul3A_2, %add3A_414 : i32
    "tpu.region"() ({
      %run_scoped3A = tpu.sem_alloc : memref<!tpu.dma_semaphore, #tpu.memory_space<semaphore_mem>>
      %dma_start3A_656 = arith.constant 0 : i32
      %dma_start3A_657 = tpu.memref_slice %arg2[%add3A_415, %dma_start3A_656] : memref<4096x256xi32, #tpu.memory_space<hbm>> -> memref<4x256xi32, #tpu.memory_space<hbm>>
      %dma_start3A_658 = arith.constant 0 : i32
      %dma_start3A_659 = tpu.memref_slice %arg2[%add3A_415, %dma_start3A_658] : memref<4096x256xi32, #tpu.memory_space<hbm>> -> memref<4x256xi32, #tpu.memory_space<hbm>>
      tpu.enqueue_dma source(%dma_start3A_659 : memref<4x256xi32, #tpu.memory_space<hbm>>) target(%arg8 : memref<4x256xi32, #tpu.memory_space<vmem>>) target_semaphore(%run_scoped3A : memref<!tpu.dma_semaphore, #tpu.memory_space<semaphore_mem>>)
      %dma_wait3A_660 = arith.constant 0 : i32
      %dma_wait3A_661 = tpu.memref_slice %arg2[%add3A_415, %dma_wait3A_660] : memref<4096x256xi32, #tpu.memory_space<hbm>> -> memref<4x256xi32, #tpu.memory_space<hbm>>
      %dma_wait3A_662 = arith.constant 0 : i32
      %dma_wait3A_663 = tpu.memref_slice %arg2[%add3A_415, %dma_wait3A_662] : memref<4096x256xi32, #tpu.memory_space<hbm>> -> memref<4x256xi32, #tpu.memory_space<hbm>>
      tpu.wait_dma2 semaphore(%run_scoped3A : memref<!tpu.dma_semaphore, #tpu.memory_space<semaphore_mem>>) src(%dma_wait3A_663 : memref<4x256xi32, #tpu.memory_space<hbm>>) dst(%arg8 : memref<4x256xi32, #tpu.memory_space<vmem>>)
      tpu.yield
    }) : () -> ()
    %dma_start3A_416 = arith.constant 0 : i32
    %dma_start3A_417 = arith.constant 0 : i32
    %dma_start3A_418 = arith.constant 0 : i32
    %dma_start3A_419 = arith.constant 0 : i32
    %dma_start3A_420 = tpu.memref_slice %arg12[%dma_start3A_417, %dma_start3A_418, %dma_start3A_419] : memref<4x200x32xf32, #tpu.memory_space<vmem>> -> memref<1x200x32xf32, #tpu.memory_space<vmem>>
    %dma_start3A_421 = tpu.memref_squeeze %dma_start3A_420 : memref<1x200x32xf32, #tpu.memory_space<vmem>> -> memref<200x32xf32, #tpu.memory_space<vmem>>
    %dma_start3A_422 = arith.constant 0 : i32
    %dma_start3A_423 = arith.constant 0 : i32
    %dma_start3A_424 = tpu.memref_slice %dma_start3A_421[%dma_start3A_422, %dma_start3A_423] : memref<200x32xf32, #tpu.memory_space<vmem>> -> memref<80x32xf32, #tpu.memory_space<vmem>>
    %dma_start3A_425 = arith.constant 0 : i32
    %dma_start3A_426 = tpu.memref_slice %arg8[%dma_start3A_416, %dma_start3A_425] : memref<4x256xi32, #tpu.memory_space<vmem>> -> memref<1x256xi32, #tpu.memory_space<vmem>>
    %dma_start3A_427 = tpu.memref_squeeze %dma_start3A_426 : memref<1x256xi32, #tpu.memory_space<vmem>> -> memref<256xi32, #tpu.memory_space<vmem>>
    %dma_start3A_428 = arith.constant 0 : i32
    %dma_start3A_429 = tpu.memref_slice %dma_start3A_427[%dma_start3A_428] : memref<256xi32, #tpu.memory_space<vmem>> -> memref<80xi32, #tpu.memory_space<vmem>>
    %dma_start3A_430 = arith.constant 0 : i32
    %dma_start3A_431 = arith.constant 0 : i32
    %dma_start3A_432 = tpu.memref_slice %arg3[%dma_start3A_430, %dma_start3A_431] : memref<100000x32xf32, #tpu.memory_space<hbm>> -> memref<100000x32xf32, #tpu.memory_space<hbm>>
    tpu.enqueue_indirect_dma source(%dma_start3A_432 : memref<100000x32xf32, #tpu.memory_space<hbm>>) target(%dma_start3A_424 : memref<80x32xf32, #tpu.memory_space<vmem>>) offsets(%dma_start3A_429 : memref<80xi32, #tpu.memory_space<vmem>>) semaphore(%arg17 : memref<!tpu.dma_semaphore, #tpu.memory_space<semaphore_mem>>)
    %dma_start3A_433 = arith.constant 0 : i32
    %dma_start3A_434 = arith.constant 0 : i32
    %dma_start3A_435 = arith.constant 0 : i32
    %dma_start3A_436 = arith.constant 0 : i32
    %dma_start3A_437 = tpu.memref_slice %arg12[%dma_start3A_434, %dma_start3A_435, %dma_start3A_436] : memref<4x200x32xf32, #tpu.memory_space<vmem>> -> memref<1x200x32xf32, #tpu.memory_space<vmem>>
    %dma_start3A_438 = tpu.memref_squeeze %dma_start3A_437 : memref<1x200x32xf32, #tpu.memory_space<vmem>> -> memref<200x32xf32, #tpu.memory_space<vmem>>
    %dma_start3A_439 = arith.constant 80 : i32
    %dma_start3A_440 = arith.constant 0 : i32
    %dma_start3A_441 = tpu.memref_slice %dma_start3A_438[%dma_start3A_439, %dma_start3A_440] : memref<200x32xf32, #tpu.memory_space<vmem>> -> memref<80x32xf32, #tpu.memory_space<vmem>>
    %dma_start3A_442 = arith.constant 0 : i32
    %dma_start3A_443 = tpu.memref_slice %arg8[%dma_start3A_433, %dma_start3A_442] : memref<4x256xi32, #tpu.memory_space<vmem>> -> memref<1x256xi32, #tpu.memory_space<vmem>>
    %dma_start3A_444 = tpu.memref_squeeze %dma_start3A_443 : memref<1x256xi32, #tpu.memory_space<vmem>> -> memref<256xi32, #tpu.memory_space<vmem>>
    %dma_start3A_445 = arith.constant 80 : i32
    %dma_start3A_446 = tpu.memref_slice %dma_start3A_444[%dma_start3A_445] : memref<256xi32, #tpu.memory_space<vmem>> -> memref<80xi32, #tpu.memory_space<vmem>>
    %dma_start3A_447 = arith.constant 0 : i32
    %dma_start3A_448 = arith.constant 0 : i32
    %dma_start3A_449 = tpu.memref_slice %arg3[%dma_start3A_447, %dma_start3A_448] : memref<100000x32xf32, #tpu.memory_space<hbm>> -> memref<100000x32xf32, #tpu.memory_space<hbm>>
    tpu.enqueue_indirect_dma source(%dma_start3A_449 : memref<100000x32xf32, #tpu.memory_space<hbm>>) target(%dma_start3A_441 : memref<80x32xf32, #tpu.memory_space<vmem>>) offsets(%dma_start3A_446 : memref<80xi32, #tpu.memory_space<vmem>>) semaphore(%arg17 : memref<!tpu.dma_semaphore, #tpu.memory_space<semaphore_mem>>)
    %dma_start3A_450 = arith.constant 0 : i32
    %dma_start3A_451 = arith.constant 0 : i32
    %dma_start3A_452 = arith.constant 0 : i32
    %dma_start3A_453 = arith.constant 0 : i32
    %dma_start3A_454 = tpu.memref_slice %arg12[%dma_start3A_451, %dma_start3A_452, %dma_start3A_453] : memref<4x200x32xf32, #tpu.memory_space<vmem>> -> memref<1x200x32xf32, #tpu.memory_space<vmem>>
    %dma_start3A_455 = tpu.memref_squeeze %dma_start3A_454 : memref<1x200x32xf32, #tpu.memory_space<vmem>> -> memref<200x32xf32, #tpu.memory_space<vmem>>
    %dma_start3A_456 = arith.constant 160 : i32
    %dma_start3A_457 = arith.constant 0 : i32
    %dma_start3A_458 = tpu.memref_slice %dma_start3A_455[%dma_start3A_456, %dma_start3A_457] : memref<200x32xf32, #tpu.memory_space<vmem>> -> memref<40x32xf32, #tpu.memory_space<vmem>>
    %dma_start3A_459 = arith.constant 0 : i32
    %dma_start3A_460 = tpu.memref_slice %arg8[%dma_start3A_450, %dma_start3A_459] : memref<4x256xi32, #tpu.memory_space<vmem>> -> memref<1x256xi32, #tpu.memory_space<vmem>>
    %dma_start3A_461 = tpu.memref_squeeze %dma_start3A_460 : memref<1x256xi32, #tpu.memory_space<vmem>> -> memref<256xi32, #tpu.memory_space<vmem>>
    %dma_start3A_462 = arith.constant 160 : i32
    %dma_start3A_463 = tpu.memref_slice %dma_start3A_461[%dma_start3A_462] : memref<256xi32, #tpu.memory_space<vmem>> -> memref<40xi32, #tpu.memory_space<vmem>>
    %dma_start3A_464 = arith.constant 0 : i32
    %dma_start3A_465 = arith.constant 0 : i32
    %dma_start3A_466 = tpu.memref_slice %arg3[%dma_start3A_464, %dma_start3A_465] : memref<100000x32xf32, #tpu.memory_space<hbm>> -> memref<100000x32xf32, #tpu.memory_space<hbm>>
    tpu.enqueue_indirect_dma source(%dma_start3A_466 : memref<100000x32xf32, #tpu.memory_space<hbm>>) target(%dma_start3A_458 : memref<40x32xf32, #tpu.memory_space<vmem>>) offsets(%dma_start3A_463 : memref<40xi32, #tpu.memory_space<vmem>>) semaphore(%arg17 : memref<!tpu.dma_semaphore, #tpu.memory_space<semaphore_mem>>)
    %dma_start3A_467 = arith.constant 1 : i32
    %dma_start3A_468 = arith.constant 1 : i32
    %dma_start3A_469 = arith.constant 0 : i32
    %dma_start3A_470 = arith.constant 0 : i32
    %dma_start3A_471 = tpu.memref_slice %arg12[%dma_start3A_468, %dma_start3A_469, %dma_start3A_470] : memref<4x200x32xf32, #tpu.memory_space<vmem>> -> memref<1x200x32xf32, #tpu.memory_space<vmem>>
    %dma_start3A_472 = tpu.memref_squeeze %dma_start3A_471 : memref<1x200x32xf32, #tpu.memory_space<vmem>> -> memref<200x32xf32, #tpu.memory_space<vmem>>
    %dma_start3A_473 = arith.constant 0 : i32
    %dma_start3A_474 = arith.constant 0 : i32
    %dma_start3A_475 = tpu.memref_slice %dma_start3A_472[%dma_start3A_473, %dma_start3A_474] : memref<200x32xf32, #tpu.memory_space<vmem>> -> memref<80x32xf32, #tpu.memory_space<vmem>>
    %dma_start3A_476 = arith.constant 0 : i32
    %dma_start3A_477 = tpu.memref_slice %arg8[%dma_start3A_467, %dma_start3A_476] : memref<4x256xi32, #tpu.memory_space<vmem>> -> memref<1x256xi32, #tpu.memory_space<vmem>>
    %dma_start3A_478 = tpu.memref_squeeze %dma_start3A_477 : memref<1x256xi32, #tpu.memory_space<vmem>> -> memref<256xi32, #tpu.memory_space<vmem>>
    %dma_start3A_479 = arith.constant 0 : i32
    %dma_start3A_480 = tpu.memref_slice %dma_start3A_478[%dma_start3A_479] : memref<256xi32, #tpu.memory_space<vmem>> -> memref<80xi32, #tpu.memory_space<vmem>>
    %dma_start3A_481 = arith.constant 0 : i32
    %dma_start3A_482 = arith.constant 0 : i32
    %dma_start3A_483 = tpu.memref_slice %arg3[%dma_start3A_481, %dma_start3A_482] : memref<100000x32xf32, #tpu.memory_space<hbm>> -> memref<100000x32xf32, #tpu.memory_space<hbm>>
    tpu.enqueue_indirect_dma source(%dma_start3A_483 : memref<100000x32xf32, #tpu.memory_space<hbm>>) target(%dma_start3A_475 : memref<80x32xf32, #tpu.memory_space<vmem>>) offsets(%dma_start3A_480 : memref<80xi32, #tpu.memory_space<vmem>>) semaphore(%arg17 : memref<!tpu.dma_semaphore, #tpu.memory_space<semaphore_mem>>)
    %dma_start3A_484 = arith.constant 1 : i32
    %dma_start3A_485 = arith.constant 1 : i32
    %dma_start3A_486 = arith.constant 0 : i32
    %dma_start3A_487 = arith.constant 0 : i32
    %dma_start3A_488 = tpu.memref_slice %arg12[%dma_start3A_485, %dma_start3A_486, %dma_start3A_487] : memref<4x200x32xf32, #tpu.memory_space<vmem>> -> memref<1x200x32xf32, #tpu.memory_space<vmem>>
    %dma_start3A_489 = tpu.memref_squeeze %dma_start3A_488 : memref<1x200x32xf32, #tpu.memory_space<vmem>> -> memref<200x32xf32, #tpu.memory_space<vmem>>
    %dma_start3A_490 = arith.constant 80 : i32
    %dma_start3A_491 = arith.constant 0 : i32
    %dma_start3A_492 = tpu.memref_slice %dma_start3A_489[%dma_start3A_490, %dma_start3A_491] : memref<200x32xf32, #tpu.memory_space<vmem>> -> memref<80x32xf32, #tpu.memory_space<vmem>>
    %dma_start3A_493 = arith.constant 0 : i32
    %dma_start3A_494 = tpu.memref_slice %arg8[%dma_start3A_484, %dma_start3A_493] : memref<4x256xi32, #tpu.memory_space<vmem>> -> memref<1x256xi32, #tpu.memory_space<vmem>>
    %dma_start3A_495 = tpu.memref_squeeze %dma_start3A_494 : memref<1x256xi32, #tpu.memory_space<vmem>> -> memref<256xi32, #tpu.memory_space<vmem>>
    %dma_start3A_496 = arith.constant 80 : i32
    %dma_start3A_497 = tpu.memref_slice %dma_start3A_495[%dma_start3A_496] : memref<256xi32, #tpu.memory_space<vmem>> -> memref<80xi32, #tpu.memory_space<vmem>>
    %dma_start3A_498 = arith.constant 0 : i32
    %dma_start3A_499 = arith.constant 0 : i32
    %dma_start3A_500 = tpu.memref_slice %arg3[%dma_start3A_498, %dma_start3A_499] : memref<100000x32xf32, #tpu.memory_space<hbm>> -> memref<100000x32xf32, #tpu.memory_space<hbm>>
    tpu.enqueue_indirect_dma source(%dma_start3A_500 : memref<100000x32xf32, #tpu.memory_space<hbm>>) target(%dma_start3A_492 : memref<80x32xf32, #tpu.memory_space<vmem>>) offsets(%dma_start3A_497 : memref<80xi32, #tpu.memory_space<vmem>>) semaphore(%arg17 : memref<!tpu.dma_semaphore, #tpu.memory_space<semaphore_mem>>)
    %dma_start3A_501 = arith.constant 1 : i32
    %dma_start3A_502 = arith.constant 1 : i32
    %dma_start3A_503 = arith.constant 0 : i32
    %dma_start3A_504 = arith.constant 0 : i32
    %dma_start3A_505 = tpu.memref_slice %arg12[%dma_start3A_502, %dma_start3A_503, %dma_start3A_504] : memref<4x200x32xf32, #tpu.memory_space<vmem>> -> memref<1x200x32xf32, #tpu.memory_space<vmem>>
    %dma_start3A_506 = tpu.memref_squeeze %dma_start3A_505 : memref<1x200x32xf32, #tpu.memory_space<vmem>> -> memref<200x32xf32, #tpu.memory_space<vmem>>
    %dma_start3A_507 = arith.constant 160 : i32
    %dma_start3A_508 = arith.constant 0 : i32
    %dma_start3A_509 = tpu.memref_slice %dma_start3A_506[%dma_start3A_507, %dma_start3A_508] : memref<200x32xf32, #tpu.memory_space<vmem>> -> memref<40x32xf32, #tpu.memory_space<vmem>>
    %dma_start3A_510 = arith.constant 0 : i32
    %dma_start3A_511 = tpu.memref_slice %arg8[%dma_start3A_501, %dma_start3A_510] : memref<4x256xi32, #tpu.memory_space<vmem>> -> memref<1x256xi32, #tpu.memory_space<vmem>>
    %dma_start3A_512 = tpu.memref_squeeze %dma_start3A_511 : memref<1x256xi32, #tpu.memory_space<vmem>> -> memref<256xi32, #tpu.memory_space<vmem>>
    %dma_start3A_513 = arith.constant 160 : i32
    %dma_start3A_514 = tpu.memref_slice %dma_start3A_512[%dma_start3A_513] : memref<256xi32, #tpu.memory_space<vmem>> -> memref<40xi32, #tpu.memory_space<vmem>>
    %dma_start3A_515 = arith.constant 0 : i32
    %dma_start3A_516 = arith.constant 0 : i32
    %dma_start3A_517 = tpu.memref_slice %arg3[%dma_start3A_515, %dma_start3A_516] : memref<100000x32xf32, #tpu.memory_space<hbm>> -> memref<100000x32xf32, #tpu.memory_space<hbm>>
    tpu.enqueue_indirect_dma source(%dma_start3A_517 : memref<100000x32xf32, #tpu.memory_space<hbm>>) target(%dma_start3A_509 : memref<40x32xf32, #tpu.memory_space<vmem>>) offsets(%dma_start3A_514 : memref<40xi32, #tpu.memory_space<vmem>>) semaphore(%arg17 : memref<!tpu.dma_semaphore, #tpu.memory_space<semaphore_mem>>)
    %dma_start3A_518 = arith.constant 2 : i32
    %dma_start3A_519 = arith.constant 2 : i32
    %dma_start3A_520 = arith.constant 0 : i32
    %dma_start3A_521 = arith.constant 0 : i32
    %dma_start3A_522 = tpu.memref_slice %arg12[%dma_start3A_519, %dma_start3A_520, %dma_start3A_521] : memref<4x200x32xf32, #tpu.memory_space<vmem>> -> memref<1x200x32xf32, #tpu.memory_space<vmem>>
    %dma_start3A_523 = tpu.memref_squeeze %dma_start3A_522 : memref<1x200x32xf32, #tpu.memory_space<vmem>> -> memref<200x32xf32, #tpu.memory_space<vmem>>
    %dma_start3A_524 = arith.constant 0 : i32
    %dma_start3A_525 = arith.constant 0 : i32
    %dma_start3A_526 = tpu.memref_slice %dma_start3A_523[%dma_start3A_524, %dma_start3A_525] : memref<200x32xf32, #tpu.memory_space<vmem>> -> memref<80x32xf32, #tpu.memory_space<vmem>>
    %dma_start3A_527 = arith.constant 0 : i32
    %dma_start3A_528 = tpu.memref_slice %arg8[%dma_start3A_518, %dma_start3A_527] : memref<4x256xi32, #tpu.memory_space<vmem>> -> memref<1x256xi32, #tpu.memory_space<vmem>>
    %dma_start3A_529 = tpu.memref_squeeze %dma_start3A_528 : memref<1x256xi32, #tpu.memory_space<vmem>> -> memref<256xi32, #tpu.memory_space<vmem>>
    %dma_start3A_530 = arith.constant 0 : i32
    %dma_start3A_531 = tpu.memref_slice %dma_start3A_529[%dma_start3A_530] : memref<256xi32, #tpu.memory_space<vmem>> -> memref<80xi32, #tpu.memory_space<vmem>>
    %dma_start3A_532 = arith.constant 0 : i32
    %dma_start3A_533 = arith.constant 0 : i32
    %dma_start3A_534 = tpu.memref_slice %arg3[%dma_start3A_532, %dma_start3A_533] : memref<100000x32xf32, #tpu.memory_space<hbm>> -> memref<100000x32xf32, #tpu.memory_space<hbm>>
    tpu.enqueue_indirect_dma source(%dma_start3A_534 : memref<100000x32xf32, #tpu.memory_space<hbm>>) target(%dma_start3A_526 : memref<80x32xf32, #tpu.memory_space<vmem>>) offsets(%dma_start3A_531 : memref<80xi32, #tpu.memory_space<vmem>>) semaphore(%arg17 : memref<!tpu.dma_semaphore, #tpu.memory_space<semaphore_mem>>)
    %dma_start3A_535 = arith.constant 2 : i32
    %dma_start3A_536 = arith.constant 2 : i32
    %dma_start3A_537 = arith.constant 0 : i32
    %dma_start3A_538 = arith.constant 0 : i32
    %dma_start3A_539 = tpu.memref_slice %arg12[%dma_start3A_536, %dma_start3A_537, %dma_start3A_538] : memref<4x200x32xf32, #tpu.memory_space<vmem>> -> memref<1x200x32xf32, #tpu.memory_space<vmem>>
    %dma_start3A_540 = tpu.memref_squeeze %dma_start3A_539 : memref<1x200x32xf32, #tpu.memory_space<vmem>> -> memref<200x32xf32, #tpu.memory_space<vmem>>
    %dma_start3A_541 = arith.constant 80 : i32
    %dma_start3A_542 = arith.constant 0 : i32
    %dma_start3A_543 = tpu.memref_slice %dma_start3A_540[%dma_start3A_541, %dma_start3A_542] : memref<200x32xf32, #tpu.memory_space<vmem>> -> memref<80x32xf32, #tpu.memory_space<vmem>>
    %dma_start3A_544 = arith.constant 0 : i32
    %dma_start3A_545 = tpu.memref_slice %arg8[%dma_start3A_535, %dma_start3A_544] : memref<4x256xi32, #tpu.memory_space<vmem>> -> memref<1x256xi32, #tpu.memory_space<vmem>>
    %dma_start3A_546 = tpu.memref_squeeze %dma_start3A_545 : memref<1x256xi32, #tpu.memory_space<vmem>> -> memref<256xi32, #tpu.memory_space<vmem>>
    %dma_start3A_547 = arith.constant 80 : i32
    %dma_start3A_548 = tpu.memref_slice %dma_start3A_546[%dma_start3A_547] : memref<256xi32, #tpu.memory_space<vmem>> -> memref<80xi32, #tpu.memory_space<vmem>>
    %dma_start3A_549 = arith.constant 0 : i32
    %dma_start3A_550 = arith.constant 0 : i32
    %dma_start3A_551 = tpu.memref_slice %arg3[%dma_start3A_549, %dma_start3A_550] : memref<100000x32xf32, #tpu.memory_space<hbm>> -> memref<100000x32xf32, #tpu.memory_space<hbm>>
    tpu.enqueue_indirect_dma source(%dma_start3A_551 : memref<100000x32xf32, #tpu.memory_space<hbm>>) target(%dma_start3A_543 : memref<80x32xf32, #tpu.memory_space<vmem>>) offsets(%dma_start3A_548 : memref<80xi32, #tpu.memory_space<vmem>>) semaphore(%arg17 : memref<!tpu.dma_semaphore, #tpu.memory_space<semaphore_mem>>)
    %dma_start3A_552 = arith.constant 2 : i32
    %dma_start3A_553 = arith.constant 2 : i32
    %dma_start3A_554 = arith.constant 0 : i32
    %dma_start3A_555 = arith.constant 0 : i32
    %dma_start3A_556 = tpu.memref_slice %arg12[%dma_start3A_553, %dma_start3A_554, %dma_start3A_555] : memref<4x200x32xf32, #tpu.memory_space<vmem>> -> memref<1x200x32xf32, #tpu.memory_space<vmem>>
    %dma_start3A_557 = tpu.memref_squeeze %dma_start3A_556 : memref<1x200x32xf32, #tpu.memory_space<vmem>> -> memref<200x32xf32, #tpu.memory_space<vmem>>
    %dma_start3A_558 = arith.constant 160 : i32
    %dma_start3A_559 = arith.constant 0 : i32
    %dma_start3A_560 = tpu.memref_slice %dma_start3A_557[%dma_start3A_558, %dma_start3A_559] : memref<200x32xf32, #tpu.memory_space<vmem>> -> memref<40x32xf32, #tpu.memory_space<vmem>>
    %dma_start3A_561 = arith.constant 0 : i32
    %dma_start3A_562 = tpu.memref_slice %arg8[%dma_start3A_552, %dma_start3A_561] : memref<4x256xi32, #tpu.memory_space<vmem>> -> memref<1x256xi32, #tpu.memory_space<vmem>>
    %dma_start3A_563 = tpu.memref_squeeze %dma_start3A_562 : memref<1x256xi32, #tpu.memory_space<vmem>> -> memref<256xi32, #tpu.memory_space<vmem>>
    %dma_start3A_564 = arith.constant 160 : i32
    %dma_start3A_565 = tpu.memref_slice %dma_start3A_563[%dma_start3A_564] : memref<256xi32, #tpu.memory_space<vmem>> -> memref<40xi32, #tpu.memory_space<vmem>>
    %dma_start3A_566 = arith.constant 0 : i32
    %dma_start3A_567 = arith.constant 0 : i32
    %dma_start3A_568 = tpu.memref_slice %arg3[%dma_start3A_566, %dma_start3A_567] : memref<100000x32xf32, #tpu.memory_space<hbm>> -> memref<100000x32xf32, #tpu.memory_space<hbm>>
    tpu.enqueue_indirect_dma source(%dma_start3A_568 : memref<100000x32xf32, #tpu.memory_space<hbm>>) target(%dma_start3A_560 : memref<40x32xf32, #tpu.memory_space<vmem>>) offsets(%dma_start3A_565 : memref<40xi32, #tpu.memory_space<vmem>>) semaphore(%arg17 : memref<!tpu.dma_semaphore, #tpu.memory_space<semaphore_mem>>)
    %dma_start3A_569 = arith.constant 3 : i32
    %dma_start3A_570 = arith.constant 3 : i32
    %dma_start3A_571 = arith.constant 0 : i32
    %dma_start3A_572 = arith.constant 0 : i32
    %dma_start3A_573 = tpu.memref_slice %arg12[%dma_start3A_570, %dma_start3A_571, %dma_start3A_572] : memref<4x200x32xf32, #tpu.memory_space<vmem>> -> memref<1x200x32xf32, #tpu.memory_space<vmem>>
    %dma_start3A_574 = tpu.memref_squeeze %dma_start3A_573 : memref<1x200x32xf32, #tpu.memory_space<vmem>> -> memref<200x32xf32, #tpu.memory_space<vmem>>
    %dma_start3A_575 = arith.constant 0 : i32
    %dma_start3A_576 = arith.constant 0 : i32
    %dma_start3A_577 = tpu.memref_slice %dma_start3A_574[%dma_start3A_575, %dma_start3A_576] : memref<200x32xf32, #tpu.memory_space<vmem>> -> memref<80x32xf32, #tpu.memory_space<vmem>>
    %dma_start3A_578 = arith.constant 0 : i32
    %dma_start3A_579 = tpu.memref_slice %arg8[%dma_start3A_569, %dma_start3A_578] : memref<4x256xi32, #tpu.memory_space<vmem>> -> memref<1x256xi32, #tpu.memory_space<vmem>>
    %dma_start3A_580 = tpu.memref_squeeze %dma_start3A_579 : memref<1x256xi32, #tpu.memory_space<vmem>> -> memref<256xi32, #tpu.memory_space<vmem>>
    %dma_start3A_581 = arith.constant 0 : i32
    %dma_start3A_582 = tpu.memref_slice %dma_start3A_580[%dma_start3A_581] : memref<256xi32, #tpu.memory_space<vmem>> -> memref<80xi32, #tpu.memory_space<vmem>>
    %dma_start3A_583 = arith.constant 0 : i32
    %dma_start3A_584 = arith.constant 0 : i32
    %dma_start3A_585 = tpu.memref_slice %arg3[%dma_start3A_583, %dma_start3A_584] : memref<100000x32xf32, #tpu.memory_space<hbm>> -> memref<100000x32xf32, #tpu.memory_space<hbm>>
    tpu.enqueue_indirect_dma source(%dma_start3A_585 : memref<100000x32xf32, #tpu.memory_space<hbm>>) target(%dma_start3A_577 : memref<80x32xf32, #tpu.memory_space<vmem>>) offsets(%dma_start3A_582 : memref<80xi32, #tpu.memory_space<vmem>>) semaphore(%arg17 : memref<!tpu.dma_semaphore, #tpu.memory_space<semaphore_mem>>)
    %dma_start3A_586 = arith.constant 3 : i32
    %dma_start3A_587 = arith.constant 3 : i32
    %dma_start3A_588 = arith.constant 0 : i32
    %dma_start3A_589 = arith.constant 0 : i32
    %dma_start3A_590 = tpu.memref_slice %arg12[%dma_start3A_587, %dma_start3A_588, %dma_start3A_589] : memref<4x200x32xf32, #tpu.memory_space<vmem>> -> memref<1x200x32xf32, #tpu.memory_space<vmem>>
    %dma_start3A_591 = tpu.memref_squeeze %dma_start3A_590 : memref<1x200x32xf32, #tpu.memory_space<vmem>> -> memref<200x32xf32, #tpu.memory_space<vmem>>
    %dma_start3A_592 = arith.constant 80 : i32
    %dma_start3A_593 = arith.constant 0 : i32
    %dma_start3A_594 = tpu.memref_slice %dma_start3A_591[%dma_start3A_592, %dma_start3A_593] : memref<200x32xf32, #tpu.memory_space<vmem>> -> memref<80x32xf32, #tpu.memory_space<vmem>>
    %dma_start3A_595 = arith.constant 0 : i32
    %dma_start3A_596 = tpu.memref_slice %arg8[%dma_start3A_586, %dma_start3A_595] : memref<4x256xi32, #tpu.memory_space<vmem>> -> memref<1x256xi32, #tpu.memory_space<vmem>>
    %dma_start3A_597 = tpu.memref_squeeze %dma_start3A_596 : memref<1x256xi32, #tpu.memory_space<vmem>> -> memref<256xi32, #tpu.memory_space<vmem>>
    %dma_start3A_598 = arith.constant 80 : i32
    %dma_start3A_599 = tpu.memref_slice %dma_start3A_597[%dma_start3A_598] : memref<256xi32, #tpu.memory_space<vmem>> -> memref<80xi32, #tpu.memory_space<vmem>>
    %dma_start3A_600 = arith.constant 0 : i32
    %dma_start3A_601 = arith.constant 0 : i32
    %dma_start3A_602 = tpu.memref_slice %arg3[%dma_start3A_600, %dma_start3A_601] : memref<100000x32xf32, #tpu.memory_space<hbm>> -> memref<100000x32xf32, #tpu.memory_space<hbm>>
    tpu.enqueue_indirect_dma source(%dma_start3A_602 : memref<100000x32xf32, #tpu.memory_space<hbm>>) target(%dma_start3A_594 : memref<80x32xf32, #tpu.memory_space<vmem>>) offsets(%dma_start3A_599 : memref<80xi32, #tpu.memory_space<vmem>>) semaphore(%arg17 : memref<!tpu.dma_semaphore, #tpu.memory_space<semaphore_mem>>)
    %dma_start3A_603 = arith.constant 3 : i32
    %dma_start3A_604 = arith.constant 3 : i32
    %dma_start3A_605 = arith.constant 0 : i32
    %dma_start3A_606 = arith.constant 0 : i32
    %dma_start3A_607 = tpu.memref_slice %arg12[%dma_start3A_604, %dma_start3A_605, %dma_start3A_606] : memref<4x200x32xf32, #tpu.memory_space<vmem>> -> memref<1x200x32xf32, #tpu.memory_space<vmem>>
    %dma_start3A_608 = tpu.memref_squeeze %dma_start3A_607 : memref<1x200x32xf32, #tpu.memory_space<vmem>> -> memref<200x32xf32, #tpu.memory_space<vmem>>
    %dma_start3A_609 = arith.constant 160 : i32
    %dma_start3A_610 = arith.constant 0 : i32
    %dma_start3A_611 = tpu.memref_slice %dma_start3A_608[%dma_start3A_609, %dma_start3A_610] : memref<200x32xf32, #tpu.memory_space<vmem>> -> memref<40x32xf32, #tpu.memory_space<vmem>>
    %dma_start3A_612 = arith.constant 0 : i32
    %dma_start3A_613 = tpu.memref_slice %arg8[%dma_start3A_603, %dma_start3A_612] : memref<4x256xi32, #tpu.memory_space<vmem>> -> memref<1x256xi32, #tpu.memory_space<vmem>>
    %dma_start3A_614 = tpu.memref_squeeze %dma_start3A_613 : memref<1x256xi32, #tpu.memory_space<vmem>> -> memref<256xi32, #tpu.memory_space<vmem>>
    %dma_start3A_615 = arith.constant 160 : i32
    %dma_start3A_616 = tpu.memref_slice %dma_start3A_614[%dma_start3A_615] : memref<256xi32, #tpu.memory_space<vmem>> -> memref<40xi32, #tpu.memory_space<vmem>>
    %dma_start3A_617 = arith.constant 0 : i32
    %dma_start3A_618 = arith.constant 0 : i32
    %dma_start3A_619 = tpu.memref_slice %arg3[%dma_start3A_617, %dma_start3A_618] : memref<100000x32xf32, #tpu.memory_space<hbm>> -> memref<100000x32xf32, #tpu.memory_space<hbm>>
    tpu.enqueue_indirect_dma source(%dma_start3A_619 : memref<100000x32xf32, #tpu.memory_space<hbm>>) target(%dma_start3A_611 : memref<40x32xf32, #tpu.memory_space<vmem>>) offsets(%dma_start3A_616 : memref<40xi32, #tpu.memory_space<vmem>>) semaphore(%arg17 : memref<!tpu.dma_semaphore, #tpu.memory_space<semaphore_mem>>)
    %scan3A = arith.constant 0 : i32
    %scan3A_620 = arith.constant 0 : i32
    %scan3A_621 = arith.constant 8 : i32
    %scan3A_622 = arith.addi %scan3A_620, %scan3A_621 : i32
    %scan3A_623 = arith.constant 1 : i32
    scf.for %scan3A_656 = %scan3A_620 to %scan3A_622 step %scan3A_623  : i32 {
      %mul3A_657 = arith.constant 4 : i32
      %mul3A_658 = arith.muli %scan3A_656, %mul3A_657 : i32
      %add3A_659 = arith.constant 0 : i32
      %add3A_660 = arith.addi %mul3A_658, %add3A_659 : i32
      %add3A_661 = arith.constant 3 : i32
      %add3A_662 = arith.addi %add3A_660, %add3A_661 : i32
      %lt3A = arith.constant 32 : i32
      %lt3A_663 = arith.cmpi slt, %add3A_662, %lt3A : i32
      %ge3A = arith.constant 1 : i32
      %ge3A_664 = arith.cmpi sge, %add3A_660, %ge3A : i32
      %and3A = arith.andi %lt3A_663, %ge3A_664 : i1
      %convert_element_type3A = arith.extui %and3A : i1 to i32
      %cond3A = arith.constant 0 : i32
      %cond3A_665 = arith.cmpi ne, %convert_element_type3A, %cond3A : i32
      scf.if %cond3A_665 {
        %dma_wait3A_832 = arith.constant 0 : i32
        %dma_wait3A_833 = arith.constant 0 : i32
        %dma_wait3A_834 = arith.constant 0 : i32
        %dma_wait3A_835 = tpu.memref_slice %arg5[%dma_wait3A_832, %dma_wait3A_833, %dma_wait3A_834] : memref<4096x200x128xf32, #tpu.memory_space<hbm>> -> memref<4x200x32xf32, #tpu.memory_space<hbm>>
        %dma_wait3A_836 = arith.constant 0 : i32
        %dma_wait3A_837 = arith.constant 0 : i32
        %dma_wait3A_838 = arith.constant 0 : i32
        %dma_wait3A_839 = tpu.memref_slice %arg5[%dma_wait3A_836, %dma_wait3A_837, %dma_wait3A_838] : memref<4096x200x128xf32, #tpu.memory_space<hbm>> -> memref<4x200x32xf32, #tpu.memory_space<hbm>>
        tpu.wait_dma2 semaphore(%arg22 : memref<!tpu.dma_semaphore, #tpu.memory_space<semaphore_mem>>) src(%arg13 : memref<4x200x32xf32, #tpu.memory_space<vmem>>) dst(%dma_wait3A_839 : memref<4x200x32xf32, #tpu.memory_space<hbm>>)
        %mul3A_840 = arith.constant 4 : i32
        %mul3A_841 = arith.muli %add3A_662, %mul3A_840 : i32
        %add3A_842 = arith.addi %mul3A_2, %mul3A_841 : i32
        "tpu.region"() ({
          %run_scoped3A = tpu.sem_alloc : memref<!tpu.dma_semaphore, #tpu.memory_space<semaphore_mem>>
          %dma_start3A_1047 = arith.constant 0 : i32
          %dma_start3A_1048 = tpu.memref_slice %arg2[%add3A_842, %dma_start3A_1047] : memref<4096x256xi32, #tpu.memory_space<hbm>> -> memref<4x256xi32, #tpu.memory_space<hbm>>
          %dma_start3A_1049 = arith.constant 0 : i32
          %dma_start3A_1050 = tpu.memref_slice %arg2[%add3A_842, %dma_start3A_1049] : memref<4096x256xi32, #tpu.memory_space<hbm>> -> memref<4x256xi32, #tpu.memory_space<hbm>>
          tpu.enqueue_dma source(%dma_start3A_1050 : memref<4x256xi32, #tpu.memory_space<hbm>>) target(%arg9 : memref<4x256xi32, #tpu.memory_space<vmem>>) target_semaphore(%run_scoped3A : memref<!tpu.dma_semaphore, #tpu.memory_space<semaphore_mem>>)
          %dma_wait3A_1051 = arith.constant 0 : i32
          %dma_wait3A_1052 = tpu.memref_slice %arg2[%add3A_842, %dma_wait3A_1051] : memref<4096x256xi32, #tpu.memory_space<hbm>> -> memref<4x256xi32, #tpu.memory_space<hbm>>
          %dma_wait3A_1053 = arith.constant 0 : i32
          %dma_wait3A_1054 = tpu.memref_slice %arg2[%add3A_842, %dma_wait3A_1053] : memref<4096x256xi32, #tpu.memory_space<hbm>> -> memref<4x256xi32, #tpu.memory_space<hbm>>
          tpu.wait_dma2 semaphore(%run_scoped3A : memref<!tpu.dma_semaphore, #tpu.memory_space<semaphore_mem>>) src(%dma_wait3A_1054 : memref<4x256xi32, #tpu.memory_space<hbm>>) dst(%arg9 : memref<4x256xi32, #tpu.memory_space<vmem>>)
          tpu.yield
        }) : () -> ()
        %dma_start3A_843 = arith.constant 0 : i32
        %dma_start3A_844 = arith.constant 0 : i32
        %dma_start3A_845 = arith.constant 0 : i32
        %dma_start3A_846 = arith.constant 0 : i32
        %dma_start3A_847 = tpu.memref_slice %arg13[%dma_start3A_844, %dma_start3A_845, %dma_start3A_846] : memref<4x200x32xf32, #tpu.memory_space<vmem>> -> memref<1x200x32xf32, #tpu.memory_space<vmem>>
        %dma_start3A_848 = tpu.memref_squeeze %dma_start3A_847 : memref<1x200x32xf32, #tpu.memory_space<vmem>> -> memref<200x32xf32, #tpu.memory_space<vmem>>
        %dma_start3A_849 = arith.constant 0 : i32
        %dma_start3A_850 = arith.constant 0 : i32
        %dma_start3A_851 = tpu.memref_slice %dma_start3A_848[%dma_start3A_849, %dma_start3A_850] : memref<200x32xf32, #tpu.memory_space<vmem>> -> memref<80x32xf32, #tpu.memory_space<vmem>>
        %dma_start3A_852 = arith.constant 0 : i32
        %dma_start3A_853 = tpu.memref_slice %arg9[%dma_start3A_843, %dma_start3A_852] : memref<4x256xi32, #tpu.memory_space<vmem>> -> memref<1x256xi32, #tpu.memory_space<vmem>>
        %dma_start3A_854 = tpu.memref_squeeze %dma_start3A_853 : memref<1x256xi32, #tpu.memory_space<vmem>> -> memref<256xi32, #tpu.memory_space<vmem>>
        %dma_start3A_855 = arith.constant 0 : i32
        %dma_start3A_856 = tpu.memref_slice %dma_start3A_854[%dma_start3A_855] : memref<256xi32, #tpu.memory_space<vmem>> -> memref<80xi32, #tpu.memory_space<vmem>>
        %dma_start3A_857 = arith.constant 0 : i32
        %dma_start3A_858 = arith.constant 0 : i32
        %dma_start3A_859 = tpu.memref_slice %arg3[%dma_start3A_857, %dma_start3A_858] : memref<100000x32xf32, #tpu.memory_space<hbm>> -> memref<100000x32xf32, #tpu.memory_space<hbm>>
        tpu.enqueue_indirect_dma source(%dma_start3A_859 : memref<100000x32xf32, #tpu.memory_space<hbm>>) target(%dma_start3A_851 : memref<80x32xf32, #tpu.memory_space<vmem>>) offsets(%dma_start3A_856 : memref<80xi32, #tpu.memory_space<vmem>>) semaphore(%arg18 : memref<!tpu.dma_semaphore, #tpu.memory_space<semaphore_mem>>)
        %dma_start3A_860 = arith.constant 0 : i32
        %dma_start3A_861 = arith.constant 0 : i32
        %dma_start3A_862 = arith.constant 0 : i32
        %dma_start3A_863 = arith.constant 0 : i32
        %dma_start3A_864 = tpu.memref_slice %arg13[%dma_start3A_861, %dma_start3A_862, %dma_start3A_863] : memref<4x200x32xf32, #tpu.memory_space<vmem>> -> memref<1x200x32xf32, #tpu.memory_space<vmem>>
        %dma_start3A_865 = tpu.memref_squeeze %dma_start3A_864 : memref<1x200x32xf32, #tpu.memory_space<vmem>> -> memref<200x32xf32, #tpu.memory_space<vmem>>
        %dma_start3A_866 = arith.constant 80 : i32
        %dma_start3A_867 = arith.constant 0 : i32
        %dma_start3A_868 = tpu.memref_slice %dma_start3A_865[%dma_start3A_866, %dma_start3A_867] : memref<200x32xf32, #tpu.memory_space<vmem>> -> memref<80x32xf32, #tpu.memory_space<vmem>>
        %dma_start3A_869 = arith.constant 0 : i32
        %dma_start3A_870 = tpu.memref_slice %arg9[%dma_start3A_860, %dma_start3A_869] : memref<4x256xi32, #tpu.memory_space<vmem>> -> memref<1x256xi32, #tpu.memory_space<vmem>>
        %dma_start3A_871 = tpu.memref_squeeze %dma_start3A_870 : memref<1x256xi32, #tpu.memory_space<vmem>> -> memref<256xi32, #tpu.memory_space<vmem>>
        %dma_start3A_872 = arith.constant 80 : i32
        %dma_start3A_873 = tpu.memref_slice %dma_start3A_871[%dma_start3A_872] : memref<256xi32, #tpu.memory_space<vmem>> -> memref<80xi32, #tpu.memory_space<vmem>>
        %dma_start3A_874 = arith.constant 0 : i32
        %dma_start3A_875 = arith.constant 0 : i32
        %dma_start3A_876 = tpu.memref_slice %arg3[%dma_start3A_874, %dma_start3A_875] : memref<100000x32xf32, #tpu.memory_space<hbm>> -> memref<100000x32xf32, #tpu.memory_space<hbm>>
        tpu.enqueue_indirect_dma source(%dma_start3A_876 : memref<100000x32xf32, #tpu.memory_space<hbm>>) target(%dma_start3A_868 : memref<80x32xf32, #tpu.memory_space<vmem>>) offsets(%dma_start3A_873 : memref<80xi32, #tpu.memory_space<vmem>>) semaphore(%arg18 : memref<!tpu.dma_semaphore, #tpu.memory_space<semaphore_mem>>)
        %dma_start3A_877 = arith.constant 0 : i32
        %dma_start3A_878 = arith.constant 0 : i32
        %dma_start3A_879 = arith.constant 0 : i32
        %dma_start3A_880 = arith.constant 0 : i32
        %dma_start3A_881 = tpu.memref_slice %arg13[%dma_start3A_878, %dma_start3A_879, %dma_start3A_880] : memref<4x200x32xf32, #tpu.memory_space<vmem>> -> memref<1x200x32xf32, #tpu.memory_space<vmem>>
        %dma_start3A_882 = tpu.memref_squeeze %dma_start3A_881 : memref<1x200x32xf32, #tpu.memory_space<vmem>> -> memref<200x32xf32, #tpu.memory_space<vmem>>
        %dma_start3A_883 = arith.constant 160 : i32
        %dma_start3A_884 = arith.constant 0 : i32
        %dma_start3A_885 = tpu.memref_slice %dma_start3A_882[%dma_start3A_883, %dma_start3A_884] : memref<200x32xf32, #tpu.memory_space<vmem>> -> memref<40x32xf32, #tpu.memory_space<vmem>>
        %dma_start3A_886 = arith.constant 0 : i32
        %dma_start3A_887 = tpu.memref_slice %arg9[%dma_start3A_877, %dma_start3A_886] : memref<4x256xi32, #tpu.memory_space<vmem>> -> memref<1x256xi32, #tpu.memory_space<vmem>>
        %dma_start3A_888 = tpu.memref_squeeze %dma_start3A_887 : memref<1x256xi32, #tpu.memory_space<vmem>> -> memref<256xi32, #tpu.memory_space<vmem>>
        %dma_start3A_889 = arith.constant 160 : i32
        %dma_start3A_890 = tpu.memref_slice %dma_start3A_888[%dma_start3A_889] : memref<256xi32, #tpu.memory_space<vmem>> -> memref<40xi32, #tpu.memory_space<vmem>>
        %dma_start3A_891 = arith.constant 0 : i32
        %dma_start3A_892 = arith.constant 0 : i32
        %dma_start3A_893 = tpu.memref_slice %arg3[%dma_start3A_891, %dma_start3A_892] : memref<100000x32xf32, #tpu.memory_space<hbm>> -> memref<100000x32xf32, #tpu.memory_space<hbm>>
        tpu.enqueue_indirect_dma source(%dma_start3A_893 : memref<100000x32xf32, #tpu.memory_space<hbm>>) target(%dma_start3A_885 : memref<40x32xf32, #tpu.memory_space<vmem>>) offsets(%dma_start3A_890 : memref<40xi32, #tpu.memory_space<vmem>>) semaphore(%arg18 : memref<!tpu.dma_semaphore, #tpu.memory_space<semaphore_mem>>)
        %dma_start3A_894 = arith.constant 1 : i32
        %dma_start3A_895 = arith.constant 1 : i32
        %dma_start3A_896 = arith.constant 0 : i32
        %dma_start3A_897 = arith.constant 0 : i32
        %dma_start3A_898 = tpu.memref_slice %arg13[%dma_start3A_895, %dma_start3A_896, %dma_start3A_897] : memref<4x200x32xf32, #tpu.memory_space<vmem>> -> memref<1x200x32xf32, #tpu.memory_space<vmem>>
        %dma_start3A_899 = tpu.memref_squeeze %dma_start3A_898 : memref<1x200x32xf32, #tpu.memory_space<vmem>> -> memref<200x32xf32, #tpu.memory_space<vmem>>
        %dma_start3A_900 = arith.constant 0 : i32
        %dma_start3A_901 = arith.constant 0 : i32
        %dma_start3A_902 = tpu.memref_slice %dma_start3A_899[%dma_start3A_900, %dma_start3A_901] : memref<200x32xf32, #tpu.memory_space<vmem>> -> memref<80x32xf32, #tpu.memory_space<vmem>>
        %dma_start3A_903 = arith.constant 0 : i32
        %dma_start3A_904 = tpu.memref_slice %arg9[%dma_start3A_894, %dma_start3A_903] : memref<4x256xi32, #tpu.memory_space<vmem>> -> memref<1x256xi32, #tpu.memory_space<vmem>>
        %dma_start3A_905 = tpu.memref_squeeze %dma_start3A_904 : memref<1x256xi32, #tpu.memory_space<vmem>> -> memref<256xi32, #tpu.memory_space<vmem>>
        %dma_start3A_906 = arith.constant 0 : i32
        %dma_start3A_907 = tpu.memref_slice %dma_start3A_905[%dma_start3A_906] : memref<256xi32, #tpu.memory_space<vmem>> -> memref<80xi32, #tpu.memory_space<vmem>>
        %dma_start3A_908 = arith.constant 0 : i32
        %dma_start3A_909 = arith.constant 0 : i32
        %dma_start3A_910 = tpu.memref_slice %arg3[%dma_start3A_908, %dma_start3A_909] : memref<100000x32xf32, #tpu.memory_space<hbm>> -> memref<100000x32xf32, #tpu.memory_space<hbm>>
        tpu.enqueue_indirect_dma source(%dma_start3A_910 : memref<100000x32xf32, #tpu.memory_space<hbm>>) target(%dma_start3A_902 : memref<80x32xf32, #tpu.memory_space<vmem>>) offsets(%dma_start3A_907 : memref<80xi32, #tpu.memory_space<vmem>>) semaphore(%arg18 : memref<!tpu.dma_semaphore, #tpu.memory_space<semaphore_mem>>)
        %dma_start3A_911 = arith.constant 1 : i32
        %dma_start3A_912 = arith.constant 1 : i32
        %dma_start3A_913 = arith.constant 0 : i32
        %dma_start3A_914 = arith.constant 0 : i32
        %dma_start3A_915 = tpu.memref_slice %arg13[%dma_start3A_912, %dma_start3A_913, %dma_start3A_914] : memref<4x200x32xf32, #tpu.memory_space<vmem>> -> memref<1x200x32xf32, #tpu.memory_space<vmem>>
        %dma_start3A_916 = tpu.memref_squeeze %dma_start3A_915 : memref<1x200x32xf32, #tpu.memory_space<vmem>> -> memref<200x32xf32, #tpu.memory_space<vmem>>
        %dma_start3A_917 = arith.constant 80 : i32
        %dma_start3A_918 = arith.constant 0 : i32
        %dma_start3A_919 = tpu.memref_slice %dma_start3A_916[%dma_start3A_917, %dma_start3A_918] : memref<200x32xf32, #tpu.memory_space<vmem>> -> memref<80x32xf32, #tpu.memory_space<vmem>>
        %dma_start3A_920 = arith.constant 0 : i32
        %dma_start3A_921 = tpu.memref_slice %arg9[%dma_start3A_911, %dma_start3A_920] : memref<4x256xi32, #tpu.memory_space<vmem>> -> memref<1x256xi32, #tpu.memory_space<vmem>>
        %dma_start3A_922 = tpu.memref_squeeze %dma_start3A_921 : memref<1x256xi32, #tpu.memory_space<vmem>> -> memref<256xi32, #tpu.memory_space<vmem>>
        %dma_start3A_923 = arith.constant 80 : i32
        %dma_start3A_924 = tpu.memref_slice %dma_start3A_922[%dma_start3A_923] : memref<256xi32, #tpu.memory_space<vmem>> -> memref<80xi32, #tpu.memory_space<vmem>>
        %dma_start3A_925 = arith.constant 0 : i32
        %dma_start3A_926 = arith.constant 0 : i32
        %dma_start3A_927 = tpu.memref_slice %arg3[%dma_start3A_925, %dma_start3A_926] : memref<100000x32xf32, #tpu.memory_space<hbm>> -> memref<100000x32xf32, #tpu.memory_space<hbm>>
        tpu.enqueue_indirect_dma source(%dma_start3A_927 : memref<100000x32xf32, #tpu.memory_space<hbm>>) target(%dma_start3A_919 : memref<80x32xf32, #tpu.memory_space<vmem>>) offsets(%dma_start3A_924 : memref<80xi32, #tpu.memory_space<vmem>>) semaphore(%arg18 : memref<!tpu.dma_semaphore, #tpu.memory_space<semaphore_mem>>)
        %dma_start3A_928 = arith.constant 1 : i32
        %dma_start3A_929 = arith.constant 1 : i32
        %dma_start3A_930 = arith.constant 0 : i32
        %dma_start3A_931 = arith.constant 0 : i32
        %dma_start3A_932 = tpu.memref_slice %arg13[%dma_start3A_929, %dma_start3A_930, %dma_start3A_931] : memref<4x200x32xf32, #tpu.memory_space<vmem>> -> memref<1x200x32xf32, #tpu.memory_space<vmem>>
        %dma_start3A_933 = tpu.memref_squeeze %dma_start3A_932 : memref<1x200x32xf32, #tpu.memory_space<vmem>> -> memref<200x32xf32, #tpu.memory_space<vmem>>
        %dma_start3A_934 = arith.constant 160 : i32
        %dma_start3A_935 = arith.constant 0 : i32
        %dma_start3A_936 = tpu.memref_slice %dma_start3A_933[%dma_start3A_934, %dma_start3A_935] : memref<200x32xf32, #tpu.memory_space<vmem>> -> memref<40x32xf32, #tpu.memory_space<vmem>>
        %dma_start3A_937 = arith.constant 0 : i32
        %dma_start3A_938 = tpu.memref_slice %arg9[%dma_start3A_928, %dma_start3A_937] : memref<4x256xi32, #tpu.memory_space<vmem>> -> memref<1x256xi32, #tpu.memory_space<vmem>>
        %dma_start3A_939 = tpu.memref_squeeze %dma_start3A_938 : memref<1x256xi32, #tpu.memory_space<vmem>> -> memref<256xi32, #tpu.memory_space<vmem>>
        %dma_start3A_940 = arith.constant 160 : i32
        %dma_start3A_941 = tpu.memref_slice %dma_start3A_939[%dma_start3A_940] : memref<256xi32, #tpu.memory_space<vmem>> -> memref<40xi32, #tpu.memory_space<vmem>>
        %dma_start3A_942 = arith.constant 0 : i32
        %dma_start3A_943 = arith.constant 0 : i32
        %dma_start3A_944 = tpu.memref_slice %arg3[%dma_start3A_942, %dma_start3A_943] : memref<100000x32xf32, #tpu.memory_space<hbm>> -> memref<100000x32xf32, #tpu.memory_space<hbm>>
        tpu.enqueue_indirect_dma source(%dma_start3A_944 : memref<100000x32xf32, #tpu.memory_space<hbm>>) target(%dma_start3A_936 : memref<40x32xf32, #tpu.memory_space<vmem>>) offsets(%dma_start3A_941 : memref<40xi32, #tpu.memory_space<vmem>>) semaphore(%arg18 : memref<!tpu.dma_semaphore, #tpu.memory_space<semaphore_mem>>)
        %dma_start3A_945 = arith.constant 2 : i32
        %dma_start3A_946 = arith.constant 2 : i32
        %dma_start3A_947 = arith.constant 0 : i32
        %dma_start3A_948 = arith.constant 0 : i32
        %dma_start3A_949 = tpu.memref_slice %arg13[%dma_start3A_946, %dma_start3A_947, %dma_start3A_948] : memref<4x200x32xf32, #tpu.memory_space<vmem>> -> memref<1x200x32xf32, #tpu.memory_space<vmem>>
        %dma_start3A_950 = tpu.memref_squeeze %dma_start3A_949 : memref<1x200x32xf32, #tpu.memory_space<vmem>> -> memref<200x32xf32, #tpu.memory_space<vmem>>
        %dma_start3A_951 = arith.constant 0 : i32
        %dma_start3A_952 = arith.constant 0 : i32
        %dma_start3A_953 = tpu.memref_slice %dma_start3A_950[%dma_start3A_951, %dma_start3A_952] : memref<200x32xf32, #tpu.memory_space<vmem>> -> memref<80x32xf32, #tpu.memory_space<vmem>>
        %dma_start3A_954 = arith.constant 0 : i32
        %dma_start3A_955 = tpu.memref_slice %arg9[%dma_start3A_945, %dma_start3A_954] : memref<4x256xi32, #tpu.memory_space<vmem>> -> memref<1x256xi32, #tpu.memory_space<vmem>>
        %dma_start3A_956 = tpu.memref_squeeze %dma_start3A_955 : memref<1x256xi32, #tpu.memory_space<vmem>> -> memref<256xi32, #tpu.memory_space<vmem>>
        %dma_start3A_957 = arith.constant 0 : i32
        %dma_start3A_958 = tpu.memref_slice %dma_start3A_956[%dma_start3A_957] : memref<256xi32, #tpu.memory_space<vmem>> -> memref<80xi32, #tpu.memory_space<vmem>>
        %dma_start3A_959 = arith.constant 0 : i32
        %dma_start3A_960 = arith.constant 0 : i32
        %dma_start3A_961 = tpu.memref_slice %arg3[%dma_start3A_959, %dma_start3A_960] : memref<100000x32xf32, #tpu.memory_space<hbm>> -> memref<100000x32xf32, #tpu.memory_space<hbm>>
        tpu.enqueue_indirect_dma source(%dma_start3A_961 : memref<100000x32xf32, #tpu.memory_space<hbm>>) target(%dma_start3A_953 : memref<80x32xf32, #tpu.memory_space<vmem>>) offsets(%dma_start3A_958 : memref<80xi32, #tpu.memory_space<vmem>>) semaphore(%arg18 : memref<!tpu.dma_semaphore, #tpu.memory_space<semaphore_mem>>)
        %dma_start3A_962 = arith.constant 2 : i32
        %dma_start3A_963 = arith.constant 2 : i32
        %dma_start3A_964 = arith.constant 0 : i32
        %dma_start3A_965 = arith.constant 0 : i32
        %dma_start3A_966 = tpu.memref_slice %arg13[%dma_start3A_963, %dma_start3A_964, %dma_start3A_965] : memref<4x200x32xf32, #tpu.memory_space<vmem>> -> memref<1x200x32xf32, #tpu.memory_space<vmem>>
        %dma_start3A_967 = tpu.memref_squeeze %dma_start3A_966 : memref<1x200x32xf32, #tpu.memory_space<vmem>> -> memref<200x32xf32, #tpu.memory_space<vmem>>
        %dma_start3A_968 = arith.constant 80 : i32
        %dma_start3A_969 = arith.constant 0 : i32
        %dma_start3A_970 = tpu.memref_slice %dma_start3A_967[%dma_start3A_968, %dma_start3A_969] : memref<200x32xf32, #tpu.memory_space<vmem>> -> memref<80x32xf32, #tpu.memory_space<vmem>>
        %dma_start3A_971 = arith.constant 0 : i32
        %dma_start3A_972 = tpu.memref_slice %arg9[%dma_start3A_962, %dma_start3A_971] : memref<4x256xi32, #tpu.memory_space<vmem>> -> memref<1x256xi32, #tpu.memory_space<vmem>>
        %dma_start3A_973 = tpu.memref_squeeze %dma_start3A_972 : memref<1x256xi32, #tpu.memory_space<vmem>> -> memref<256xi32, #tpu.memory_space<vmem>>
        %dma_start3A_974 = arith.constant 80 : i32
        %dma_start3A_975 = tpu.memref_slice %dma_start3A_973[%dma_start3A_974] : memref<256xi32, #tpu.memory_space<vmem>> -> memref<80xi32, #tpu.memory_space<vmem>>
        %dma_start3A_976 = arith.constant 0 : i32
        %dma_start3A_977 = arith.constant 0 : i32
        %dma_start3A_978 = tpu.memref_slice %arg3[%dma_start3A_976, %dma_start3A_977] : memref<100000x32xf32, #tpu.memory_space<hbm>> -> memref<100000x32xf32, #tpu.memory_space<hbm>>
        tpu.enqueue_indirect_dma source(%dma_start3A_978 : memref<100000x32xf32, #tpu.memory_space<hbm>>) target(%dma_start3A_970 : memref<80x32xf32, #tpu.memory_space<vmem>>) offsets(%dma_start3A_975 : memref<80xi32, #tpu.memory_space<vmem>>) semaphore(%arg18 : memref<!tpu.dma_semaphore, #tpu.memory_space<semaphore_mem>>)
        %dma_start3A_979 = arith.constant 2 : i32
        %dma_start3A_980 = arith.constant 2 : i32
        %dma_start3A_981 = arith.constant 0 : i32
        %dma_start3A_982 = arith.constant 0 : i32
        %dma_start3A_983 = tpu.memref_slice %arg13[%dma_start3A_980, %dma_start3A_981, %dma_start3A_982] : memref<4x200x32xf32, #tpu.memory_space<vmem>> -> memref<1x200x32xf32, #tpu.memory_space<vmem>>
        %dma_start3A_984 = tpu.memref_squeeze %dma_start3A_983 : memref<1x200x32xf32, #tpu.memory_space<vmem>> -> memref<200x32xf32, #tpu.memory_space<vmem>>
        %dma_start3A_985 = arith.constant 160 : i32
        %dma_start3A_986 = arith.constant 0 : i32
        %dma_start3A_987 = tpu.memref_slice %dma_start3A_984[%dma_start3A_985, %dma_start3A_986] : memref<200x32xf32, #tpu.memory_space<vmem>> -> memref<40x32xf32, #tpu.memory_space<vmem>>
        %dma_start3A_988 = arith.constant 0 : i32
        %dma_start3A_989 = tpu.memref_slice %arg9[%dma_start3A_979, %dma_start3A_988] : memref<4x256xi32, #tpu.memory_space<vmem>> -> memref<1x256xi32, #tpu.memory_space<vmem>>
        %dma_start3A_990 = tpu.memref_squeeze %dma_start3A_989 : memref<1x256xi32, #tpu.memory_space<vmem>> -> memref<256xi32, #tpu.memory_space<vmem>>
        %dma_start3A_991 = arith.constant 160 : i32
        %dma_start3A_992 = tpu.memref_slice %dma_start3A_990[%dma_start3A_991] : memref<256xi32, #tpu.memory_space<vmem>> -> memref<40xi32, #tpu.memory_space<vmem>>
        %dma_start3A_993 = arith.constant 0 : i32
        %dma_start3A_994 = arith.constant 0 : i32
        %dma_start3A_995 = tpu.memref_slice %arg3[%dma_start3A_993, %dma_start3A_994] : memref<100000x32xf32, #tpu.memory_space<hbm>> -> memref<100000x32xf32, #tpu.memory_space<hbm>>
        tpu.enqueue_indirect_dma source(%dma_start3A_995 : memref<100000x32xf32, #tpu.memory_space<hbm>>) target(%dma_start3A_987 : memref<40x32xf32, #tpu.memory_space<vmem>>) offsets(%dma_start3A_992 : memref<40xi32, #tpu.memory_space<vmem>>) semaphore(%arg18 : memref<!tpu.dma_semaphore, #tpu.memory_space<semaphore_mem>>)
        %dma_start3A_996 = arith.constant 3 : i32
        %dma_start3A_997 = arith.constant 3 : i32
        %dma_start3A_998 = arith.constant 0 : i32
        %dma_start3A_999 = arith.constant 0 : i32
        %dma_start3A_1000 = tpu.memref_slice %arg13[%dma_start3A_997, %dma_start3A_998, %dma_start3A_999] : memref<4x200x32xf32, #tpu.memory_space<vmem>> -> memref<1x200x32xf32, #tpu.memory_space<vmem>>
        %dma_start3A_1001 = tpu.memref_squeeze %dma_start3A_1000 : memref<1x200x32xf32, #tpu.memory_space<vmem>> -> memref<200x32xf32, #tpu.memory_space<vmem>>
        %dma_start3A_1002 = arith.constant 0 : i32
        %dma_start3A_1003 = arith.constant 0 : i32
        %dma_start3A_1004 = tpu.memref_slice %dma_start3A_1001[%dma_start3A_1002, %dma_start3A_1003] : memref<200x32xf32, #tpu.memory_space<vmem>> -> memref<80x32xf32, #tpu.memory_space<vmem>>
        %dma_start3A_1005 = arith.constant 0 : i32
        %dma_start3A_1006 = tpu.memref_slice %arg9[%dma_start3A_996, %dma_start3A_1005] : memref<4x256xi32, #tpu.memory_space<vmem>> -> memref<1x256xi32, #tpu.memory_space<vmem>>
        %dma_start3A_1007 = tpu.memref_squeeze %dma_start3A_1006 : memref<1x256xi32, #tpu.memory_space<vmem>> -> memref<256xi32, #tpu.memory_space<vmem>>
        %dma_start3A_1008 = arith.constant 0 : i32
        %dma_start3A_1009 = tpu.memref_slice %dma_start3A_1007[%dma_start3A_1008] : memref<256xi32, #tpu.memory_space<vmem>> -> memref<80xi32, #tpu.memory_space<vmem>>
        %dma_start3A_1010 = arith.constant 0 : i32
        %dma_start3A_1011 = arith.constant 0 : i32
        %dma_start3A_1012 = tpu.memref_slice %arg3[%dma_start3A_1010, %dma_start3A_1011] : memref<100000x32xf32, #tpu.memory_space<hbm>> -> memref<100000x32xf32, #tpu.memory_space<hbm>>
        tpu.enqueue_indirect_dma source(%dma_start3A_1012 : memref<100000x32xf32, #tpu.memory_space<hbm>>) target(%dma_start3A_1004 : memref<80x32xf32, #tpu.memory_space<vmem>>) offsets(%dma_start3A_1009 : memref<80xi32, #tpu.memory_space<vmem>>) semaphore(%arg18 : memref<!tpu.dma_semaphore, #tpu.memory_space<semaphore_mem>>)
        %dma_start3A_1013 = arith.constant 3 : i32
        %dma_start3A_1014 = arith.constant 3 : i32
        %dma_start3A_1015 = arith.constant 0 : i32
        %dma_start3A_1016 = arith.constant 0 : i32
        %dma_start3A_1017 = tpu.memref_slice %arg13[%dma_start3A_1014, %dma_start3A_1015, %dma_start3A_1016] : memref<4x200x32xf32, #tpu.memory_space<vmem>> -> memref<1x200x32xf32, #tpu.memory_space<vmem>>
        %dma_start3A_1018 = tpu.memref_squeeze %dma_start3A_1017 : memref<1x200x32xf32, #tpu.memory_space<vmem>> -> memref<200x32xf32, #tpu.memory_space<vmem>>
        %dma_start3A_1019 = arith.constant 80 : i32
        %dma_start3A_1020 = arith.constant 0 : i32
        %dma_start3A_1021 = tpu.memref_slice %dma_start3A_1018[%dma_start3A_1019, %dma_start3A_1020] : memref<200x32xf32, #tpu.memory_space<vmem>> -> memref<80x32xf32, #tpu.memory_space<vmem>>
        %dma_start3A_1022 = arith.constant 0 : i32
        %dma_start3A_1023 = tpu.memref_slice %arg9[%dma_start3A_1013, %dma_start3A_1022] : memref<4x256xi32, #tpu.memory_space<vmem>> -> memref<1x256xi32, #tpu.memory_space<vmem>>
        %dma_start3A_1024 = tpu.memref_squeeze %dma_start3A_1023 : memref<1x256xi32, #tpu.memory_space<vmem>> -> memref<256xi32, #tpu.memory_space<vmem>>
        %dma_start3A_1025 = arith.constant 80 : i32
        %dma_start3A_1026 = tpu.memref_slice %dma_start3A_1024[%dma_start3A_1025] : memref<256xi32, #tpu.memory_space<vmem>> -> memref<80xi32, #tpu.memory_space<vmem>>
        %dma_start3A_1027 = arith.constant 0 : i32
        %dma_start3A_1028 = arith.constant 0 : i32
        %dma_start3A_1029 = tpu.memref_slice %arg3[%dma_start3A_1027, %dma_start3A_1028] : memref<100000x32xf32, #tpu.memory_space<hbm>> -> memref<100000x32xf32, #tpu.memory_space<hbm>>
        tpu.enqueue_indirect_dma source(%dma_start3A_1029 : memref<100000x32xf32, #tpu.memory_space<hbm>>) target(%dma_start3A_1021 : memref<80x32xf32, #tpu.memory_space<vmem>>) offsets(%dma_start3A_1026 : memref<80xi32, #tpu.memory_space<vmem>>) semaphore(%arg18 : memref<!tpu.dma_semaphore, #tpu.memory_space<semaphore_mem>>)
        %dma_start3A_1030 = arith.constant 3 : i32
        %dma_start3A_1031 = arith.constant 3 : i32
        %dma_start3A_1032 = arith.constant 0 : i32
        %dma_start3A_1033 = arith.constant 0 : i32
        %dma_start3A_1034 = tpu.memref_slice %arg13[%dma_start3A_1031, %dma_start3A_1032, %dma_start3A_1033] : memref<4x200x32xf32, #tpu.memory_space<vmem>> -> memref<1x200x32xf32, #tpu.memory_space<vmem>>
        %dma_start3A_1035 = tpu.memref_squeeze %dma_start3A_1034 : memref<1x200x32xf32, #tpu.memory_space<vmem>> -> memref<200x32xf32, #tpu.memory_space<vmem>>
        %dma_start3A_1036 = arith.constant 160 : i32
        %dma_start3A_1037 = arith.constant 0 : i32
        %dma_start3A_1038 = tpu.memref_slice %dma_start3A_1035[%dma_start3A_1036, %dma_start3A_1037] : memref<200x32xf32, #tpu.memory_space<vmem>> -> memref<40x32xf32, #tpu.memory_space<vmem>>
        %dma_start3A_1039 = arith.constant 0 : i32
        %dma_start3A_1040 = tpu.memref_slice %arg9[%dma_start3A_1030, %dma_start3A_1039] : memref<4x256xi32, #tpu.memory_space<vmem>> -> memref<1x256xi32, #tpu.memory_space<vmem>>
        %dma_start3A_1041 = tpu.memref_squeeze %dma_start3A_1040 : memref<1x256xi32, #tpu.memory_space<vmem>> -> memref<256xi32, #tpu.memory_space<vmem>>
        %dma_start3A_1042 = arith.constant 160 : i32
        %dma_start3A_1043 = tpu.memref_slice %dma_start3A_1041[%dma_start3A_1042] : memref<256xi32, #tpu.memory_space<vmem>> -> memref<40xi32, #tpu.memory_space<vmem>>
        %dma_start3A_1044 = arith.constant 0 : i32
        %dma_start3A_1045 = arith.constant 0 : i32
        %dma_start3A_1046 = tpu.memref_slice %arg3[%dma_start3A_1044, %dma_start3A_1045] : memref<100000x32xf32, #tpu.memory_space<hbm>> -> memref<100000x32xf32, #tpu.memory_space<hbm>>
        tpu.enqueue_indirect_dma source(%dma_start3A_1046 : memref<100000x32xf32, #tpu.memory_space<hbm>>) target(%dma_start3A_1038 : memref<40x32xf32, #tpu.memory_space<vmem>>) offsets(%dma_start3A_1043 : memref<40xi32, #tpu.memory_space<vmem>>) semaphore(%arg18 : memref<!tpu.dma_semaphore, #tpu.memory_space<semaphore_mem>>)
      } else {
      }
      %lt3A_666 = arith.constant 32 : i32
      %lt3A_667 = arith.cmpi slt, %add3A_662, %lt3A_666 : i32
      %lt3A_668 = arith.constant 1 : i32
      %lt3A_669 = arith.cmpi slt, %add3A_660, %lt3A_668 : i32
      %and3A_670 = arith.andi %lt3A_667, %lt3A_669 : i1
      %convert_element_type3A_671 = arith.extui %and3A_670 : i1 to i32
      %cond3A_672 = arith.constant 0 : i32
      %cond3A_673 = arith.cmpi ne, %convert_element_type3A_671, %cond3A_672 : i32
      scf.if %cond3A_673 {
        %mul3A_832 = arith.constant 4 : i32
        %mul3A_833 = arith.muli %add3A_662, %mul3A_832 : i32
        %add3A_834 = arith.addi %mul3A_2, %mul3A_833 : i32
        "tpu.region"() ({
          %run_scoped3A = tpu.sem_alloc : memref<!tpu.dma_semaphore, #tpu.memory_space<semaphore_mem>>
          %dma_start3A_1039 = arith.constant 0 : i32
          %dma_start3A_1040 = tpu.memref_slice %arg2[%add3A_834, %dma_start3A_1039] : memref<4096x256xi32, #tpu.memory_space<hbm>> -> memref<4x256xi32, #tpu.memory_space<hbm>>
          %dma_start3A_1041 = arith.constant 0 : i32
          %dma_start3A_1042 = tpu.memref_slice %arg2[%add3A_834, %dma_start3A_1041] : memref<4096x256xi32, #tpu.memory_space<hbm>> -> memref<4x256xi32, #tpu.memory_space<hbm>>
          tpu.enqueue_dma source(%dma_start3A_1042 : memref<4x256xi32, #tpu.memory_space<hbm>>) target(%arg9 : memref<4x256xi32, #tpu.memory_space<vmem>>) target_semaphore(%run_scoped3A : memref<!tpu.dma_semaphore, #tpu.memory_space<semaphore_mem>>)
          %dma_wait3A_1043 = arith.constant 0 : i32
          %dma_wait3A_1044 = tpu.memref_slice %arg2[%add3A_834, %dma_wait3A_1043] : memref<4096x256xi32, #tpu.memory_space<hbm>> -> memref<4x256xi32, #tpu.memory_space<hbm>>
          %dma_wait3A_1045 = arith.constant 0 : i32
          %dma_wait3A_1046 = tpu.memref_slice %arg2[%add3A_834, %dma_wait3A_1045] : memref<4096x256xi32, #tpu.memory_space<hbm>> -> memref<4x256xi32, #tpu.memory_space<hbm>>
          tpu.wait_dma2 semaphore(%run_scoped3A : memref<!tpu.dma_semaphore, #tpu.memory_space<semaphore_mem>>) src(%dma_wait3A_1046 : memref<4x256xi32, #tpu.memory_space<hbm>>) dst(%arg9 : memref<4x256xi32, #tpu.memory_space<vmem>>)
          tpu.yield
        }) : () -> ()
        %dma_start3A_835 = arith.constant 0 : i32
        %dma_start3A_836 = arith.constant 0 : i32
        %dma_start3A_837 = arith.constant 0 : i32
        %dma_start3A_838 = arith.constant 0 : i32
        %dma_start3A_839 = tpu.memref_slice %arg13[%dma_start3A_836, %dma_start3A_837, %dma_start3A_838] : memref<4x200x32xf32, #tpu.memory_space<vmem>> -> memref<1x200x32xf32, #tpu.memory_space<vmem>>
        %dma_start3A_840 = tpu.memref_squeeze %dma_start3A_839 : memref<1x200x32xf32, #tpu.memory_space<vmem>> -> memref<200x32xf32, #tpu.memory_space<vmem>>
        %dma_start3A_841 = arith.constant 0 : i32
        %dma_start3A_842 = arith.constant 0 : i32
        %dma_start3A_843 = tpu.memref_slice %dma_start3A_840[%dma_start3A_841, %dma_start3A_842] : memref<200x32xf32, #tpu.memory_space<vmem>> -> memref<80x32xf32, #tpu.memory_space<vmem>>
        %dma_start3A_844 = arith.constant 0 : i32
        %dma_start3A_845 = tpu.memref_slice %arg9[%dma_start3A_835, %dma_start3A_844] : memref<4x256xi32, #tpu.memory_space<vmem>> -> memref<1x256xi32, #tpu.memory_space<vmem>>
        %dma_start3A_846 = tpu.memref_squeeze %dma_start3A_845 : memref<1x256xi32, #tpu.memory_space<vmem>> -> memref<256xi32, #tpu.memory_space<vmem>>
        %dma_start3A_847 = arith.constant 0 : i32
        %dma_start3A_848 = tpu.memref_slice %dma_start3A_846[%dma_start3A_847] : memref<256xi32, #tpu.memory_space<vmem>> -> memref<80xi32, #tpu.memory_space<vmem>>
        %dma_start3A_849 = arith.constant 0 : i32
        %dma_start3A_850 = arith.constant 0 : i32
        %dma_start3A_851 = tpu.memref_slice %arg3[%dma_start3A_849, %dma_start3A_850] : memref<100000x32xf32, #tpu.memory_space<hbm>> -> memref<100000x32xf32, #tpu.memory_space<hbm>>
        tpu.enqueue_indirect_dma source(%dma_start3A_851 : memref<100000x32xf32, #tpu.memory_space<hbm>>) target(%dma_start3A_843 : memref<80x32xf32, #tpu.memory_space<vmem>>) offsets(%dma_start3A_848 : memref<80xi32, #tpu.memory_space<vmem>>) semaphore(%arg18 : memref<!tpu.dma_semaphore, #tpu.memory_space<semaphore_mem>>)
        %dma_start3A_852 = arith.constant 0 : i32
        %dma_start3A_853 = arith.constant 0 : i32
        %dma_start3A_854 = arith.constant 0 : i32
        %dma_start3A_855 = arith.constant 0 : i32
        %dma_start3A_856 = tpu.memref_slice %arg13[%dma_start3A_853, %dma_start3A_854, %dma_start3A_855] : memref<4x200x32xf32, #tpu.memory_space<vmem>> -> memref<1x200x32xf32, #tpu.memory_space<vmem>>
        %dma_start3A_857 = tpu.memref_squeeze %dma_start3A_856 : memref<1x200x32xf32, #tpu.memory_space<vmem>> -> memref<200x32xf32, #tpu.memory_space<vmem>>
        %dma_start3A_858 = arith.constant 80 : i32
        %dma_start3A_859 = arith.constant 0 : i32
        %dma_start3A_860 = tpu.memref_slice %dma_start3A_857[%dma_start3A_858, %dma_start3A_859] : memref<200x32xf32, #tpu.memory_space<vmem>> -> memref<80x32xf32, #tpu.memory_space<vmem>>
        %dma_start3A_861 = arith.constant 0 : i32
        %dma_start3A_862 = tpu.memref_slice %arg9[%dma_start3A_852, %dma_start3A_861] : memref<4x256xi32, #tpu.memory_space<vmem>> -> memref<1x256xi32, #tpu.memory_space<vmem>>
        %dma_start3A_863 = tpu.memref_squeeze %dma_start3A_862 : memref<1x256xi32, #tpu.memory_space<vmem>> -> memref<256xi32, #tpu.memory_space<vmem>>
        %dma_start3A_864 = arith.constant 80 : i32
        %dma_start3A_865 = tpu.memref_slice %dma_start3A_863[%dma_start3A_864] : memref<256xi32, #tpu.memory_space<vmem>> -> memref<80xi32, #tpu.memory_space<vmem>>
        %dma_start3A_866 = arith.constant 0 : i32
        %dma_start3A_867 = arith.constant 0 : i32
        %dma_start3A_868 = tpu.memref_slice %arg3[%dma_start3A_866, %dma_start3A_867] : memref<100000x32xf32, #tpu.memory_space<hbm>> -> memref<100000x32xf32, #tpu.memory_space<hbm>>
        tpu.enqueue_indirect_dma source(%dma_start3A_868 : memref<100000x32xf32, #tpu.memory_space<hbm>>) target(%dma_start3A_860 : memref<80x32xf32, #tpu.memory_space<vmem>>) offsets(%dma_start3A_865 : memref<80xi32, #tpu.memory_space<vmem>>) semaphore(%arg18 : memref<!tpu.dma_semaphore, #tpu.memory_space<semaphore_mem>>)
        %dma_start3A_869 = arith.constant 0 : i32
        %dma_start3A_870 = arith.constant 0 : i32
        %dma_start3A_871 = arith.constant 0 : i32
        %dma_start3A_872 = arith.constant 0 : i32
        %dma_start3A_873 = tpu.memref_slice %arg13[%dma_start3A_870, %dma_start3A_871, %dma_start3A_872] : memref<4x200x32xf32, #tpu.memory_space<vmem>> -> memref<1x200x32xf32, #tpu.memory_space<vmem>>
        %dma_start3A_874 = tpu.memref_squeeze %dma_start3A_873 : memref<1x200x32xf32, #tpu.memory_space<vmem>> -> memref<200x32xf32, #tpu.memory_space<vmem>>
        %dma_start3A_875 = arith.constant 160 : i32
        %dma_start3A_876 = arith.constant 0 : i32
        %dma_start3A_877 = tpu.memref_slice %dma_start3A_874[%dma_start3A_875, %dma_start3A_876] : memref<200x32xf32, #tpu.memory_space<vmem>> -> memref<40x32xf32, #tpu.memory_space<vmem>>
        %dma_start3A_878 = arith.constant 0 : i32
        %dma_start3A_879 = tpu.memref_slice %arg9[%dma_start3A_869, %dma_start3A_878] : memref<4x256xi32, #tpu.memory_space<vmem>> -> memref<1x256xi32, #tpu.memory_space<vmem>>
        %dma_start3A_880 = tpu.memref_squeeze %dma_start3A_879 : memref<1x256xi32, #tpu.memory_space<vmem>> -> memref<256xi32, #tpu.memory_space<vmem>>
        %dma_start3A_881 = arith.constant 160 : i32
        %dma_start3A_882 = tpu.memref_slice %dma_start3A_880[%dma_start3A_881] : memref<256xi32, #tpu.memory_space<vmem>> -> memref<40xi32, #tpu.memory_space<vmem>>
        %dma_start3A_883 = arith.constant 0 : i32
        %dma_start3A_884 = arith.constant 0 : i32
        %dma_start3A_885 = tpu.memref_slice %arg3[%dma_start3A_883, %dma_start3A_884] : memref<100000x32xf32, #tpu.memory_space<hbm>> -> memref<100000x32xf32, #tpu.memory_space<hbm>>
        tpu.enqueue_indirect_dma source(%dma_start3A_885 : memref<100000x32xf32, #tpu.memory_space<hbm>>) target(%dma_start3A_877 : memref<40x32xf32, #tpu.memory_space<vmem>>) offsets(%dma_start3A_882 : memref<40xi32, #tpu.memory_space<vmem>>) semaphore(%arg18 : memref<!tpu.dma_semaphore, #tpu.memory_space<semaphore_mem>>)
        %dma_start3A_886 = arith.constant 1 : i32
        %dma_start3A_887 = arith.constant 1 : i32
        %dma_start3A_888 = arith.constant 0 : i32
        %dma_start3A_889 = arith.constant 0 : i32
        %dma_start3A_890 = tpu.memref_slice %arg13[%dma_start3A_887, %dma_start3A_888, %dma_start3A_889] : memref<4x200x32xf32, #tpu.memory_space<vmem>> -> memref<1x200x32xf32, #tpu.memory_space<vmem>>
        %dma_start3A_891 = tpu.memref_squeeze %dma_start3A_890 : memref<1x200x32xf32, #tpu.memory_space<vmem>> -> memref<200x32xf32, #tpu.memory_space<vmem>>
        %dma_start3A_892 = arith.constant 0 : i32
        %dma_start3A_893 = arith.constant 0 : i32
        %dma_start3A_894 = tpu.memref_slice %dma_start3A_891[%dma_start3A_892, %dma_start3A_893] : memref<200x32xf32, #tpu.memory_space<vmem>> -> memref<80x32xf32, #tpu.memory_space<vmem>>
        %dma_start3A_895 = arith.constant 0 : i32
        %dma_start3A_896 = tpu.memref_slice %arg9[%dma_start3A_886, %dma_start3A_895] : memref<4x256xi32, #tpu.memory_space<vmem>> -> memref<1x256xi32, #tpu.memory_space<vmem>>
        %dma_start3A_897 = tpu.memref_squeeze %dma_start3A_896 : memref<1x256xi32, #tpu.memory_space<vmem>> -> memref<256xi32, #tpu.memory_space<vmem>>
        %dma_start3A_898 = arith.constant 0 : i32
        %dma_start3A_899 = tpu.memref_slice %dma_start3A_897[%dma_start3A_898] : memref<256xi32, #tpu.memory_space<vmem>> -> memref<80xi32, #tpu.memory_space<vmem>>
        %dma_start3A_900 = arith.constant 0 : i32
        %dma_start3A_901 = arith.constant 0 : i32
        %dma_start3A_902 = tpu.memref_slice %arg3[%dma_start3A_900, %dma_start3A_901] : memref<100000x32xf32, #tpu.memory_space<hbm>> -> memref<100000x32xf32, #tpu.memory_space<hbm>>
        tpu.enqueue_indirect_dma source(%dma_start3A_902 : memref<100000x32xf32, #tpu.memory_space<hbm>>) target(%dma_start3A_894 : memref<80x32xf32, #tpu.memory_space<vmem>>) offsets(%dma_start3A_899 : memref<80xi32, #tpu.memory_space<vmem>>) semaphore(%arg18 : memref<!tpu.dma_semaphore, #tpu.memory_space<semaphore_mem>>)
        %dma_start3A_903 = arith.constant 1 : i32
        %dma_start3A_904 = arith.constant 1 : i32
        %dma_start3A_905 = arith.constant 0 : i32
        %dma_start3A_906 = arith.constant 0 : i32
        %dma_start3A_907 = tpu.memref_slice %arg13[%dma_start3A_904, %dma_start3A_905, %dma_start3A_906] : memref<4x200x32xf32, #tpu.memory_space<vmem>> -> memref<1x200x32xf32, #tpu.memory_space<vmem>>
        %dma_start3A_908 = tpu.memref_squeeze %dma_start3A_907 : memref<1x200x32xf32, #tpu.memory_space<vmem>> -> memref<200x32xf32, #tpu.memory_space<vmem>>
        %dma_start3A_909 = arith.constant 80 : i32
        %dma_start3A_910 = arith.constant 0 : i32
        %dma_start3A_911 = tpu.memref_slice %dma_start3A_908[%dma_start3A_909, %dma_start3A_910] : memref<200x32xf32, #tpu.memory_space<vmem>> -> memref<80x32xf32, #tpu.memory_space<vmem>>
        %dma_start3A_912 = arith.constant 0 : i32
        %dma_start3A_913 = tpu.memref_slice %arg9[%dma_start3A_903, %dma_start3A_912] : memref<4x256xi32, #tpu.memory_space<vmem>> -> memref<1x256xi32, #tpu.memory_space<vmem>>
        %dma_start3A_914 = tpu.memref_squeeze %dma_start3A_913 : memref<1x256xi32, #tpu.memory_space<vmem>> -> memref<256xi32, #tpu.memory_space<vmem>>
        %dma_start3A_915 = arith.constant 80 : i32
        %dma_start3A_916 = tpu.memref_slice %dma_start3A_914[%dma_start3A_915] : memref<256xi32, #tpu.memory_space<vmem>> -> memref<80xi32, #tpu.memory_space<vmem>>
        %dma_start3A_917 = arith.constant 0 : i32
        %dma_start3A_918 = arith.constant 0 : i32
        %dma_start3A_919 = tpu.memref_slice %arg3[%dma_start3A_917, %dma_start3A_918] : memref<100000x32xf32, #tpu.memory_space<hbm>> -> memref<100000x32xf32, #tpu.memory_space<hbm>>
        tpu.enqueue_indirect_dma source(%dma_start3A_919 : memref<100000x32xf32, #tpu.memory_space<hbm>>) target(%dma_start3A_911 : memref<80x32xf32, #tpu.memory_space<vmem>>) offsets(%dma_start3A_916 : memref<80xi32, #tpu.memory_space<vmem>>) semaphore(%arg18 : memref<!tpu.dma_semaphore, #tpu.memory_space<semaphore_mem>>)
        %dma_start3A_920 = arith.constant 1 : i32
        %dma_start3A_921 = arith.constant 1 : i32
        %dma_start3A_922 = arith.constant 0 : i32
        %dma_start3A_923 = arith.constant 0 : i32
        %dma_start3A_924 = tpu.memref_slice %arg13[%dma_start3A_921, %dma_start3A_922, %dma_start3A_923] : memref<4x200x32xf32, #tpu.memory_space<vmem>> -> memref<1x200x32xf32, #tpu.memory_space<vmem>>
        %dma_start3A_925 = tpu.memref_squeeze %dma_start3A_924 : memref<1x200x32xf32, #tpu.memory_space<vmem>> -> memref<200x32xf32, #tpu.memory_space<vmem>>
        %dma_start3A_926 = arith.constant 160 : i32
        %dma_start3A_927 = arith.constant 0 : i32
        %dma_start3A_928 = tpu.memref_slice %dma_start3A_925[%dma_start3A_926, %dma_start3A_927] : memref<200x32xf32, #tpu.memory_space<vmem>> -> memref<40x32xf32, #tpu.memory_space<vmem>>
        %dma_start3A_929 = arith.constant 0 : i32
        %dma_start3A_930 = tpu.memref_slice %arg9[%dma_start3A_920, %dma_start3A_929] : memref<4x256xi32, #tpu.memory_space<vmem>> -> memref<1x256xi32, #tpu.memory_space<vmem>>
        %dma_start3A_931 = tpu.memref_squeeze %dma_start3A_930 : memref<1x256xi32, #tpu.memory_space<vmem>> -> memref<256xi32, #tpu.memory_space<vmem>>
        %dma_start3A_932 = arith.constant 160 : i32
        %dma_start3A_933 = tpu.memref_slice %dma_start3A_931[%dma_start3A_932] : memref<256xi32, #tpu.memory_space<vmem>> -> memref<40xi32, #tpu.memory_space<vmem>>
        %dma_start3A_934 = arith.constant 0 : i32
        %dma_start3A_935 = arith.constant 0 : i32
        %dma_start3A_936 = tpu.memref_slice %arg3[%dma_start3A_934, %dma_start3A_935] : memref<100000x32xf32, #tpu.memory_space<hbm>> -> memref<100000x32xf32, #tpu.memory_space<hbm>>
        tpu.enqueue_indirect_dma source(%dma_start3A_936 : memref<100000x32xf32, #tpu.memory_space<hbm>>) target(%dma_start3A_928 : memref<40x32xf32, #tpu.memory_space<vmem>>) offsets(%dma_start3A_933 : memref<40xi32, #tpu.memory_space<vmem>>) semaphore(%arg18 : memref<!tpu.dma_semaphore, #tpu.memory_space<semaphore_mem>>)
        %dma_start3A_937 = arith.constant 2 : i32
        %dma_start3A_938 = arith.constant 2 : i32
        %dma_start3A_939 = arith.constant 0 : i32
        %dma_start3A_940 = arith.constant 0 : i32
        %dma_start3A_941 = tpu.memref_slice %arg13[%dma_start3A_938, %dma_start3A_939, %dma_start3A_940] : memref<4x200x32xf32, #tpu.memory_space<vmem>> -> memref<1x200x32xf32, #tpu.memory_space<vmem>>
        %dma_start3A_942 = tpu.memref_squeeze %dma_start3A_941 : memref<1x200x32xf32, #tpu.memory_space<vmem>> -> memref<200x32xf32, #tpu.memory_space<vmem>>
        %dma_start3A_943 = arith.constant 0 : i32
        %dma_start3A_944 = arith.constant 0 : i32
        %dma_start3A_945 = tpu.memref_slice %dma_start3A_942[%dma_start3A_943, %dma_start3A_944] : memref<200x32xf32, #tpu.memory_space<vmem>> -> memref<80x32xf32, #tpu.memory_space<vmem>>
        %dma_start3A_946 = arith.constant 0 : i32
        %dma_start3A_947 = tpu.memref_slice %arg9[%dma_start3A_937, %dma_start3A_946] : memref<4x256xi32, #tpu.memory_space<vmem>> -> memref<1x256xi32, #tpu.memory_space<vmem>>
        %dma_start3A_948 = tpu.memref_squeeze %dma_start3A_947 : memref<1x256xi32, #tpu.memory_space<vmem>> -> memref<256xi32, #tpu.memory_space<vmem>>
        %dma_start3A_949 = arith.constant 0 : i32
        %dma_start3A_950 = tpu.memref_slice %dma_start3A_948[%dma_start3A_949] : memref<256xi32, #tpu.memory_space<vmem>> -> memref<80xi32, #tpu.memory_space<vmem>>
        %dma_start3A_951 = arith.constant 0 : i32
        %dma_start3A_952 = arith.constant 0 : i32
        %dma_start3A_953 = tpu.memref_slice %arg3[%dma_start3A_951, %dma_start3A_952] : memref<100000x32xf32, #tpu.memory_space<hbm>> -> memref<100000x32xf32, #tpu.memory_space<hbm>>
        tpu.enqueue_indirect_dma source(%dma_start3A_953 : memref<100000x32xf32, #tpu.memory_space<hbm>>) target(%dma_start3A_945 : memref<80x32xf32, #tpu.memory_space<vmem>>) offsets(%dma_start3A_950 : memref<80xi32, #tpu.memory_space<vmem>>) semaphore(%arg18 : memref<!tpu.dma_semaphore, #tpu.memory_space<semaphore_mem>>)
        %dma_start3A_954 = arith.constant 2 : i32
        %dma_start3A_955 = arith.constant 2 : i32
        %dma_start3A_956 = arith.constant 0 : i32
        %dma_start3A_957 = arith.constant 0 : i32
        %dma_start3A_958 = tpu.memref_slice %arg13[%dma_start3A_955, %dma_start3A_956, %dma_start3A_957] : memref<4x200x32xf32, #tpu.memory_space<vmem>> -> memref<1x200x32xf32, #tpu.memory_space<vmem>>
        %dma_start3A_959 = tpu.memref_squeeze %dma_start3A_958 : memref<1x200x32xf32, #tpu.memory_space<vmem>> -> memref<200x32xf32, #tpu.memory_space<vmem>>
        %dma_start3A_960 = arith.constant 80 : i32
        %dma_start3A_961 = arith.constant 0 : i32
        %dma_start3A_962 = tpu.memref_slice %dma_start3A_959[%dma_start3A_960, %dma_start3A_961] : memref<200x32xf32, #tpu.memory_space<vmem>> -> memref<80x32xf32, #tpu.memory_space<vmem>>
        %dma_start3A_963 = arith.constant 0 : i32
        %dma_start3A_964 = tpu.memref_slice %arg9[%dma_start3A_954, %dma_start3A_963] : memref<4x256xi32, #tpu.memory_space<vmem>> -> memref<1x256xi32, #tpu.memory_space<vmem>>
        %dma_start3A_965 = tpu.memref_squeeze %dma_start3A_964 : memref<1x256xi32, #tpu.memory_space<vmem>> -> memref<256xi32, #tpu.memory_space<vmem>>
        %dma_start3A_966 = arith.constant 80 : i32
        %dma_start3A_967 = tpu.memref_slice %dma_start3A_965[%dma_start3A_966] : memref<256xi32, #tpu.memory_space<vmem>> -> memref<80xi32, #tpu.memory_space<vmem>>
        %dma_start3A_968 = arith.constant 0 : i32
        %dma_start3A_969 = arith.constant 0 : i32
        %dma_start3A_970 = tpu.memref_slice %arg3[%dma_start3A_968, %dma_start3A_969] : memref<100000x32xf32, #tpu.memory_space<hbm>> -> memref<100000x32xf32, #tpu.memory_space<hbm>>
        tpu.enqueue_indirect_dma source(%dma_start3A_970 : memref<100000x32xf32, #tpu.memory_space<hbm>>) target(%dma_start3A_962 : memref<80x32xf32, #tpu.memory_space<vmem>>) offsets(%dma_start3A_967 : memref<80xi32, #tpu.memory_space<vmem>>) semaphore(%arg18 : memref<!tpu.dma_semaphore, #tpu.memory_space<semaphore_mem>>)
        %dma_start3A_971 = arith.constant 2 : i32
        %dma_start3A_972 = arith.constant 2 : i32
        %dma_start3A_973 = arith.constant 0 : i32
        %dma_start3A_974 = arith.constant 0 : i32
        %dma_start3A_975 = tpu.memref_slice %arg13[%dma_start3A_972, %dma_start3A_973, %dma_start3A_974] : memref<4x200x32xf32, #tpu.memory_space<vmem>> -> memref<1x200x32xf32, #tpu.memory_space<vmem>>
        %dma_start3A_976 = tpu.memref_squeeze %dma_start3A_975 : memref<1x200x32xf32, #tpu.memory_space<vmem>> -> memref<200x32xf32, #tpu.memory_space<vmem>>
        %dma_start3A_977 = arith.constant 160 : i32
        %dma_start3A_978 = arith.constant 0 : i32
        %dma_start3A_979 = tpu.memref_slice %dma_start3A_976[%dma_start3A_977, %dma_start3A_978] : memref<200x32xf32, #tpu.memory_space<vmem>> -> memref<40x32xf32, #tpu.memory_space<vmem>>
        %dma_start3A_980 = arith.constant 0 : i32
        %dma_start3A_981 = tpu.memref_slice %arg9[%dma_start3A_971, %dma_start3A_980] : memref<4x256xi32, #tpu.memory_space<vmem>> -> memref<1x256xi32, #tpu.memory_space<vmem>>
        %dma_start3A_982 = tpu.memref_squeeze %dma_start3A_981 : memref<1x256xi32, #tpu.memory_space<vmem>> -> memref<256xi32, #tpu.memory_space<vmem>>
        %dma_start3A_983 = arith.constant 160 : i32
        %dma_start3A_984 = tpu.memref_slice %dma_start3A_982[%dma_start3A_983] : memref<256xi32, #tpu.memory_space<vmem>> -> memref<40xi32, #tpu.memory_space<vmem>>
        %dma_start3A_985 = arith.constant 0 : i32
        %dma_start3A_986 = arith.constant 0 : i32
        %dma_start3A_987 = tpu.memref_slice %arg3[%dma_start3A_985, %dma_start3A_986] : memref<100000x32xf32, #tpu.memory_space<hbm>> -> memref<100000x32xf32, #tpu.memory_space<hbm>>
        tpu.enqueue_indirect_dma source(%dma_start3A_987 : memref<100000x32xf32, #tpu.memory_space<hbm>>) target(%dma_start3A_979 : memref<40x32xf32, #tpu.memory_space<vmem>>) offsets(%dma_start3A_984 : memref<40xi32, #tpu.memory_space<vmem>>) semaphore(%arg18 : memref<!tpu.dma_semaphore, #tpu.memory_space<semaphore_mem>>)
        %dma_start3A_988 = arith.constant 3 : i32
        %dma_start3A_989 = arith.constant 3 : i32
        %dma_start3A_990 = arith.constant 0 : i32
        %dma_start3A_991 = arith.constant 0 : i32
        %dma_start3A_992 = tpu.memref_slice %arg13[%dma_start3A_989, %dma_start3A_990, %dma_start3A_991] : memref<4x200x32xf32, #tpu.memory_space<vmem>> -> memref<1x200x32xf32, #tpu.memory_space<vmem>>
        %dma_start3A_993 = tpu.memref_squeeze %dma_start3A_992 : memref<1x200x32xf32, #tpu.memory_space<vmem>> -> memref<200x32xf32, #tpu.memory_space<vmem>>
        %dma_start3A_994 = arith.constant 0 : i32
        %dma_start3A_995 = arith.constant 0 : i32
        %dma_start3A_996 = tpu.memref_slice %dma_start3A_993[%dma_start3A_994, %dma_start3A_995] : memref<200x32xf32, #tpu.memory_space<vmem>> -> memref<80x32xf32, #tpu.memory_space<vmem>>
        %dma_start3A_997 = arith.constant 0 : i32
        %dma_start3A_998 = tpu.memref_slice %arg9[%dma_start3A_988, %dma_start3A_997] : memref<4x256xi32, #tpu.memory_space<vmem>> -> memref<1x256xi32, #tpu.memory_space<vmem>>
        %dma_start3A_999 = tpu.memref_squeeze %dma_start3A_998 : memref<1x256xi32, #tpu.memory_space<vmem>> -> memref<256xi32, #tpu.memory_space<vmem>>
        %dma_start3A_1000 = arith.constant 0 : i32
        %dma_start3A_1001 = tpu.memref_slice %dma_start3A_999[%dma_start3A_1000] : memref<256xi32, #tpu.memory_space<vmem>> -> memref<80xi32, #tpu.memory_space<vmem>>
        %dma_start3A_1002 = arith.constant 0 : i32
        %dma_start3A_1003 = arith.constant 0 : i32
        %dma_start3A_1004 = tpu.memref_slice %arg3[%dma_start3A_1002, %dma_start3A_1003] : memref<100000x32xf32, #tpu.memory_space<hbm>> -> memref<100000x32xf32, #tpu.memory_space<hbm>>
        tpu.enqueue_indirect_dma source(%dma_start3A_1004 : memref<100000x32xf32, #tpu.memory_space<hbm>>) target(%dma_start3A_996 : memref<80x32xf32, #tpu.memory_space<vmem>>) offsets(%dma_start3A_1001 : memref<80xi32, #tpu.memory_space<vmem>>) semaphore(%arg18 : memref<!tpu.dma_semaphore, #tpu.memory_space<semaphore_mem>>)
        %dma_start3A_1005 = arith.constant 3 : i32
        %dma_start3A_1006 = arith.constant 3 : i32
        %dma_start3A_1007 = arith.constant 0 : i32
        %dma_start3A_1008 = arith.constant 0 : i32
        %dma_start3A_1009 = tpu.memref_slice %arg13[%dma_start3A_1006, %dma_start3A_1007, %dma_start3A_1008] : memref<4x200x32xf32, #tpu.memory_space<vmem>> -> memref<1x200x32xf32, #tpu.memory_space<vmem>>
        %dma_start3A_1010 = tpu.memref_squeeze %dma_start3A_1009 : memref<1x200x32xf32, #tpu.memory_space<vmem>> -> memref<200x32xf32, #tpu.memory_space<vmem>>
        %dma_start3A_1011 = arith.constant 80 : i32
        %dma_start3A_1012 = arith.constant 0 : i32
        %dma_start3A_1013 = tpu.memref_slice %dma_start3A_1010[%dma_start3A_1011, %dma_start3A_1012] : memref<200x32xf32, #tpu.memory_space<vmem>> -> memref<80x32xf32, #tpu.memory_space<vmem>>
        %dma_start3A_1014 = arith.constant 0 : i32
        %dma_start3A_1015 = tpu.memref_slice %arg9[%dma_start3A_1005, %dma_start3A_1014] : memref<4x256xi32, #tpu.memory_space<vmem>> -> memref<1x256xi32, #tpu.memory_space<vmem>>
        %dma_start3A_1016 = tpu.memref_squeeze %dma_start3A_1015 : memref<1x256xi32, #tpu.memory_space<vmem>> -> memref<256xi32, #tpu.memory_space<vmem>>
        %dma_start3A_1017 = arith.constant 80 : i32
        %dma_start3A_1018 = tpu.memref_slice %dma_start3A_1016[%dma_start3A_1017] : memref<256xi32, #tpu.memory_space<vmem>> -> memref<80xi32, #tpu.memory_space<vmem>>
        %dma_start3A_1019 = arith.constant 0 : i32
        %dma_start3A_1020 = arith.constant 0 : i32
        %dma_start3A_1021 = tpu.memref_slice %arg3[%dma_start3A_1019, %dma_start3A_1020] : memref<100000x32xf32, #tpu.memory_space<hbm>> -> memref<100000x32xf32, #tpu.memory_space<hbm>>
        tpu.enqueue_indirect_dma source(%dma_start3A_1021 : memref<100000x32xf32, #tpu.memory_space<hbm>>) target(%dma_start3A_1013 : memref<80x32xf32, #tpu.memory_space<vmem>>) offsets(%dma_start3A_1018 : memref<80xi32, #tpu.memory_space<vmem>>) semaphore(%arg18 : memref<!tpu.dma_semaphore, #tpu.memory_space<semaphore_mem>>)
        %dma_start3A_1022 = arith.constant 3 : i32
        %dma_start3A_1023 = arith.constant 3 : i32
        %dma_start3A_1024 = arith.constant 0 : i32
        %dma_start3A_1025 = arith.constant 0 : i32
        %dma_start3A_1026 = tpu.memref_slice %arg13[%dma_start3A_1023, %dma_start3A_1024, %dma_start3A_1025] : memref<4x200x32xf32, #tpu.memory_space<vmem>> -> memref<1x200x32xf32, #tpu.memory_space<vmem>>
        %dma_start3A_1027 = tpu.memref_squeeze %dma_start3A_1026 : memref<1x200x32xf32, #tpu.memory_space<vmem>> -> memref<200x32xf32, #tpu.memory_space<vmem>>
        %dma_start3A_1028 = arith.constant 160 : i32
        %dma_start3A_1029 = arith.constant 0 : i32
        %dma_start3A_1030 = tpu.memref_slice %dma_start3A_1027[%dma_start3A_1028, %dma_start3A_1029] : memref<200x32xf32, #tpu.memory_space<vmem>> -> memref<40x32xf32, #tpu.memory_space<vmem>>
        %dma_start3A_1031 = arith.constant 0 : i32
        %dma_start3A_1032 = tpu.memref_slice %arg9[%dma_start3A_1022, %dma_start3A_1031] : memref<4x256xi32, #tpu.memory_space<vmem>> -> memref<1x256xi32, #tpu.memory_space<vmem>>
        %dma_start3A_1033 = tpu.memref_squeeze %dma_start3A_1032 : memref<1x256xi32, #tpu.memory_space<vmem>> -> memref<256xi32, #tpu.memory_space<vmem>>
        %dma_start3A_1034 = arith.constant 160 : i32
        %dma_start3A_1035 = tpu.memref_slice %dma_start3A_1033[%dma_start3A_1034] : memref<256xi32, #tpu.memory_space<vmem>> -> memref<40xi32, #tpu.memory_space<vmem>>
        %dma_start3A_1036 = arith.constant 0 : i32
        %dma_start3A_1037 = arith.constant 0 : i32
        %dma_start3A_1038 = tpu.memref_slice %arg3[%dma_start3A_1036, %dma_start3A_1037] : memref<100000x32xf32, #tpu.memory_space<hbm>> -> memref<100000x32xf32, #tpu.memory_space<hbm>>
        tpu.enqueue_indirect_dma source(%dma_start3A_1038 : memref<100000x32xf32, #tpu.memory_space<hbm>>) target(%dma_start3A_1030 : memref<40x32xf32, #tpu.memory_space<vmem>>) offsets(%dma_start3A_1035 : memref<40xi32, #tpu.memory_space<vmem>>) semaphore(%arg18 : memref<!tpu.dma_semaphore, #tpu.memory_space<semaphore_mem>>)
      } else {
      }
      %dma_wait3A_674 = arith.constant 0 : i32
      %dma_wait3A_675 = arith.constant 0 : i32
      %dma_wait3A_676 = arith.constant 0 : i32
      %dma_wait3A_677 = tpu.memref_slice %arg5[%dma_wait3A_674, %dma_wait3A_675, %dma_wait3A_676] : memref<4096x200x128xf32, #tpu.memory_space<hbm>> -> memref<4x200x32xf32, #tpu.memory_space<hbm>>
      %dma_wait3A_678 = arith.constant 0 : i32
      %dma_wait3A_679 = arith.constant 0 : i32
      %dma_wait3A_680 = arith.constant 0 : i32
      %dma_wait3A_681 = tpu.memref_slice %arg5[%dma_wait3A_678, %dma_wait3A_679, %dma_wait3A_680] : memref<4096x200x128xf32, #tpu.memory_space<hbm>> -> memref<4x200x32xf32, #tpu.memory_space<hbm>>
      tpu.wait_dma2 semaphore(%arg15 : memref<!tpu.dma_semaphore, #tpu.memory_space<semaphore_mem>>) src(%dma_wait3A_681 : memref<4x200x32xf32, #tpu.memory_space<hbm>>) dst(%arg10 : memref<4x200x32xf32, #tpu.memory_space<vmem>>)
      %scan3A_682 = arith.constant 0 : i32
      %scan3A_683 = arith.constant 0 : i32
      %scan3A_684 = arith.constant 200 : i32
      %scan3A_685 = arith.addi %scan3A_683, %scan3A_684 : i32
      %scan3A_686 = arith.constant 1 : i32
      scf.for %scan3A_832 = %scan3A_683 to %scan3A_685 step %scan3A_686  : i32 {
        %get3A = arith.index_cast %scan3A_832 : i32 to index
        %get3A_833 = arith.constant 0 : index
        %get3A_834 = tpu.vector_load %arg14[%get3A, %get3A_833] {strides = array<i32>} : memref<200x32xf32, #tpu.memory_space<vmem>>, vector<1x16xf32>,
        %get3A_835 = vector.shape_cast %get3A_834 : vector<1x16xf32> to vector<16xf32>
        %get3A_836 = arith.index_cast %scan3A_832 : i32 to index
        %get3A_837 = arith.constant 16 : index
        %get3A_838 = tpu.vector_load %arg14[%get3A_836, %get3A_837] {strides = array<i32>} : memref<200x32xf32, #tpu.memory_space<vmem>>, vector<1x16xf32>,
        %get3A_839 = vector.shape_cast %get3A_838 : vector<1x16xf32> to vector<16xf32>
        %get3A_840 = arith.constant 0 : i32
        %get3A_841 = arith.index_cast %get3A_840 : i32 to index
        %get3A_842 = arith.index_cast %scan3A_832 : i32 to index
        %get3A_843 = arith.constant 0 : index
        %get3A_844 = tpu.vector_load %arg10[%get3A_841, %get3A_842, %get3A_843] {strides = array<i32>} : memref<4x200x32xf32, #tpu.memory_space<vmem>>, vector<1x1x16xf32>,
        %get3A_845 = vector.shape_cast %get3A_844 : vector<1x1x16xf32> to vector<16xf32>
        %add3A_846 = arith.addf %get3A_845, %get3A_835 : vector<16xf32>
        %swap3A = arith.constant 0 : i32
        %swap3A_847 = arith.index_cast %swap3A : i32 to index
        %swap3A_848 = arith.index_cast %scan3A_832 : i32 to index
        %swap3A_849 = arith.constant 0 : index
        %swap3A_850 = tpu.vector_load %arg10[%swap3A_847, %swap3A_848, %swap3A_849] {strides = array<i32>} : memref<4x200x32xf32, #tpu.memory_space<vmem>>, vector<1x1x16xf32>,
        %swap3A_851 = vector.shape_cast %swap3A_850 : vector<1x1x16xf32> to vector<16xf32>
        %swap3A_852 = vector.shape_cast %add3A_846 : vector<16xf32> to vector<1x1x16xf32>
        tpu.vector_store %arg10[%swap3A_847, %swap3A_848, %swap3A_849], %swap3A_852 {strides = array<i32>} : memref<4x200x32xf32, #tpu.memory_space<vmem>>, vector<1x1x16xf32>,
        %get3A_853 = arith.constant 0 : i32
        %get3A_854 = arith.index_cast %get3A_853 : i32 to index
        %get3A_855 = arith.index_cast %scan3A_832 : i32 to index
        %get3A_856 = arith.constant 16 : index
        %get3A_857 = tpu.vector_load %arg10[%get3A_854, %get3A_855, %get3A_856] {strides = array<i32>} : memref<4x200x32xf32, #tpu.memory_space<vmem>>, vector<1x1x16xf32>,
        %get3A_858 = vector.shape_cast %get3A_857 : vector<1x1x16xf32> to vector<16xf32>
        %add3A_859 = arith.addf %get3A_858, %get3A_839 : vector<16xf32>
        %swap3A_860 = arith.constant 0 : i32
        %swap3A_861 = arith.index_cast %swap3A_860 : i32 to index
        %swap3A_862 = arith.index_cast %scan3A_832 : i32 to index
        %swap3A_863 = arith.constant 16 : index
        %swap3A_864 = tpu.vector_load %arg10[%swap3A_861, %swap3A_862, %swap3A_863] {strides = array<i32>} : memref<4x200x32xf32, #tpu.memory_space<vmem>>, vector<1x1x16xf32>,
        %swap3A_865 = vector.shape_cast %swap3A_864 : vector<1x1x16xf32> to vector<16xf32>
        %swap3A_866 = vector.shape_cast %add3A_859 : vector<16xf32> to vector<1x1x16xf32>
        tpu.vector_store %arg10[%swap3A_861, %swap3A_862, %swap3A_863], %swap3A_866 {strides = array<i32>} : memref<4x200x32xf32, #tpu.memory_space<vmem>>, vector<1x1x16xf32>,
        %get3A_867 = arith.constant 1 : i32
        %get3A_868 = arith.index_cast %get3A_867 : i32 to index
        %get3A_869 = arith.index_cast %scan3A_832 : i32 to index
        %get3A_870 = arith.constant 0 : index
        %get3A_871 = tpu.vector_load %arg10[%get3A_868, %get3A_869, %get3A_870] {strides = array<i32>} : memref<4x200x32xf32, #tpu.memory_space<vmem>>, vector<1x1x16xf32>,
        %get3A_872 = vector.shape_cast %get3A_871 : vector<1x1x16xf32> to vector<16xf32>
        %add3A_873 = arith.addf %get3A_872, %get3A_835 : vector<16xf32>
        %swap3A_874 = arith.constant 1 : i32
        %swap3A_875 = arith.index_cast %swap3A_874 : i32 to index
        %swap3A_876 = arith.index_cast %scan3A_832 : i32 to index
        %swap3A_877 = arith.constant 0 : index
        %swap3A_878 = tpu.vector_load %arg10[%swap3A_875, %swap3A_876, %swap3A_877] {strides = array<i32>} : memref<4x200x32xf32, #tpu.memory_space<vmem>>, vector<1x1x16xf32>,
        %swap3A_879 = vector.shape_cast %swap3A_878 : vector<1x1x16xf32> to vector<16xf32>
        %swap3A_880 = vector.shape_cast %add3A_873 : vector<16xf32> to vector<1x1x16xf32>
        tpu.vector_store %arg10[%swap3A_875, %swap3A_876, %swap3A_877], %swap3A_880 {strides = array<i32>} : memref<4x200x32xf32, #tpu.memory_space<vmem>>, vector<1x1x16xf32>,
        %get3A_881 = arith.constant 1 : i32
        %get3A_882 = arith.index_cast %get3A_881 : i32 to index
        %get3A_883 = arith.index_cast %scan3A_832 : i32 to index
        %get3A_884 = arith.constant 16 : index
        %get3A_885 = tpu.vector_load %arg10[%get3A_882, %get3A_883, %get3A_884] {strides = array<i32>} : memref<4x200x32xf32, #tpu.memory_space<vmem>>, vector<1x1x16xf32>,
        %get3A_886 = vector.shape_cast %get3A_885 : vector<1x1x16xf32> to vector<16xf32>
        %add3A_887 = arith.addf %get3A_886, %get3A_839 : vector<16xf32>
        %swap3A_888 = arith.constant 1 : i32
        %swap3A_889 = arith.index_cast %swap3A_888 : i32 to index
        %swap3A_890 = arith.index_cast %scan3A_832 : i32 to index
        %swap3A_891 = arith.constant 16 : index
        %swap3A_892 = tpu.vector_load %arg10[%swap3A_889, %swap3A_890, %swap3A_891] {strides = array<i32>} : memref<4x200x32xf32, #tpu.memory_space<vmem>>, vector<1x1x16xf32>,
        %swap3A_893 = vector.shape_cast %swap3A_892 : vector<1x1x16xf32> to vector<16xf32>
        %swap3A_894 = vector.shape_cast %add3A_887 : vector<16xf32> to vector<1x1x16xf32>
        tpu.vector_store %arg10[%swap3A_889, %swap3A_890, %swap3A_891], %swap3A_894 {strides = array<i32>} : memref<4x200x32xf32, #tpu.memory_space<vmem>>, vector<1x1x16xf32>,
        %get3A_895 = arith.constant 2 : i32
        %get3A_896 = arith.index_cast %get3A_895 : i32 to index
        %get3A_897 = arith.index_cast %scan3A_832 : i32 to index
        %get3A_898 = arith.constant 0 : index
        %get3A_899 = tpu.vector_load %arg10[%get3A_896, %get3A_897, %get3A_898] {strides = array<i32>} : memref<4x200x32xf32, #tpu.memory_space<vmem>>, vector<1x1x16xf32>,
        %get3A_900 = vector.shape_cast %get3A_899 : vector<1x1x16xf32> to vector<16xf32>
        %add3A_901 = arith.addf %get3A_900, %get3A_835 : vector<16xf32>
        %swap3A_902 = arith.constant 2 : i32
        %swap3A_903 = arith.index_cast %swap3A_902 : i32 to index
        %swap3A_904 = arith.index_cast %scan3A_832 : i32 to index
        %swap3A_905 = arith.constant 0 : index
        %swap3A_906 = tpu.vector_load %arg10[%swap3A_903, %swap3A_904, %swap3A_905] {strides = array<i32>} : memref<4x200x32xf32, #tpu.memory_space<vmem>>, vector<1x1x16xf32>,
        %swap3A_907 = vector.shape_cast %swap3A_906 : vector<1x1x16xf32> to vector<16xf32>
        %swap3A_908 = vector.shape_cast %add3A_901 : vector<16xf32> to vector<1x1x16xf32>
        tpu.vector_store %arg10[%swap3A_903, %swap3A_904, %swap3A_905], %swap3A_908 {strides = array<i32>} : memref<4x200x32xf32, #tpu.memory_space<vmem>>, vector<1x1x16xf32>,
        %get3A_909 = arith.constant 2 : i32
        %get3A_910 = arith.index_cast %get3A_909 : i32 to index
        %get3A_911 = arith.index_cast %scan3A_832 : i32 to index
        %get3A_912 = arith.constant 16 : index
        %get3A_913 = tpu.vector_load %arg10[%get3A_910, %get3A_911, %get3A_912] {strides = array<i32>} : memref<4x200x32xf32, #tpu.memory_space<vmem>>, vector<1x1x16xf32>,
        %get3A_914 = vector.shape_cast %get3A_913 : vector<1x1x16xf32> to vector<16xf32>
        %add3A_915 = arith.addf %get3A_914, %get3A_839 : vector<16xf32>
        %swap3A_916 = arith.constant 2 : i32
        %swap3A_917 = arith.index_cast %swap3A_916 : i32 to index
        %swap3A_918 = arith.index_cast %scan3A_832 : i32 to index
        %swap3A_919 = arith.constant 16 : index
        %swap3A_920 = tpu.vector_load %arg10[%swap3A_917, %swap3A_918, %swap3A_919] {strides = array<i32>} : memref<4x200x32xf32, #tpu.memory_space<vmem>>, vector<1x1x16xf32>,
        %swap3A_921 = vector.shape_cast %swap3A_920 : vector<1x1x16xf32> to vector<16xf32>
        %swap3A_922 = vector.shape_cast %add3A_915 : vector<16xf32> to vector<1x1x16xf32>
        tpu.vector_store %arg10[%swap3A_917, %swap3A_918, %swap3A_919], %swap3A_922 {strides = array<i32>} : memref<4x200x32xf32, #tpu.memory_space<vmem>>, vector<1x1x16xf32>,
        %get3A_923 = arith.constant 3 : i32
        %get3A_924 = arith.index_cast %get3A_923 : i32 to index
        %get3A_925 = arith.index_cast %scan3A_832 : i32 to index
        %get3A_926 = arith.constant 0 : index
        %get3A_927 = tpu.vector_load %arg10[%get3A_924, %get3A_925, %get3A_926] {strides = array<i32>} : memref<4x200x32xf32, #tpu.memory_space<vmem>>, vector<1x1x16xf32>,
        %get3A_928 = vector.shape_cast %get3A_927 : vector<1x1x16xf32> to vector<16xf32>
        %add3A_929 = arith.addf %get3A_928, %get3A_835 : vector<16xf32>
        %swap3A_930 = arith.constant 3 : i32
        %swap3A_931 = arith.index_cast %swap3A_930 : i32 to index
        %swap3A_932 = arith.index_cast %scan3A_832 : i32 to index
        %swap3A_933 = arith.constant 0 : index
        %swap3A_934 = tpu.vector_load %arg10[%swap3A_931, %swap3A_932, %swap3A_933] {strides = array<i32>} : memref<4x200x32xf32, #tpu.memory_space<vmem>>, vector<1x1x16xf32>,
        %swap3A_935 = vector.shape_cast %swap3A_934 : vector<1x1x16xf32> to vector<16xf32>
        %swap3A_936 = vector.shape_cast %add3A_929 : vector<16xf32> to vector<1x1x16xf32>
        tpu.vector_store %arg10[%swap3A_931, %swap3A_932, %swap3A_933], %swap3A_936 {strides = array<i32>} : memref<4x200x32xf32, #tpu.memory_space<vmem>>, vector<1x1x16xf32>,
        %get3A_937 = arith.constant 3 : i32
        %get3A_938 = arith.index_cast %get3A_937 : i32 to index
        %get3A_939 = arith.index_cast %scan3A_832 : i32 to index
        %get3A_940 = arith.constant 16 : index
        %get3A_941 = tpu.vector_load %arg10[%get3A_938, %get3A_939, %get3A_940] {strides = array<i32>} : memref<4x200x32xf32, #tpu.memory_space<vmem>>, vector<1x1x16xf32>,
        %get3A_942 = vector.shape_cast %get3A_941 : vector<1x1x16xf32> to vector<16xf32>
        %add3A_943 = arith.addf %get3A_942, %get3A_839 : vector<16xf32>
        %swap3A_944 = arith.constant 3 : i32
        %swap3A_945 = arith.index_cast %swap3A_944 : i32 to index
        %swap3A_946 = arith.index_cast %scan3A_832 : i32 to index
        %swap3A_947 = arith.constant 16 : index
        %swap3A_948 = tpu.vector_load %arg10[%swap3A_945, %swap3A_946, %swap3A_947] {strides = array<i32>} : memref<4x200x32xf32, #tpu.memory_space<vmem>>, vector<1x1x16xf32>,
        %swap3A_949 = vector.shape_cast %swap3A_948 : vector<1x1x16xf32> to vector<16xf32>
        %swap3A_950 = vector.shape_cast %add3A_943 : vector<16xf32> to vector<1x1x16xf32>
        tpu.vector_store %arg10[%swap3A_945, %swap3A_946, %swap3A_947], %swap3A_950 {strides = array<i32>} : memref<4x200x32xf32, #tpu.memory_space<vmem>>, vector<1x1x16xf32>,
      }
      %scan3A_687 = arith.constant 200 : i32
      %mul3A_688 = arith.constant 4 : i32
      %mul3A_689 = arith.muli %add3A_660, %mul3A_688 : i32
      %add3A_690 = arith.addi %mul3A_2, %mul3A_689 : i32
      %dma_start3A_691 = arith.constant 0 : i32
      %dma_start3A_692 = arith.constant 0 : i32
      %dma_start3A_693 = tpu.memref_slice %arg5[%add3A_690, %dma_start3A_691, %dma_start3A_692] : memref<4096x200x128xf32, #tpu.memory_space<hbm>> -> memref<4x200x32xf32, #tpu.memory_space<hbm>>
      %dma_start3A_694 = arith.constant 0 : i32
      %dma_start3A_695 = arith.constant 0 : i32
      %dma_start3A_696 = tpu.memref_slice %arg5[%add3A_690, %dma_start3A_694, %dma_start3A_695] : memref<4096x200x128xf32, #tpu.memory_space<hbm>> -> memref<4x200x32xf32, #tpu.memory_space<hbm>>
      tpu.enqueue_dma source(%arg10 : memref<4x200x32xf32, #tpu.memory_space<vmem>>) target(%dma_start3A_696 : memref<4x200x32xf32, #tpu.memory_space<hbm>>) target_semaphore(%arg19 : memref<!tpu.dma_semaphore, #tpu.memory_space<semaphore_mem>>)
      %mul3A_697 = arith.constant 4 : i32
      %mul3A_698 = arith.muli %scan3A_656, %mul3A_697 : i32
      %add3A_699 = arith.constant 1 : i32
      %add3A_700 = arith.addi %mul3A_698, %add3A_699 : i32
      %add3A_701 = arith.constant 3 : i32
      %add3A_702 = arith.addi %add3A_700, %add3A_701 : i32
      %lt3A_703 = arith.constant 32 : i32
      %lt3A_704 = arith.cmpi slt, %add3A_702, %lt3A_703 : i32
      %ge3A_705 = arith.constant 1 : i32
      %ge3A_706 = arith.cmpi sge, %add3A_700, %ge3A_705 : i32
      %and3A_707 = arith.andi %lt3A_704, %ge3A_706 : i1
      %convert_element_type3A_708 = arith.extui %and3A_707 : i1 to i32
      %cond3A_709 = arith.constant 0 : i32
      %cond3A_710 = arith.cmpi ne, %convert_element_type3A_708, %cond3A_709 : i32
      scf.if %cond3A_710 {
        %dma_wait3A_832 = arith.constant 0 : i32
        %dma_wait3A_833 = arith.constant 0 : i32
        %dma_wait3A_834 = arith.constant 0 : i32
        %dma_wait3A_835 = tpu.memref_slice %arg5[%dma_wait3A_832, %dma_wait3A_833, %dma_wait3A_834] : memref<4096x200x128xf32, #tpu.memory_space<hbm>> -> memref<4x200x32xf32, #tpu.memory_space<hbm>>
        %dma_wait3A_836 = arith.constant 0 : i32
        %dma_wait3A_837 = arith.constant 0 : i32
        %dma_wait3A_838 = arith.constant 0 : i32
        %dma_wait3A_839 = tpu.memref_slice %arg5[%dma_wait3A_836, %dma_wait3A_837, %dma_wait3A_838] : memref<4096x200x128xf32, #tpu.memory_space<hbm>> -> memref<4x200x32xf32, #tpu.memory_space<hbm>>
        tpu.wait_dma2 semaphore(%arg19 : memref<!tpu.dma_semaphore, #tpu.memory_space<semaphore_mem>>) src(%arg10 : memref<4x200x32xf32, #tpu.memory_space<vmem>>) dst(%dma_wait3A_839 : memref<4x200x32xf32, #tpu.memory_space<hbm>>)
        %mul3A_840 = arith.constant 4 : i32
        %mul3A_841 = arith.muli %add3A_702, %mul3A_840 : i32
        %add3A_842 = arith.addi %mul3A_2, %mul3A_841 : i32
        "tpu.region"() ({
          %run_scoped3A = tpu.sem_alloc : memref<!tpu.dma_semaphore, #tpu.memory_space<semaphore_mem>>
          %dma_start3A_1047 = arith.constant 0 : i32
          %dma_start3A_1048 = tpu.memref_slice %arg2[%add3A_842, %dma_start3A_1047] : memref<4096x256xi32, #tpu.memory_space<hbm>> -> memref<4x256xi32, #tpu.memory_space<hbm>>
          %dma_start3A_1049 = arith.constant 0 : i32
          %dma_start3A_1050 = tpu.memref_slice %arg2[%add3A_842, %dma_start3A_1049] : memref<4096x256xi32, #tpu.memory_space<hbm>> -> memref<4x256xi32, #tpu.memory_space<hbm>>
          tpu.enqueue_dma source(%dma_start3A_1050 : memref<4x256xi32, #tpu.memory_space<hbm>>) target(%arg6 : memref<4x256xi32, #tpu.memory_space<vmem>>) target_semaphore(%run_scoped3A : memref<!tpu.dma_semaphore, #tpu.memory_space<semaphore_mem>>)
          %dma_wait3A_1051 = arith.constant 0 : i32
          %dma_wait3A_1052 = tpu.memref_slice %arg2[%add3A_842, %dma_wait3A_1051] : memref<4096x256xi32, #tpu.memory_space<hbm>> -> memref<4x256xi32, #tpu.memory_space<hbm>>
          %dma_wait3A_1053 = arith.constant 0 : i32
          %dma_wait3A_1054 = tpu.memref_slice %arg2[%add3A_842, %dma_wait3A_1053] : memref<4096x256xi32, #tpu.memory_space<hbm>> -> memref<4x256xi32, #tpu.memory_space<hbm>>
          tpu.wait_dma2 semaphore(%run_scoped3A : memref<!tpu.dma_semaphore, #tpu.memory_space<semaphore_mem>>) src(%dma_wait3A_1054 : memref<4x256xi32, #tpu.memory_space<hbm>>) dst(%arg6 : memref<4x256xi32, #tpu.memory_space<vmem>>)
          tpu.yield
        }) : () -> ()
        %dma_start3A_843 = arith.constant 0 : i32
        %dma_start3A_844 = arith.constant 0 : i32
        %dma_start3A_845 = arith.constant 0 : i32
        %dma_start3A_846 = arith.constant 0 : i32
        %dma_start3A_847 = tpu.memref_slice %arg10[%dma_start3A_844, %dma_start3A_845, %dma_start3A_846] : memref<4x200x32xf32, #tpu.memory_space<vmem>> -> memref<1x200x32xf32, #tpu.memory_space<vmem>>
        %dma_start3A_848 = tpu.memref_squeeze %dma_start3A_847 : memref<1x200x32xf32, #tpu.memory_space<vmem>> -> memref<200x32xf32, #tpu.memory_space<vmem>>
        %dma_start3A_849 = arith.constant 0 : i32
        %dma_start3A_850 = arith.constant 0 : i32
        %dma_start3A_851 = tpu.memref_slice %dma_start3A_848[%dma_start3A_849, %dma_start3A_850] : memref<200x32xf32, #tpu.memory_space<vmem>> -> memref<80x32xf32, #tpu.memory_space<vmem>>
        %dma_start3A_852 = arith.constant 0 : i32
        %dma_start3A_853 = tpu.memref_slice %arg6[%dma_start3A_843, %dma_start3A_852] : memref<4x256xi32, #tpu.memory_space<vmem>> -> memref<1x256xi32, #tpu.memory_space<vmem>>
        %dma_start3A_854 = tpu.memref_squeeze %dma_start3A_853 : memref<1x256xi32, #tpu.memory_space<vmem>> -> memref<256xi32, #tpu.memory_space<vmem>>
        %dma_start3A_855 = arith.constant 0 : i32
        %dma_start3A_856 = tpu.memref_slice %dma_start3A_854[%dma_start3A_855] : memref<256xi32, #tpu.memory_space<vmem>> -> memref<80xi32, #tpu.memory_space<vmem>>
        %dma_start3A_857 = arith.constant 0 : i32
        %dma_start3A_858 = arith.constant 0 : i32
        %dma_start3A_859 = tpu.memref_slice %arg3[%dma_start3A_857, %dma_start3A_858] : memref<100000x32xf32, #tpu.memory_space<hbm>> -> memref<100000x32xf32, #tpu.memory_space<hbm>>
        tpu.enqueue_indirect_dma source(%dma_start3A_859 : memref<100000x32xf32, #tpu.memory_space<hbm>>) target(%dma_start3A_851 : memref<80x32xf32, #tpu.memory_space<vmem>>) offsets(%dma_start3A_856 : memref<80xi32, #tpu.memory_space<vmem>>) semaphore(%arg15 : memref<!tpu.dma_semaphore, #tpu.memory_space<semaphore_mem>>)
        %dma_start3A_860 = arith.constant 0 : i32
        %dma_start3A_861 = arith.constant 0 : i32
        %dma_start3A_862 = arith.constant 0 : i32
        %dma_start3A_863 = arith.constant 0 : i32
        %dma_start3A_864 = tpu.memref_slice %arg10[%dma_start3A_861, %dma_start3A_862, %dma_start3A_863] : memref<4x200x32xf32, #tpu.memory_space<vmem>> -> memref<1x200x32xf32, #tpu.memory_space<vmem>>
        %dma_start3A_865 = tpu.memref_squeeze %dma_start3A_864 : memref<1x200x32xf32, #tpu.memory_space<vmem>> -> memref<200x32xf32, #tpu.memory_space<vmem>>
        %dma_start3A_866 = arith.constant 80 : i32
        %dma_start3A_867 = arith.constant 0 : i32
        %dma_start3A_868 = tpu.memref_slice %dma_start3A_865[%dma_start3A_866, %dma_start3A_867] : memref<200x32xf32, #tpu.memory_space<vmem>> -> memref<80x32xf32, #tpu.memory_space<vmem>>
        %dma_start3A_869 = arith.constant 0 : i32
        %dma_start3A_870 = tpu.memref_slice %arg6[%dma_start3A_860, %dma_start3A_869] : memref<4x256xi32, #tpu.memory_space<vmem>> -> memref<1x256xi32, #tpu.memory_space<vmem>>
        %dma_start3A_871 = tpu.memref_squeeze %dma_start3A_870 : memref<1x256xi32, #tpu.memory_space<vmem>> -> memref<256xi32, #tpu.memory_space<vmem>>
        %dma_start3A_872 = arith.constant 80 : i32
        %dma_start3A_873 = tpu.memref_slice %dma_start3A_871[%dma_start3A_872] : memref<256xi32, #tpu.memory_space<vmem>> -> memref<80xi32, #tpu.memory_space<vmem>>
        %dma_start3A_874 = arith.constant 0 : i32
        %dma_start3A_875 = arith.constant 0 : i32
        %dma_start3A_876 = tpu.memref_slice %arg3[%dma_start3A_874, %dma_start3A_875] : memref<100000x32xf32, #tpu.memory_space<hbm>> -> memref<100000x32xf32, #tpu.memory_space<hbm>>
        tpu.enqueue_indirect_dma source(%dma_start3A_876 : memref<100000x32xf32, #tpu.memory_space<hbm>>) target(%dma_start3A_868 : memref<80x32xf32, #tpu.memory_space<vmem>>) offsets(%dma_start3A_873 : memref<80xi32, #tpu.memory_space<vmem>>) semaphore(%arg15 : memref<!tpu.dma_semaphore, #tpu.memory_space<semaphore_mem>>)
        %dma_start3A_877 = arith.constant 0 : i32
        %dma_start3A_878 = arith.constant 0 : i32
        %dma_start3A_879 = arith.constant 0 : i32
        %dma_start3A_880 = arith.constant 0 : i32
        %dma_start3A_881 = tpu.memref_slice %arg10[%dma_start3A_878, %dma_start3A_879, %dma_start3A_880] : memref<4x200x32xf32, #tpu.memory_space<vmem>> -> memref<1x200x32xf32, #tpu.memory_space<vmem>>
        %dma_start3A_882 = tpu.memref_squeeze %dma_start3A_881 : memref<1x200x32xf32, #tpu.memory_space<vmem>> -> memref<200x32xf32, #tpu.memory_space<vmem>>
        %dma_start3A_883 = arith.constant 160 : i32
        %dma_start3A_884 = arith.constant 0 : i32
        %dma_start3A_885 = tpu.memref_slice %dma_start3A_882[%dma_start3A_883, %dma_start3A_884] : memref<200x32xf32, #tpu.memory_space<vmem>> -> memref<40x32xf32, #tpu.memory_space<vmem>>
        %dma_start3A_886 = arith.constant 0 : i32
        %dma_start3A_887 = tpu.memref_slice %arg6[%dma_start3A_877, %dma_start3A_886] : memref<4x256xi32, #tpu.memory_space<vmem>> -> memref<1x256xi32, #tpu.memory_space<vmem>>
        %dma_start3A_888 = tpu.memref_squeeze %dma_start3A_887 : memref<1x256xi32, #tpu.memory_space<vmem>> -> memref<256xi32, #tpu.memory_space<vmem>>
        %dma_start3A_889 = arith.constant 160 : i32
        %dma_start3A_890 = tpu.memref_slice %dma_start3A_888[%dma_start3A_889] : memref<256xi32, #tpu.memory_space<vmem>> -> memref<40xi32, #tpu.memory_space<vmem>>
        %dma_start3A_891 = arith.constant 0 : i32
        %dma_start3A_892 = arith.constant 0 : i32
        %dma_start3A_893 = tpu.memref_slice %arg3[%dma_start3A_891, %dma_start3A_892] : memref<100000x32xf32, #tpu.memory_space<hbm>> -> memref<100000x32xf32, #tpu.memory_space<hbm>>
        tpu.enqueue_indirect_dma source(%dma_start3A_893 : memref<100000x32xf32, #tpu.memory_space<hbm>>) target(%dma_start3A_885 : memref<40x32xf32, #tpu.memory_space<vmem>>) offsets(%dma_start3A_890 : memref<40xi32, #tpu.memory_space<vmem>>) semaphore(%arg15 : memref<!tpu.dma_semaphore, #tpu.memory_space<semaphore_mem>>)
        %dma_start3A_894 = arith.constant 1 : i32
        %dma_start3A_895 = arith.constant 1 : i32
        %dma_start3A_896 = arith.constant 0 : i32
        %dma_start3A_897 = arith.constant 0 : i32
        %dma_start3A_898 = tpu.memref_slice %arg10[%dma_start3A_895, %dma_start3A_896, %dma_start3A_897] : memref<4x200x32xf32, #tpu.memory_space<vmem>> -> memref<1x200x32xf32, #tpu.memory_space<vmem>>
        %dma_start3A_899 = tpu.memref_squeeze %dma_start3A_898 : memref<1x200x32xf32, #tpu.memory_space<vmem>> -> memref<200x32xf32, #tpu.memory_space<vmem>>
        %dma_start3A_900 = arith.constant 0 : i32
        %dma_start3A_901 = arith.constant 0 : i32
        %dma_start3A_902 = tpu.memref_slice %dma_start3A_899[%dma_start3A_900, %dma_start3A_901] : memref<200x32xf32, #tpu.memory_space<vmem>> -> memref<80x32xf32, #tpu.memory_space<vmem>>
        %dma_start3A_903 = arith.constant 0 : i32
        %dma_start3A_904 = tpu.memref_slice %arg6[%dma_start3A_894, %dma_start3A_903] : memref<4x256xi32, #tpu.memory_space<vmem>> -> memref<1x256xi32, #tpu.memory_space<vmem>>
        %dma_start3A_905 = tpu.memref_squeeze %dma_start3A_904 : memref<1x256xi32, #tpu.memory_space<vmem>> -> memref<256xi32, #tpu.memory_space<vmem>>
        %dma_start3A_906 = arith.constant 0 : i32
        %dma_start3A_907 = tpu.memref_slice %dma_start3A_905[%dma_start3A_906] : memref<256xi32, #tpu.memory_space<vmem>> -> memref<80xi32, #tpu.memory_space<vmem>>
        %dma_start3A_908 = arith.constant 0 : i32
        %dma_start3A_909 = arith.constant 0 : i32
        %dma_start3A_910 = tpu.memref_slice %arg3[%dma_start3A_908, %dma_start3A_909] : memref<100000x32xf32, #tpu.memory_space<hbm>> -> memref<100000x32xf32, #tpu.memory_space<hbm>>
        tpu.enqueue_indirect_dma source(%dma_start3A_910 : memref<100000x32xf32, #tpu.memory_space<hbm>>) target(%dma_start3A_902 : memref<80x32xf32, #tpu.memory_space<vmem>>) offsets(%dma_start3A_907 : memref<80xi32, #tpu.memory_space<vmem>>) semaphore(%arg15 : memref<!tpu.dma_semaphore, #tpu.memory_space<semaphore_mem>>)
        %dma_start3A_911 = arith.constant 1 : i32
        %dma_start3A_912 = arith.constant 1 : i32
        %dma_start3A_913 = arith.constant 0 : i32
        %dma_start3A_914 = arith.constant 0 : i32
        %dma_start3A_915 = tpu.memref_slice %arg10[%dma_start3A_912, %dma_start3A_913, %dma_start3A_914] : memref<4x200x32xf32, #tpu.memory_space<vmem>> -> memref<1x200x32xf32, #tpu.memory_space<vmem>>
        %dma_start3A_916 = tpu.memref_squeeze %dma_start3A_915 : memref<1x200x32xf32, #tpu.memory_space<vmem>> -> memref<200x32xf32, #tpu.memory_space<vmem>>
        %dma_start3A_917 = arith.constant 80 : i32
        %dma_start3A_918 = arith.constant 0 : i32
        %dma_start3A_919 = tpu.memref_slice %dma_start3A_916[%dma_start3A_917, %dma_start3A_918] : memref<200x32xf32, #tpu.memory_space<vmem>> -> memref<80x32xf32, #tpu.memory_space<vmem>>
        %dma_start3A_920 = arith.constant 0 : i32
        %dma_start3A_921 = tpu.memref_slice %arg6[%dma_start3A_911, %dma_start3A_920] : memref<4x256xi32, #tpu.memory_space<vmem>> -> memref<1x256xi32, #tpu.memory_space<vmem>>
        %dma_start3A_922 = tpu.memref_squeeze %dma_start3A_921 : memref<1x256xi32, #tpu.memory_space<vmem>> -> memref<256xi32, #tpu.memory_space<vmem>>
        %dma_start3A_923 = arith.constant 80 : i32
        %dma_start3A_924 = tpu.memref_slice %dma_start3A_922[%dma_start3A_923] : memref<256xi32, #tpu.memory_space<vmem>> -> memref<80xi32, #tpu.memory_space<vmem>>
        %dma_start3A_925 = arith.constant 0 : i32
        %dma_start3A_926 = arith.constant 0 : i32
        %dma_start3A_927 = tpu.memref_slice %arg3[%dma_start3A_925, %dma_start3A_926] : memref<100000x32xf32, #tpu.memory_space<hbm>> -> memref<100000x32xf32, #tpu.memory_space<hbm>>
        tpu.enqueue_indirect_dma source(%dma_start3A_927 : memref<100000x32xf32, #tpu.memory_space<hbm>>) target(%dma_start3A_919 : memref<80x32xf32, #tpu.memory_space<vmem>>) offsets(%dma_start3A_924 : memref<80xi32, #tpu.memory_space<vmem>>) semaphore(%arg15 : memref<!tpu.dma_semaphore, #tpu.memory_space<semaphore_mem>>)
        %dma_start3A_928 = arith.constant 1 : i32
        %dma_start3A_929 = arith.constant 1 : i32
        %dma_start3A_930 = arith.constant 0 : i32
        %dma_start3A_931 = arith.constant 0 : i32
        %dma_start3A_932 = tpu.memref_slice %arg10[%dma_start3A_929, %dma_start3A_930, %dma_start3A_931] : memref<4x200x32xf32, #tpu.memory_space<vmem>> -> memref<1x200x32xf32, #tpu.memory_space<vmem>>
        %dma_start3A_933 = tpu.memref_squeeze %dma_start3A_932 : memref<1x200x32xf32, #tpu.memory_space<vmem>> -> memref<200x32xf32, #tpu.memory_space<vmem>>
        %dma_start3A_934 = arith.constant 160 : i32
        %dma_start3A_935 = arith.constant 0 : i32
        %dma_start3A_936 = tpu.memref_slice %dma_start3A_933[%dma_start3A_934, %dma_start3A_935] : memref<200x32xf32, #tpu.memory_space<vmem>> -> memref<40x32xf32, #tpu.memory_space<vmem>>
        %dma_start3A_937 = arith.constant 0 : i32
        %dma_start3A_938 = tpu.memref_slice %arg6[%dma_start3A_928, %dma_start3A_937] : memref<4x256xi32, #tpu.memory_space<vmem>> -> memref<1x256xi32, #tpu.memory_space<vmem>>
        %dma_start3A_939 = tpu.memref_squeeze %dma_start3A_938 : memref<1x256xi32, #tpu.memory_space<vmem>> -> memref<256xi32, #tpu.memory_space<vmem>>
        %dma_start3A_940 = arith.constant 160 : i32
        %dma_start3A_941 = tpu.memref_slice %dma_start3A_939[%dma_start3A_940] : memref<256xi32, #tpu.memory_space<vmem>> -> memref<40xi32, #tpu.memory_space<vmem>>
        %dma_start3A_942 = arith.constant 0 : i32
        %dma_start3A_943 = arith.constant 0 : i32
        %dma_start3A_944 = tpu.memref_slice %arg3[%dma_start3A_942, %dma_start3A_943] : memref<100000x32xf32, #tpu.memory_space<hbm>> -> memref<100000x32xf32, #tpu.memory_space<hbm>>
        tpu.enqueue_indirect_dma source(%dma_start3A_944 : memref<100000x32xf32, #tpu.memory_space<hbm>>) target(%dma_start3A_936 : memref<40x32xf32, #tpu.memory_space<vmem>>) offsets(%dma_start3A_941 : memref<40xi32, #tpu.memory_space<vmem>>) semaphore(%arg15 : memref<!tpu.dma_semaphore, #tpu.memory_space<semaphore_mem>>)
        %dma_start3A_945 = arith.constant 2 : i32
        %dma_start3A_946 = arith.constant 2 : i32
        %dma_start3A_947 = arith.constant 0 : i32
        %dma_start3A_948 = arith.constant 0 : i32
        %dma_start3A_949 = tpu.memref_slice %arg10[%dma_start3A_946, %dma_start3A_947, %dma_start3A_948] : memref<4x200x32xf32, #tpu.memory_space<vmem>> -> memref<1x200x32xf32, #tpu.memory_space<vmem>>
        %dma_start3A_950 = tpu.memref_squeeze %dma_start3A_949 : memref<1x200x32xf32, #tpu.memory_space<vmem>> -> memref<200x32xf32, #tpu.memory_space<vmem>>
        %dma_start3A_951 = arith.constant 0 : i32
        %dma_start3A_952 = arith.constant 0 : i32
        %dma_start3A_953 = tpu.memref_slice %dma_start3A_950[%dma_start3A_951, %dma_start3A_952] : memref<200x32xf32, #tpu.memory_space<vmem>> -> memref<80x32xf32, #tpu.memory_space<vmem>>
        %dma_start3A_954 = arith.constant 0 : i32
        %dma_start3A_955 = tpu.memref_slice %arg6[%dma_start3A_945, %dma_start3A_954] : memref<4x256xi32, #tpu.memory_space<vmem>> -> memref<1x256xi32, #tpu.memory_space<vmem>>
        %dma_start3A_956 = tpu.memref_squeeze %dma_start3A_955 : memref<1x256xi32, #tpu.memory_space<vmem>> -> memref<256xi32, #tpu.memory_space<vmem>>
        %dma_start3A_957 = arith.constant 0 : i32
        %dma_start3A_958 = tpu.memref_slice %dma_start3A_956[%dma_start3A_957] : memref<256xi32, #tpu.memory_space<vmem>> -> memref<80xi32, #tpu.memory_space<vmem>>
        %dma_start3A_959 = arith.constant 0 : i32
        %dma_start3A_960 = arith.constant 0 : i32
        %dma_start3A_961 = tpu.memref_slice %arg3[%dma_start3A_959, %dma_start3A_960] : memref<100000x32xf32, #tpu.memory_space<hbm>> -> memref<100000x32xf32, #tpu.memory_space<hbm>>
        tpu.enqueue_indirect_dma source(%dma_start3A_961 : memref<100000x32xf32, #tpu.memory_space<hbm>>) target(%dma_start3A_953 : memref<80x32xf32, #tpu.memory_space<vmem>>) offsets(%dma_start3A_958 : memref<80xi32, #tpu.memory_space<vmem>>) semaphore(%arg15 : memref<!tpu.dma_semaphore, #tpu.memory_space<semaphore_mem>>)
        %dma_start3A_962 = arith.constant 2 : i32
        %dma_start3A_963 = arith.constant 2 : i32
        %dma_start3A_964 = arith.constant 0 : i32
        %dma_start3A_965 = arith.constant 0 : i32
        %dma_start3A_966 = tpu.memref_slice %arg10[%dma_start3A_963, %dma_start3A_964, %dma_start3A_965] : memref<4x200x32xf32, #tpu.memory_space<vmem>> -> memref<1x200x32xf32, #tpu.memory_space<vmem>>
        %dma_start3A_967 = tpu.memref_squeeze %dma_start3A_966 : memref<1x200x32xf32, #tpu.memory_space<vmem>> -> memref<200x32xf32, #tpu.memory_space<vmem>>
        %dma_start3A_968 = arith.constant 80 : i32
        %dma_start3A_969 = arith.constant 0 : i32
        %dma_start3A_970 = tpu.memref_slice %dma_start3A_967[%dma_start3A_968, %dma_start3A_969] : memref<200x32xf32, #tpu.memory_space<vmem>> -> memref<80x32xf32, #tpu.memory_space<vmem>>
        %dma_start3A_971 = arith.constant 0 : i32
        %dma_start3A_972 = tpu.memref_slice %arg6[%dma_start3A_962, %dma_start3A_971] : memref<4x256xi32, #tpu.memory_space<vmem>> -> memref<1x256xi32, #tpu.memory_space<vmem>>
        %dma_start3A_973 = tpu.memref_squeeze %dma_start3A_972 : memref<1x256xi32, #tpu.memory_space<vmem>> -> memref<256xi32, #tpu.memory_space<vmem>>
        %dma_start3A_974 = arith.constant 80 : i32
        %dma_start3A_975 = tpu.memref_slice %dma_start3A_973[%dma_start3A_974] : memref<256xi32, #tpu.memory_space<vmem>> -> memref<80xi32, #tpu.memory_space<vmem>>
        %dma_start3A_976 = arith.constant 0 : i32
        %dma_start3A_977 = arith.constant 0 : i32
        %dma_start3A_978 = tpu.memref_slice %arg3[%dma_start3A_976, %dma_start3A_977] : memref<100000x32xf32, #tpu.memory_space<hbm>> -> memref<100000x32xf32, #tpu.memory_space<hbm>>
        tpu.enqueue_indirect_dma source(%dma_start3A_978 : memref<100000x32xf32, #tpu.memory_space<hbm>>) target(%dma_start3A_970 : memref<80x32xf32, #tpu.memory_space<vmem>>) offsets(%dma_start3A_975 : memref<80xi32, #tpu.memory_space<vmem>>) semaphore(%arg15 : memref<!tpu.dma_semaphore, #tpu.memory_space<semaphore_mem>>)
        %dma_start3A_979 = arith.constant 2 : i32
        %dma_start3A_980 = arith.constant 2 : i32
        %dma_start3A_981 = arith.constant 0 : i32
        %dma_start3A_982 = arith.constant 0 : i32
        %dma_start3A_983 = tpu.memref_slice %arg10[%dma_start3A_980, %dma_start3A_981, %dma_start3A_982] : memref<4x200x32xf32, #tpu.memory_space<vmem>> -> memref<1x200x32xf32, #tpu.memory_space<vmem>>
        %dma_start3A_984 = tpu.memref_squeeze %dma_start3A_983 : memref<1x200x32xf32, #tpu.memory_space<vmem>> -> memref<200x32xf32, #tpu.memory_space<vmem>>
        %dma_start3A_985 = arith.constant 160 : i32
        %dma_start3A_986 = arith.constant 0 : i32
        %dma_start3A_987 = tpu.memref_slice %dma_start3A_984[%dma_start3A_985, %dma_start3A_986] : memref<200x32xf32, #tpu.memory_space<vmem>> -> memref<40x32xf32, #tpu.memory_space<vmem>>
        %dma_start3A_988 = arith.constant 0 : i32
        %dma_start3A_989 = tpu.memref_slice %arg6[%dma_start3A_979, %dma_start3A_988] : memref<4x256xi32, #tpu.memory_space<vmem>> -> memref<1x256xi32, #tpu.memory_space<vmem>>
        %dma_start3A_990 = tpu.memref_squeeze %dma_start3A_989 : memref<1x256xi32, #tpu.memory_space<vmem>> -> memref<256xi32, #tpu.memory_space<vmem>>
        %dma_start3A_991 = arith.constant 160 : i32
        %dma_start3A_992 = tpu.memref_slice %dma_start3A_990[%dma_start3A_991] : memref<256xi32, #tpu.memory_space<vmem>> -> memref<40xi32, #tpu.memory_space<vmem>>
        %dma_start3A_993 = arith.constant 0 : i32
        %dma_start3A_994 = arith.constant 0 : i32
        %dma_start3A_995 = tpu.memref_slice %arg3[%dma_start3A_993, %dma_start3A_994] : memref<100000x32xf32, #tpu.memory_space<hbm>> -> memref<100000x32xf32, #tpu.memory_space<hbm>>
        tpu.enqueue_indirect_dma source(%dma_start3A_995 : memref<100000x32xf32, #tpu.memory_space<hbm>>) target(%dma_start3A_987 : memref<40x32xf32, #tpu.memory_space<vmem>>) offsets(%dma_start3A_992 : memref<40xi32, #tpu.memory_space<vmem>>) semaphore(%arg15 : memref<!tpu.dma_semaphore, #tpu.memory_space<semaphore_mem>>)
        %dma_start3A_996 = arith.constant 3 : i32
        %dma_start3A_997 = arith.constant 3 : i32
        %dma_start3A_998 = arith.constant 0 : i32
        %dma_start3A_999 = arith.constant 0 : i32
        %dma_start3A_1000 = tpu.memref_slice %arg10[%dma_start3A_997, %dma_start3A_998, %dma_start3A_999] : memref<4x200x32xf32, #tpu.memory_space<vmem>> -> memref<1x200x32xf32, #tpu.memory_space<vmem>>
        %dma_start3A_1001 = tpu.memref_squeeze %dma_start3A_1000 : memref<1x200x32xf32, #tpu.memory_space<vmem>> -> memref<200x32xf32, #tpu.memory_space<vmem>>
        %dma_start3A_1002 = arith.constant 0 : i32
        %dma_start3A_1003 = arith.constant 0 : i32
        %dma_start3A_1004 = tpu.memref_slice %dma_start3A_1001[%dma_start3A_1002, %dma_start3A_1003] : memref<200x32xf32, #tpu.memory_space<vmem>> -> memref<80x32xf32, #tpu.memory_space<vmem>>
        %dma_start3A_1005 = arith.constant 0 : i32
        %dma_start3A_1006 = tpu.memref_slice %arg6[%dma_start3A_996, %dma_start3A_1005] : memref<4x256xi32, #tpu.memory_space<vmem>> -> memref<1x256xi32, #tpu.memory_space<vmem>>
        %dma_start3A_1007 = tpu.memref_squeeze %dma_start3A_1006 : memref<1x256xi32, #tpu.memory_space<vmem>> -> memref<256xi32, #tpu.memory_space<vmem>>
        %dma_start3A_1008 = arith.constant 0 : i32
        %dma_start3A_1009 = tpu.memref_slice %dma_start3A_1007[%dma_start3A_1008] : memref<256xi32, #tpu.memory_space<vmem>> -> memref<80xi32, #tpu.memory_space<vmem>>
        %dma_start3A_1010 = arith.constant 0 : i32
        %dma_start3A_1011 = arith.constant 0 : i32
        %dma_start3A_1012 = tpu.memref_slice %arg3[%dma_start3A_1010, %dma_start3A_1011] : memref<100000x32xf32, #tpu.memory_space<hbm>> -> memref<100000x32xf32, #tpu.memory_space<hbm>>
        tpu.enqueue_indirect_dma source(%dma_start3A_1012 : memref<100000x32xf32, #tpu.memory_space<hbm>>) target(%dma_start3A_1004 : memref<80x32xf32, #tpu.memory_space<vmem>>) offsets(%dma_start3A_1009 : memref<80xi32, #tpu.memory_space<vmem>>) semaphore(%arg15 : memref<!tpu.dma_semaphore, #tpu.memory_space<semaphore_mem>>)
        %dma_start3A_1013 = arith.constant 3 : i32
        %dma_start3A_1014 = arith.constant 3 : i32
        %dma_start3A_1015 = arith.constant 0 : i32
        %dma_start3A_1016 = arith.constant 0 : i32
        %dma_start3A_1017 = tpu.memref_slice %arg10[%dma_start3A_1014, %dma_start3A_1015, %dma_start3A_1016] : memref<4x200x32xf32, #tpu.memory_space<vmem>> -> memref<1x200x32xf32, #tpu.memory_space<vmem>>
        %dma_start3A_1018 = tpu.memref_squeeze %dma_start3A_1017 : memref<1x200x32xf32, #tpu.memory_space<vmem>> -> memref<200x32xf32, #tpu.memory_space<vmem>>
        %dma_start3A_1019 = arith.constant 80 : i32
        %dma_start3A_1020 = arith.constant 0 : i32
        %dma_start3A_1021 = tpu.memref_slice %dma_start3A_1018[%dma_start3A_1019, %dma_start3A_1020] : memref<200x32xf32, #tpu.memory_space<vmem>> -> memref<80x32xf32, #tpu.memory_space<vmem>>
        %dma_start3A_1022 = arith.constant 0 : i32
        %dma_start3A_1023 = tpu.memref_slice %arg6[%dma_start3A_1013, %dma_start3A_1022] : memref<4x256xi32, #tpu.memory_space<vmem>> -> memref<1x256xi32, #tpu.memory_space<vmem>>
        %dma_start3A_1024 = tpu.memref_squeeze %dma_start3A_1023 : memref<1x256xi32, #tpu.memory_space<vmem>> -> memref<256xi32, #tpu.memory_space<vmem>>
        %dma_start3A_1025 = arith.constant 80 : i32
        %dma_start3A_1026 = tpu.memref_slice %dma_start3A_1024[%dma_start3A_1025] : memref<256xi32, #tpu.memory_space<vmem>> -> memref<80xi32, #tpu.memory_space<vmem>>
        %dma_start3A_1027 = arith.constant 0 : i32
        %dma_start3A_1028 = arith.constant 0 : i32
        %dma_start3A_1029 = tpu.memref_slice %arg3[%dma_start3A_1027, %dma_start3A_1028] : memref<100000x32xf32, #tpu.memory_space<hbm>> -> memref<100000x32xf32, #tpu.memory_space<hbm>>
        tpu.enqueue_indirect_dma source(%dma_start3A_1029 : memref<100000x32xf32, #tpu.memory_space<hbm>>) target(%dma_start3A_1021 : memref<80x32xf32, #tpu.memory_space<vmem>>) offsets(%dma_start3A_1026 : memref<80xi32, #tpu.memory_space<vmem>>) semaphore(%arg15 : memref<!tpu.dma_semaphore, #tpu.memory_space<semaphore_mem>>)
        %dma_start3A_1030 = arith.constant 3 : i32
        %dma_start3A_1031 = arith.constant 3 : i32
        %dma_start3A_1032 = arith.constant 0 : i32
        %dma_start3A_1033 = arith.constant 0 : i32
        %dma_start3A_1034 = tpu.memref_slice %arg10[%dma_start3A_1031, %dma_start3A_1032, %dma_start3A_1033] : memref<4x200x32xf32, #tpu.memory_space<vmem>> -> memref<1x200x32xf32, #tpu.memory_space<vmem>>
        %dma_start3A_1035 = tpu.memref_squeeze %dma_start3A_1034 : memref<1x200x32xf32, #tpu.memory_space<vmem>> -> memref<200x32xf32, #tpu.memory_space<vmem>>
        %dma_start3A_1036 = arith.constant 160 : i32
        %dma_start3A_1037 = arith.constant 0 : i32
        %dma_start3A_1038 = tpu.memref_slice %dma_start3A_1035[%dma_start3A_1036, %dma_start3A_1037] : memref<200x32xf32, #tpu.memory_space<vmem>> -> memref<40x32xf32, #tpu.memory_space<vmem>>
        %dma_start3A_1039 = arith.constant 0 : i32
        %dma_start3A_1040 = tpu.memref_slice %arg6[%dma_start3A_1030, %dma_start3A_1039] : memref<4x256xi32, #tpu.memory_space<vmem>> -> memref<1x256xi32, #tpu.memory_space<vmem>>
        %dma_start3A_1041 = tpu.memref_squeeze %dma_start3A_1040 : memref<1x256xi32, #tpu.memory_space<vmem>> -> memref<256xi32, #tpu.memory_space<vmem>>
        %dma_start3A_1042 = arith.constant 160 : i32
        %dma_start3A_1043 = tpu.memref_slice %dma_start3A_1041[%dma_start3A_1042] : memref<256xi32, #tpu.memory_space<vmem>> -> memref<40xi32, #tpu.memory_space<vmem>>
        %dma_start3A_1044 = arith.constant 0 : i32
        %dma_start3A_1045 = arith.constant 0 : i32
        %dma_start3A_1046 = tpu.memref_slice %arg3[%dma_start3A_1044, %dma_start3A_1045] : memref<100000x32xf32, #tpu.memory_space<hbm>> -> memref<100000x32xf32, #tpu.memory_space<hbm>>
        tpu.enqueue_indirect_dma source(%dma_start3A_1046 : memref<100000x32xf32, #tpu.memory_space<hbm>>) target(%dma_start3A_1038 : memref<40x32xf32, #tpu.memory_space<vmem>>) offsets(%dma_start3A_1043 : memref<40xi32, #tpu.memory_space<vmem>>) semaphore(%arg15 : memref<!tpu.dma_semaphore, #tpu.memory_space<semaphore_mem>>)
      } else {
      }
      %lt3A_711 = arith.constant 32 : i32
      %lt3A_712 = arith.cmpi slt, %add3A_702, %lt3A_711 : i32
      %lt3A_713 = arith.constant 1 : i32
      %lt3A_714 = arith.cmpi slt, %add3A_700, %lt3A_713 : i32
      %and3A_715 = arith.andi %lt3A_712, %lt3A_714 : i1
      %convert_element_type3A_716 = arith.extui %and3A_715 : i1 to i32
      %cond3A_717 = arith.constant 0 : i32
      %cond3A_718 = arith.cmpi ne, %convert_element_type3A_716, %cond3A_717 : i32
      scf.if %cond3A_718 {
        %mul3A_832 = arith.constant 4 : i32
        %mul3A_833 = arith.muli %add3A_702, %mul3A_832 : i32
        %add3A_834 = arith.addi %mul3A_2, %mul3A_833 : i32
        "tpu.region"() ({
          %run_scoped3A = tpu.sem_alloc : memref<!tpu.dma_semaphore, #tpu.memory_space<semaphore_mem>>
          %dma_start3A_1039 = arith.constant 0 : i32
          %dma_start3A_1040 = tpu.memref_slice %arg2[%add3A_834, %dma_start3A_1039] : memref<4096x256xi32, #tpu.memory_space<hbm>> -> memref<4x256xi32, #tpu.memory_space<hbm>>
          %dma_start3A_1041 = arith.constant 0 : i32
          %dma_start3A_1042 = tpu.memref_slice %arg2[%add3A_834, %dma_start3A_1041] : memref<4096x256xi32, #tpu.memory_space<hbm>> -> memref<4x256xi32, #tpu.memory_space<hbm>>
          tpu.enqueue_dma source(%dma_start3A_1042 : memref<4x256xi32, #tpu.memory_space<hbm>>) target(%arg6 : memref<4x256xi32, #tpu.memory_space<vmem>>) target_semaphore(%run_scoped3A : memref<!tpu.dma_semaphore, #tpu.memory_space<semaphore_mem>>)
          %dma_wait3A_1043 = arith.constant 0 : i32
          %dma_wait3A_1044 = tpu.memref_slice %arg2[%add3A_834, %dma_wait3A_1043] : memref<4096x256xi32, #tpu.memory_space<hbm>> -> memref<4x256xi32, #tpu.memory_space<hbm>>
          %dma_wait3A_1045 = arith.constant 0 : i32
          %dma_wait3A_1046 = tpu.memref_slice %arg2[%add3A_834, %dma_wait3A_1045] : memref<4096x256xi32, #tpu.memory_space<hbm>> -> memref<4x256xi32, #tpu.memory_space<hbm>>
          tpu.wait_dma2 semaphore(%run_scoped3A : memref<!tpu.dma_semaphore, #tpu.memory_space<semaphore_mem>>) src(%dma_wait3A_1046 : memref<4x256xi32, #tpu.memory_space<hbm>>) dst(%arg6 : memref<4x256xi32, #tpu.memory_space<vmem>>)
          tpu.yield
        }) : () -> ()
        %dma_start3A_835 = arith.constant 0 : i32
        %dma_start3A_836 = arith.constant 0 : i32
        %dma_start3A_837 = arith.constant 0 : i32
        %dma_start3A_838 = arith.constant 0 : i32
        %dma_start3A_839 = tpu.memref_slice %arg10[%dma_start3A_836, %dma_start3A_837, %dma_start3A_838] : memref<4x200x32xf32, #tpu.memory_space<vmem>> -> memref<1x200x32xf32, #tpu.memory_space<vmem>>
        %dma_start3A_840 = tpu.memref_squeeze %dma_start3A_839 : memref<1x200x32xf32, #tpu.memory_space<vmem>> -> memref<200x32xf32, #tpu.memory_space<vmem>>
        %dma_start3A_841 = arith.constant 0 : i32
        %dma_start3A_842 = arith.constant 0 : i32
        %dma_start3A_843 = tpu.memref_slice %dma_start3A_840[%dma_start3A_841, %dma_start3A_842] : memref<200x32xf32, #tpu.memory_space<vmem>> -> memref<80x32xf32, #tpu.memory_space<vmem>>
        %dma_start3A_844 = arith.constant 0 : i32
        %dma_start3A_845 = tpu.memref_slice %arg6[%dma_start3A_835, %dma_start3A_844] : memref<4x256xi32, #tpu.memory_space<vmem>> -> memref<1x256xi32, #tpu.memory_space<vmem>>
        %dma_start3A_846 = tpu.memref_squeeze %dma_start3A_845 : memref<1x256xi32, #tpu.memory_space<vmem>> -> memref<256xi32, #tpu.memory_space<vmem>>
        %dma_start3A_847 = arith.constant 0 : i32
        %dma_start3A_848 = tpu.memref_slice %dma_start3A_846[%dma_start3A_847] : memref<256xi32, #tpu.memory_space<vmem>> -> memref<80xi32, #tpu.memory_space<vmem>>
        %dma_start3A_849 = arith.constant 0 : i32
        %dma_start3A_850 = arith.constant 0 : i32
        %dma_start3A_851 = tpu.memref_slice %arg3[%dma_start3A_849, %dma_start3A_850] : memref<100000x32xf32, #tpu.memory_space<hbm>> -> memref<100000x32xf32, #tpu.memory_space<hbm>>
        tpu.enqueue_indirect_dma source(%dma_start3A_851 : memref<100000x32xf32, #tpu.memory_space<hbm>>) target(%dma_start3A_843 : memref<80x32xf32, #tpu.memory_space<vmem>>) offsets(%dma_start3A_848 : memref<80xi32, #tpu.memory_space<vmem>>) semaphore(%arg15 : memref<!tpu.dma_semaphore, #tpu.memory_space<semaphore_mem>>)
        %dma_start3A_852 = arith.constant 0 : i32
        %dma_start3A_853 = arith.constant 0 : i32
        %dma_start3A_854 = arith.constant 0 : i32
        %dma_start3A_855 = arith.constant 0 : i32
        %dma_start3A_856 = tpu.memref_slice %arg10[%dma_start3A_853, %dma_start3A_854, %dma_start3A_855] : memref<4x200x32xf32, #tpu.memory_space<vmem>> -> memref<1x200x32xf32, #tpu.memory_space<vmem>>
        %dma_start3A_857 = tpu.memref_squeeze %dma_start3A_856 : memref<1x200x32xf32, #tpu.memory_space<vmem>> -> memref<200x32xf32, #tpu.memory_space<vmem>>
        %dma_start3A_858 = arith.constant 80 : i32
        %dma_start3A_859 = arith.constant 0 : i32
        %dma_start3A_860 = tpu.memref_slice %dma_start3A_857[%dma_start3A_858, %dma_start3A_859] : memref<200x32xf32, #tpu.memory_space<vmem>> -> memref<80x32xf32, #tpu.memory_space<vmem>>
        %dma_start3A_861 = arith.constant 0 : i32
        %dma_start3A_862 = tpu.memref_slice %arg6[%dma_start3A_852, %dma_start3A_861] : memref<4x256xi32, #tpu.memory_space<vmem>> -> memref<1x256xi32, #tpu.memory_space<vmem>>
        %dma_start3A_863 = tpu.memref_squeeze %dma_start3A_862 : memref<1x256xi32, #tpu.memory_space<vmem>> -> memref<256xi32, #tpu.memory_space<vmem>>
        %dma_start3A_864 = arith.constant 80 : i32
        %dma_start3A_865 = tpu.memref_slice %dma_start3A_863[%dma_start3A_864] : memref<256xi32, #tpu.memory_space<vmem>> -> memref<80xi32, #tpu.memory_space<vmem>>
        %dma_start3A_866 = arith.constant 0 : i32
        %dma_start3A_867 = arith.constant 0 : i32
        %dma_start3A_868 = tpu.memref_slice %arg3[%dma_start3A_866, %dma_start3A_867] : memref<100000x32xf32, #tpu.memory_space<hbm>> -> memref<100000x32xf32, #tpu.memory_space<hbm>>
        tpu.enqueue_indirect_dma source(%dma_start3A_868 : memref<100000x32xf32, #tpu.memory_space<hbm>>) target(%dma_start3A_860 : memref<80x32xf32, #tpu.memory_space<vmem>>) offsets(%dma_start3A_865 : memref<80xi32, #tpu.memory_space<vmem>>) semaphore(%arg15 : memref<!tpu.dma_semaphore, #tpu.memory_space<semaphore_mem>>)
        %dma_start3A_869 = arith.constant 0 : i32
        %dma_start3A_870 = arith.constant 0 : i32
        %dma_start3A_871 = arith.constant 0 : i32
        %dma_start3A_872 = arith.constant 0 : i32
        %dma_start3A_873 = tpu.memref_slice %arg10[%dma_start3A_870, %dma_start3A_871, %dma_start3A_872] : memref<4x200x32xf32, #tpu.memory_space<vmem>> -> memref<1x200x32xf32, #tpu.memory_space<vmem>>
        %dma_start3A_874 = tpu.memref_squeeze %dma_start3A_873 : memref<1x200x32xf32, #tpu.memory_space<vmem>> -> memref<200x32xf32, #tpu.memory_space<vmem>>
        %dma_start3A_875 = arith.constant 160 : i32
        %dma_start3A_876 = arith.constant 0 : i32
        %dma_start3A_877 = tpu.memref_slice %dma_start3A_874[%dma_start3A_875, %dma_start3A_876] : memref<200x32xf32, #tpu.memory_space<vmem>> -> memref<40x32xf32, #tpu.memory_space<vmem>>
        %dma_start3A_878 = arith.constant 0 : i32
        %dma_start3A_879 = tpu.memref_slice %arg6[%dma_start3A_869, %dma_start3A_878] : memref<4x256xi32, #tpu.memory_space<vmem>> -> memref<1x256xi32, #tpu.memory_space<vmem>>
        %dma_start3A_880 = tpu.memref_squeeze %dma_start3A_879 : memref<1x256xi32, #tpu.memory_space<vmem>> -> memref<256xi32, #tpu.memory_space<vmem>>
        %dma_start3A_881 = arith.constant 160 : i32
        %dma_start3A_882 = tpu.memref_slice %dma_start3A_880[%dma_start3A_881] : memref<256xi32, #tpu.memory_space<vmem>> -> memref<40xi32, #tpu.memory_space<vmem>>
        %dma_start3A_883 = arith.constant 0 : i32
        %dma_start3A_884 = arith.constant 0 : i32
        %dma_start3A_885 = tpu.memref_slice %arg3[%dma_start3A_883, %dma_start3A_884] : memref<100000x32xf32, #tpu.memory_space<hbm>> -> memref<100000x32xf32, #tpu.memory_space<hbm>>
        tpu.enqueue_indirect_dma source(%dma_start3A_885 : memref<100000x32xf32, #tpu.memory_space<hbm>>) target(%dma_start3A_877 : memref<40x32xf32, #tpu.memory_space<vmem>>) offsets(%dma_start3A_882 : memref<40xi32, #tpu.memory_space<vmem>>) semaphore(%arg15 : memref<!tpu.dma_semaphore, #tpu.memory_space<semaphore_mem>>)
        %dma_start3A_886 = arith.constant 1 : i32
        %dma_start3A_887 = arith.constant 1 : i32
        %dma_start3A_888 = arith.constant 0 : i32
        %dma_start3A_889 = arith.constant 0 : i32
        %dma_start3A_890 = tpu.memref_slice %arg10[%dma_start3A_887, %dma_start3A_888, %dma_start3A_889] : memref<4x200x32xf32, #tpu.memory_space<vmem>> -> memref<1x200x32xf32, #tpu.memory_space<vmem>>
        %dma_start3A_891 = tpu.memref_squeeze %dma_start3A_890 : memref<1x200x32xf32, #tpu.memory_space<vmem>> -> memref<200x32xf32, #tpu.memory_space<vmem>>
        %dma_start3A_892 = arith.constant 0 : i32
        %dma_start3A_893 = arith.constant 0 : i32
        %dma_start3A_894 = tpu.memref_slice %dma_start3A_891[%dma_start3A_892, %dma_start3A_893] : memref<200x32xf32, #tpu.memory_space<vmem>> -> memref<80x32xf32, #tpu.memory_space<vmem>>
        %dma_start3A_895 = arith.constant 0 : i32
        %dma_start3A_896 = tpu.memref_slice %arg6[%dma_start3A_886, %dma_start3A_895] : memref<4x256xi32, #tpu.memory_space<vmem>> -> memref<1x256xi32, #tpu.memory_space<vmem>>
        %dma_start3A_897 = tpu.memref_squeeze %dma_start3A_896 : memref<1x256xi32, #tpu.memory_space<vmem>> -> memref<256xi32, #tpu.memory_space<vmem>>
        %dma_start3A_898 = arith.constant 0 : i32
        %dma_start3A_899 = tpu.memref_slice %dma_start3A_897[%dma_start3A_898] : memref<256xi32, #tpu.memory_space<vmem>> -> memref<80xi32, #tpu.memory_space<vmem>>
        %dma_start3A_900 = arith.constant 0 : i32
        %dma_start3A_901 = arith.constant 0 : i32
        %dma_start3A_902 = tpu.memref_slice %arg3[%dma_start3A_900, %dma_start3A_901] : memref<100000x32xf32, #tpu.memory_space<hbm>> -> memref<100000x32xf32, #tpu.memory_space<hbm>>
        tpu.enqueue_indirect_dma source(%dma_start3A_902 : memref<100000x32xf32, #tpu.memory_space<hbm>>) target(%dma_start3A_894 : memref<80x32xf32, #tpu.memory_space<vmem>>) offsets(%dma_start3A_899 : memref<80xi32, #tpu.memory_space<vmem>>) semaphore(%arg15 : memref<!tpu.dma_semaphore, #tpu.memory_space<semaphore_mem>>)
        %dma_start3A_903 = arith.constant 1 : i32
        %dma_start3A_904 = arith.constant 1 : i32
        %dma_start3A_905 = arith.constant 0 : i32
        %dma_start3A_906 = arith.constant 0 : i32
        %dma_start3A_907 = tpu.memref_slice %arg10[%dma_start3A_904, %dma_start3A_905, %dma_start3A_906] : memref<4x200x32xf32, #tpu.memory_space<vmem>> -> memref<1x200x32xf32, #tpu.memory_space<vmem>>
        %dma_start3A_908 = tpu.memref_squeeze %dma_start3A_907 : memref<1x200x32xf32, #tpu.memory_space<vmem>> -> memref<200x32xf32, #tpu.memory_space<vmem>>
        %dma_start3A_909 = arith.constant 80 : i32
        %dma_start3A_910 = arith.constant 0 : i32
        %dma_start3A_911 = tpu.memref_slice %dma_start3A_908[%dma_start3A_909, %dma_start3A_910] : memref<200x32xf32, #tpu.memory_space<vmem>> -> memref<80x32xf32, #tpu.memory_space<vmem>>
        %dma_start3A_912 = arith.constant 0 : i32
        %dma_start3A_913 = tpu.memref_slice %arg6[%dma_start3A_903, %dma_start3A_912] : memref<4x256xi32, #tpu.memory_space<vmem>> -> memref<1x256xi32, #tpu.memory_space<vmem>>
        %dma_start3A_914 = tpu.memref_squeeze %dma_start3A_913 : memref<1x256xi32, #tpu.memory_space<vmem>> -> memref<256xi32, #tpu.memory_space<vmem>>
        %dma_start3A_915 = arith.constant 80 : i32
        %dma_start3A_916 = tpu.memref_slice %dma_start3A_914[%dma_start3A_915] : memref<256xi32, #tpu.memory_space<vmem>> -> memref<80xi32, #tpu.memory_space<vmem>>
        %dma_start3A_917 = arith.constant 0 : i32
        %dma_start3A_918 = arith.constant 0 : i32
        %dma_start3A_919 = tpu.memref_slice %arg3[%dma_start3A_917, %dma_start3A_918] : memref<100000x32xf32, #tpu.memory_space<hbm>> -> memref<100000x32xf32, #tpu.memory_space<hbm>>
        tpu.enqueue_indirect_dma source(%dma_start3A_919 : memref<100000x32xf32, #tpu.memory_space<hbm>>) target(%dma_start3A_911 : memref<80x32xf32, #tpu.memory_space<vmem>>) offsets(%dma_start3A_916 : memref<80xi32, #tpu.memory_space<vmem>>) semaphore(%arg15 : memref<!tpu.dma_semaphore, #tpu.memory_space<semaphore_mem>>)
        %dma_start3A_920 = arith.constant 1 : i32
        %dma_start3A_921 = arith.constant 1 : i32
        %dma_start3A_922 = arith.constant 0 : i32
        %dma_start3A_923 = arith.constant 0 : i32
        %dma_start3A_924 = tpu.memref_slice %arg10[%dma_start3A_921, %dma_start3A_922, %dma_start3A_923] : memref<4x200x32xf32, #tpu.memory_space<vmem>> -> memref<1x200x32xf32, #tpu.memory_space<vmem>>
        %dma_start3A_925 = tpu.memref_squeeze %dma_start3A_924 : memref<1x200x32xf32, #tpu.memory_space<vmem>> -> memref<200x32xf32, #tpu.memory_space<vmem>>
        %dma_start3A_926 = arith.constant 160 : i32
        %dma_start3A_927 = arith.constant 0 : i32
        %dma_start3A_928 = tpu.memref_slice %dma_start3A_925[%dma_start3A_926, %dma_start3A_927] : memref<200x32xf32, #tpu.memory_space<vmem>> -> memref<40x32xf32, #tpu.memory_space<vmem>>
        %dma_start3A_929 = arith.constant 0 : i32
        %dma_start3A_930 = tpu.memref_slice %arg6[%dma_start3A_920, %dma_start3A_929] : memref<4x256xi32, #tpu.memory_space<vmem>> -> memref<1x256xi32, #tpu.memory_space<vmem>>
        %dma_start3A_931 = tpu.memref_squeeze %dma_start3A_930 : memref<1x256xi32, #tpu.memory_space<vmem>> -> memref<256xi32, #tpu.memory_space<vmem>>
        %dma_start3A_932 = arith.constant 160 : i32
        %dma_start3A_933 = tpu.memref_slice %dma_start3A_931[%dma_start3A_932] : memref<256xi32, #tpu.memory_space<vmem>> -> memref<40xi32, #tpu.memory_space<vmem>>
        %dma_start3A_934 = arith.constant 0 : i32
        %dma_start3A_935 = arith.constant 0 : i32
        %dma_start3A_936 = tpu.memref_slice %arg3[%dma_start3A_934, %dma_start3A_935] : memref<100000x32xf32, #tpu.memory_space<hbm>> -> memref<100000x32xf32, #tpu.memory_space<hbm>>
        tpu.enqueue_indirect_dma source(%dma_start3A_936 : memref<100000x32xf32, #tpu.memory_space<hbm>>) target(%dma_start3A_928 : memref<40x32xf32, #tpu.memory_space<vmem>>) offsets(%dma_start3A_933 : memref<40xi32, #tpu.memory_space<vmem>>) semaphore(%arg15 : memref<!tpu.dma_semaphore, #tpu.memory_space<semaphore_mem>>)
        %dma_start3A_937 = arith.constant 2 : i32
        %dma_start3A_938 = arith.constant 2 : i32
        %dma_start3A_939 = arith.constant 0 : i32
        %dma_start3A_940 = arith.constant 0 : i32
        %dma_start3A_941 = tpu.memref_slice %arg10[%dma_start3A_938, %dma_start3A_939, %dma_start3A_940] : memref<4x200x32xf32, #tpu.memory_space<vmem>> -> memref<1x200x32xf32, #tpu.memory_space<vmem>>
        %dma_start3A_942 = tpu.memref_squeeze %dma_start3A_941 : memref<1x200x32xf32, #tpu.memory_space<vmem>> -> memref<200x32xf32, #tpu.memory_space<vmem>>
        %dma_start3A_943 = arith.constant 0 : i32
        %dma_start3A_944 = arith.constant 0 : i32
        %dma_start3A_945 = tpu.memref_slice %dma_start3A_942[%dma_start3A_943, %dma_start3A_944] : memref<200x32xf32, #tpu.memory_space<vmem>> -> memref<80x32xf32, #tpu.memory_space<vmem>>
        %dma_start3A_946 = arith.constant 0 : i32
        %dma_start3A_947 = tpu.memref_slice %arg6[%dma_start3A_937, %dma_start3A_946] : memref<4x256xi32, #tpu.memory_space<vmem>> -> memref<1x256xi32, #tpu.memory_space<vmem>>
        %dma_start3A_948 = tpu.memref_squeeze %dma_start3A_947 : memref<1x256xi32, #tpu.memory_space<vmem>> -> memref<256xi32, #tpu.memory_space<vmem>>
        %dma_start3A_949 = arith.constant 0 : i32
        %dma_start3A_950 = tpu.memref_slice %dma_start3A_948[%dma_start3A_949] : memref<256xi32, #tpu.memory_space<vmem>> -> memref<80xi32, #tpu.memory_space<vmem>>
        %dma_start3A_951 = arith.constant 0 : i32
        %dma_start3A_952 = arith.constant 0 : i32
        %dma_start3A_953 = tpu.memref_slice %arg3[%dma_start3A_951, %dma_start3A_952] : memref<100000x32xf32, #tpu.memory_space<hbm>> -> memref<100000x32xf32, #tpu.memory_space<hbm>>
        tpu.enqueue_indirect_dma source(%dma_start3A_953 : memref<100000x32xf32, #tpu.memory_space<hbm>>) target(%dma_start3A_945 : memref<80x32xf32, #tpu.memory_space<vmem>>) offsets(%dma_start3A_950 : memref<80xi32, #tpu.memory_space<vmem>>) semaphore(%arg15 : memref<!tpu.dma_semaphore, #tpu.memory_space<semaphore_mem>>)
        %dma_start3A_954 = arith.constant 2 : i32
        %dma_start3A_955 = arith.constant 2 : i32
        %dma_start3A_956 = arith.constant 0 : i32
        %dma_start3A_957 = arith.constant 0 : i32
        %dma_start3A_958 = tpu.memref_slice %arg10[%dma_start3A_955, %dma_start3A_956, %dma_start3A_957] : memref<4x200x32xf32, #tpu.memory_space<vmem>> -> memref<1x200x32xf32, #tpu.memory_space<vmem>>
        %dma_start3A_959 = tpu.memref_squeeze %dma_start3A_958 : memref<1x200x32xf32, #tpu.memory_space<vmem>> -> memref<200x32xf32, #tpu.memory_space<vmem>>
        %dma_start3A_960 = arith.constant 80 : i32
        %dma_start3A_961 = arith.constant 0 : i32
        %dma_start3A_962 = tpu.memref_slice %dma_start3A_959[%dma_start3A_960, %dma_start3A_961] : memref<200x32xf32, #tpu.memory_space<vmem>> -> memref<80x32xf32, #tpu.memory_space<vmem>>
        %dma_start3A_963 = arith.constant 0 : i32
        %dma_start3A_964 = tpu.memref_slice %arg6[%dma_start3A_954, %dma_start3A_963] : memref<4x256xi32, #tpu.memory_space<vmem>> -> memref<1x256xi32, #tpu.memory_space<vmem>>
        %dma_start3A_965 = tpu.memref_squeeze %dma_start3A_964 : memref<1x256xi32, #tpu.memory_space<vmem>> -> memref<256xi32, #tpu.memory_space<vmem>>
        %dma_start3A_966 = arith.constant 80 : i32
        %dma_start3A_967 = tpu.memref_slice %dma_start3A_965[%dma_start3A_966] : memref<256xi32, #tpu.memory_space<vmem>> -> memref<80xi32, #tpu.memory_space<vmem>>
        %dma_start3A_968 = arith.constant 0 : i32
        %dma_start3A_969 = arith.constant 0 : i32
        %dma_start3A_970 = tpu.memref_slice %arg3[%dma_start3A_968, %dma_start3A_969] : memref<100000x32xf32, #tpu.memory_space<hbm>> -> memref<100000x32xf32, #tpu.memory_space<hbm>>
        tpu.enqueue_indirect_dma source(%dma_start3A_970 : memref<100000x32xf32, #tpu.memory_space<hbm>>) target(%dma_start3A_962 : memref<80x32xf32, #tpu.memory_space<vmem>>) offsets(%dma_start3A_967 : memref<80xi32, #tpu.memory_space<vmem>>) semaphore(%arg15 : memref<!tpu.dma_semaphore, #tpu.memory_space<semaphore_mem>>)
        %dma_start3A_971 = arith.constant 2 : i32
        %dma_start3A_972 = arith.constant 2 : i32
        %dma_start3A_973 = arith.constant 0 : i32
        %dma_start3A_974 = arith.constant 0 : i32
        %dma_start3A_975 = tpu.memref_slice %arg10[%dma_start3A_972, %dma_start3A_973, %dma_start3A_974] : memref<4x200x32xf32, #tpu.memory_space<vmem>> -> memref<1x200x32xf32, #tpu.memory_space<vmem>>
        %dma_start3A_976 = tpu.memref_squeeze %dma_start3A_975 : memref<1x200x32xf32, #tpu.memory_space<vmem>> -> memref<200x32xf32, #tpu.memory_space<vmem>>
        %dma_start3A_977 = arith.constant 160 : i32
        %dma_start3A_978 = arith.constant 0 : i32
        %dma_start3A_979 = tpu.memref_slice %dma_start3A_976[%dma_start3A_977, %dma_start3A_978] : memref<200x32xf32, #tpu.memory_space<vmem>> -> memref<40x32xf32, #tpu.memory_space<vmem>>
        %dma_start3A_980 = arith.constant 0 : i32
        %dma_start3A_981 = tpu.memref_slice %arg6[%dma_start3A_971, %dma_start3A_980] : memref<4x256xi32, #tpu.memory_space<vmem>> -> memref<1x256xi32, #tpu.memory_space<vmem>>
        %dma_start3A_982 = tpu.memref_squeeze %dma_start3A_981 : memref<1x256xi32, #tpu.memory_space<vmem>> -> memref<256xi32, #tpu.memory_space<vmem>>
        %dma_start3A_983 = arith.constant 160 : i32
        %dma_start3A_984 = tpu.memref_slice %dma_start3A_982[%dma_start3A_983] : memref<256xi32, #tpu.memory_space<vmem>> -> memref<40xi32, #tpu.memory_space<vmem>>
        %dma_start3A_985 = arith.constant 0 : i32
        %dma_start3A_986 = arith.constant 0 : i32
        %dma_start3A_987 = tpu.memref_slice %arg3[%dma_start3A_985, %dma_start3A_986] : memref<100000x32xf32, #tpu.memory_space<hbm>> -> memref<100000x32xf32, #tpu.memory_space<hbm>>
        tpu.enqueue_indirect_dma source(%dma_start3A_987 : memref<100000x32xf32, #tpu.memory_space<hbm>>) target(%dma_start3A_979 : memref<40x32xf32, #tpu.memory_space<vmem>>) offsets(%dma_start3A_984 : memref<40xi32, #tpu.memory_space<vmem>>) semaphore(%arg15 : memref<!tpu.dma_semaphore, #tpu.memory_space<semaphore_mem>>)
        %dma_start3A_988 = arith.constant 3 : i32
        %dma_start3A_989 = arith.constant 3 : i32
        %dma_start3A_990 = arith.constant 0 : i32
        %dma_start3A_991 = arith.constant 0 : i32
        %dma_start3A_992 = tpu.memref_slice %arg10[%dma_start3A_989, %dma_start3A_990, %dma_start3A_991] : memref<4x200x32xf32, #tpu.memory_space<vmem>> -> memref<1x200x32xf32, #tpu.memory_space<vmem>>
        %dma_start3A_993 = tpu.memref_squeeze %dma_start3A_992 : memref<1x200x32xf32, #tpu.memory_space<vmem>> -> memref<200x32xf32, #tpu.memory_space<vmem>>
        %dma_start3A_994 = arith.constant 0 : i32
        %dma_start3A_995 = arith.constant 0 : i32
        %dma_start3A_996 = tpu.memref_slice %dma_start3A_993[%dma_start3A_994, %dma_start3A_995] : memref<200x32xf32, #tpu.memory_space<vmem>> -> memref<80x32xf32, #tpu.memory_space<vmem>>
        %dma_start3A_997 = arith.constant 0 : i32
        %dma_start3A_998 = tpu.memref_slice %arg6[%dma_start3A_988, %dma_start3A_997] : memref<4x256xi32, #tpu.memory_space<vmem>> -> memref<1x256xi32, #tpu.memory_space<vmem>>
        %dma_start3A_999 = tpu.memref_squeeze %dma_start3A_998 : memref<1x256xi32, #tpu.memory_space<vmem>> -> memref<256xi32, #tpu.memory_space<vmem>>
        %dma_start3A_1000 = arith.constant 0 : i32
        %dma_start3A_1001 = tpu.memref_slice %dma_start3A_999[%dma_start3A_1000] : memref<256xi32, #tpu.memory_space<vmem>> -> memref<80xi32, #tpu.memory_space<vmem>>
        %dma_start3A_1002 = arith.constant 0 : i32
        %dma_start3A_1003 = arith.constant 0 : i32
        %dma_start3A_1004 = tpu.memref_slice %arg3[%dma_start3A_1002, %dma_start3A_1003] : memref<100000x32xf32, #tpu.memory_space<hbm>> -> memref<100000x32xf32, #tpu.memory_space<hbm>>
        tpu.enqueue_indirect_dma source(%dma_start3A_1004 : memref<100000x32xf32, #tpu.memory_space<hbm>>) target(%dma_start3A_996 : memref<80x32xf32, #tpu.memory_space<vmem>>) offsets(%dma_start3A_1001 : memref<80xi32, #tpu.memory_space<vmem>>) semaphore(%arg15 : memref<!tpu.dma_semaphore, #tpu.memory_space<semaphore_mem>>)
        %dma_start3A_1005 = arith.constant 3 : i32
        %dma_start3A_1006 = arith.constant 3 : i32
        %dma_start3A_1007 = arith.constant 0 : i32
        %dma_start3A_1008 = arith.constant 0 : i32
        %dma_start3A_1009 = tpu.memref_slice %arg10[%dma_start3A_1006, %dma_start3A_1007, %dma_start3A_1008] : memref<4x200x32xf32, #tpu.memory_space<vmem>> -> memref<1x200x32xf32, #tpu.memory_space<vmem>>
        %dma_start3A_1010 = tpu.memref_squeeze %dma_start3A_1009 : memref<1x200x32xf32, #tpu.memory_space<vmem>> -> memref<200x32xf32, #tpu.memory_space<vmem>>
        %dma_start3A_1011 = arith.constant 80 : i32
        %dma_start3A_1012 = arith.constant 0 : i32
        %dma_start3A_1013 = tpu.memref_slice %dma_start3A_1010[%dma_start3A_1011, %dma_start3A_1012] : memref<200x32xf32, #tpu.memory_space<vmem>> -> memref<80x32xf32, #tpu.memory_space<vmem>>
        %dma_start3A_1014 = arith.constant 0 : i32
        %dma_start3A_1015 = tpu.memref_slice %arg6[%dma_start3A_1005, %dma_start3A_1014] : memref<4x256xi32, #tpu.memory_space<vmem>> -> memref<1x256xi32, #tpu.memory_space<vmem>>
        %dma_start3A_1016 = tpu.memref_squeeze %dma_start3A_1015 : memref<1x256xi32, #tpu.memory_space<vmem>> -> memref<256xi32, #tpu.memory_space<vmem>>
        %dma_start3A_1017 = arith.constant 80 : i32
        %dma_start3A_1018 = tpu.memref_slice %dma_start3A_1016[%dma_start3A_1017] : memref<256xi32, #tpu.memory_space<vmem>> -> memref<80xi32, #tpu.memory_space<vmem>>
        %dma_start3A_1019 = arith.constant 0 : i32
        %dma_start3A_1020 = arith.constant 0 : i32
        %dma_start3A_1021 = tpu.memref_slice %arg3[%dma_start3A_1019, %dma_start3A_1020] : memref<100000x32xf32, #tpu.memory_space<hbm>> -> memref<100000x32xf32, #tpu.memory_space<hbm>>
        tpu.enqueue_indirect_dma source(%dma_start3A_1021 : memref<100000x32xf32, #tpu.memory_space<hbm>>) target(%dma_start3A_1013 : memref<80x32xf32, #tpu.memory_space<vmem>>) offsets(%dma_start3A_1018 : memref<80xi32, #tpu.memory_space<vmem>>) semaphore(%arg15 : memref<!tpu.dma_semaphore, #tpu.memory_space<semaphore_mem>>)
        %dma_start3A_1022 = arith.constant 3 : i32
        %dma_start3A_1023 = arith.constant 3 : i32
        %dma_start3A_1024 = arith.constant 0 : i32
        %dma_start3A_1025 = arith.constant 0 : i32
        %dma_start3A_1026 = tpu.memref_slice %arg10[%dma_start3A_1023, %dma_start3A_1024, %dma_start3A_1025] : memref<4x200x32xf32, #tpu.memory_space<vmem>> -> memref<1x200x32xf32, #tpu.memory_space<vmem>>
        %dma_start3A_1027 = tpu.memref_squeeze %dma_start3A_1026 : memref<1x200x32xf32, #tpu.memory_space<vmem>> -> memref<200x32xf32, #tpu.memory_space<vmem>>
        %dma_start3A_1028 = arith.constant 160 : i32
        %dma_start3A_1029 = arith.constant 0 : i32
        %dma_start3A_1030 = tpu.memref_slice %dma_start3A_1027[%dma_start3A_1028, %dma_start3A_1029] : memref<200x32xf32, #tpu.memory_space<vmem>> -> memref<40x32xf32, #tpu.memory_space<vmem>>
        %dma_start3A_1031 = arith.constant 0 : i32
        %dma_start3A_1032 = tpu.memref_slice %arg6[%dma_start3A_1022, %dma_start3A_1031] : memref<4x256xi32, #tpu.memory_space<vmem>> -> memref<1x256xi32, #tpu.memory_space<vmem>>
        %dma_start3A_1033 = tpu.memref_squeeze %dma_start3A_1032 : memref<1x256xi32, #tpu.memory_space<vmem>> -> memref<256xi32, #tpu.memory_space<vmem>>
        %dma_start3A_1034 = arith.constant 160 : i32
        %dma_start3A_1035 = tpu.memref_slice %dma_start3A_1033[%dma_start3A_1034] : memref<256xi32, #tpu.memory_space<vmem>> -> memref<40xi32, #tpu.memory_space<vmem>>
        %dma_start3A_1036 = arith.constant 0 : i32
        %dma_start3A_1037 = arith.constant 0 : i32
        %dma_start3A_1038 = tpu.memref_slice %arg3[%dma_start3A_1036, %dma_start3A_1037] : memref<100000x32xf32, #tpu.memory_space<hbm>> -> memref<100000x32xf32, #tpu.memory_space<hbm>>
        tpu.enqueue_indirect_dma source(%dma_start3A_1038 : memref<100000x32xf32, #tpu.memory_space<hbm>>) target(%dma_start3A_1030 : memref<40x32xf32, #tpu.memory_space<vmem>>) offsets(%dma_start3A_1035 : memref<40xi32, #tpu.memory_space<vmem>>) semaphore(%arg15 : memref<!tpu.dma_semaphore, #tpu.memory_space<semaphore_mem>>)
      } else {
      }
      %dma_wait3A_719 = arith.constant 0 : i32
      %dma_wait3A_720 = arith.constant 0 : i32
      %dma_wait3A_721 = arith.constant 0 : i32
      %dma_wait3A_722 = tpu.memref_slice %arg5[%dma_wait3A_719, %dma_wait3A_720, %dma_wait3A_721] : memref<4096x200x128xf32, #tpu.memory_space<hbm>> -> memref<4x200x32xf32, #tpu.memory_space<hbm>>
      %dma_wait3A_723 = arith.constant 0 : i32
      %dma_wait3A_724 = arith.constant 0 : i32
      %dma_wait3A_725 = arith.constant 0 : i32
      %dma_wait3A_726 = tpu.memref_slice %arg5[%dma_wait3A_723, %dma_wait3A_724, %dma_wait3A_725] : memref<4096x200x128xf32, #tpu.memory_space<hbm>> -> memref<4x200x32xf32, #tpu.memory_space<hbm>>
      tpu.wait_dma2 semaphore(%arg16 : memref<!tpu.dma_semaphore, #tpu.memory_space<semaphore_mem>>) src(%dma_wait3A_726 : memref<4x200x32xf32, #tpu.memory_space<hbm>>) dst(%arg11 : memref<4x200x32xf32, #tpu.memory_space<vmem>>)
      %scan3A_727 = arith.constant 0 : i32
      %scan3A_728 = arith.constant 0 : i32
      %scan3A_729 = arith.constant 200 : i32
      %scan3A_730 = arith.addi %scan3A_728, %scan3A_729 : i32
      %scan3A_731 = arith.constant 1 : i32
      scf.for %scan3A_832 = %scan3A_728 to %scan3A_730 step %scan3A_731  : i32 {
        %get3A = arith.index_cast %scan3A_832 : i32 to index
        %get3A_833 = arith.constant 0 : index
        %get3A_834 = tpu.vector_load %arg14[%get3A, %get3A_833] {strides = array<i32>} : memref<200x32xf32, #tpu.memory_space<vmem>>, vector<1x16xf32>,
        %get3A_835 = vector.shape_cast %get3A_834 : vector<1x16xf32> to vector<16xf32>
        %get3A_836 = arith.index_cast %scan3A_832 : i32 to index
        %get3A_837 = arith.constant 16 : index
        %get3A_838 = tpu.vector_load %arg14[%get3A_836, %get3A_837] {strides = array<i32>} : memref<200x32xf32, #tpu.memory_space<vmem>>, vector<1x16xf32>,
        %get3A_839 = vector.shape_cast %get3A_838 : vector<1x16xf32> to vector<16xf32>
        %get3A_840 = arith.constant 0 : i32
        %get3A_841 = arith.index_cast %get3A_840 : i32 to index
        %get3A_842 = arith.index_cast %scan3A_832 : i32 to index
        %get3A_843 = arith.constant 0 : index
        %get3A_844 = tpu.vector_load %arg11[%get3A_841, %get3A_842, %get3A_843] {strides = array<i32>} : memref<4x200x32xf32, #tpu.memory_space<vmem>>, vector<1x1x16xf32>,
        %get3A_845 = vector.shape_cast %get3A_844 : vector<1x1x16xf32> to vector<16xf32>
        %add3A_846 = arith.addf %get3A_845, %get3A_835 : vector<16xf32>
        %swap3A = arith.constant 0 : i32
        %swap3A_847 = arith.index_cast %swap3A : i32 to index
        %swap3A_848 = arith.index_cast %scan3A_832 : i32 to index
        %swap3A_849 = arith.constant 0 : index
        %swap3A_850 = tpu.vector_load %arg11[%swap3A_847, %swap3A_848, %swap3A_849] {strides = array<i32>} : memref<4x200x32xf32, #tpu.memory_space<vmem>>, vector<1x1x16xf32>,
        %swap3A_851 = vector.shape_cast %swap3A_850 : vector<1x1x16xf32> to vector<16xf32>
        %swap3A_852 = vector.shape_cast %add3A_846 : vector<16xf32> to vector<1x1x16xf32>
        tpu.vector_store %arg11[%swap3A_847, %swap3A_848, %swap3A_849], %swap3A_852 {strides = array<i32>} : memref<4x200x32xf32, #tpu.memory_space<vmem>>, vector<1x1x16xf32>,
        %get3A_853 = arith.constant 0 : i32
        %get3A_854 = arith.index_cast %get3A_853 : i32 to index
        %get3A_855 = arith.index_cast %scan3A_832 : i32 to index
        %get3A_856 = arith.constant 16 : index
        %get3A_857 = tpu.vector_load %arg11[%get3A_854, %get3A_855, %get3A_856] {strides = array<i32>} : memref<4x200x32xf32, #tpu.memory_space<vmem>>, vector<1x1x16xf32>,
        %get3A_858 = vector.shape_cast %get3A_857 : vector<1x1x16xf32> to vector<16xf32>
        %add3A_859 = arith.addf %get3A_858, %get3A_839 : vector<16xf32>
        %swap3A_860 = arith.constant 0 : i32
        %swap3A_861 = arith.index_cast %swap3A_860 : i32 to index
        %swap3A_862 = arith.index_cast %scan3A_832 : i32 to index
        %swap3A_863 = arith.constant 16 : index
        %swap3A_864 = tpu.vector_load %arg11[%swap3A_861, %swap3A_862, %swap3A_863] {strides = array<i32>} : memref<4x200x32xf32, #tpu.memory_space<vmem>>, vector<1x1x16xf32>,
        %swap3A_865 = vector.shape_cast %swap3A_864 : vector<1x1x16xf32> to vector<16xf32>
        %swap3A_866 = vector.shape_cast %add3A_859 : vector<16xf32> to vector<1x1x16xf32>
        tpu.vector_store %arg11[%swap3A_861, %swap3A_862, %swap3A_863], %swap3A_866 {strides = array<i32>} : memref<4x200x32xf32, #tpu.memory_space<vmem>>, vector<1x1x16xf32>,
        %get3A_867 = arith.constant 1 : i32
        %get3A_868 = arith.index_cast %get3A_867 : i32 to index
        %get3A_869 = arith.index_cast %scan3A_832 : i32 to index
        %get3A_870 = arith.constant 0 : index
        %get3A_871 = tpu.vector_load %arg11[%get3A_868, %get3A_869, %get3A_870] {strides = array<i32>} : memref<4x200x32xf32, #tpu.memory_space<vmem>>, vector<1x1x16xf32>,
        %get3A_872 = vector.shape_cast %get3A_871 : vector<1x1x16xf32> to vector<16xf32>
        %add3A_873 = arith.addf %get3A_872, %get3A_835 : vector<16xf32>
        %swap3A_874 = arith.constant 1 : i32
        %swap3A_875 = arith.index_cast %swap3A_874 : i32 to index
        %swap3A_876 = arith.index_cast %scan3A_832 : i32 to index
        %swap3A_877 = arith.constant 0 : index
        %swap3A_878 = tpu.vector_load %arg11[%swap3A_875, %swap3A_876, %swap3A_877] {strides = array<i32>} : memref<4x200x32xf32, #tpu.memory_space<vmem>>, vector<1x1x16xf32>,
        %swap3A_879 = vector.shape_cast %swap3A_878 : vector<1x1x16xf32> to vector<16xf32>
        %swap3A_880 = vector.shape_cast %add3A_873 : vector<16xf32> to vector<1x1x16xf32>
        tpu.vector_store %arg11[%swap3A_875, %swap3A_876, %swap3A_877], %swap3A_880 {strides = array<i32>} : memref<4x200x32xf32, #tpu.memory_space<vmem>>, vector<1x1x16xf32>,
        %get3A_881 = arith.constant 1 : i32
        %get3A_882 = arith.index_cast %get3A_881 : i32 to index
        %get3A_883 = arith.index_cast %scan3A_832 : i32 to index
        %get3A_884 = arith.constant 16 : index
        %get3A_885 = tpu.vector_load %arg11[%get3A_882, %get3A_883, %get3A_884] {strides = array<i32>} : memref<4x200x32xf32, #tpu.memory_space<vmem>>, vector<1x1x16xf32>,
        %get3A_886 = vector.shape_cast %get3A_885 : vector<1x1x16xf32> to vector<16xf32>
        %add3A_887 = arith.addf %get3A_886, %get3A_839 : vector<16xf32>
        %swap3A_888 = arith.constant 1 : i32
        %swap3A_889 = arith.index_cast %swap3A_888 : i32 to index
        %swap3A_890 = arith.index_cast %scan3A_832 : i32 to index
        %swap3A_891 = arith.constant 16 : index
        %swap3A_892 = tpu.vector_load %arg11[%swap3A_889, %swap3A_890, %swap3A_891] {strides = array<i32>} : memref<4x200x32xf32, #tpu.memory_space<vmem>>, vector<1x1x16xf32>,
        %swap3A_893 = vector.shape_cast %swap3A_892 : vector<1x1x16xf32> to vector<16xf32>
        %swap3A_894 = vector.shape_cast %add3A_887 : vector<16xf32> to vector<1x1x16xf32>
        tpu.vector_store %arg11[%swap3A_889, %swap3A_890, %swap3A_891], %swap3A_894 {strides = array<i32>} : memref<4x200x32xf32, #tpu.memory_space<vmem>>, vector<1x1x16xf32>,
        %get3A_895 = arith.constant 2 : i32
        %get3A_896 = arith.index_cast %get3A_895 : i32 to index
        %get3A_897 = arith.index_cast %scan3A_832 : i32 to index
        %get3A_898 = arith.constant 0 : index
        %get3A_899 = tpu.vector_load %arg11[%get3A_896, %get3A_897, %get3A_898] {strides = array<i32>} : memref<4x200x32xf32, #tpu.memory_space<vmem>>, vector<1x1x16xf32>,
        %get3A_900 = vector.shape_cast %get3A_899 : vector<1x1x16xf32> to vector<16xf32>
        %add3A_901 = arith.addf %get3A_900, %get3A_835 : vector<16xf32>
        %swap3A_902 = arith.constant 2 : i32
        %swap3A_903 = arith.index_cast %swap3A_902 : i32 to index
        %swap3A_904 = arith.index_cast %scan3A_832 : i32 to index
        %swap3A_905 = arith.constant 0 : index
        %swap3A_906 = tpu.vector_load %arg11[%swap3A_903, %swap3A_904, %swap3A_905] {strides = array<i32>} : memref<4x200x32xf32, #tpu.memory_space<vmem>>, vector<1x1x16xf32>,
        %swap3A_907 = vector.shape_cast %swap3A_906 : vector<1x1x16xf32> to vector<16xf32>
        %swap3A_908 = vector.shape_cast %add3A_901 : vector<16xf32> to vector<1x1x16xf32>
        tpu.vector_store %arg11[%swap3A_903, %swap3A_904, %swap3A_905], %swap3A_908 {strides = array<i32>} : memref<4x200x32xf32, #tpu.memory_space<vmem>>, vector<1x1x16xf32>,
        %get3A_909 = arith.constant 2 : i32
        %get3A_910 = arith.index_cast %get3A_909 : i32 to index
        %get3A_911 = arith.index_cast %scan3A_832 : i32 to index
        %get3A_912 = arith.constant 16 : index
        %get3A_913 = tpu.vector_load %arg11[%get3A_910, %get3A_911, %get3A_912] {strides = array<i32>} : memref<4x200x32xf32, #tpu.memory_space<vmem>>, vector<1x1x16xf32>,
        %get3A_914 = vector.shape_cast %get3A_913 : vector<1x1x16xf32> to vector<16xf32>
        %add3A_915 = arith.addf %get3A_914, %get3A_839 : vector<16xf32>
        %swap3A_916 = arith.constant 2 : i32
        %swap3A_917 = arith.index_cast %swap3A_916 : i32 to index
        %swap3A_918 = arith.index_cast %scan3A_832 : i32 to index
        %swap3A_919 = arith.constant 16 : index
        %swap3A_920 = tpu.vector_load %arg11[%swap3A_917, %swap3A_918, %swap3A_919] {strides = array<i32>} : memref<4x200x32xf32, #tpu.memory_space<vmem>>, vector<1x1x16xf32>,
        %swap3A_921 = vector.shape_cast %swap3A_920 : vector<1x1x16xf32> to vector<16xf32>
        %swap3A_922 = vector.shape_cast %add3A_915 : vector<16xf32> to vector<1x1x16xf32>
        tpu.vector_store %arg11[%swap3A_917, %swap3A_918, %swap3A_919], %swap3A_922 {strides = array<i32>} : memref<4x200x32xf32, #tpu.memory_space<vmem>>, vector<1x1x16xf32>,
        %get3A_923 = arith.constant 3 : i32
        %get3A_924 = arith.index_cast %get3A_923 : i32 to index
        %get3A_925 = arith.index_cast %scan3A_832 : i32 to index
        %get3A_926 = arith.constant 0 : index
        %get3A_927 = tpu.vector_load %arg11[%get3A_924, %get3A_925, %get3A_926] {strides = array<i32>} : memref<4x200x32xf32, #tpu.memory_space<vmem>>, vector<1x1x16xf32>,
        %get3A_928 = vector.shape_cast %get3A_927 : vector<1x1x16xf32> to vector<16xf32>
        %add3A_929 = arith.addf %get3A_928, %get3A_835 : vector<16xf32>
        %swap3A_930 = arith.constant 3 : i32
        %swap3A_931 = arith.index_cast %swap3A_930 : i32 to index
        %swap3A_932 = arith.index_cast %scan3A_832 : i32 to index
        %swap3A_933 = arith.constant 0 : index
        %swap3A_934 = tpu.vector_load %arg11[%swap3A_931, %swap3A_932, %swap3A_933] {strides = array<i32>} : memref<4x200x32xf32, #tpu.memory_space<vmem>>, vector<1x1x16xf32>,
        %swap3A_935 = vector.shape_cast %swap3A_934 : vector<1x1x16xf32> to vector<16xf32>
        %swap3A_936 = vector.shape_cast %add3A_929 : vector<16xf32> to vector<1x1x16xf32>
        tpu.vector_store %arg11[%swap3A_931, %swap3A_932, %swap3A_933], %swap3A_936 {strides = array<i32>} : memref<4x200x32xf32, #tpu.memory_space<vmem>>, vector<1x1x16xf32>,
        %get3A_937 = arith.constant 3 : i32
        %get3A_938 = arith.index_cast %get3A_937 : i32 to index
        %get3A_939 = arith.index_cast %scan3A_832 : i32 to index
        %get3A_940 = arith.constant 16 : index
        %get3A_941 = tpu.vector_load %arg11[%get3A_938, %get3A_939, %get3A_940] {strides = array<i32>} : memref<4x200x32xf32, #tpu.memory_space<vmem>>, vector<1x1x16xf32>,
        %get3A_942 = vector.shape_cast %get3A_941 : vector<1x1x16xf32> to vector<16xf32>
        %add3A_943 = arith.addf %get3A_942, %get3A_839 : vector<16xf32>
        %swap3A_944 = arith.constant 3 : i32
        %swap3A_945 = arith.index_cast %swap3A_944 : i32 to index
        %swap3A_946 = arith.index_cast %scan3A_832 : i32 to index
        %swap3A_947 = arith.constant 16 : index
        %swap3A_948 = tpu.vector_load %arg11[%swap3A_945, %swap3A_946, %swap3A_947] {strides = array<i32>} : memref<4x200x32xf32, #tpu.memory_space<vmem>>, vector<1x1x16xf32>,
        %swap3A_949 = vector.shape_cast %swap3A_948 : vector<1x1x16xf32> to vector<16xf32>
        %swap3A_950 = vector.shape_cast %add3A_943 : vector<16xf32> to vector<1x1x16xf32>
        tpu.vector_store %arg11[%swap3A_945, %swap3A_946, %swap3A_947], %swap3A_950 {strides = array<i32>} : memref<4x200x32xf32, #tpu.memory_space<vmem>>, vector<1x1x16xf32>,
      }
      %scan3A_732 = arith.constant 200 : i32
      %mul3A_733 = arith.constant 4 : i32
      %mul3A_734 = arith.muli %add3A_700, %mul3A_733 : i32
      %add3A_735 = arith.addi %mul3A_2, %mul3A_734 : i32
      %dma_start3A_736 = arith.constant 0 : i32
      %dma_start3A_737 = arith.constant 0 : i32
      %dma_start3A_738 = tpu.memref_slice %arg5[%add3A_735, %dma_start3A_736, %dma_start3A_737] : memref<4096x200x128xf32, #tpu.memory_space<hbm>> -> memref<4x200x32xf32, #tpu.memory_space<hbm>>
      %dma_start3A_739 = arith.constant 0 : i32
      %dma_start3A_740 = arith.constant 0 : i32
      %dma_start3A_741 = tpu.memref_slice %arg5[%add3A_735, %dma_start3A_739, %dma_start3A_740] : memref<4096x200x128xf32, #tpu.memory_space<hbm>> -> memref<4x200x32xf32, #tpu.memory_space<hbm>>
      tpu.enqueue_dma source(%arg11 : memref<4x200x32xf32, #tpu.memory_space<vmem>>) target(%dma_start3A_741 : memref<4x200x32xf32, #tpu.memory_space<hbm>>) target_semaphore(%arg20 : memref<!tpu.dma_semaphore, #tpu.memory_space<semaphore_mem>>)
      %mul3A_742 = arith.constant 4 : i32
      %mul3A_743 = arith.muli %scan3A_656, %mul3A_742 : i32
      %add3A_744 = arith.constant 2 : i32
      %add3A_745 = arith.addi %mul3A_743, %add3A_744 : i32
      %add3A_746 = arith.constant 3 : i32
      %add3A_747 = arith.addi %add3A_745, %add3A_746 : i32
      %lt3A_748 = arith.constant 32 : i32
      %lt3A_749 = arith.cmpi slt, %add3A_747, %lt3A_748 : i32
      %ge3A_750 = arith.constant 1 : i32
      %ge3A_751 = arith.cmpi sge, %add3A_745, %ge3A_750 : i32
      %and3A_752 = arith.andi %lt3A_749, %ge3A_751 : i1
      %convert_element_type3A_753 = arith.extui %and3A_752 : i1 to i32
      %cond3A_754 = arith.constant 0 : i32
      %cond3A_755 = arith.cmpi ne, %convert_element_type3A_753, %cond3A_754 : i32
      scf.if %cond3A_755 {
        %dma_wait3A_832 = arith.constant 0 : i32
        %dma_wait3A_833 = arith.constant 0 : i32
        %dma_wait3A_834 = arith.constant 0 : i32
        %dma_wait3A_835 = tpu.memref_slice %arg5[%dma_wait3A_832, %dma_wait3A_833, %dma_wait3A_834] : memref<4096x200x128xf32, #tpu.memory_space<hbm>> -> memref<4x200x32xf32, #tpu.memory_space<hbm>>
        %dma_wait3A_836 = arith.constant 0 : i32
        %dma_wait3A_837 = arith.constant 0 : i32
        %dma_wait3A_838 = arith.constant 0 : i32
        %dma_wait3A_839 = tpu.memref_slice %arg5[%dma_wait3A_836, %dma_wait3A_837, %dma_wait3A_838] : memref<4096x200x128xf32, #tpu.memory_space<hbm>> -> memref<4x200x32xf32, #tpu.memory_space<hbm>>
        tpu.wait_dma2 semaphore(%arg20 : memref<!tpu.dma_semaphore, #tpu.memory_space<semaphore_mem>>) src(%arg11 : memref<4x200x32xf32, #tpu.memory_space<vmem>>) dst(%dma_wait3A_839 : memref<4x200x32xf32, #tpu.memory_space<hbm>>)
        %mul3A_840 = arith.constant 4 : i32
        %mul3A_841 = arith.muli %add3A_747, %mul3A_840 : i32
        %add3A_842 = arith.addi %mul3A_2, %mul3A_841 : i32
        "tpu.region"() ({
          %run_scoped3A = tpu.sem_alloc : memref<!tpu.dma_semaphore, #tpu.memory_space<semaphore_mem>>
          %dma_start3A_1047 = arith.constant 0 : i32
          %dma_start3A_1048 = tpu.memref_slice %arg2[%add3A_842, %dma_start3A_1047] : memref<4096x256xi32, #tpu.memory_space<hbm>> -> memref<4x256xi32, #tpu.memory_space<hbm>>
          %dma_start3A_1049 = arith.constant 0 : i32
          %dma_start3A_1050 = tpu.memref_slice %arg2[%add3A_842, %dma_start3A_1049] : memref<4096x256xi32, #tpu.memory_space<hbm>> -> memref<4x256xi32, #tpu.memory_space<hbm>>
          tpu.enqueue_dma source(%dma_start3A_1050 : memref<4x256xi32, #tpu.memory_space<hbm>>) target(%arg7 : memref<4x256xi32, #tpu.memory_space<vmem>>) target_semaphore(%run_scoped3A : memref<!tpu.dma_semaphore, #tpu.memory_space<semaphore_mem>>)
          %dma_wait3A_1051 = arith.constant 0 : i32
          %dma_wait3A_1052 = tpu.memref_slice %arg2[%add3A_842, %dma_wait3A_1051] : memref<4096x256xi32, #tpu.memory_space<hbm>> -> memref<4x256xi32, #tpu.memory_space<hbm>>
          %dma_wait3A_1053 = arith.constant 0 : i32
          %dma_wait3A_1054 = tpu.memref_slice %arg2[%add3A_842, %dma_wait3A_1053] : memref<4096x256xi32, #tpu.memory_space<hbm>> -> memref<4x256xi32, #tpu.memory_space<hbm>>
          tpu.wait_dma2 semaphore(%run_scoped3A : memref<!tpu.dma_semaphore, #tpu.memory_space<semaphore_mem>>) src(%dma_wait3A_1054 : memref<4x256xi32, #tpu.memory_space<hbm>>) dst(%arg7 : memref<4x256xi32, #tpu.memory_space<vmem>>)
          tpu.yield
        }) : () -> ()
        %dma_start3A_843 = arith.constant 0 : i32
        %dma_start3A_844 = arith.constant 0 : i32
        %dma_start3A_845 = arith.constant 0 : i32
        %dma_start3A_846 = arith.constant 0 : i32
        %dma_start3A_847 = tpu.memref_slice %arg11[%dma_start3A_844, %dma_start3A_845, %dma_start3A_846] : memref<4x200x32xf32, #tpu.memory_space<vmem>> -> memref<1x200x32xf32, #tpu.memory_space<vmem>>
        %dma_start3A_848 = tpu.memref_squeeze %dma_start3A_847 : memref<1x200x32xf32, #tpu.memory_space<vmem>> -> memref<200x32xf32, #tpu.memory_space<vmem>>
        %dma_start3A_849 = arith.constant 0 : i32
        %dma_start3A_850 = arith.constant 0 : i32
        %dma_start3A_851 = tpu.memref_slice %dma_start3A_848[%dma_start3A_849, %dma_start3A_850] : memref<200x32xf32, #tpu.memory_space<vmem>> -> memref<80x32xf32, #tpu.memory_space<vmem>>
        %dma_start3A_852 = arith.constant 0 : i32
        %dma_start3A_853 = tpu.memref_slice %arg7[%dma_start3A_843, %dma_start3A_852] : memref<4x256xi32, #tpu.memory_space<vmem>> -> memref<1x256xi32, #tpu.memory_space<vmem>>
        %dma_start3A_854 = tpu.memref_squeeze %dma_start3A_853 : memref<1x256xi32, #tpu.memory_space<vmem>> -> memref<256xi32, #tpu.memory_space<vmem>>
        %dma_start3A_855 = arith.constant 0 : i32
        %dma_start3A_856 = tpu.memref_slice %dma_start3A_854[%dma_start3A_855] : memref<256xi32, #tpu.memory_space<vmem>> -> memref<80xi32, #tpu.memory_space<vmem>>
        %dma_start3A_857 = arith.constant 0 : i32
        %dma_start3A_858 = arith.constant 0 : i32
        %dma_start3A_859 = tpu.memref_slice %arg3[%dma_start3A_857, %dma_start3A_858] : memref<100000x32xf32, #tpu.memory_space<hbm>> -> memref<100000x32xf32, #tpu.memory_space<hbm>>
        tpu.enqueue_indirect_dma source(%dma_start3A_859 : memref<100000x32xf32, #tpu.memory_space<hbm>>) target(%dma_start3A_851 : memref<80x32xf32, #tpu.memory_space<vmem>>) offsets(%dma_start3A_856 : memref<80xi32, #tpu.memory_space<vmem>>) semaphore(%arg16 : memref<!tpu.dma_semaphore, #tpu.memory_space<semaphore_mem>>)
        %dma_start3A_860 = arith.constant 0 : i32
        %dma_start3A_861 = arith.constant 0 : i32
        %dma_start3A_862 = arith.constant 0 : i32
        %dma_start3A_863 = arith.constant 0 : i32
        %dma_start3A_864 = tpu.memref_slice %arg11[%dma_start3A_861, %dma_start3A_862, %dma_start3A_863] : memref<4x200x32xf32, #tpu.memory_space<vmem>> -> memref<1x200x32xf32, #tpu.memory_space<vmem>>
        %dma_start3A_865 = tpu.memref_squeeze %dma_start3A_864 : memref<1x200x32xf32, #tpu.memory_space<vmem>> -> memref<200x32xf32, #tpu.memory_space<vmem>>
        %dma_start3A_866 = arith.constant 80 : i32
        %dma_start3A_867 = arith.constant 0 : i32
        %dma_start3A_868 = tpu.memref_slice %dma_start3A_865[%dma_start3A_866, %dma_start3A_867] : memref<200x32xf32, #tpu.memory_space<vmem>> -> memref<80x32xf32, #tpu.memory_space<vmem>>
        %dma_start3A_869 = arith.constant 0 : i32
        %dma_start3A_870 = tpu.memref_slice %arg7[%dma_start3A_860, %dma_start3A_869] : memref<4x256xi32, #tpu.memory_space<vmem>> -> memref<1x256xi32, #tpu.memory_space<vmem>>
        %dma_start3A_871 = tpu.memref_squeeze %dma_start3A_870 : memref<1x256xi32, #tpu.memory_space<vmem>> -> memref<256xi32, #tpu.memory_space<vmem>>
        %dma_start3A_872 = arith.constant 80 : i32
        %dma_start3A_873 = tpu.memref_slice %dma_start3A_871[%dma_start3A_872] : memref<256xi32, #tpu.memory_space<vmem>> -> memref<80xi32, #tpu.memory_space<vmem>>
        %dma_start3A_874 = arith.constant 0 : i32
        %dma_start3A_875 = arith.constant 0 : i32
        %dma_start3A_876 = tpu.memref_slice %arg3[%dma_start3A_874, %dma_start3A_875] : memref<100000x32xf32, #tpu.memory_space<hbm>> -> memref<100000x32xf32, #tpu.memory_space<hbm>>
        tpu.enqueue_indirect_dma source(%dma_start3A_876 : memref<100000x32xf32, #tpu.memory_space<hbm>>) target(%dma_start3A_868 : memref<80x32xf32, #tpu.memory_space<vmem>>) offsets(%dma_start3A_873 : memref<80xi32, #tpu.memory_space<vmem>>) semaphore(%arg16 : memref<!tpu.dma_semaphore, #tpu.memory_space<semaphore_mem>>)
        %dma_start3A_877 = arith.constant 0 : i32
        %dma_start3A_878 = arith.constant 0 : i32
        %dma_start3A_879 = arith.constant 0 : i32
        %dma_start3A_880 = arith.constant 0 : i32
        %dma_start3A_881 = tpu.memref_slice %arg11[%dma_start3A_878, %dma_start3A_879, %dma_start3A_880] : memref<4x200x32xf32, #tpu.memory_space<vmem>> -> memref<1x200x32xf32, #tpu.memory_space<vmem>>
        %dma_start3A_882 = tpu.memref_squeeze %dma_start3A_881 : memref<1x200x32xf32, #tpu.memory_space<vmem>> -> memref<200x32xf32, #tpu.memory_space<vmem>>
        %dma_start3A_883 = arith.constant 160 : i32
        %dma_start3A_884 = arith.constant 0 : i32
        %dma_start3A_885 = tpu.memref_slice %dma_start3A_882[%dma_start3A_883, %dma_start3A_884] : memref<200x32xf32, #tpu.memory_space<vmem>> -> memref<40x32xf32, #tpu.memory_space<vmem>>
        %dma_start3A_886 = arith.constant 0 : i32
        %dma_start3A_887 = tpu.memref_slice %arg7[%dma_start3A_877, %dma_start3A_886] : memref<4x256xi32, #tpu.memory_space<vmem>> -> memref<1x256xi32, #tpu.memory_space<vmem>>
        %dma_start3A_888 = tpu.memref_squeeze %dma_start3A_887 : memref<1x256xi32, #tpu.memory_space<vmem>> -> memref<256xi32, #tpu.memory_space<vmem>>
        %dma_start3A_889 = arith.constant 160 : i32
        %dma_start3A_890 = tpu.memref_slice %dma_start3A_888[%dma_start3A_889] : memref<256xi32, #tpu.memory_space<vmem>> -> memref<40xi32, #tpu.memory_space<vmem>>
        %dma_start3A_891 = arith.constant 0 : i32
        %dma_start3A_892 = arith.constant 0 : i32
        %dma_start3A_893 = tpu.memref_slice %arg3[%dma_start3A_891, %dma_start3A_892] : memref<100000x32xf32, #tpu.memory_space<hbm>> -> memref<100000x32xf32, #tpu.memory_space<hbm>>
        tpu.enqueue_indirect_dma source(%dma_start3A_893 : memref<100000x32xf32, #tpu.memory_space<hbm>>) target(%dma_start3A_885 : memref<40x32xf32, #tpu.memory_space<vmem>>) offsets(%dma_start3A_890 : memref<40xi32, #tpu.memory_space<vmem>>) semaphore(%arg16 : memref<!tpu.dma_semaphore, #tpu.memory_space<semaphore_mem>>)
        %dma_start3A_894 = arith.constant 1 : i32
        %dma_start3A_895 = arith.constant 1 : i32
        %dma_start3A_896 = arith.constant 0 : i32
        %dma_start3A_897 = arith.constant 0 : i32
        %dma_start3A_898 = tpu.memref_slice %arg11[%dma_start3A_895, %dma_start3A_896, %dma_start3A_897] : memref<4x200x32xf32, #tpu.memory_space<vmem>> -> memref<1x200x32xf32, #tpu.memory_space<vmem>>
        %dma_start3A_899 = tpu.memref_squeeze %dma_start3A_898 : memref<1x200x32xf32, #tpu.memory_space<vmem>> -> memref<200x32xf32, #tpu.memory_space<vmem>>
        %dma_start3A_900 = arith.constant 0 : i32
        %dma_start3A_901 = arith.constant 0 : i32
        %dma_start3A_902 = tpu.memref_slice %dma_start3A_899[%dma_start3A_900, %dma_start3A_901] : memref<200x32xf32, #tpu.memory_space<vmem>> -> memref<80x32xf32, #tpu.memory_space<vmem>>
        %dma_start3A_903 = arith.constant 0 : i32
        %dma_start3A_904 = tpu.memref_slice %arg7[%dma_start3A_894, %dma_start3A_903] : memref<4x256xi32, #tpu.memory_space<vmem>> -> memref<1x256xi32, #tpu.memory_space<vmem>>
        %dma_start3A_905 = tpu.memref_squeeze %dma_start3A_904 : memref<1x256xi32, #tpu.memory_space<vmem>> -> memref<256xi32, #tpu.memory_space<vmem>>
        %dma_start3A_906 = arith.constant 0 : i32
        %dma_start3A_907 = tpu.memref_slice %dma_start3A_905[%dma_start3A_906] : memref<256xi32, #tpu.memory_space<vmem>> -> memref<80xi32, #tpu.memory_space<vmem>>
        %dma_start3A_908 = arith.constant 0 : i32
        %dma_start3A_909 = arith.constant 0 : i32
        %dma_start3A_910 = tpu.memref_slice %arg3[%dma_start3A_908, %dma_start3A_909] : memref<100000x32xf32, #tpu.memory_space<hbm>> -> memref<100000x32xf32, #tpu.memory_space<hbm>>
        tpu.enqueue_indirect_dma source(%dma_start3A_910 : memref<100000x32xf32, #tpu.memory_space<hbm>>) target(%dma_start3A_902 : memref<80x32xf32, #tpu.memory_space<vmem>>) offsets(%dma_start3A_907 : memref<80xi32, #tpu.memory_space<vmem>>) semaphore(%arg16 : memref<!tpu.dma_semaphore, #tpu.memory_space<semaphore_mem>>)
        %dma_start3A_911 = arith.constant 1 : i32
        %dma_start3A_912 = arith.constant 1 : i32
        %dma_start3A_913 = arith.constant 0 : i32
        %dma_start3A_914 = arith.constant 0 : i32
        %dma_start3A_915 = tpu.memref_slice %arg11[%dma_start3A_912, %dma_start3A_913, %dma_start3A_914] : memref<4x200x32xf32, #tpu.memory_space<vmem>> -> memref<1x200x32xf32, #tpu.memory_space<vmem>>
        %dma_start3A_916 = tpu.memref_squeeze %dma_start3A_915 : memref<1x200x32xf32, #tpu.memory_space<vmem>> -> memref<200x32xf32, #tpu.memory_space<vmem>>
        %dma_start3A_917 = arith.constant 80 : i32
        %dma_start3A_918 = arith.constant 0 : i32
        %dma_start3A_919 = tpu.memref_slice %dma_start3A_916[%dma_start3A_917, %dma_start3A_918] : memref<200x32xf32, #tpu.memory_space<vmem>> -> memref<80x32xf32, #tpu.memory_space<vmem>>
        %dma_start3A_920 = arith.constant 0 : i32
        %dma_start3A_921 = tpu.memref_slice %arg7[%dma_start3A_911, %dma_start3A_920] : memref<4x256xi32, #tpu.memory_space<vmem>> -> memref<1x256xi32, #tpu.memory_space<vmem>>
        %dma_start3A_922 = tpu.memref_squeeze %dma_start3A_921 : memref<1x256xi32, #tpu.memory_space<vmem>> -> memref<256xi32, #tpu.memory_space<vmem>>
        %dma_start3A_923 = arith.constant 80 : i32
        %dma_start3A_924 = tpu.memref_slice %dma_start3A_922[%dma_start3A_923] : memref<256xi32, #tpu.memory_space<vmem>> -> memref<80xi32, #tpu.memory_space<vmem>>
        %dma_start3A_925 = arith.constant 0 : i32
        %dma_start3A_926 = arith.constant 0 : i32
        %dma_start3A_927 = tpu.memref_slice %arg3[%dma_start3A_925, %dma_start3A_926] : memref<100000x32xf32, #tpu.memory_space<hbm>> -> memref<100000x32xf32, #tpu.memory_space<hbm>>
        tpu.enqueue_indirect_dma source(%dma_start3A_927 : memref<100000x32xf32, #tpu.memory_space<hbm>>) target(%dma_start3A_919 : memref<80x32xf32, #tpu.memory_space<vmem>>) offsets(%dma_start3A_924 : memref<80xi32, #tpu.memory_space<vmem>>) semaphore(%arg16 : memref<!tpu.dma_semaphore, #tpu.memory_space<semaphore_mem>>)
        %dma_start3A_928 = arith.constant 1 : i32
        %dma_start3A_929 = arith.constant 1 : i32
        %dma_start3A_930 = arith.constant 0 : i32
        %dma_start3A_931 = arith.constant 0 : i32
        %dma_start3A_932 = tpu.memref_slice %arg11[%dma_start3A_929, %dma_start3A_930, %dma_start3A_931] : memref<4x200x32xf32, #tpu.memory_space<vmem>> -> memref<1x200x32xf32, #tpu.memory_space<vmem>>
        %dma_start3A_933 = tpu.memref_squeeze %dma_start3A_932 : memref<1x200x32xf32, #tpu.memory_space<vmem>> -> memref<200x32xf32, #tpu.memory_space<vmem>>
        %dma_start3A_934 = arith.constant 160 : i32
        %dma_start3A_935 = arith.constant 0 : i32
        %dma_start3A_936 = tpu.memref_slice %dma_start3A_933[%dma_start3A_934, %dma_start3A_935] : memref<200x32xf32, #tpu.memory_space<vmem>> -> memref<40x32xf32, #tpu.memory_space<vmem>>
        %dma_start3A_937 = arith.constant 0 : i32
        %dma_start3A_938 = tpu.memref_slice %arg7[%dma_start3A_928, %dma_start3A_937] : memref<4x256xi32, #tpu.memory_space<vmem>> -> memref<1x256xi32, #tpu.memory_space<vmem>>
        %dma_start3A_939 = tpu.memref_squeeze %dma_start3A_938 : memref<1x256xi32, #tpu.memory_space<vmem>> -> memref<256xi32, #tpu.memory_space<vmem>>
        %dma_start3A_940 = arith.constant 160 : i32
        %dma_start3A_941 = tpu.memref_slice %dma_start3A_939[%dma_start3A_940] : memref<256xi32, #tpu.memory_space<vmem>> -> memref<40xi32, #tpu.memory_space<vmem>>
        %dma_start3A_942 = arith.constant 0 : i32
        %dma_start3A_943 = arith.constant 0 : i32
        %dma_start3A_944 = tpu.memref_slice %arg3[%dma_start3A_942, %dma_start3A_943] : memref<100000x32xf32, #tpu.memory_space<hbm>> -> memref<100000x32xf32, #tpu.memory_space<hbm>>
        tpu.enqueue_indirect_dma source(%dma_start3A_944 : memref<100000x32xf32, #tpu.memory_space<hbm>>) target(%dma_start3A_936 : memref<40x32xf32, #tpu.memory_space<vmem>>) offsets(%dma_start3A_941 : memref<40xi32, #tpu.memory_space<vmem>>) semaphore(%arg16 : memref<!tpu.dma_semaphore, #tpu.memory_space<semaphore_mem>>)
        %dma_start3A_945 = arith.constant 2 : i32
        %dma_start3A_946 = arith.constant 2 : i32
        %dma_start3A_947 = arith.constant 0 : i32
        %dma_start3A_948 = arith.constant 0 : i32
        %dma_start3A_949 = tpu.memref_slice %arg11[%dma_start3A_946, %dma_start3A_947, %dma_start3A_948] : memref<4x200x32xf32, #tpu.memory_space<vmem>> -> memref<1x200x32xf32, #tpu.memory_space<vmem>>
        %dma_start3A_950 = tpu.memref_squeeze %dma_start3A_949 : memref<1x200x32xf32, #tpu.memory_space<vmem>> -> memref<200x32xf32, #tpu.memory_space<vmem>>
        %dma_start3A_951 = arith.constant 0 : i32
        %dma_start3A_952 = arith.constant 0 : i32
        %dma_start3A_953 = tpu.memref_slice %dma_start3A_950[%dma_start3A_951, %dma_start3A_952] : memref<200x32xf32, #tpu.memory_space<vmem>> -> memref<80x32xf32, #tpu.memory_space<vmem>>
        %dma_start3A_954 = arith.constant 0 : i32
        %dma_start3A_955 = tpu.memref_slice %arg7[%dma_start3A_945, %dma_start3A_954] : memref<4x256xi32, #tpu.memory_space<vmem>> -> memref<1x256xi32, #tpu.memory_space<vmem>>
        %dma_start3A_956 = tpu.memref_squeeze %dma_start3A_955 : memref<1x256xi32, #tpu.memory_space<vmem>> -> memref<256xi32, #tpu.memory_space<vmem>>
        %dma_start3A_957 = arith.constant 0 : i32
        %dma_start3A_958 = tpu.memref_slice %dma_start3A_956[%dma_start3A_957] : memref<256xi32, #tpu.memory_space<vmem>> -> memref<80xi32, #tpu.memory_space<vmem>>
        %dma_start3A_959 = arith.constant 0 : i32
        %dma_start3A_960 = arith.constant 0 : i32
        %dma_start3A_961 = tpu.memref_slice %arg3[%dma_start3A_959, %dma_start3A_960] : memref<100000x32xf32, #tpu.memory_space<hbm>> -> memref<100000x32xf32, #tpu.memory_space<hbm>>
        tpu.enqueue_indirect_dma source(%dma_start3A_961 : memref<100000x32xf32, #tpu.memory_space<hbm>>) target(%dma_start3A_953 : memref<80x32xf32, #tpu.memory_space<vmem>>) offsets(%dma_start3A_958 : memref<80xi32, #tpu.memory_space<vmem>>) semaphore(%arg16 : memref<!tpu.dma_semaphore, #tpu.memory_space<semaphore_mem>>)
        %dma_start3A_962 = arith.constant 2 : i32
        %dma_start3A_963 = arith.constant 2 : i32
        %dma_start3A_964 = arith.constant 0 : i32
        %dma_start3A_965 = arith.constant 0 : i32
        %dma_start3A_966 = tpu.memref_slice %arg11[%dma_start3A_963, %dma_start3A_964, %dma_start3A_965] : memref<4x200x32xf32, #tpu.memory_space<vmem>> -> memref<1x200x32xf32, #tpu.memory_space<vmem>>
        %dma_start3A_967 = tpu.memref_squeeze %dma_start3A_966 : memref<1x200x32xf32, #tpu.memory_space<vmem>> -> memref<200x32xf32, #tpu.memory_space<vmem>>
        %dma_start3A_968 = arith.constant 80 : i32
        %dma_start3A_969 = arith.constant 0 : i32
        %dma_start3A_970 = tpu.memref_slice %dma_start3A_967[%dma_start3A_968, %dma_start3A_969] : memref<200x32xf32, #tpu.memory_space<vmem>> -> memref<80x32xf32, #tpu.memory_space<vmem>>
        %dma_start3A_971 = arith.constant 0 : i32
        %dma_start3A_972 = tpu.memref_slice %arg7[%dma_start3A_962, %dma_start3A_971] : memref<4x256xi32, #tpu.memory_space<vmem>> -> memref<1x256xi32, #tpu.memory_space<vmem>>
        %dma_start3A_973 = tpu.memref_squeeze %dma_start3A_972 : memref<1x256xi32, #tpu.memory_space<vmem>> -> memref<256xi32, #tpu.memory_space<vmem>>
        %dma_start3A_974 = arith.constant 80 : i32
        %dma_start3A_975 = tpu.memref_slice %dma_start3A_973[%dma_start3A_974] : memref<256xi32, #tpu.memory_space<vmem>> -> memref<80xi32, #tpu.memory_space<vmem>>
        %dma_start3A_976 = arith.constant 0 : i32
        %dma_start3A_977 = arith.constant 0 : i32
        %dma_start3A_978 = tpu.memref_slice %arg3[%dma_start3A_976, %dma_start3A_977] : memref<100000x32xf32, #tpu.memory_space<hbm>> -> memref<100000x32xf32, #tpu.memory_space<hbm>>
        tpu.enqueue_indirect_dma source(%dma_start3A_978 : memref<100000x32xf32, #tpu.memory_space<hbm>>) target(%dma_start3A_970 : memref<80x32xf32, #tpu.memory_space<vmem>>) offsets(%dma_start3A_975 : memref<80xi32, #tpu.memory_space<vmem>>) semaphore(%arg16 : memref<!tpu.dma_semaphore, #tpu.memory_space<semaphore_mem>>)
        %dma_start3A_979 = arith.constant 2 : i32
        %dma_start3A_980 = arith.constant 2 : i32
        %dma_start3A_981 = arith.constant 0 : i32
        %dma_start3A_982 = arith.constant 0 : i32
        %dma_start3A_983 = tpu.memref_slice %arg11[%dma_start3A_980, %dma_start3A_981, %dma_start3A_982] : memref<4x200x32xf32, #tpu.memory_space<vmem>> -> memref<1x200x32xf32, #tpu.memory_space<vmem>>
        %dma_start3A_984 = tpu.memref_squeeze %dma_start3A_983 : memref<1x200x32xf32, #tpu.memory_space<vmem>> -> memref<200x32xf32, #tpu.memory_space<vmem>>
        %dma_start3A_985 = arith.constant 160 : i32
        %dma_start3A_986 = arith.constant 0 : i32
        %dma_start3A_987 = tpu.memref_slice %dma_start3A_984[%dma_start3A_985, %dma_start3A_986] : memref<200x32xf32, #tpu.memory_space<vmem>> -> memref<40x32xf32, #tpu.memory_space<vmem>>
        %dma_start3A_988 = arith.constant 0 : i32
        %dma_start3A_989 = tpu.memref_slice %arg7[%dma_start3A_979, %dma_start3A_988] : memref<4x256xi32, #tpu.memory_space<vmem>> -> memref<1x256xi32, #tpu.memory_space<vmem>>
        %dma_start3A_990 = tpu.memref_squeeze %dma_start3A_989 : memref<1x256xi32, #tpu.memory_space<vmem>> -> memref<256xi32, #tpu.memory_space<vmem>>
        %dma_start3A_991 = arith.constant 160 : i32
        %dma_start3A_992 = tpu.memref_slice %dma_start3A_990[%dma_start3A_991] : memref<256xi32, #tpu.memory_space<vmem>> -> memref<40xi32, #tpu.memory_space<vmem>>
        %dma_start3A_993 = arith.constant 0 : i32
        %dma_start3A_994 = arith.constant 0 : i32
        %dma_start3A_995 = tpu.memref_slice %arg3[%dma_start3A_993, %dma_start3A_994] : memref<100000x32xf32, #tpu.memory_space<hbm>> -> memref<100000x32xf32, #tpu.memory_space<hbm>>
        tpu.enqueue_indirect_dma source(%dma_start3A_995 : memref<100000x32xf32, #tpu.memory_space<hbm>>) target(%dma_start3A_987 : memref<40x32xf32, #tpu.memory_space<vmem>>) offsets(%dma_start3A_992 : memref<40xi32, #tpu.memory_space<vmem>>) semaphore(%arg16 : memref<!tpu.dma_semaphore, #tpu.memory_space<semaphore_mem>>)
        %dma_start3A_996 = arith.constant 3 : i32
        %dma_start3A_997 = arith.constant 3 : i32
        %dma_start3A_998 = arith.constant 0 : i32
        %dma_start3A_999 = arith.constant 0 : i32
        %dma_start3A_1000 = tpu.memref_slice %arg11[%dma_start3A_997, %dma_start3A_998, %dma_start3A_999] : memref<4x200x32xf32, #tpu.memory_space<vmem>> -> memref<1x200x32xf32, #tpu.memory_space<vmem>>
        %dma_start3A_1001 = tpu.memref_squeeze %dma_start3A_1000 : memref<1x200x32xf32, #tpu.memory_space<vmem>> -> memref<200x32xf32, #tpu.memory_space<vmem>>
        %dma_start3A_1002 = arith.constant 0 : i32
        %dma_start3A_1003 = arith.constant 0 : i32
        %dma_start3A_1004 = tpu.memref_slice %dma_start3A_1001[%dma_start3A_1002, %dma_start3A_1003] : memref<200x32xf32, #tpu.memory_space<vmem>> -> memref<80x32xf32, #tpu.memory_space<vmem>>
        %dma_start3A_1005 = arith.constant 0 : i32
        %dma_start3A_1006 = tpu.memref_slice %arg7[%dma_start3A_996, %dma_start3A_1005] : memref<4x256xi32, #tpu.memory_space<vmem>> -> memref<1x256xi32, #tpu.memory_space<vmem>>
        %dma_start3A_1007 = tpu.memref_squeeze %dma_start3A_1006 : memref<1x256xi32, #tpu.memory_space<vmem>> -> memref<256xi32, #tpu.memory_space<vmem>>
        %dma_start3A_1008 = arith.constant 0 : i32
        %dma_start3A_1009 = tpu.memref_slice %dma_start3A_1007[%dma_start3A_1008] : memref<256xi32, #tpu.memory_space<vmem>> -> memref<80xi32, #tpu.memory_space<vmem>>
        %dma_start3A_1010 = arith.constant 0 : i32
        %dma_start3A_1011 = arith.constant 0 : i32
        %dma_start3A_1012 = tpu.memref_slice %arg3[%dma_start3A_1010, %dma_start3A_1011] : memref<100000x32xf32, #tpu.memory_space<hbm>> -> memref<100000x32xf32, #tpu.memory_space<hbm>>
        tpu.enqueue_indirect_dma source(%dma_start3A_1012 : memref<100000x32xf32, #tpu.memory_space<hbm>>) target(%dma_start3A_1004 : memref<80x32xf32, #tpu.memory_space<vmem>>) offsets(%dma_start3A_1009 : memref<80xi32, #tpu.memory_space<vmem>>) semaphore(%arg16 : memref<!tpu.dma_semaphore, #tpu.memory_space<semaphore_mem>>)
        %dma_start3A_1013 = arith.constant 3 : i32
        %dma_start3A_1014 = arith.constant 3 : i32
        %dma_start3A_1015 = arith.constant 0 : i32
        %dma_start3A_1016 = arith.constant 0 : i32
        %dma_start3A_1017 = tpu.memref_slice %arg11[%dma_start3A_1014, %dma_start3A_1015, %dma_start3A_1016] : memref<4x200x32xf32, #tpu.memory_space<vmem>> -> memref<1x200x32xf32, #tpu.memory_space<vmem>>
        %dma_start3A_1018 = tpu.memref_squeeze %dma_start3A_1017 : memref<1x200x32xf32, #tpu.memory_space<vmem>> -> memref<200x32xf32, #tpu.memory_space<vmem>>
        %dma_start3A_1019 = arith.constant 80 : i32
        %dma_start3A_1020 = arith.constant 0 : i32
        %dma_start3A_1021 = tpu.memref_slice %dma_start3A_1018[%dma_start3A_1019, %dma_start3A_1020] : memref<200x32xf32, #tpu.memory_space<vmem>> -> memref<80x32xf32, #tpu.memory_space<vmem>>
        %dma_start3A_1022 = arith.constant 0 : i32
        %dma_start3A_1023 = tpu.memref_slice %arg7[%dma_start3A_1013, %dma_start3A_1022] : memref<4x256xi32, #tpu.memory_space<vmem>> -> memref<1x256xi32, #tpu.memory_space<vmem>>
        %dma_start3A_1024 = tpu.memref_squeeze %dma_start3A_1023 : memref<1x256xi32, #tpu.memory_space<vmem>> -> memref<256xi32, #tpu.memory_space<vmem>>
        %dma_start3A_1025 = arith.constant 80 : i32
        %dma_start3A_1026 = tpu.memref_slice %dma_start3A_1024[%dma_start3A_1025] : memref<256xi32, #tpu.memory_space<vmem>> -> memref<80xi32, #tpu.memory_space<vmem>>
        %dma_start3A_1027 = arith.constant 0 : i32
        %dma_start3A_1028 = arith.constant 0 : i32
        %dma_start3A_1029 = tpu.memref_slice %arg3[%dma_start3A_1027, %dma_start3A_1028] : memref<100000x32xf32, #tpu.memory_space<hbm>> -> memref<100000x32xf32, #tpu.memory_space<hbm>>
        tpu.enqueue_indirect_dma source(%dma_start3A_1029 : memref<100000x32xf32, #tpu.memory_space<hbm>>) target(%dma_start3A_1021 : memref<80x32xf32, #tpu.memory_space<vmem>>) offsets(%dma_start3A_1026 : memref<80xi32, #tpu.memory_space<vmem>>) semaphore(%arg16 : memref<!tpu.dma_semaphore, #tpu.memory_space<semaphore_mem>>)
        %dma_start3A_1030 = arith.constant 3 : i32
        %dma_start3A_1031 = arith.constant 3 : i32
        %dma_start3A_1032 = arith.constant 0 : i32
        %dma_start3A_1033 = arith.constant 0 : i32
        %dma_start3A_1034 = tpu.memref_slice %arg11[%dma_start3A_1031, %dma_start3A_1032, %dma_start3A_1033] : memref<4x200x32xf32, #tpu.memory_space<vmem>> -> memref<1x200x32xf32, #tpu.memory_space<vmem>>
        %dma_start3A_1035 = tpu.memref_squeeze %dma_start3A_1034 : memref<1x200x32xf32, #tpu.memory_space<vmem>> -> memref<200x32xf32, #tpu.memory_space<vmem>>
        %dma_start3A_1036 = arith.constant 160 : i32
        %dma_start3A_1037 = arith.constant 0 : i32
        %dma_start3A_1038 = tpu.memref_slice %dma_start3A_1035[%dma_start3A_1036, %dma_start3A_1037] : memref<200x32xf32, #tpu.memory_space<vmem>> -> memref<40x32xf32, #tpu.memory_space<vmem>>
        %dma_start3A_1039 = arith.constant 0 : i32
        %dma_start3A_1040 = tpu.memref_slice %arg7[%dma_start3A_1030, %dma_start3A_1039] : memref<4x256xi32, #tpu.memory_space<vmem>> -> memref<1x256xi32, #tpu.memory_space<vmem>>
        %dma_start3A_1041 = tpu.memref_squeeze %dma_start3A_1040 : memref<1x256xi32, #tpu.memory_space<vmem>> -> memref<256xi32, #tpu.memory_space<vmem>>
        %dma_start3A_1042 = arith.constant 160 : i32
        %dma_start3A_1043 = tpu.memref_slice %dma_start3A_1041[%dma_start3A_1042] : memref<256xi32, #tpu.memory_space<vmem>> -> memref<40xi32, #tpu.memory_space<vmem>>
        %dma_start3A_1044 = arith.constant 0 : i32
        %dma_start3A_1045 = arith.constant 0 : i32
        %dma_start3A_1046 = tpu.memref_slice %arg3[%dma_start3A_1044, %dma_start3A_1045] : memref<100000x32xf32, #tpu.memory_space<hbm>> -> memref<100000x32xf32, #tpu.memory_space<hbm>>
        tpu.enqueue_indirect_dma source(%dma_start3A_1046 : memref<100000x32xf32, #tpu.memory_space<hbm>>) target(%dma_start3A_1038 : memref<40x32xf32, #tpu.memory_space<vmem>>) offsets(%dma_start3A_1043 : memref<40xi32, #tpu.memory_space<vmem>>) semaphore(%arg16 : memref<!tpu.dma_semaphore, #tpu.memory_space<semaphore_mem>>)
      } else {
      }
      %lt3A_756 = arith.constant 32 : i32
      %lt3A_757 = arith.cmpi slt, %add3A_747, %lt3A_756 : i32
      %lt3A_758 = arith.constant 1 : i32
      %lt3A_759 = arith.cmpi slt, %add3A_745, %lt3A_758 : i32
      %and3A_760 = arith.andi %lt3A_757, %lt3A_759 : i1
      %convert_element_type3A_761 = arith.extui %and3A_760 : i1 to i32
      %cond3A_762 = arith.constant 0 : i32
      %cond3A_763 = arith.cmpi ne, %convert_element_type3A_761, %cond3A_762 : i32
      scf.if %cond3A_763 {
        %mul3A_832 = arith.constant 4 : i32
        %mul3A_833 = arith.muli %add3A_747, %mul3A_832 : i32
        %add3A_834 = arith.addi %mul3A_2, %mul3A_833 : i32
        "tpu.region"() ({
          %run_scoped3A = tpu.sem_alloc : memref<!tpu.dma_semaphore, #tpu.memory_space<semaphore_mem>>
          %dma_start3A_1039 = arith.constant 0 : i32
          %dma_start3A_1040 = tpu.memref_slice %arg2[%add3A_834, %dma_start3A_1039] : memref<4096x256xi32, #tpu.memory_space<hbm>> -> memref<4x256xi32, #tpu.memory_space<hbm>>
          %dma_start3A_1041 = arith.constant 0 : i32
          %dma_start3A_1042 = tpu.memref_slice %arg2[%add3A_834, %dma_start3A_1041] : memref<4096x256xi32, #tpu.memory_space<hbm>> -> memref<4x256xi32, #tpu.memory_space<hbm>>
          tpu.enqueue_dma source(%dma_start3A_1042 : memref<4x256xi32, #tpu.memory_space<hbm>>) target(%arg7 : memref<4x256xi32, #tpu.memory_space<vmem>>) target_semaphore(%run_scoped3A : memref<!tpu.dma_semaphore, #tpu.memory_space<semaphore_mem>>)
          %dma_wait3A_1043 = arith.constant 0 : i32
          %dma_wait3A_1044 = tpu.memref_slice %arg2[%add3A_834, %dma_wait3A_1043] : memref<4096x256xi32, #tpu.memory_space<hbm>> -> memref<4x256xi32, #tpu.memory_space<hbm>>
          %dma_wait3A_1045 = arith.constant 0 : i32
          %dma_wait3A_1046 = tpu.memref_slice %arg2[%add3A_834, %dma_wait3A_1045] : memref<4096x256xi32, #tpu.memory_space<hbm>> -> memref<4x256xi32, #tpu.memory_space<hbm>>
          tpu.wait_dma2 semaphore(%run_scoped3A : memref<!tpu.dma_semaphore, #tpu.memory_space<semaphore_mem>>) src(%dma_wait3A_1046 : memref<4x256xi32, #tpu.memory_space<hbm>>) dst(%arg7 : memref<4x256xi32, #tpu.memory_space<vmem>>)
          tpu.yield
        }) : () -> ()
        %dma_start3A_835 = arith.constant 0 : i32
        %dma_start3A_836 = arith.constant 0 : i32
        %dma_start3A_837 = arith.constant 0 : i32
        %dma_start3A_838 = arith.constant 0 : i32
        %dma_start3A_839 = tpu.memref_slice %arg11[%dma_start3A_836, %dma_start3A_837, %dma_start3A_838] : memref<4x200x32xf32, #tpu.memory_space<vmem>> -> memref<1x200x32xf32, #tpu.memory_space<vmem>>
        %dma_start3A_840 = tpu.memref_squeeze %dma_start3A_839 : memref<1x200x32xf32, #tpu.memory_space<vmem>> -> memref<200x32xf32, #tpu.memory_space<vmem>>
        %dma_start3A_841 = arith.constant 0 : i32
        %dma_start3A_842 = arith.constant 0 : i32
        %dma_start3A_843 = tpu.memref_slice %dma_start3A_840[%dma_start3A_841, %dma_start3A_842] : memref<200x32xf32, #tpu.memory_space<vmem>> -> memref<80x32xf32, #tpu.memory_space<vmem>>
        %dma_start3A_844 = arith.constant 0 : i32
        %dma_start3A_845 = tpu.memref_slice %arg7[%dma_start3A_835, %dma_start3A_844] : memref<4x256xi32, #tpu.memory_space<vmem>> -> memref<1x256xi32, #tpu.memory_space<vmem>>
        %dma_start3A_846 = tpu.memref_squeeze %dma_start3A_845 : memref<1x256xi32, #tpu.memory_space<vmem>> -> memref<256xi32, #tpu.memory_space<vmem>>
        %dma_start3A_847 = arith.constant 0 : i32
        %dma_start3A_848 = tpu.memref_slice %dma_start3A_846[%dma_start3A_847] : memref<256xi32, #tpu.memory_space<vmem>> -> memref<80xi32, #tpu.memory_space<vmem>>
        %dma_start3A_849 = arith.constant 0 : i32
        %dma_start3A_850 = arith.constant 0 : i32
        %dma_start3A_851 = tpu.memref_slice %arg3[%dma_start3A_849, %dma_start3A_850] : memref<100000x32xf32, #tpu.memory_space<hbm>> -> memref<100000x32xf32, #tpu.memory_space<hbm>>
        tpu.enqueue_indirect_dma source(%dma_start3A_851 : memref<100000x32xf32, #tpu.memory_space<hbm>>) target(%dma_start3A_843 : memref<80x32xf32, #tpu.memory_space<vmem>>) offsets(%dma_start3A_848 : memref<80xi32, #tpu.memory_space<vmem>>) semaphore(%arg16 : memref<!tpu.dma_semaphore, #tpu.memory_space<semaphore_mem>>)
        %dma_start3A_852 = arith.constant 0 : i32
        %dma_start3A_853 = arith.constant 0 : i32
        %dma_start3A_854 = arith.constant 0 : i32
        %dma_start3A_855 = arith.constant 0 : i32
        %dma_start3A_856 = tpu.memref_slice %arg11[%dma_start3A_853, %dma_start3A_854, %dma_start3A_855] : memref<4x200x32xf32, #tpu.memory_space<vmem>> -> memref<1x200x32xf32, #tpu.memory_space<vmem>>
        %dma_start3A_857 = tpu.memref_squeeze %dma_start3A_856 : memref<1x200x32xf32, #tpu.memory_space<vmem>> -> memref<200x32xf32, #tpu.memory_space<vmem>>
        %dma_start3A_858 = arith.constant 80 : i32
        %dma_start3A_859 = arith.constant 0 : i32
        %dma_start3A_860 = tpu.memref_slice %dma_start3A_857[%dma_start3A_858, %dma_start3A_859] : memref<200x32xf32, #tpu.memory_space<vmem>> -> memref<80x32xf32, #tpu.memory_space<vmem>>
        %dma_start3A_861 = arith.constant 0 : i32
        %dma_start3A_862 = tpu.memref_slice %arg7[%dma_start3A_852, %dma_start3A_861] : memref<4x256xi32, #tpu.memory_space<vmem>> -> memref<1x256xi32, #tpu.memory_space<vmem>>
        %dma_start3A_863 = tpu.memref_squeeze %dma_start3A_862 : memref<1x256xi32, #tpu.memory_space<vmem>> -> memref<256xi32, #tpu.memory_space<vmem>>
        %dma_start3A_864 = arith.constant 80 : i32
        %dma_start3A_865 = tpu.memref_slice %dma_start3A_863[%dma_start3A_864] : memref<256xi32, #tpu.memory_space<vmem>> -> memref<80xi32, #tpu.memory_space<vmem>>
        %dma_start3A_866 = arith.constant 0 : i32
        %dma_start3A_867 = arith.constant 0 : i32
        %dma_start3A_868 = tpu.memref_slice %arg3[%dma_start3A_866, %dma_start3A_867] : memref<100000x32xf32, #tpu.memory_space<hbm>> -> memref<100000x32xf32, #tpu.memory_space<hbm>>
        tpu.enqueue_indirect_dma source(%dma_start3A_868 : memref<100000x32xf32, #tpu.memory_space<hbm>>) target(%dma_start3A_860 : memref<80x32xf32, #tpu.memory_space<vmem>>) offsets(%dma_start3A_865 : memref<80xi32, #tpu.memory_space<vmem>>) semaphore(%arg16 : memref<!tpu.dma_semaphore, #tpu.memory_space<semaphore_mem>>)
        %dma_start3A_869 = arith.constant 0 : i32
        %dma_start3A_870 = arith.constant 0 : i32
        %dma_start3A_871 = arith.constant 0 : i32
        %dma_start3A_872 = arith.constant 0 : i32
        %dma_start3A_873 = tpu.memref_slice %arg11[%dma_start3A_870, %dma_start3A_871, %dma_start3A_872] : memref<4x200x32xf32, #tpu.memory_space<vmem>> -> memref<1x200x32xf32, #tpu.memory_space<vmem>>
        %dma_start3A_874 = tpu.memref_squeeze %dma_start3A_873 : memref<1x200x32xf32, #tpu.memory_space<vmem>> -> memref<200x32xf32, #tpu.memory_space<vmem>>
        %dma_start3A_875 = arith.constant 160 : i32
        %dma_start3A_876 = arith.constant 0 : i32
        %dma_start3A_877 = tpu.memref_slice %dma_start3A_874[%dma_start3A_875, %dma_start3A_876] : memref<200x32xf32, #tpu.memory_space<vmem>> -> memref<40x32xf32, #tpu.memory_space<vmem>>
        %dma_start3A_878 = arith.constant 0 : i32
        %dma_start3A_879 = tpu.memref_slice %arg7[%dma_start3A_869, %dma_start3A_878] : memref<4x256xi32, #tpu.memory_space<vmem>> -> memref<1x256xi32, #tpu.memory_space<vmem>>
        %dma_start3A_880 = tpu.memref_squeeze %dma_start3A_879 : memref<1x256xi32, #tpu.memory_space<vmem>> -> memref<256xi32, #tpu.memory_space<vmem>>
        %dma_start3A_881 = arith.constant 160 : i32
        %dma_start3A_882 = tpu.memref_slice %dma_start3A_880[%dma_start3A_881] : memref<256xi32, #tpu.memory_space<vmem>> -> memref<40xi32, #tpu.memory_space<vmem>>
        %dma_start3A_883 = arith.constant 0 : i32
        %dma_start3A_884 = arith.constant 0 : i32
        %dma_start3A_885 = tpu.memref_slice %arg3[%dma_start3A_883, %dma_start3A_884] : memref<100000x32xf32, #tpu.memory_space<hbm>> -> memref<100000x32xf32, #tpu.memory_space<hbm>>
        tpu.enqueue_indirect_dma source(%dma_start3A_885 : memref<100000x32xf32, #tpu.memory_space<hbm>>) target(%dma_start3A_877 : memref<40x32xf32, #tpu.memory_space<vmem>>) offsets(%dma_start3A_882 : memref<40xi32, #tpu.memory_space<vmem>>) semaphore(%arg16 : memref<!tpu.dma_semaphore, #tpu.memory_space<semaphore_mem>>)
        %dma_start3A_886 = arith.constant 1 : i32
        %dma_start3A_887 = arith.constant 1 : i32
        %dma_start3A_888 = arith.constant 0 : i32
        %dma_start3A_889 = arith.constant 0 : i32
        %dma_start3A_890 = tpu.memref_slice %arg11[%dma_start3A_887, %dma_start3A_888, %dma_start3A_889] : memref<4x200x32xf32, #tpu.memory_space<vmem>> -> memref<1x200x32xf32, #tpu.memory_space<vmem>>
        %dma_start3A_891 = tpu.memref_squeeze %dma_start3A_890 : memref<1x200x32xf32, #tpu.memory_space<vmem>> -> memref<200x32xf32, #tpu.memory_space<vmem>>
        %dma_start3A_892 = arith.constant 0 : i32
        %dma_start3A_893 = arith.constant 0 : i32
        %dma_start3A_894 = tpu.memref_slice %dma_start3A_891[%dma_start3A_892, %dma_start3A_893] : memref<200x32xf32, #tpu.memory_space<vmem>> -> memref<80x32xf32, #tpu.memory_space<vmem>>
        %dma_start3A_895 = arith.constant 0 : i32
        %dma_start3A_896 = tpu.memref_slice %arg7[%dma_start3A_886, %dma_start3A_895] : memref<4x256xi32, #tpu.memory_space<vmem>> -> memref<1x256xi32, #tpu.memory_space<vmem>>
        %dma_start3A_897 = tpu.memref_squeeze %dma_start3A_896 : memref<1x256xi32, #tpu.memory_space<vmem>> -> memref<256xi32, #tpu.memory_space<vmem>>
        %dma_start3A_898 = arith.constant 0 : i32
        %dma_start3A_899 = tpu.memref_slice %dma_start3A_897[%dma_start3A_898] : memref<256xi32, #tpu.memory_space<vmem>> -> memref<80xi32, #tpu.memory_space<vmem>>
        %dma_start3A_900 = arith.constant 0 : i32
        %dma_start3A_901 = arith.constant 0 : i32
        %dma_start3A_902 = tpu.memref_slice %arg3[%dma_start3A_900, %dma_start3A_901] : memref<100000x32xf32, #tpu.memory_space<hbm>> -> memref<100000x32xf32, #tpu.memory_space<hbm>>
        tpu.enqueue_indirect_dma source(%dma_start3A_902 : memref<100000x32xf32, #tpu.memory_space<hbm>>) target(%dma_start3A_894 : memref<80x32xf32, #tpu.memory_space<vmem>>) offsets(%dma_start3A_899 : memref<80xi32, #tpu.memory_space<vmem>>) semaphore(%arg16 : memref<!tpu.dma_semaphore, #tpu.memory_space<semaphore_mem>>)
        %dma_start3A_903 = arith.constant 1 : i32
        %dma_start3A_904 = arith.constant 1 : i32
        %dma_start3A_905 = arith.constant 0 : i32
        %dma_start3A_906 = arith.constant 0 : i32
        %dma_start3A_907 = tpu.memref_slice %arg11[%dma_start3A_904, %dma_start3A_905, %dma_start3A_906] : memref<4x200x32xf32, #tpu.memory_space<vmem>> -> memref<1x200x32xf32, #tpu.memory_space<vmem>>
        %dma_start3A_908 = tpu.memref_squeeze %dma_start3A_907 : memref<1x200x32xf32, #tpu.memory_space<vmem>> -> memref<200x32xf32, #tpu.memory_space<vmem>>
        %dma_start3A_909 = arith.constant 80 : i32
        %dma_start3A_910 = arith.constant 0 : i32
        %dma_start3A_911 = tpu.memref_slice %dma_start3A_908[%dma_start3A_909, %dma_start3A_910] : memref<200x32xf32, #tpu.memory_space<vmem>> -> memref<80x32xf32, #tpu.memory_space<vmem>>
        %dma_start3A_912 = arith.constant 0 : i32
        %dma_start3A_913 = tpu.memref_slice %arg7[%dma_start3A_903, %dma_start3A_912] : memref<4x256xi32, #tpu.memory_space<vmem>> -> memref<1x256xi32, #tpu.memory_space<vmem>>
        %dma_start3A_914 = tpu.memref_squeeze %dma_start3A_913 : memref<1x256xi32, #tpu.memory_space<vmem>> -> memref<256xi32, #tpu.memory_space<vmem>>
        %dma_start3A_915 = arith.constant 80 : i32
        %dma_start3A_916 = tpu.memref_slice %dma_start3A_914[%dma_start3A_915] : memref<256xi32, #tpu.memory_space<vmem>> -> memref<80xi32, #tpu.memory_space<vmem>>
        %dma_start3A_917 = arith.constant 0 : i32
        %dma_start3A_918 = arith.constant 0 : i32
        %dma_start3A_919 = tpu.memref_slice %arg3[%dma_start3A_917, %dma_start3A_918] : memref<100000x32xf32, #tpu.memory_space<hbm>> -> memref<100000x32xf32, #tpu.memory_space<hbm>>
        tpu.enqueue_indirect_dma source(%dma_start3A_919 : memref<100000x32xf32, #tpu.memory_space<hbm>>) target(%dma_start3A_911 : memref<80x32xf32, #tpu.memory_space<vmem>>) offsets(%dma_start3A_916 : memref<80xi32, #tpu.memory_space<vmem>>) semaphore(%arg16 : memref<!tpu.dma_semaphore, #tpu.memory_space<semaphore_mem>>)
        %dma_start3A_920 = arith.constant 1 : i32
        %dma_start3A_921 = arith.constant 1 : i32
        %dma_start3A_922 = arith.constant 0 : i32
        %dma_start3A_923 = arith.constant 0 : i32
        %dma_start3A_924 = tpu.memref_slice %arg11[%dma_start3A_921, %dma_start3A_922, %dma_start3A_923] : memref<4x200x32xf32, #tpu.memory_space<vmem>> -> memref<1x200x32xf32, #tpu.memory_space<vmem>>
        %dma_start3A_925 = tpu.memref_squeeze %dma_start3A_924 : memref<1x200x32xf32, #tpu.memory_space<vmem>> -> memref<200x32xf32, #tpu.memory_space<vmem>>
        %dma_start3A_926 = arith.constant 160 : i32
        %dma_start3A_927 = arith.constant 0 : i32
        %dma_start3A_928 = tpu.memref_slice %dma_start3A_925[%dma_start3A_926, %dma_start3A_927] : memref<200x32xf32, #tpu.memory_space<vmem>> -> memref<40x32xf32, #tpu.memory_space<vmem>>
        %dma_start3A_929 = arith.constant 0 : i32
        %dma_start3A_930 = tpu.memref_slice %arg7[%dma_start3A_920, %dma_start3A_929] : memref<4x256xi32, #tpu.memory_space<vmem>> -> memref<1x256xi32, #tpu.memory_space<vmem>>
        %dma_start3A_931 = tpu.memref_squeeze %dma_start3A_930 : memref<1x256xi32, #tpu.memory_space<vmem>> -> memref<256xi32, #tpu.memory_space<vmem>>
        %dma_start3A_932 = arith.constant 160 : i32
        %dma_start3A_933 = tpu.memref_slice %dma_start3A_931[%dma_start3A_932] : memref<256xi32, #tpu.memory_space<vmem>> -> memref<40xi32, #tpu.memory_space<vmem>>
        %dma_start3A_934 = arith.constant 0 : i32
        %dma_start3A_935 = arith.constant 0 : i32
        %dma_start3A_936 = tpu.memref_slice %arg3[%dma_start3A_934, %dma_start3A_935] : memref<100000x32xf32, #tpu.memory_space<hbm>> -> memref<100000x32xf32, #tpu.memory_space<hbm>>
        tpu.enqueue_indirect_dma source(%dma_start3A_936 : memref<100000x32xf32, #tpu.memory_space<hbm>>) target(%dma_start3A_928 : memref<40x32xf32, #tpu.memory_space<vmem>>) offsets(%dma_start3A_933 : memref<40xi32, #tpu.memory_space<vmem>>) semaphore(%arg16 : memref<!tpu.dma_semaphore, #tpu.memory_space<semaphore_mem>>)
        %dma_start3A_937 = arith.constant 2 : i32
        %dma_start3A_938 = arith.constant 2 : i32
        %dma_start3A_939 = arith.constant 0 : i32
        %dma_start3A_940 = arith.constant 0 : i32
        %dma_start3A_941 = tpu.memref_slice %arg11[%dma_start3A_938, %dma_start3A_939, %dma_start3A_940] : memref<4x200x32xf32, #tpu.memory_space<vmem>> -> memref<1x200x32xf32, #tpu.memory_space<vmem>>
        %dma_start3A_942 = tpu.memref_squeeze %dma_start3A_941 : memref<1x200x32xf32, #tpu.memory_space<vmem>> -> memref<200x32xf32, #tpu.memory_space<vmem>>
        %dma_start3A_943 = arith.constant 0 : i32
        %dma_start3A_944 = arith.constant 0 : i32
        %dma_start3A_945 = tpu.memref_slice %dma_start3A_942[%dma_start3A_943, %dma_start3A_944] : memref<200x32xf32, #tpu.memory_space<vmem>> -> memref<80x32xf32, #tpu.memory_space<vmem>>
        %dma_start3A_946 = arith.constant 0 : i32
        %dma_start3A_947 = tpu.memref_slice %arg7[%dma_start3A_937, %dma_start3A_946] : memref<4x256xi32, #tpu.memory_space<vmem>> -> memref<1x256xi32, #tpu.memory_space<vmem>>
        %dma_start3A_948 = tpu.memref_squeeze %dma_start3A_947 : memref<1x256xi32, #tpu.memory_space<vmem>> -> memref<256xi32, #tpu.memory_space<vmem>>
        %dma_start3A_949 = arith.constant 0 : i32
        %dma_start3A_950 = tpu.memref_slice %dma_start3A_948[%dma_start3A_949] : memref<256xi32, #tpu.memory_space<vmem>> -> memref<80xi32, #tpu.memory_space<vmem>>
        %dma_start3A_951 = arith.constant 0 : i32
        %dma_start3A_952 = arith.constant 0 : i32
        %dma_start3A_953 = tpu.memref_slice %arg3[%dma_start3A_951, %dma_start3A_952] : memref<100000x32xf32, #tpu.memory_space<hbm>> -> memref<100000x32xf32, #tpu.memory_space<hbm>>
        tpu.enqueue_indirect_dma source(%dma_start3A_953 : memref<100000x32xf32, #tpu.memory_space<hbm>>) target(%dma_start3A_945 : memref<80x32xf32, #tpu.memory_space<vmem>>) offsets(%dma_start3A_950 : memref<80xi32, #tpu.memory_space<vmem>>) semaphore(%arg16 : memref<!tpu.dma_semaphore, #tpu.memory_space<semaphore_mem>>)
        %dma_start3A_954 = arith.constant 2 : i32
        %dma_start3A_955 = arith.constant 2 : i32
        %dma_start3A_956 = arith.constant 0 : i32
        %dma_start3A_957 = arith.constant 0 : i32
        %dma_start3A_958 = tpu.memref_slice %arg11[%dma_start3A_955, %dma_start3A_956, %dma_start3A_957] : memref<4x200x32xf32, #tpu.memory_space<vmem>> -> memref<1x200x32xf32, #tpu.memory_space<vmem>>
        %dma_start3A_959 = tpu.memref_squeeze %dma_start3A_958 : memref<1x200x32xf32, #tpu.memory_space<vmem>> -> memref<200x32xf32, #tpu.memory_space<vmem>>
        %dma_start3A_960 = arith.constant 80 : i32
        %dma_start3A_961 = arith.constant 0 : i32
        %dma_start3A_962 = tpu.memref_slice %dma_start3A_959[%dma_start3A_960, %dma_start3A_961] : memref<200x32xf32, #tpu.memory_space<vmem>> -> memref<80x32xf32, #tpu.memory_space<vmem>>
        %dma_start3A_963 = arith.constant 0 : i32
        %dma_start3A_964 = tpu.memref_slice %arg7[%dma_start3A_954, %dma_start3A_963] : memref<4x256xi32, #tpu.memory_space<vmem>> -> memref<1x256xi32, #tpu.memory_space<vmem>>
        %dma_start3A_965 = tpu.memref_squeeze %dma_start3A_964 : memref<1x256xi32, #tpu.memory_space<vmem>> -> memref<256xi32, #tpu.memory_space<vmem>>
        %dma_start3A_966 = arith.constant 80 : i32
        %dma_start3A_967 = tpu.memref_slice %dma_start3A_965[%dma_start3A_966] : memref<256xi32, #tpu.memory_space<vmem>> -> memref<80xi32, #tpu.memory_space<vmem>>
        %dma_start3A_968 = arith.constant 0 : i32
        %dma_start3A_969 = arith.constant 0 : i32
        %dma_start3A_970 = tpu.memref_slice %arg3[%dma_start3A_968, %dma_start3A_969] : memref<100000x32xf32, #tpu.memory_space<hbm>> -> memref<100000x32xf32, #tpu.memory_space<hbm>>
        tpu.enqueue_indirect_dma source(%dma_start3A_970 : memref<100000x32xf32, #tpu.memory_space<hbm>>) target(%dma_start3A_962 : memref<80x32xf32, #tpu.memory_space<vmem>>) offsets(%dma_start3A_967 : memref<80xi32, #tpu.memory_space<vmem>>) semaphore(%arg16 : memref<!tpu.dma_semaphore, #tpu.memory_space<semaphore_mem>>)
        %dma_start3A_971 = arith.constant 2 : i32
        %dma_start3A_972 = arith.constant 2 : i32
        %dma_start3A_973 = arith.constant 0 : i32
        %dma_start3A_974 = arith.constant 0 : i32
        %dma_start3A_975 = tpu.memref_slice %arg11[%dma_start3A_972, %dma_start3A_973, %dma_start3A_974] : memref<4x200x32xf32, #tpu.memory_space<vmem>> -> memref<1x200x32xf32, #tpu.memory_space<vmem>>
        %dma_start3A_976 = tpu.memref_squeeze %dma_start3A_975 : memref<1x200x32xf32, #tpu.memory_space<vmem>> -> memref<200x32xf32, #tpu.memory_space<vmem>>
        %dma_start3A_977 = arith.constant 160 : i32
        %dma_start3A_978 = arith.constant 0 : i32
        %dma_start3A_979 = tpu.memref_slice %dma_start3A_976[%dma_start3A_977, %dma_start3A_978] : memref<200x32xf32, #tpu.memory_space<vmem>> -> memref<40x32xf32, #tpu.memory_space<vmem>>
        %dma_start3A_980 = arith.constant 0 : i32
        %dma_start3A_981 = tpu.memref_slice %arg7[%dma_start3A_971, %dma_start3A_980] : memref<4x256xi32, #tpu.memory_space<vmem>> -> memref<1x256xi32, #tpu.memory_space<vmem>>
        %dma_start3A_982 = tpu.memref_squeeze %dma_start3A_981 : memref<1x256xi32, #tpu.memory_space<vmem>> -> memref<256xi32, #tpu.memory_space<vmem>>
        %dma_start3A_983 = arith.constant 160 : i32
        %dma_start3A_984 = tpu.memref_slice %dma_start3A_982[%dma_start3A_983] : memref<256xi32, #tpu.memory_space<vmem>> -> memref<40xi32, #tpu.memory_space<vmem>>
        %dma_start3A_985 = arith.constant 0 : i32
        %dma_start3A_986 = arith.constant 0 : i32
        %dma_start3A_987 = tpu.memref_slice %arg3[%dma_start3A_985, %dma_start3A_986] : memref<100000x32xf32, #tpu.memory_space<hbm>> -> memref<100000x32xf32, #tpu.memory_space<hbm>>
        tpu.enqueue_indirect_dma source(%dma_start3A_987 : memref<100000x32xf32, #tpu.memory_space<hbm>>) target(%dma_start3A_979 : memref<40x32xf32, #tpu.memory_space<vmem>>) offsets(%dma_start3A_984 : memref<40xi32, #tpu.memory_space<vmem>>) semaphore(%arg16 : memref<!tpu.dma_semaphore, #tpu.memory_space<semaphore_mem>>)
        %dma_start3A_988 = arith.constant 3 : i32
        %dma_start3A_989 = arith.constant 3 : i32
        %dma_start3A_990 = arith.constant 0 : i32
        %dma_start3A_991 = arith.constant 0 : i32
        %dma_start3A_992 = tpu.memref_slice %arg11[%dma_start3A_989, %dma_start3A_990, %dma_start3A_991] : memref<4x200x32xf32, #tpu.memory_space<vmem>> -> memref<1x200x32xf32, #tpu.memory_space<vmem>>
        %dma_start3A_993 = tpu.memref_squeeze %dma_start3A_992 : memref<1x200x32xf32, #tpu.memory_space<vmem>> -> memref<200x32xf32, #tpu.memory_space<vmem>>
        %dma_start3A_994 = arith.constant 0 : i32
        %dma_start3A_995 = arith.constant 0 : i32
        %dma_start3A_996 = tpu.memref_slice %dma_start3A_993[%dma_start3A_994, %dma_start3A_995] : memref<200x32xf32, #tpu.memory_space<vmem>> -> memref<80x32xf32, #tpu.memory_space<vmem>>
        %dma_start3A_997 = arith.constant 0 : i32
        %dma_start3A_998 = tpu.memref_slice %arg7[%dma_start3A_988, %dma_start3A_997] : memref<4x256xi32, #tpu.memory_space<vmem>> -> memref<1x256xi32, #tpu.memory_space<vmem>>
        %dma_start3A_999 = tpu.memref_squeeze %dma_start3A_998 : memref<1x256xi32, #tpu.memory_space<vmem>> -> memref<256xi32, #tpu.memory_space<vmem>>
        %dma_start3A_1000 = arith.constant 0 : i32
        %dma_start3A_1001 = tpu.memref_slice %dma_start3A_999[%dma_start3A_1000] : memref<256xi32, #tpu.memory_space<vmem>> -> memref<80xi32, #tpu.memory_space<vmem>>
        %dma_start3A_1002 = arith.constant 0 : i32
        %dma_start3A_1003 = arith.constant 0 : i32
        %dma_start3A_1004 = tpu.memref_slice %arg3[%dma_start3A_1002, %dma_start3A_1003] : memref<100000x32xf32, #tpu.memory_space<hbm>> -> memref<100000x32xf32, #tpu.memory_space<hbm>>
        tpu.enqueue_indirect_dma source(%dma_start3A_1004 : memref<100000x32xf32, #tpu.memory_space<hbm>>) target(%dma_start3A_996 : memref<80x32xf32, #tpu.memory_space<vmem>>) offsets(%dma_start3A_1001 : memref<80xi32, #tpu.memory_space<vmem>>) semaphore(%arg16 : memref<!tpu.dma_semaphore, #tpu.memory_space<semaphore_mem>>)
        %dma_start3A_1005 = arith.constant 3 : i32
        %dma_start3A_1006 = arith.constant 3 : i32
        %dma_start3A_1007 = arith.constant 0 : i32
        %dma_start3A_1008 = arith.constant 0 : i32
        %dma_start3A_1009 = tpu.memref_slice %arg11[%dma_start3A_1006, %dma_start3A_1007, %dma_start3A_1008] : memref<4x200x32xf32, #tpu.memory_space<vmem>> -> memref<1x200x32xf32, #tpu.memory_space<vmem>>
        %dma_start3A_1010 = tpu.memref_squeeze %dma_start3A_1009 : memref<1x200x32xf32, #tpu.memory_space<vmem>> -> memref<200x32xf32, #tpu.memory_space<vmem>>
        %dma_start3A_1011 = arith.constant 80 : i32
        %dma_start3A_1012 = arith.constant 0 : i32
        %dma_start3A_1013 = tpu.memref_slice %dma_start3A_1010[%dma_start3A_1011, %dma_start3A_1012] : memref<200x32xf32, #tpu.memory_space<vmem>> -> memref<80x32xf32, #tpu.memory_space<vmem>>
        %dma_start3A_1014 = arith.constant 0 : i32
        %dma_start3A_1015 = tpu.memref_slice %arg7[%dma_start3A_1005, %dma_start3A_1014] : memref<4x256xi32, #tpu.memory_space<vmem>> -> memref<1x256xi32, #tpu.memory_space<vmem>>
        %dma_start3A_1016 = tpu.memref_squeeze %dma_start3A_1015 : memref<1x256xi32, #tpu.memory_space<vmem>> -> memref<256xi32, #tpu.memory_space<vmem>>
        %dma_start3A_1017 = arith.constant 80 : i32
        %dma_start3A_1018 = tpu.memref_slice %dma_start3A_1016[%dma_start3A_1017] : memref<256xi32, #tpu.memory_space<vmem>> -> memref<80xi32, #tpu.memory_space<vmem>>
        %dma_start3A_1019 = arith.constant 0 : i32
        %dma_start3A_1020 = arith.constant 0 : i32
        %dma_start3A_1021 = tpu.memref_slice %arg3[%dma_start3A_1019, %dma_start3A_1020] : memref<100000x32xf32, #tpu.memory_space<hbm>> -> memref<100000x32xf32, #tpu.memory_space<hbm>>
        tpu.enqueue_indirect_dma source(%dma_start3A_1021 : memref<100000x32xf32, #tpu.memory_space<hbm>>) target(%dma_start3A_1013 : memref<80x32xf32, #tpu.memory_space<vmem>>) offsets(%dma_start3A_1018 : memref<80xi32, #tpu.memory_space<vmem>>) semaphore(%arg16 : memref<!tpu.dma_semaphore, #tpu.memory_space<semaphore_mem>>)
        %dma_start3A_1022 = arith.constant 3 : i32
        %dma_start3A_1023 = arith.constant 3 : i32
        %dma_start3A_1024 = arith.constant 0 : i32
        %dma_start3A_1025 = arith.constant 0 : i32
        %dma_start3A_1026 = tpu.memref_slice %arg11[%dma_start3A_1023, %dma_start3A_1024, %dma_start3A_1025] : memref<4x200x32xf32, #tpu.memory_space<vmem>> -> memref<1x200x32xf32, #tpu.memory_space<vmem>>
        %dma_start3A_1027 = tpu.memref_squeeze %dma_start3A_1026 : memref<1x200x32xf32, #tpu.memory_space<vmem>> -> memref<200x32xf32, #tpu.memory_space<vmem>>
        %dma_start3A_1028 = arith.constant 160 : i32
        %dma_start3A_1029 = arith.constant 0 : i32
        %dma_start3A_1030 = tpu.memref_slice %dma_start3A_1027[%dma_start3A_1028, %dma_start3A_1029] : memref<200x32xf32, #tpu.memory_space<vmem>> -> memref<40x32xf32, #tpu.memory_space<vmem>>
        %dma_start3A_1031 = arith.constant 0 : i32
        %dma_start3A_1032 = tpu.memref_slice %arg7[%dma_start3A_1022, %dma_start3A_1031] : memref<4x256xi32, #tpu.memory_space<vmem>> -> memref<1x256xi32, #tpu.memory_space<vmem>>
        %dma_start3A_1033 = tpu.memref_squeeze %dma_start3A_1032 : memref<1x256xi32, #tpu.memory_space<vmem>> -> memref<256xi32, #tpu.memory_space<vmem>>
        %dma_start3A_1034 = arith.constant 160 : i32
        %dma_start3A_1035 = tpu.memref_slice %dma_start3A_1033[%dma_start3A_1034] : memref<256xi32, #tpu.memory_space<vmem>> -> memref<40xi32, #tpu.memory_space<vmem>>
        %dma_start3A_1036 = arith.constant 0 : i32
        %dma_start3A_1037 = arith.constant 0 : i32
        %dma_start3A_1038 = tpu.memref_slice %arg3[%dma_start3A_1036, %dma_start3A_1037] : memref<100000x32xf32, #tpu.memory_space<hbm>> -> memref<100000x32xf32, #tpu.memory_space<hbm>>
        tpu.enqueue_indirect_dma source(%dma_start3A_1038 : memref<100000x32xf32, #tpu.memory_space<hbm>>) target(%dma_start3A_1030 : memref<40x32xf32, #tpu.memory_space<vmem>>) offsets(%dma_start3A_1035 : memref<40xi32, #tpu.memory_space<vmem>>) semaphore(%arg16 : memref<!tpu.dma_semaphore, #tpu.memory_space<semaphore_mem>>)
      } else {
      }
      %dma_wait3A_764 = arith.constant 0 : i32
      %dma_wait3A_765 = arith.constant 0 : i32
      %dma_wait3A_766 = arith.constant 0 : i32
      %dma_wait3A_767 = tpu.memref_slice %arg5[%dma_wait3A_764, %dma_wait3A_765, %dma_wait3A_766] : memref<4096x200x128xf32, #tpu.memory_space<hbm>> -> memref<4x200x32xf32, #tpu.memory_space<hbm>>
      %dma_wait3A_768 = arith.constant 0 : i32
      %dma_wait3A_769 = arith.constant 0 : i32
      %dma_wait3A_770 = arith.constant 0 : i32
      %dma_wait3A_771 = tpu.memref_slice %arg5[%dma_wait3A_768, %dma_wait3A_769, %dma_wait3A_770] : memref<4096x200x128xf32, #tpu.memory_space<hbm>> -> memref<4x200x32xf32, #tpu.memory_space<hbm>>
      tpu.wait_dma2 semaphore(%arg17 : memref<!tpu.dma_semaphore, #tpu.memory_space<semaphore_mem>>) src(%dma_wait3A_771 : memref<4x200x32xf32, #tpu.memory_space<hbm>>) dst(%arg12 : memref<4x200x32xf32, #tpu.memory_space<vmem>>)
      %scan3A_772 = arith.constant 0 : i32
      %scan3A_773 = arith.constant 0 : i32
      %scan3A_774 = arith.constant 200 : i32
      %scan3A_775 = arith.addi %scan3A_773, %scan3A_774 : i32
      %scan3A_776 = arith.constant 1 : i32
      scf.for %scan3A_832 = %scan3A_773 to %scan3A_775 step %scan3A_776  : i32 {
        %get3A = arith.index_cast %scan3A_832 : i32 to index
        %get3A_833 = arith.constant 0 : index
        %get3A_834 = tpu.vector_load %arg14[%get3A, %get3A_833] {strides = array<i32>} : memref<200x32xf32, #tpu.memory_space<vmem>>, vector<1x16xf32>,
        %get3A_835 = vector.shape_cast %get3A_834 : vector<1x16xf32> to vector<16xf32>
        %get3A_836 = arith.index_cast %scan3A_832 : i32 to index
        %get3A_837 = arith.constant 16 : index
        %get3A_838 = tpu.vector_load %arg14[%get3A_836, %get3A_837] {strides = array<i32>} : memref<200x32xf32, #tpu.memory_space<vmem>>, vector<1x16xf32>,
        %get3A_839 = vector.shape_cast %get3A_838 : vector<1x16xf32> to vector<16xf32>
        %get3A_840 = arith.constant 0 : i32
        %get3A_841 = arith.index_cast %get3A_840 : i32 to index
        %get3A_842 = arith.index_cast %scan3A_832 : i32 to index
        %get3A_843 = arith.constant 0 : index
        %get3A_844 = tpu.vector_load %arg12[%get3A_841, %get3A_842, %get3A_843] {strides = array<i32>} : memref<4x200x32xf32, #tpu.memory_space<vmem>>, vector<1x1x16xf32>,
        %get3A_845 = vector.shape_cast %get3A_844 : vector<1x1x16xf32> to vector<16xf32>
        %add3A_846 = arith.addf %get3A_845, %get3A_835 : vector<16xf32>
        %swap3A = arith.constant 0 : i32
        %swap3A_847 = arith.index_cast %swap3A : i32 to index
        %swap3A_848 = arith.index_cast %scan3A_832 : i32 to index
        %swap3A_849 = arith.constant 0 : index
        %swap3A_850 = tpu.vector_load %arg12[%swap3A_847, %swap3A_848, %swap3A_849] {strides = array<i32>} : memref<4x200x32xf32, #tpu.memory_space<vmem>>, vector<1x1x16xf32>,
        %swap3A_851 = vector.shape_cast %swap3A_850 : vector<1x1x16xf32> to vector<16xf32>
        %swap3A_852 = vector.shape_cast %add3A_846 : vector<16xf32> to vector<1x1x16xf32>
        tpu.vector_store %arg12[%swap3A_847, %swap3A_848, %swap3A_849], %swap3A_852 {strides = array<i32>} : memref<4x200x32xf32, #tpu.memory_space<vmem>>, vector<1x1x16xf32>,
        %get3A_853 = arith.constant 0 : i32
        %get3A_854 = arith.index_cast %get3A_853 : i32 to index
        %get3A_855 = arith.index_cast %scan3A_832 : i32 to index
        %get3A_856 = arith.constant 16 : index
        %get3A_857 = tpu.vector_load %arg12[%get3A_854, %get3A_855, %get3A_856] {strides = array<i32>} : memref<4x200x32xf32, #tpu.memory_space<vmem>>, vector<1x1x16xf32>,
        %get3A_858 = vector.shape_cast %get3A_857 : vector<1x1x16xf32> to vector<16xf32>
        %add3A_859 = arith.addf %get3A_858, %get3A_839 : vector<16xf32>
        %swap3A_860 = arith.constant 0 : i32
        %swap3A_861 = arith.index_cast %swap3A_860 : i32 to index
        %swap3A_862 = arith.index_cast %scan3A_832 : i32 to index
        %swap3A_863 = arith.constant 16 : index
        %swap3A_864 = tpu.vector_load %arg12[%swap3A_861, %swap3A_862, %swap3A_863] {strides = array<i32>} : memref<4x200x32xf32, #tpu.memory_space<vmem>>, vector<1x1x16xf32>,
        %swap3A_865 = vector.shape_cast %swap3A_864 : vector<1x1x16xf32> to vector<16xf32>
        %swap3A_866 = vector.shape_cast %add3A_859 : vector<16xf32> to vector<1x1x16xf32>
        tpu.vector_store %arg12[%swap3A_861, %swap3A_862, %swap3A_863], %swap3A_866 {strides = array<i32>} : memref<4x200x32xf32, #tpu.memory_space<vmem>>, vector<1x1x16xf32>,
        %get3A_867 = arith.constant 1 : i32
        %get3A_868 = arith.index_cast %get3A_867 : i32 to index
        %get3A_869 = arith.index_cast %scan3A_832 : i32 to index
        %get3A_870 = arith.constant 0 : index
        %get3A_871 = tpu.vector_load %arg12[%get3A_868, %get3A_869, %get3A_870] {strides = array<i32>} : memref<4x200x32xf32, #tpu.memory_space<vmem>>, vector<1x1x16xf32>,
        %get3A_872 = vector.shape_cast %get3A_871 : vector<1x1x16xf32> to vector<16xf32>
        %add3A_873 = arith.addf %get3A_872, %get3A_835 : vector<16xf32>
        %swap3A_874 = arith.constant 1 : i32
        %swap3A_875 = arith.index_cast %swap3A_874 : i32 to index
        %swap3A_876 = arith.index_cast %scan3A_832 : i32 to index
        %swap3A_877 = arith.constant 0 : index
        %swap3A_878 = tpu.vector_load %arg12[%swap3A_875, %swap3A_876, %swap3A_877] {strides = array<i32>} : memref<4x200x32xf32, #tpu.memory_space<vmem>>, vector<1x1x16xf32>,
        %swap3A_879 = vector.shape_cast %swap3A_878 : vector<1x1x16xf32> to vector<16xf32>
        %swap3A_880 = vector.shape_cast %add3A_873 : vector<16xf32> to vector<1x1x16xf32>
        tpu.vector_store %arg12[%swap3A_875, %swap3A_876, %swap3A_877], %swap3A_880 {strides = array<i32>} : memref<4x200x32xf32, #tpu.memory_space<vmem>>, vector<1x1x16xf32>,
        %get3A_881 = arith.constant 1 : i32
        %get3A_882 = arith.index_cast %get3A_881 : i32 to index
        %get3A_883 = arith.index_cast %scan3A_832 : i32 to index
        %get3A_884 = arith.constant 16 : index
        %get3A_885 = tpu.vector_load %arg12[%get3A_882, %get3A_883, %get3A_884] {strides = array<i32>} : memref<4x200x32xf32, #tpu.memory_space<vmem>>, vector<1x1x16xf32>,
        %get3A_886 = vector.shape_cast %get3A_885 : vector<1x1x16xf32> to vector<16xf32>
        %add3A_887 = arith.addf %get3A_886, %get3A_839 : vector<16xf32>
        %swap3A_888 = arith.constant 1 : i32
        %swap3A_889 = arith.index_cast %swap3A_888 : i32 to index
        %swap3A_890 = arith.index_cast %scan3A_832 : i32 to index
        %swap3A_891 = arith.constant 16 : index
        %swap3A_892 = tpu.vector_load %arg12[%swap3A_889, %swap3A_890, %swap3A_891] {strides = array<i32>} : memref<4x200x32xf32, #tpu.memory_space<vmem>>, vector<1x1x16xf32>,
        %swap3A_893 = vector.shape_cast %swap3A_892 : vector<1x1x16xf32> to vector<16xf32>
        %swap3A_894 = vector.shape_cast %add3A_887 : vector<16xf32> to vector<1x1x16xf32>
        tpu.vector_store %arg12[%swap3A_889, %swap3A_890, %swap3A_891], %swap3A_894 {strides = array<i32>} : memref<4x200x32xf32, #tpu.memory_space<vmem>>, vector<1x1x16xf32>,
        %get3A_895 = arith.constant 2 : i32
        %get3A_896 = arith.index_cast %get3A_895 : i32 to index
        %get3A_897 = arith.index_cast %scan3A_832 : i32 to index
        %get3A_898 = arith.constant 0 : index
        %get3A_899 = tpu.vector_load %arg12[%get3A_896, %get3A_897, %get3A_898] {strides = array<i32>} : memref<4x200x32xf32, #tpu.memory_space<vmem>>, vector<1x1x16xf32>,
        %get3A_900 = vector.shape_cast %get3A_899 : vector<1x1x16xf32> to vector<16xf32>
        %add3A_901 = arith.addf %get3A_900, %get3A_835 : vector<16xf32>
        %swap3A_902 = arith.constant 2 : i32
        %swap3A_903 = arith.index_cast %swap3A_902 : i32 to index
        %swap3A_904 = arith.index_cast %scan3A_832 : i32 to index
        %swap3A_905 = arith.constant 0 : index
        %swap3A_906 = tpu.vector_load %arg12[%swap3A_903, %swap3A_904, %swap3A_905] {strides = array<i32>} : memref<4x200x32xf32, #tpu.memory_space<vmem>>, vector<1x1x16xf32>,
        %swap3A_907 = vector.shape_cast %swap3A_906 : vector<1x1x16xf32> to vector<16xf32>
        %swap3A_908 = vector.shape_cast %add3A_901 : vector<16xf32> to vector<1x1x16xf32>
        tpu.vector_store %arg12[%swap3A_903, %swap3A_904, %swap3A_905], %swap3A_908 {strides = array<i32>} : memref<4x200x32xf32, #tpu.memory_space<vmem>>, vector<1x1x16xf32>,
        %get3A_909 = arith.constant 2 : i32
        %get3A_910 = arith.index_cast %get3A_909 : i32 to index
        %get3A_911 = arith.index_cast %scan3A_832 : i32 to index
        %get3A_912 = arith.constant 16 : index
        %get3A_913 = tpu.vector_load %arg12[%get3A_910, %get3A_911, %get3A_912] {strides = array<i32>} : memref<4x200x32xf32, #tpu.memory_space<vmem>>, vector<1x1x16xf32>,
        %get3A_914 = vector.shape_cast %get3A_913 : vector<1x1x16xf32> to vector<16xf32>
        %add3A_915 = arith.addf %get3A_914, %get3A_839 : vector<16xf32>
        %swap3A_916 = arith.constant 2 : i32
        %swap3A_917 = arith.index_cast %swap3A_916 : i32 to index
        %swap3A_918 = arith.index_cast %scan3A_832 : i32 to index
        %swap3A_919 = arith.constant 16 : index
        %swap3A_920 = tpu.vector_load %arg12[%swap3A_917, %swap3A_918, %swap3A_919] {strides = array<i32>} : memref<4x200x32xf32, #tpu.memory_space<vmem>>, vector<1x1x16xf32>,
        %swap3A_921 = vector.shape_cast %swap3A_920 : vector<1x1x16xf32> to vector<16xf32>
        %swap3A_922 = vector.shape_cast %add3A_915 : vector<16xf32> to vector<1x1x16xf32>
        tpu.vector_store %arg12[%swap3A_917, %swap3A_918, %swap3A_919], %swap3A_922 {strides = array<i32>} : memref<4x200x32xf32, #tpu.memory_space<vmem>>, vector<1x1x16xf32>,
        %get3A_923 = arith.constant 3 : i32
        %get3A_924 = arith.index_cast %get3A_923 : i32 to index
        %get3A_925 = arith.index_cast %scan3A_832 : i32 to index
        %get3A_926 = arith.constant 0 : index
        %get3A_927 = tpu.vector_load %arg12[%get3A_924, %get3A_925, %get3A_926] {strides = array<i32>} : memref<4x200x32xf32, #tpu.memory_space<vmem>>, vector<1x1x16xf32>,
        %get3A_928 = vector.shape_cast %get3A_927 : vector<1x1x16xf32> to vector<16xf32>
        %add3A_929 = arith.addf %get3A_928, %get3A_835 : vector<16xf32>
        %swap3A_930 = arith.constant 3 : i32
        %swap3A_931 = arith.index_cast %swap3A_930 : i32 to index
        %swap3A_932 = arith.index_cast %scan3A_832 : i32 to index
        %swap3A_933 = arith.constant 0 : index
        %swap3A_934 = tpu.vector_load %arg12[%swap3A_931, %swap3A_932, %swap3A_933] {strides = array<i32>} : memref<4x200x32xf32, #tpu.memory_space<vmem>>, vector<1x1x16xf32>,
        %swap3A_935 = vector.shape_cast %swap3A_934 : vector<1x1x16xf32> to vector<16xf32>
        %swap3A_936 = vector.shape_cast %add3A_929 : vector<16xf32> to vector<1x1x16xf32>
        tpu.vector_store %arg12[%swap3A_931, %swap3A_932, %swap3A_933], %swap3A_936 {strides = array<i32>} : memref<4x200x32xf32, #tpu.memory_space<vmem>>, vector<1x1x16xf32>,
        %get3A_937 = arith.constant 3 : i32
        %get3A_938 = arith.index_cast %get3A_937 : i32 to index
        %get3A_939 = arith.index_cast %scan3A_832 : i32 to index
        %get3A_940 = arith.constant 16 : index
        %get3A_941 = tpu.vector_load %arg12[%get3A_938, %get3A_939, %get3A_940] {strides = array<i32>} : memref<4x200x32xf32, #tpu.memory_space<vmem>>, vector<1x1x16xf32>,
        %get3A_942 = vector.shape_cast %get3A_941 : vector<1x1x16xf32> to vector<16xf32>
        %add3A_943 = arith.addf %get3A_942, %get3A_839 : vector<16xf32>
        %swap3A_944 = arith.constant 3 : i32
        %swap3A_945 = arith.index_cast %swap3A_944 : i32 to index
        %swap3A_946 = arith.index_cast %scan3A_832 : i32 to index
        %swap3A_947 = arith.constant 16 : index
        %swap3A_948 = tpu.vector_load %arg12[%swap3A_945, %swap3A_946, %swap3A_947] {strides = array<i32>} : memref<4x200x32xf32, #tpu.memory_space<vmem>>, vector<1x1x16xf32>,
        %swap3A_949 = vector.shape_cast %swap3A_948 : vector<1x1x16xf32> to vector<16xf32>
        %swap3A_950 = vector.shape_cast %add3A_943 : vector<16xf32> to vector<1x1x16xf32>
        tpu.vector_store %arg12[%swap3A_945, %swap3A_946, %swap3A_947], %swap3A_950 {strides = array<i32>} : memref<4x200x32xf32, #tpu.memory_space<vmem>>, vector<1x1x16xf32>,
      }
      %scan3A_777 = arith.constant 200 : i32
      %mul3A_778 = arith.constant 4 : i32
      %mul3A_779 = arith.muli %add3A_745, %mul3A_778 : i32
      %add3A_780 = arith.addi %mul3A_2, %mul3A_779 : i32
      %dma_start3A_781 = arith.constant 0 : i32
      %dma_start3A_782 = arith.constant 0 : i32
      %dma_start3A_783 = tpu.memref_slice %arg5[%add3A_780, %dma_start3A_781, %dma_start3A_782] : memref<4096x200x128xf32, #tpu.memory_space<hbm>> -> memref<4x200x32xf32, #tpu.memory_space<hbm>>
      %dma_start3A_784 = arith.constant 0 : i32
      %dma_start3A_785 = arith.constant 0 : i32
      %dma_start3A_786 = tpu.memref_slice %arg5[%add3A_780, %dma_start3A_784, %dma_start3A_785] : memref<4096x200x128xf32, #tpu.memory_space<hbm>> -> memref<4x200x32xf32, #tpu.memory_space<hbm>>
      tpu.enqueue_dma source(%arg12 : memref<4x200x32xf32, #tpu.memory_space<vmem>>) target(%dma_start3A_786 : memref<4x200x32xf32, #tpu.memory_space<hbm>>) target_semaphore(%arg21 : memref<!tpu.dma_semaphore, #tpu.memory_space<semaphore_mem>>)
      %mul3A_787 = arith.constant 4 : i32
      %mul3A_788 = arith.muli %scan3A_656, %mul3A_787 : i32
      %add3A_789 = arith.constant 3 : i32
      %add3A_790 = arith.addi %mul3A_788, %add3A_789 : i32
      %add3A_791 = arith.constant 3 : i32
      %add3A_792 = arith.addi %add3A_790, %add3A_791 : i32
      %lt3A_793 = arith.constant 32 : i32
      %lt3A_794 = arith.cmpi slt, %add3A_792, %lt3A_793 : i32
      %ge3A_795 = arith.constant 1 : i32
      %ge3A_796 = arith.cmpi sge, %add3A_790, %ge3A_795 : i32
      %and3A_797 = arith.andi %lt3A_794, %ge3A_796 : i1
      %convert_element_type3A_798 = arith.extui %and3A_797 : i1 to i32
      %cond3A_799 = arith.constant 0 : i32
      %cond3A_800 = arith.cmpi ne, %convert_element_type3A_798, %cond3A_799 : i32
      scf.if %cond3A_800 {
        %dma_wait3A_832 = arith.constant 0 : i32
        %dma_wait3A_833 = arith.constant 0 : i32
        %dma_wait3A_834 = arith.constant 0 : i32
        %dma_wait3A_835 = tpu.memref_slice %arg5[%dma_wait3A_832, %dma_wait3A_833, %dma_wait3A_834] : memref<4096x200x128xf32, #tpu.memory_space<hbm>> -> memref<4x200x32xf32, #tpu.memory_space<hbm>>
        %dma_wait3A_836 = arith.constant 0 : i32
        %dma_wait3A_837 = arith.constant 0 : i32
        %dma_wait3A_838 = arith.constant 0 : i32
        %dma_wait3A_839 = tpu.memref_slice %arg5[%dma_wait3A_836, %dma_wait3A_837, %dma_wait3A_838] : memref<4096x200x128xf32, #tpu.memory_space<hbm>> -> memref<4x200x32xf32, #tpu.memory_space<hbm>>
        tpu.wait_dma2 semaphore(%arg21 : memref<!tpu.dma_semaphore, #tpu.memory_space<semaphore_mem>>) src(%arg12 : memref<4x200x32xf32, #tpu.memory_space<vmem>>) dst(%dma_wait3A_839 : memref<4x200x32xf32, #tpu.memory_space<hbm>>)
        %mul3A_840 = arith.constant 4 : i32
        %mul3A_841 = arith.muli %add3A_792, %mul3A_840 : i32
        %add3A_842 = arith.addi %mul3A_2, %mul3A_841 : i32
        "tpu.region"() ({
          %run_scoped3A = tpu.sem_alloc : memref<!tpu.dma_semaphore, #tpu.memory_space<semaphore_mem>>
          %dma_start3A_1047 = arith.constant 0 : i32
          %dma_start3A_1048 = tpu.memref_slice %arg2[%add3A_842, %dma_start3A_1047] : memref<4096x256xi32, #tpu.memory_space<hbm>> -> memref<4x256xi32, #tpu.memory_space<hbm>>
          %dma_start3A_1049 = arith.constant 0 : i32
          %dma_start3A_1050 = tpu.memref_slice %arg2[%add3A_842, %dma_start3A_1049] : memref<4096x256xi32, #tpu.memory_space<hbm>> -> memref<4x256xi32, #tpu.memory_space<hbm>>
          tpu.enqueue_dma source(%dma_start3A_1050 : memref<4x256xi32, #tpu.memory_space<hbm>>) target(%arg8 : memref<4x256xi32, #tpu.memory_space<vmem>>) target_semaphore(%run_scoped3A : memref<!tpu.dma_semaphore, #tpu.memory_space<semaphore_mem>>)
          %dma_wait3A_1051 = arith.constant 0 : i32
          %dma_wait3A_1052 = tpu.memref_slice %arg2[%add3A_842, %dma_wait3A_1051] : memref<4096x256xi32, #tpu.memory_space<hbm>> -> memref<4x256xi32, #tpu.memory_space<hbm>>
          %dma_wait3A_1053 = arith.constant 0 : i32
          %dma_wait3A_1054 = tpu.memref_slice %arg2[%add3A_842, %dma_wait3A_1053] : memref<4096x256xi32, #tpu.memory_space<hbm>> -> memref<4x256xi32, #tpu.memory_space<hbm>>
          tpu.wait_dma2 semaphore(%run_scoped3A : memref<!tpu.dma_semaphore, #tpu.memory_space<semaphore_mem>>) src(%dma_wait3A_1054 : memref<4x256xi32, #tpu.memory_space<hbm>>) dst(%arg8 : memref<4x256xi32, #tpu.memory_space<vmem>>)
          tpu.yield
        }) : () -> ()
        %dma_start3A_843 = arith.constant 0 : i32
        %dma_start3A_844 = arith.constant 0 : i32
        %dma_start3A_845 = arith.constant 0 : i32
        %dma_start3A_846 = arith.constant 0 : i32
        %dma_start3A_847 = tpu.memref_slice %arg12[%dma_start3A_844, %dma_start3A_845, %dma_start3A_846] : memref<4x200x32xf32, #tpu.memory_space<vmem>> -> memref<1x200x32xf32, #tpu.memory_space<vmem>>
        %dma_start3A_848 = tpu.memref_squeeze %dma_start3A_847 : memref<1x200x32xf32, #tpu.memory_space<vmem>> -> memref<200x32xf32, #tpu.memory_space<vmem>>
        %dma_start3A_849 = arith.constant 0 : i32
        %dma_start3A_850 = arith.constant 0 : i32
        %dma_start3A_851 = tpu.memref_slice %dma_start3A_848[%dma_start3A_849, %dma_start3A_850] : memref<200x32xf32, #tpu.memory_space<vmem>> -> memref<80x32xf32, #tpu.memory_space<vmem>>
        %dma_start3A_852 = arith.constant 0 : i32
        %dma_start3A_853 = tpu.memref_slice %arg8[%dma_start3A_843, %dma_start3A_852] : memref<4x256xi32, #tpu.memory_space<vmem>> -> memref<1x256xi32, #tpu.memory_space<vmem>>
        %dma_start3A_854 = tpu.memref_squeeze %dma_start3A_853 : memref<1x256xi32, #tpu.memory_space<vmem>> -> memref<256xi32, #tpu.memory_space<vmem>>
        %dma_start3A_855 = arith.constant 0 : i32
        %dma_start3A_856 = tpu.memref_slice %dma_start3A_854[%dma_start3A_855] : memref<256xi32, #tpu.memory_space<vmem>> -> memref<80xi32, #tpu.memory_space<vmem>>
        %dma_start3A_857 = arith.constant 0 : i32
        %dma_start3A_858 = arith.constant 0 : i32
        %dma_start3A_859 = tpu.memref_slice %arg3[%dma_start3A_857, %dma_start3A_858] : memref<100000x32xf32, #tpu.memory_space<hbm>> -> memref<100000x32xf32, #tpu.memory_space<hbm>>
        tpu.enqueue_indirect_dma source(%dma_start3A_859 : memref<100000x32xf32, #tpu.memory_space<hbm>>) target(%dma_start3A_851 : memref<80x32xf32, #tpu.memory_space<vmem>>) offsets(%dma_start3A_856 : memref<80xi32, #tpu.memory_space<vmem>>) semaphore(%arg17 : memref<!tpu.dma_semaphore, #tpu.memory_space<semaphore_mem>>)
        %dma_start3A_860 = arith.constant 0 : i32
        %dma_start3A_861 = arith.constant 0 : i32
        %dma_start3A_862 = arith.constant 0 : i32
        %dma_start3A_863 = arith.constant 0 : i32
        %dma_start3A_864 = tpu.memref_slice %arg12[%dma_start3A_861, %dma_start3A_862, %dma_start3A_863] : memref<4x200x32xf32, #tpu.memory_space<vmem>> -> memref<1x200x32xf32, #tpu.memory_space<vmem>>
        %dma_start3A_865 = tpu.memref_squeeze %dma_start3A_864 : memref<1x200x32xf32, #tpu.memory_space<vmem>> -> memref<200x32xf32, #tpu.memory_space<vmem>>
        %dma_start3A_866 = arith.constant 80 : i32
        %dma_start3A_867 = arith.constant 0 : i32
        %dma_start3A_868 = tpu.memref_slice %dma_start3A_865[%dma_start3A_866, %dma_start3A_867] : memref<200x32xf32, #tpu.memory_space<vmem>> -> memref<80x32xf32, #tpu.memory_space<vmem>>
        %dma_start3A_869 = arith.constant 0 : i32
        %dma_start3A_870 = tpu.memref_slice %arg8[%dma_start3A_860, %dma_start3A_869] : memref<4x256xi32, #tpu.memory_space<vmem>> -> memref<1x256xi32, #tpu.memory_space<vmem>>
        %dma_start3A_871 = tpu.memref_squeeze %dma_start3A_870 : memref<1x256xi32, #tpu.memory_space<vmem>> -> memref<256xi32, #tpu.memory_space<vmem>>
        %dma_start3A_872 = arith.constant 80 : i32
        %dma_start3A_873 = tpu.memref_slice %dma_start3A_871[%dma_start3A_872] : memref<256xi32, #tpu.memory_space<vmem>> -> memref<80xi32, #tpu.memory_space<vmem>>
        %dma_start3A_874 = arith.constant 0 : i32
        %dma_start3A_875 = arith.constant 0 : i32
        %dma_start3A_876 = tpu.memref_slice %arg3[%dma_start3A_874, %dma_start3A_875] : memref<100000x32xf32, #tpu.memory_space<hbm>> -> memref<100000x32xf32, #tpu.memory_space<hbm>>
        tpu.enqueue_indirect_dma source(%dma_start3A_876 : memref<100000x32xf32, #tpu.memory_space<hbm>>) target(%dma_start3A_868 : memref<80x32xf32, #tpu.memory_space<vmem>>) offsets(%dma_start3A_873 : memref<80xi32, #tpu.memory_space<vmem>>) semaphore(%arg17 : memref<!tpu.dma_semaphore, #tpu.memory_space<semaphore_mem>>)
        %dma_start3A_877 = arith.constant 0 : i32
        %dma_start3A_878 = arith.constant 0 : i32
        %dma_start3A_879 = arith.constant 0 : i32
        %dma_start3A_880 = arith.constant 0 : i32
        %dma_start3A_881 = tpu.memref_slice %arg12[%dma_start3A_878, %dma_start3A_879, %dma_start3A_880] : memref<4x200x32xf32, #tpu.memory_space<vmem>> -> memref<1x200x32xf32, #tpu.memory_space<vmem>>
        %dma_start3A_882 = tpu.memref_squeeze %dma_start3A_881 : memref<1x200x32xf32, #tpu.memory_space<vmem>> -> memref<200x32xf32, #tpu.memory_space<vmem>>
        %dma_start3A_883 = arith.constant 160 : i32
        %dma_start3A_884 = arith.constant 0 : i32
        %dma_start3A_885 = tpu.memref_slice %dma_start3A_882[%dma_start3A_883, %dma_start3A_884] : memref<200x32xf32, #tpu.memory_space<vmem>> -> memref<40x32xf32, #tpu.memory_space<vmem>>
        %dma_start3A_886 = arith.constant 0 : i32
        %dma_start3A_887 = tpu.memref_slice %arg8[%dma_start3A_877, %dma_start3A_886] : memref<4x256xi32, #tpu.memory_space<vmem>> -> memref<1x256xi32, #tpu.memory_space<vmem>>
        %dma_start3A_888 = tpu.memref_squeeze %dma_start3A_887 : memref<1x256xi32, #tpu.memory_space<vmem>> -> memref<256xi32, #tpu.memory_space<vmem>>
        %dma_start3A_889 = arith.constant 160 : i32
        %dma_start3A_890 = tpu.memref_slice %dma_start3A_888[%dma_start3A_889] : memref<256xi32, #tpu.memory_space<vmem>> -> memref<40xi32, #tpu.memory_space<vmem>>
        %dma_start3A_891 = arith.constant 0 : i32
        %dma_start3A_892 = arith.constant 0 : i32
        %dma_start3A_893 = tpu.memref_slice %arg3[%dma_start3A_891, %dma_start3A_892] : memref<100000x32xf32, #tpu.memory_space<hbm>> -> memref<100000x32xf32, #tpu.memory_space<hbm>>
        tpu.enqueue_indirect_dma source(%dma_start3A_893 : memref<100000x32xf32, #tpu.memory_space<hbm>>) target(%dma_start3A_885 : memref<40x32xf32, #tpu.memory_space<vmem>>) offsets(%dma_start3A_890 : memref<40xi32, #tpu.memory_space<vmem>>) semaphore(%arg17 : memref<!tpu.dma_semaphore, #tpu.memory_space<semaphore_mem>>)
        %dma_start3A_894 = arith.constant 1 : i32
        %dma_start3A_895 = arith.constant 1 : i32
        %dma_start3A_896 = arith.constant 0 : i32
        %dma_start3A_897 = arith.constant 0 : i32
        %dma_start3A_898 = tpu.memref_slice %arg12[%dma_start3A_895, %dma_start3A_896, %dma_start3A_897] : memref<4x200x32xf32, #tpu.memory_space<vmem>> -> memref<1x200x32xf32, #tpu.memory_space<vmem>>
        %dma_start3A_899 = tpu.memref_squeeze %dma_start3A_898 : memref<1x200x32xf32, #tpu.memory_space<vmem>> -> memref<200x32xf32, #tpu.memory_space<vmem>>
        %dma_start3A_900 = arith.constant 0 : i32
        %dma_start3A_901 = arith.constant 0 : i32
        %dma_start3A_902 = tpu.memref_slice %dma_start3A_899[%dma_start3A_900, %dma_start3A_901] : memref<200x32xf32, #tpu.memory_space<vmem>> -> memref<80x32xf32, #tpu.memory_space<vmem>>
        %dma_start3A_903 = arith.constant 0 : i32
        %dma_start3A_904 = tpu.memref_slice %arg8[%dma_start3A_894, %dma_start3A_903] : memref<4x256xi32, #tpu.memory_space<vmem>> -> memref<1x256xi32, #tpu.memory_space<vmem>>
        %dma_start3A_905 = tpu.memref_squeeze %dma_start3A_904 : memref<1x256xi32, #tpu.memory_space<vmem>> -> memref<256xi32, #tpu.memory_space<vmem>>
        %dma_start3A_906 = arith.constant 0 : i32
        %dma_start3A_907 = tpu.memref_slice %dma_start3A_905[%dma_start3A_906] : memref<256xi32, #tpu.memory_space<vmem>> -> memref<80xi32, #tpu.memory_space<vmem>>
        %dma_start3A_908 = arith.constant 0 : i32
        %dma_start3A_909 = arith.constant 0 : i32
        %dma_start3A_910 = tpu.memref_slice %arg3[%dma_start3A_908, %dma_start3A_909] : memref<100000x32xf32, #tpu.memory_space<hbm>> -> memref<100000x32xf32, #tpu.memory_space<hbm>>
        tpu.enqueue_indirect_dma source(%dma_start3A_910 : memref<100000x32xf32, #tpu.memory_space<hbm>>) target(%dma_start3A_902 : memref<80x32xf32, #tpu.memory_space<vmem>>) offsets(%dma_start3A_907 : memref<80xi32, #tpu.memory_space<vmem>>) semaphore(%arg17 : memref<!tpu.dma_semaphore, #tpu.memory_space<semaphore_mem>>)
        %dma_start3A_911 = arith.constant 1 : i32
        %dma_start3A_912 = arith.constant 1 : i32
        %dma_start3A_913 = arith.constant 0 : i32
        %dma_start3A_914 = arith.constant 0 : i32
        %dma_start3A_915 = tpu.memref_slice %arg12[%dma_start3A_912, %dma_start3A_913, %dma_start3A_914] : memref<4x200x32xf32, #tpu.memory_space<vmem>> -> memref<1x200x32xf32, #tpu.memory_space<vmem>>
        %dma_start3A_916 = tpu.memref_squeeze %dma_start3A_915 : memref<1x200x32xf32, #tpu.memory_space<vmem>> -> memref<200x32xf32, #tpu.memory_space<vmem>>
        %dma_start3A_917 = arith.constant 80 : i32
        %dma_start3A_918 = arith.constant 0 : i32
        %dma_start3A_919 = tpu.memref_slice %dma_start3A_916[%dma_start3A_917, %dma_start3A_918] : memref<200x32xf32, #tpu.memory_space<vmem>> -> memref<80x32xf32, #tpu.memory_space<vmem>>
        %dma_start3A_920 = arith.constant 0 : i32
        %dma_start3A_921 = tpu.memref_slice %arg8[%dma_start3A_911, %dma_start3A_920] : memref<4x256xi32, #tpu.memory_space<vmem>> -> memref<1x256xi32, #tpu.memory_space<vmem>>
        %dma_start3A_922 = tpu.memref_squeeze %dma_start3A_921 : memref<1x256xi32, #tpu.memory_space<vmem>> -> memref<256xi32, #tpu.memory_space<vmem>>
        %dma_start3A_923 = arith.constant 80 : i32
        %dma_start3A_924 = tpu.memref_slice %dma_start3A_922[%dma_start3A_923] : memref<256xi32, #tpu.memory_space<vmem>> -> memref<80xi32, #tpu.memory_space<vmem>>
        %dma_start3A_925 = arith.constant 0 : i32
        %dma_start3A_926 = arith.constant 0 : i32
        %dma_start3A_927 = tpu.memref_slice %arg3[%dma_start3A_925, %dma_start3A_926] : memref<100000x32xf32, #tpu.memory_space<hbm>> -> memref<100000x32xf32, #tpu.memory_space<hbm>>
        tpu.enqueue_indirect_dma source(%dma_start3A_927 : memref<100000x32xf32, #tpu.memory_space<hbm>>) target(%dma_start3A_919 : memref<80x32xf32, #tpu.memory_space<vmem>>) offsets(%dma_start3A_924 : memref<80xi32, #tpu.memory_space<vmem>>) semaphore(%arg17 : memref<!tpu.dma_semaphore, #tpu.memory_space<semaphore_mem>>)
        %dma_start3A_928 = arith.constant 1 : i32
        %dma_start3A_929 = arith.constant 1 : i32
        %dma_start3A_930 = arith.constant 0 : i32
        %dma_start3A_931 = arith.constant 0 : i32
        %dma_start3A_932 = tpu.memref_slice %arg12[%dma_start3A_929, %dma_start3A_930, %dma_start3A_931] : memref<4x200x32xf32, #tpu.memory_space<vmem>> -> memref<1x200x32xf32, #tpu.memory_space<vmem>>
        %dma_start3A_933 = tpu.memref_squeeze %dma_start3A_932 : memref<1x200x32xf32, #tpu.memory_space<vmem>> -> memref<200x32xf32, #tpu.memory_space<vmem>>
        %dma_start3A_934 = arith.constant 160 : i32
        %dma_start3A_935 = arith.constant 0 : i32
        %dma_start3A_936 = tpu.memref_slice %dma_start3A_933[%dma_start3A_934, %dma_start3A_935] : memref<200x32xf32, #tpu.memory_space<vmem>> -> memref<40x32xf32, #tpu.memory_space<vmem>>
        %dma_start3A_937 = arith.constant 0 : i32
        %dma_start3A_938 = tpu.memref_slice %arg8[%dma_start3A_928, %dma_start3A_937] : memref<4x256xi32, #tpu.memory_space<vmem>> -> memref<1x256xi32, #tpu.memory_space<vmem>>
        %dma_start3A_939 = tpu.memref_squeeze %dma_start3A_938 : memref<1x256xi32, #tpu.memory_space<vmem>> -> memref<256xi32, #tpu.memory_space<vmem>>
        %dma_start3A_940 = arith.constant 160 : i32
        %dma_start3A_941 = tpu.memref_slice %dma_start3A_939[%dma_start3A_940] : memref<256xi32, #tpu.memory_space<vmem>> -> memref<40xi32, #tpu.memory_space<vmem>>
        %dma_start3A_942 = arith.constant 0 : i32
        %dma_start3A_943 = arith.constant 0 : i32
        %dma_start3A_944 = tpu.memref_slice %arg3[%dma_start3A_942, %dma_start3A_943] : memref<100000x32xf32, #tpu.memory_space<hbm>> -> memref<100000x32xf32, #tpu.memory_space<hbm>>
        tpu.enqueue_indirect_dma source(%dma_start3A_944 : memref<100000x32xf32, #tpu.memory_space<hbm>>) target(%dma_start3A_936 : memref<40x32xf32, #tpu.memory_space<vmem>>) offsets(%dma_start3A_941 : memref<40xi32, #tpu.memory_space<vmem>>) semaphore(%arg17 : memref<!tpu.dma_semaphore, #tpu.memory_space<semaphore_mem>>)
        %dma_start3A_945 = arith.constant 2 : i32
        %dma_start3A_946 = arith.constant 2 : i32
        %dma_start3A_947 = arith.constant 0 : i32
        %dma_start3A_948 = arith.constant 0 : i32
        %dma_start3A_949 = tpu.memref_slice %arg12[%dma_start3A_946, %dma_start3A_947, %dma_start3A_948] : memref<4x200x32xf32, #tpu.memory_space<vmem>> -> memref<1x200x32xf32, #tpu.memory_space<vmem>>
        %dma_start3A_950 = tpu.memref_squeeze %dma_start3A_949 : memref<1x200x32xf32, #tpu.memory_space<vmem>> -> memref<200x32xf32, #tpu.memory_space<vmem>>
        %dma_start3A_951 = arith.constant 0 : i32
        %dma_start3A_952 = arith.constant 0 : i32
        %dma_start3A_953 = tpu.memref_slice %dma_start3A_950[%dma_start3A_951, %dma_start3A_952] : memref<200x32xf32, #tpu.memory_space<vmem>> -> memref<80x32xf32, #tpu.memory_space<vmem>>
        %dma_start3A_954 = arith.constant 0 : i32
        %dma_start3A_955 = tpu.memref_slice %arg8[%dma_start3A_945, %dma_start3A_954] : memref<4x256xi32, #tpu.memory_space<vmem>> -> memref<1x256xi32, #tpu.memory_space<vmem>>
        %dma_start3A_956 = tpu.memref_squeeze %dma_start3A_955 : memref<1x256xi32, #tpu.memory_space<vmem>> -> memref<256xi32, #tpu.memory_space<vmem>>
        %dma_start3A_957 = arith.constant 0 : i32
        %dma_start3A_958 = tpu.memref_slice %dma_start3A_956[%dma_start3A_957] : memref<256xi32, #tpu.memory_space<vmem>> -> memref<80xi32, #tpu.memory_space<vmem>>
        %dma_start3A_959 = arith.constant 0 : i32
        %dma_start3A_960 = arith.constant 0 : i32
        %dma_start3A_961 = tpu.memref_slice %arg3[%dma_start3A_959, %dma_start3A_960] : memref<100000x32xf32, #tpu.memory_space<hbm>> -> memref<100000x32xf32, #tpu.memory_space<hbm>>
        tpu.enqueue_indirect_dma source(%dma_start3A_961 : memref<100000x32xf32, #tpu.memory_space<hbm>>) target(%dma_start3A_953 : memref<80x32xf32, #tpu.memory_space<vmem>>) offsets(%dma_start3A_958 : memref<80xi32, #tpu.memory_space<vmem>>) semaphore(%arg17 : memref<!tpu.dma_semaphore, #tpu.memory_space<semaphore_mem>>)
        %dma_start3A_962 = arith.constant 2 : i32
        %dma_start3A_963 = arith.constant 2 : i32
        %dma_start3A_964 = arith.constant 0 : i32
        %dma_start3A_965 = arith.constant 0 : i32
        %dma_start3A_966 = tpu.memref_slice %arg12[%dma_start3A_963, %dma_start3A_964, %dma_start3A_965] : memref<4x200x32xf32, #tpu.memory_space<vmem>> -> memref<1x200x32xf32, #tpu.memory_space<vmem>>
        %dma_start3A_967 = tpu.memref_squeeze %dma_start3A_966 : memref<1x200x32xf32, #tpu.memory_space<vmem>> -> memref<200x32xf32, #tpu.memory_space<vmem>>
        %dma_start3A_968 = arith.constant 80 : i32
        %dma_start3A_969 = arith.constant 0 : i32
        %dma_start3A_970 = tpu.memref_slice %dma_start3A_967[%dma_start3A_968, %dma_start3A_969] : memref<200x32xf32, #tpu.memory_space<vmem>> -> memref<80x32xf32, #tpu.memory_space<vmem>>
        %dma_start3A_971 = arith.constant 0 : i32
        %dma_start3A_972 = tpu.memref_slice %arg8[%dma_start3A_962, %dma_start3A_971] : memref<4x256xi32, #tpu.memory_space<vmem>> -> memref<1x256xi32, #tpu.memory_space<vmem>>
        %dma_start3A_973 = tpu.memref_squeeze %dma_start3A_972 : memref<1x256xi32, #tpu.memory_space<vmem>> -> memref<256xi32, #tpu.memory_space<vmem>>
        %dma_start3A_974 = arith.constant 80 : i32
        %dma_start3A_975 = tpu.memref_slice %dma_start3A_973[%dma_start3A_974] : memref<256xi32, #tpu.memory_space<vmem>> -> memref<80xi32, #tpu.memory_space<vmem>>
        %dma_start3A_976 = arith.constant 0 : i32
        %dma_start3A_977 = arith.constant 0 : i32
        %dma_start3A_978 = tpu.memref_slice %arg3[%dma_start3A_976, %dma_start3A_977] : memref<100000x32xf32, #tpu.memory_space<hbm>> -> memref<100000x32xf32, #tpu.memory_space<hbm>>
        tpu.enqueue_indirect_dma source(%dma_start3A_978 : memref<100000x32xf32, #tpu.memory_space<hbm>>) target(%dma_start3A_970 : memref<80x32xf32, #tpu.memory_space<vmem>>) offsets(%dma_start3A_975 : memref<80xi32, #tpu.memory_space<vmem>>) semaphore(%arg17 : memref<!tpu.dma_semaphore, #tpu.memory_space<semaphore_mem>>)
        %dma_start3A_979 = arith.constant 2 : i32
        %dma_start3A_980 = arith.constant 2 : i32
        %dma_start3A_981 = arith.constant 0 : i32
        %dma_start3A_982 = arith.constant 0 : i32
        %dma_start3A_983 = tpu.memref_slice %arg12[%dma_start3A_980, %dma_start3A_981, %dma_start3A_982] : memref<4x200x32xf32, #tpu.memory_space<vmem>> -> memref<1x200x32xf32, #tpu.memory_space<vmem>>
        %dma_start3A_984 = tpu.memref_squeeze %dma_start3A_983 : memref<1x200x32xf32, #tpu.memory_space<vmem>> -> memref<200x32xf32, #tpu.memory_space<vmem>>
        %dma_start3A_985 = arith.constant 160 : i32
        %dma_start3A_986 = arith.constant 0 : i32
        %dma_start3A_987 = tpu.memref_slice %dma_start3A_984[%dma_start3A_985, %dma_start3A_986] : memref<200x32xf32, #tpu.memory_space<vmem>> -> memref<40x32xf32, #tpu.memory_space<vmem>>
        %dma_start3A_988 = arith.constant 0 : i32
        %dma_start3A_989 = tpu.memref_slice %arg8[%dma_start3A_979, %dma_start3A_988] : memref<4x256xi32, #tpu.memory_space<vmem>> -> memref<1x256xi32, #tpu.memory_space<vmem>>
        %dma_start3A_990 = tpu.memref_squeeze %dma_start3A_989 : memref<1x256xi32, #tpu.memory_space<vmem>> -> memref<256xi32, #tpu.memory_space<vmem>>
        %dma_start3A_991 = arith.constant 160 : i32
        %dma_start3A_992 = tpu.memref_slice %dma_start3A_990[%dma_start3A_991] : memref<256xi32, #tpu.memory_space<vmem>> -> memref<40xi32, #tpu.memory_space<vmem>>
        %dma_start3A_993 = arith.constant 0 : i32
        %dma_start3A_994 = arith.constant 0 : i32
        %dma_start3A_995 = tpu.memref_slice %arg3[%dma_start3A_993, %dma_start3A_994] : memref<100000x32xf32, #tpu.memory_space<hbm>> -> memref<100000x32xf32, #tpu.memory_space<hbm>>
        tpu.enqueue_indirect_dma source(%dma_start3A_995 : memref<100000x32xf32, #tpu.memory_space<hbm>>) target(%dma_start3A_987 : memref<40x32xf32, #tpu.memory_space<vmem>>) offsets(%dma_start3A_992 : memref<40xi32, #tpu.memory_space<vmem>>) semaphore(%arg17 : memref<!tpu.dma_semaphore, #tpu.memory_space<semaphore_mem>>)
        %dma_start3A_996 = arith.constant 3 : i32
        %dma_start3A_997 = arith.constant 3 : i32
        %dma_start3A_998 = arith.constant 0 : i32
        %dma_start3A_999 = arith.constant 0 : i32
        %dma_start3A_1000 = tpu.memref_slice %arg12[%dma_start3A_997, %dma_start3A_998, %dma_start3A_999] : memref<4x200x32xf32, #tpu.memory_space<vmem>> -> memref<1x200x32xf32, #tpu.memory_space<vmem>>
        %dma_start3A_1001 = tpu.memref_squeeze %dma_start3A_1000 : memref<1x200x32xf32, #tpu.memory_space<vmem>> -> memref<200x32xf32, #tpu.memory_space<vmem>>
        %dma_start3A_1002 = arith.constant 0 : i32
        %dma_start3A_1003 = arith.constant 0 : i32
        %dma_start3A_1004 = tpu.memref_slice %dma_start3A_1001[%dma_start3A_1002, %dma_start3A_1003] : memref<200x32xf32, #tpu.memory_space<vmem>> -> memref<80x32xf32, #tpu.memory_space<vmem>>
        %dma_start3A_1005 = arith.constant 0 : i32
        %dma_start3A_1006 = tpu.memref_slice %arg8[%dma_start3A_996, %dma_start3A_1005] : memref<4x256xi32, #tpu.memory_space<vmem>> -> memref<1x256xi32, #tpu.memory_space<vmem>>
        %dma_start3A_1007 = tpu.memref_squeeze %dma_start3A_1006 : memref<1x256xi32, #tpu.memory_space<vmem>> -> memref<256xi32, #tpu.memory_space<vmem>>
        %dma_start3A_1008 = arith.constant 0 : i32
        %dma_start3A_1009 = tpu.memref_slice %dma_start3A_1007[%dma_start3A_1008] : memref<256xi32, #tpu.memory_space<vmem>> -> memref<80xi32, #tpu.memory_space<vmem>>
        %dma_start3A_1010 = arith.constant 0 : i32
        %dma_start3A_1011 = arith.constant 0 : i32
        %dma_start3A_1012 = tpu.memref_slice %arg3[%dma_start3A_1010, %dma_start3A_1011] : memref<100000x32xf32, #tpu.memory_space<hbm>> -> memref<100000x32xf32, #tpu.memory_space<hbm>>
        tpu.enqueue_indirect_dma source(%dma_start3A_1012 : memref<100000x32xf32, #tpu.memory_space<hbm>>) target(%dma_start3A_1004 : memref<80x32xf32, #tpu.memory_space<vmem>>) offsets(%dma_start3A_1009 : memref<80xi32, #tpu.memory_space<vmem>>) semaphore(%arg17 : memref<!tpu.dma_semaphore, #tpu.memory_space<semaphore_mem>>)
        %dma_start3A_1013 = arith.constant 3 : i32
        %dma_start3A_1014 = arith.constant 3 : i32
        %dma_start3A_1015 = arith.constant 0 : i32
        %dma_start3A_1016 = arith.constant 0 : i32
        %dma_start3A_1017 = tpu.memref_slice %arg12[%dma_start3A_1014, %dma_start3A_1015, %dma_start3A_1016] : memref<4x200x32xf32, #tpu.memory_space<vmem>> -> memref<1x200x32xf32, #tpu.memory_space<vmem>>
        %dma_start3A_1018 = tpu.memref_squeeze %dma_start3A_1017 : memref<1x200x32xf32, #tpu.memory_space<vmem>> -> memref<200x32xf32, #tpu.memory_space<vmem>>
        %dma_start3A_1019 = arith.constant 80 : i32
        %dma_start3A_1020 = arith.constant 0 : i32
        %dma_start3A_1021 = tpu.memref_slice %dma_start3A_1018[%dma_start3A_1019, %dma_start3A_1020] : memref<200x32xf32, #tpu.memory_space<vmem>> -> memref<80x32xf32, #tpu.memory_space<vmem>>
        %dma_start3A_1022 = arith.constant 0 : i32
        %dma_start3A_1023 = tpu.memref_slice %arg8[%dma_start3A_1013, %dma_start3A_1022] : memref<4x256xi32, #tpu.memory_space<vmem>> -> memref<1x256xi32, #tpu.memory_space<vmem>>
        %dma_start3A_1024 = tpu.memref_squeeze %dma_start3A_1023 : memref<1x256xi32, #tpu.memory_space<vmem>> -> memref<256xi32, #tpu.memory_space<vmem>>
        %dma_start3A_1025 = arith.constant 80 : i32
        %dma_start3A_1026 = tpu.memref_slice %dma_start3A_1024[%dma_start3A_1025] : memref<256xi32, #tpu.memory_space<vmem>> -> memref<80xi32, #tpu.memory_space<vmem>>
        %dma_start3A_1027 = arith.constant 0 : i32
        %dma_start3A_1028 = arith.constant 0 : i32
        %dma_start3A_1029 = tpu.memref_slice %arg3[%dma_start3A_1027, %dma_start3A_1028] : memref<100000x32xf32, #tpu.memory_space<hbm>> -> memref<100000x32xf32, #tpu.memory_space<hbm>>
        tpu.enqueue_indirect_dma source(%dma_start3A_1029 : memref<100000x32xf32, #tpu.memory_space<hbm>>) target(%dma_start3A_1021 : memref<80x32xf32, #tpu.memory_space<vmem>>) offsets(%dma_start3A_1026 : memref<80xi32, #tpu.memory_space<vmem>>) semaphore(%arg17 : memref<!tpu.dma_semaphore, #tpu.memory_space<semaphore_mem>>)
        %dma_start3A_1030 = arith.constant 3 : i32
        %dma_start3A_1031 = arith.constant 3 : i32
        %dma_start3A_1032 = arith.constant 0 : i32
        %dma_start3A_1033 = arith.constant 0 : i32
        %dma_start3A_1034 = tpu.memref_slice %arg12[%dma_start3A_1031, %dma_start3A_1032, %dma_start3A_1033] : memref<4x200x32xf32, #tpu.memory_space<vmem>> -> memref<1x200x32xf32, #tpu.memory_space<vmem>>
        %dma_start3A_1035 = tpu.memref_squeeze %dma_start3A_1034 : memref<1x200x32xf32, #tpu.memory_space<vmem>> -> memref<200x32xf32, #tpu.memory_space<vmem>>
        %dma_start3A_1036 = arith.constant 160 : i32
        %dma_start3A_1037 = arith.constant 0 : i32
        %dma_start3A_1038 = tpu.memref_slice %dma_start3A_1035[%dma_start3A_1036, %dma_start3A_1037] : memref<200x32xf32, #tpu.memory_space<vmem>> -> memref<40x32xf32, #tpu.memory_space<vmem>>
        %dma_start3A_1039 = arith.constant 0 : i32
        %dma_start3A_1040 = tpu.memref_slice %arg8[%dma_start3A_1030, %dma_start3A_1039] : memref<4x256xi32, #tpu.memory_space<vmem>> -> memref<1x256xi32, #tpu.memory_space<vmem>>
        %dma_start3A_1041 = tpu.memref_squeeze %dma_start3A_1040 : memref<1x256xi32, #tpu.memory_space<vmem>> -> memref<256xi32, #tpu.memory_space<vmem>>
        %dma_start3A_1042 = arith.constant 160 : i32
        %dma_start3A_1043 = tpu.memref_slice %dma_start3A_1041[%dma_start3A_1042] : memref<256xi32, #tpu.memory_space<vmem>> -> memref<40xi32, #tpu.memory_space<vmem>>
        %dma_start3A_1044 = arith.constant 0 : i32
        %dma_start3A_1045 = arith.constant 0 : i32
        %dma_start3A_1046 = tpu.memref_slice %arg3[%dma_start3A_1044, %dma_start3A_1045] : memref<100000x32xf32, #tpu.memory_space<hbm>> -> memref<100000x32xf32, #tpu.memory_space<hbm>>
        tpu.enqueue_indirect_dma source(%dma_start3A_1046 : memref<100000x32xf32, #tpu.memory_space<hbm>>) target(%dma_start3A_1038 : memref<40x32xf32, #tpu.memory_space<vmem>>) offsets(%dma_start3A_1043 : memref<40xi32, #tpu.memory_space<vmem>>) semaphore(%arg17 : memref<!tpu.dma_semaphore, #tpu.memory_space<semaphore_mem>>)
      } else {
      }
      %lt3A_801 = arith.constant 32 : i32
      %lt3A_802 = arith.cmpi slt, %add3A_792, %lt3A_801 : i32
      %lt3A_803 = arith.constant 1 : i32
      %lt3A_804 = arith.cmpi slt, %add3A_790, %lt3A_803 : i32
      %and3A_805 = arith.andi %lt3A_802, %lt3A_804 : i1
      %convert_element_type3A_806 = arith.extui %and3A_805 : i1 to i32
      %cond3A_807 = arith.constant 0 : i32
      %cond3A_808 = arith.cmpi ne, %convert_element_type3A_806, %cond3A_807 : i32
      scf.if %cond3A_808 {
        %mul3A_832 = arith.constant 4 : i32
        %mul3A_833 = arith.muli %add3A_792, %mul3A_832 : i32
        %add3A_834 = arith.addi %mul3A_2, %mul3A_833 : i32
        "tpu.region"() ({
          %run_scoped3A = tpu.sem_alloc : memref<!tpu.dma_semaphore, #tpu.memory_space<semaphore_mem>>
          %dma_start3A_1039 = arith.constant 0 : i32
          %dma_start3A_1040 = tpu.memref_slice %arg2[%add3A_834, %dma_start3A_1039] : memref<4096x256xi32, #tpu.memory_space<hbm>> -> memref<4x256xi32, #tpu.memory_space<hbm>>
          %dma_start3A_1041 = arith.constant 0 : i32
          %dma_start3A_1042 = tpu.memref_slice %arg2[%add3A_834, %dma_start3A_1041] : memref<4096x256xi32, #tpu.memory_space<hbm>> -> memref<4x256xi32, #tpu.memory_space<hbm>>
          tpu.enqueue_dma source(%dma_start3A_1042 : memref<4x256xi32, #tpu.memory_space<hbm>>) target(%arg8 : memref<4x256xi32, #tpu.memory_space<vmem>>) target_semaphore(%run_scoped3A : memref<!tpu.dma_semaphore, #tpu.memory_space<semaphore_mem>>)
          %dma_wait3A_1043 = arith.constant 0 : i32
          %dma_wait3A_1044 = tpu.memref_slice %arg2[%add3A_834, %dma_wait3A_1043] : memref<4096x256xi32, #tpu.memory_space<hbm>> -> memref<4x256xi32, #tpu.memory_space<hbm>>
          %dma_wait3A_1045 = arith.constant 0 : i32
          %dma_wait3A_1046 = tpu.memref_slice %arg2[%add3A_834, %dma_wait3A_1045] : memref<4096x256xi32, #tpu.memory_space<hbm>> -> memref<4x256xi32, #tpu.memory_space<hbm>>
          tpu.wait_dma2 semaphore(%run_scoped3A : memref<!tpu.dma_semaphore, #tpu.memory_space<semaphore_mem>>) src(%dma_wait3A_1046 : memref<4x256xi32, #tpu.memory_space<hbm>>) dst(%arg8 : memref<4x256xi32, #tpu.memory_space<vmem>>)
          tpu.yield
        }) : () -> ()
        %dma_start3A_835 = arith.constant 0 : i32
        %dma_start3A_836 = arith.constant 0 : i32
        %dma_start3A_837 = arith.constant 0 : i32
        %dma_start3A_838 = arith.constant 0 : i32
        %dma_start3A_839 = tpu.memref_slice %arg12[%dma_start3A_836, %dma_start3A_837, %dma_start3A_838] : memref<4x200x32xf32, #tpu.memory_space<vmem>> -> memref<1x200x32xf32, #tpu.memory_space<vmem>>
        %dma_start3A_840 = tpu.memref_squeeze %dma_start3A_839 : memref<1x200x32xf32, #tpu.memory_space<vmem>> -> memref<200x32xf32, #tpu.memory_space<vmem>>
        %dma_start3A_841 = arith.constant 0 : i32
        %dma_start3A_842 = arith.constant 0 : i32
        %dma_start3A_843 = tpu.memref_slice %dma_start3A_840[%dma_start3A_841, %dma_start3A_842] : memref<200x32xf32, #tpu.memory_space<vmem>> -> memref<80x32xf32, #tpu.memory_space<vmem>>
        %dma_start3A_844 = arith.constant 0 : i32
        %dma_start3A_845 = tpu.memref_slice %arg8[%dma_start3A_835, %dma_start3A_844] : memref<4x256xi32, #tpu.memory_space<vmem>> -> memref<1x256xi32, #tpu.memory_space<vmem>>
        %dma_start3A_846 = tpu.memref_squeeze %dma_start3A_845 : memref<1x256xi32, #tpu.memory_space<vmem>> -> memref<256xi32, #tpu.memory_space<vmem>>
        %dma_start3A_847 = arith.constant 0 : i32
        %dma_start3A_848 = tpu.memref_slice %dma_start3A_846[%dma_start3A_847] : memref<256xi32, #tpu.memory_space<vmem>> -> memref<80xi32, #tpu.memory_space<vmem>>
        %dma_start3A_849 = arith.constant 0 : i32
        %dma_start3A_850 = arith.constant 0 : i32
        %dma_start3A_851 = tpu.memref_slice %arg3[%dma_start3A_849, %dma_start3A_850] : memref<100000x32xf32, #tpu.memory_space<hbm>> -> memref<100000x32xf32, #tpu.memory_space<hbm>>
        tpu.enqueue_indirect_dma source(%dma_start3A_851 : memref<100000x32xf32, #tpu.memory_space<hbm>>) target(%dma_start3A_843 : memref<80x32xf32, #tpu.memory_space<vmem>>) offsets(%dma_start3A_848 : memref<80xi32, #tpu.memory_space<vmem>>) semaphore(%arg17 : memref<!tpu.dma_semaphore, #tpu.memory_space<semaphore_mem>>)
        %dma_start3A_852 = arith.constant 0 : i32
        %dma_start3A_853 = arith.constant 0 : i32
        %dma_start3A_854 = arith.constant 0 : i32
        %dma_start3A_855 = arith.constant 0 : i32
        %dma_start3A_856 = tpu.memref_slice %arg12[%dma_start3A_853, %dma_start3A_854, %dma_start3A_855] : memref<4x200x32xf32, #tpu.memory_space<vmem>> -> memref<1x200x32xf32, #tpu.memory_space<vmem>>
        %dma_start3A_857 = tpu.memref_squeeze %dma_start3A_856 : memref<1x200x32xf32, #tpu.memory_space<vmem>> -> memref<200x32xf32, #tpu.memory_space<vmem>>
        %dma_start3A_858 = arith.constant 80 : i32
        %dma_start3A_859 = arith.constant 0 : i32
        %dma_start3A_860 = tpu.memref_slice %dma_start3A_857[%dma_start3A_858, %dma_start3A_859] : memref<200x32xf32, #tpu.memory_space<vmem>> -> memref<80x32xf32, #tpu.memory_space<vmem>>
        %dma_start3A_861 = arith.constant 0 : i32
        %dma_start3A_862 = tpu.memref_slice %arg8[%dma_start3A_852, %dma_start3A_861] : memref<4x256xi32, #tpu.memory_space<vmem>> -> memref<1x256xi32, #tpu.memory_space<vmem>>
        %dma_start3A_863 = tpu.memref_squeeze %dma_start3A_862 : memref<1x256xi32, #tpu.memory_space<vmem>> -> memref<256xi32, #tpu.memory_space<vmem>>
        %dma_start3A_864 = arith.constant 80 : i32
        %dma_start3A_865 = tpu.memref_slice %dma_start3A_863[%dma_start3A_864] : memref<256xi32, #tpu.memory_space<vmem>> -> memref<80xi32, #tpu.memory_space<vmem>>
        %dma_start3A_866 = arith.constant 0 : i32
        %dma_start3A_867 = arith.constant 0 : i32
        %dma_start3A_868 = tpu.memref_slice %arg3[%dma_start3A_866, %dma_start3A_867] : memref<100000x32xf32, #tpu.memory_space<hbm>> -> memref<100000x32xf32, #tpu.memory_space<hbm>>
        tpu.enqueue_indirect_dma source(%dma_start3A_868 : memref<100000x32xf32, #tpu.memory_space<hbm>>) target(%dma_start3A_860 : memref<80x32xf32, #tpu.memory_space<vmem>>) offsets(%dma_start3A_865 : memref<80xi32, #tpu.memory_space<vmem>>) semaphore(%arg17 : memref<!tpu.dma_semaphore, #tpu.memory_space<semaphore_mem>>)
        %dma_start3A_869 = arith.constant 0 : i32
        %dma_start3A_870 = arith.constant 0 : i32
        %dma_start3A_871 = arith.constant 0 : i32
        %dma_start3A_872 = arith.constant 0 : i32
        %dma_start3A_873 = tpu.memref_slice %arg12[%dma_start3A_870, %dma_start3A_871, %dma_start3A_872] : memref<4x200x32xf32, #tpu.memory_space<vmem>> -> memref<1x200x32xf32, #tpu.memory_space<vmem>>
        %dma_start3A_874 = tpu.memref_squeeze %dma_start3A_873 : memref<1x200x32xf32, #tpu.memory_space<vmem>> -> memref<200x32xf32, #tpu.memory_space<vmem>>
        %dma_start3A_875 = arith.constant 160 : i32
        %dma_start3A_876 = arith.constant 0 : i32
        %dma_start3A_877 = tpu.memref_slice %dma_start3A_874[%dma_start3A_875, %dma_start3A_876] : memref<200x32xf32, #tpu.memory_space<vmem>> -> memref<40x32xf32, #tpu.memory_space<vmem>>
        %dma_start3A_878 = arith.constant 0 : i32
        %dma_start3A_879 = tpu.memref_slice %arg8[%dma_start3A_869, %dma_start3A_878] : memref<4x256xi32, #tpu.memory_space<vmem>> -> memref<1x256xi32, #tpu.memory_space<vmem>>
        %dma_start3A_880 = tpu.memref_squeeze %dma_start3A_879 : memref<1x256xi32, #tpu.memory_space<vmem>> -> memref<256xi32, #tpu.memory_space<vmem>>
        %dma_start3A_881 = arith.constant 160 : i32
        %dma_start3A_882 = tpu.memref_slice %dma_start3A_880[%dma_start3A_881] : memref<256xi32, #tpu.memory_space<vmem>> -> memref<40xi32, #tpu.memory_space<vmem>>
        %dma_start3A_883 = arith.constant 0 : i32
        %dma_start3A_884 = arith.constant 0 : i32
        %dma_start3A_885 = tpu.memref_slice %arg3[%dma_start3A_883, %dma_start3A_884] : memref<100000x32xf32, #tpu.memory_space<hbm>> -> memref<100000x32xf32, #tpu.memory_space<hbm>>
        tpu.enqueue_indirect_dma source(%dma_start3A_885 : memref<100000x32xf32, #tpu.memory_space<hbm>>) target(%dma_start3A_877 : memref<40x32xf32, #tpu.memory_space<vmem>>) offsets(%dma_start3A_882 : memref<40xi32, #tpu.memory_space<vmem>>) semaphore(%arg17 : memref<!tpu.dma_semaphore, #tpu.memory_space<semaphore_mem>>)
        %dma_start3A_886 = arith.constant 1 : i32
        %dma_start3A_887 = arith.constant 1 : i32
        %dma_start3A_888 = arith.constant 0 : i32
        %dma_start3A_889 = arith.constant 0 : i32
        %dma_start3A_890 = tpu.memref_slice %arg12[%dma_start3A_887, %dma_start3A_888, %dma_start3A_889] : memref<4x200x32xf32, #tpu.memory_space<vmem>> -> memref<1x200x32xf32, #tpu.memory_space<vmem>>
        %dma_start3A_891 = tpu.memref_squeeze %dma_start3A_890 : memref<1x200x32xf32, #tpu.memory_space<vmem>> -> memref<200x32xf32, #tpu.memory_space<vmem>>
        %dma_start3A_892 = arith.constant 0 : i32
        %dma_start3A_893 = arith.constant 0 : i32
        %dma_start3A_894 = tpu.memref_slice %dma_start3A_891[%dma_start3A_892, %dma_start3A_893] : memref<200x32xf32, #tpu.memory_space<vmem>> -> memref<80x32xf32, #tpu.memory_space<vmem>>
        %dma_start3A_895 = arith.constant 0 : i32
        %dma_start3A_896 = tpu.memref_slice %arg8[%dma_start3A_886, %dma_start3A_895] : memref<4x256xi32, #tpu.memory_space<vmem>> -> memref<1x256xi32, #tpu.memory_space<vmem>>
        %dma_start3A_897 = tpu.memref_squeeze %dma_start3A_896 : memref<1x256xi32, #tpu.memory_space<vmem>> -> memref<256xi32, #tpu.memory_space<vmem>>
        %dma_start3A_898 = arith.constant 0 : i32
        %dma_start3A_899 = tpu.memref_slice %dma_start3A_897[%dma_start3A_898] : memref<256xi32, #tpu.memory_space<vmem>> -> memref<80xi32, #tpu.memory_space<vmem>>
        %dma_start3A_900 = arith.constant 0 : i32
        %dma_start3A_901 = arith.constant 0 : i32
        %dma_start3A_902 = tpu.memref_slice %arg3[%dma_start3A_900, %dma_start3A_901] : memref<100000x32xf32, #tpu.memory_space<hbm>> -> memref<100000x32xf32, #tpu.memory_space<hbm>>
        tpu.enqueue_indirect_dma source(%dma_start3A_902 : memref<100000x32xf32, #tpu.memory_space<hbm>>) target(%dma_start3A_894 : memref<80x32xf32, #tpu.memory_space<vmem>>) offsets(%dma_start3A_899 : memref<80xi32, #tpu.memory_space<vmem>>) semaphore(%arg17 : memref<!tpu.dma_semaphore, #tpu.memory_space<semaphore_mem>>)
        %dma_start3A_903 = arith.constant 1 : i32
        %dma_start3A_904 = arith.constant 1 : i32
        %dma_start3A_905 = arith.constant 0 : i32
        %dma_start3A_906 = arith.constant 0 : i32
        %dma_start3A_907 = tpu.memref_slice %arg12[%dma_start3A_904, %dma_start3A_905, %dma_start3A_906] : memref<4x200x32xf32, #tpu.memory_space<vmem>> -> memref<1x200x32xf32, #tpu.memory_space<vmem>>
        %dma_start3A_908 = tpu.memref_squeeze %dma_start3A_907 : memref<1x200x32xf32, #tpu.memory_space<vmem>> -> memref<200x32xf32, #tpu.memory_space<vmem>>
        %dma_start3A_909 = arith.constant 80 : i32
        %dma_start3A_910 = arith.constant 0 : i32
        %dma_start3A_911 = tpu.memref_slice %dma_start3A_908[%dma_start3A_909, %dma_start3A_910] : memref<200x32xf32, #tpu.memory_space<vmem>> -> memref<80x32xf32, #tpu.memory_space<vmem>>
        %dma_start3A_912 = arith.constant 0 : i32
        %dma_start3A_913 = tpu.memref_slice %arg8[%dma_start3A_903, %dma_start3A_912] : memref<4x256xi32, #tpu.memory_space<vmem>> -> memref<1x256xi32, #tpu.memory_space<vmem>>
        %dma_start3A_914 = tpu.memref_squeeze %dma_start3A_913 : memref<1x256xi32, #tpu.memory_space<vmem>> -> memref<256xi32, #tpu.memory_space<vmem>>
        %dma_start3A_915 = arith.constant 80 : i32
        %dma_start3A_916 = tpu.memref_slice %dma_start3A_914[%dma_start3A_915] : memref<256xi32, #tpu.memory_space<vmem>> -> memref<80xi32, #tpu.memory_space<vmem>>
        %dma_start3A_917 = arith.constant 0 : i32
        %dma_start3A_918 = arith.constant 0 : i32
        %dma_start3A_919 = tpu.memref_slice %arg3[%dma_start3A_917, %dma_start3A_918] : memref<100000x32xf32, #tpu.memory_space<hbm>> -> memref<100000x32xf32, #tpu.memory_space<hbm>>
        tpu.enqueue_indirect_dma source(%dma_start3A_919 : memref<100000x32xf32, #tpu.memory_space<hbm>>) target(%dma_start3A_911 : memref<80x32xf32, #tpu.memory_space<vmem>>) offsets(%dma_start3A_916 : memref<80xi32, #tpu.memory_space<vmem>>) semaphore(%arg17 : memref<!tpu.dma_semaphore, #tpu.memory_space<semaphore_mem>>)
        %dma_start3A_920 = arith.constant 1 : i32
        %dma_start3A_921 = arith.constant 1 : i32
        %dma_start3A_922 = arith.constant 0 : i32
        %dma_start3A_923 = arith.constant 0 : i32
        %dma_start3A_924 = tpu.memref_slice %arg12[%dma_start3A_921, %dma_start3A_922, %dma_start3A_923] : memref<4x200x32xf32, #tpu.memory_space<vmem>> -> memref<1x200x32xf32, #tpu.memory_space<vmem>>
        %dma_start3A_925 = tpu.memref_squeeze %dma_start3A_924 : memref<1x200x32xf32, #tpu.memory_space<vmem>> -> memref<200x32xf32, #tpu.memory_space<vmem>>
        %dma_start3A_926 = arith.constant 160 : i32
        %dma_start3A_927 = arith.constant 0 : i32
        %dma_start3A_928 = tpu.memref_slice %dma_start3A_925[%dma_start3A_926, %dma_start3A_927] : memref<200x32xf32, #tpu.memory_space<vmem>> -> memref<40x32xf32, #tpu.memory_space<vmem>>
        %dma_start3A_929 = arith.constant 0 : i32
        %dma_start3A_930 = tpu.memref_slice %arg8[%dma_start3A_920, %dma_start3A_929] : memref<4x256xi32, #tpu.memory_space<vmem>> -> memref<1x256xi32, #tpu.memory_space<vmem>>
        %dma_start3A_931 = tpu.memref_squeeze %dma_start3A_930 : memref<1x256xi32, #tpu.memory_space<vmem>> -> memref<256xi32, #tpu.memory_space<vmem>>
        %dma_start3A_932 = arith.constant 160 : i32
        %dma_start3A_933 = tpu.memref_slice %dma_start3A_931[%dma_start3A_932] : memref<256xi32, #tpu.memory_space<vmem>> -> memref<40xi32, #tpu.memory_space<vmem>>
        %dma_start3A_934 = arith.constant 0 : i32
        %dma_start3A_935 = arith.constant 0 : i32
        %dma_start3A_936 = tpu.memref_slice %arg3[%dma_start3A_934, %dma_start3A_935] : memref<100000x32xf32, #tpu.memory_space<hbm>> -> memref<100000x32xf32, #tpu.memory_space<hbm>>
        tpu.enqueue_indirect_dma source(%dma_start3A_936 : memref<100000x32xf32, #tpu.memory_space<hbm>>) target(%dma_start3A_928 : memref<40x32xf32, #tpu.memory_space<vmem>>) offsets(%dma_start3A_933 : memref<40xi32, #tpu.memory_space<vmem>>) semaphore(%arg17 : memref<!tpu.dma_semaphore, #tpu.memory_space<semaphore_mem>>)
        %dma_start3A_937 = arith.constant 2 : i32
        %dma_start3A_938 = arith.constant 2 : i32
        %dma_start3A_939 = arith.constant 0 : i32
        %dma_start3A_940 = arith.constant 0 : i32
        %dma_start3A_941 = tpu.memref_slice %arg12[%dma_start3A_938, %dma_start3A_939, %dma_start3A_940] : memref<4x200x32xf32, #tpu.memory_space<vmem>> -> memref<1x200x32xf32, #tpu.memory_space<vmem>>
        %dma_start3A_942 = tpu.memref_squeeze %dma_start3A_941 : memref<1x200x32xf32, #tpu.memory_space<vmem>> -> memref<200x32xf32, #tpu.memory_space<vmem>>
        %dma_start3A_943 = arith.constant 0 : i32
        %dma_start3A_944 = arith.constant 0 : i32
        %dma_start3A_945 = tpu.memref_slice %dma_start3A_942[%dma_start3A_943, %dma_start3A_944] : memref<200x32xf32, #tpu.memory_space<vmem>> -> memref<80x32xf32, #tpu.memory_space<vmem>>
        %dma_start3A_946 = arith.constant 0 : i32
        %dma_start3A_947 = tpu.memref_slice %arg8[%dma_start3A_937, %dma_start3A_946] : memref<4x256xi32, #tpu.memory_space<vmem>> -> memref<1x256xi32, #tpu.memory_space<vmem>>
        %dma_start3A_948 = tpu.memref_squeeze %dma_start3A_947 : memref<1x256xi32, #tpu.memory_space<vmem>> -> memref<256xi32, #tpu.memory_space<vmem>>
        %dma_start3A_949 = arith.constant 0 : i32
        %dma_start3A_950 = tpu.memref_slice %dma_start3A_948[%dma_start3A_949] : memref<256xi32, #tpu.memory_space<vmem>> -> memref<80xi32, #tpu.memory_space<vmem>>
        %dma_start3A_951 = arith.constant 0 : i32
        %dma_start3A_952 = arith.constant 0 : i32
        %dma_start3A_953 = tpu.memref_slice %arg3[%dma_start3A_951, %dma_start3A_952] : memref<100000x32xf32, #tpu.memory_space<hbm>> -> memref<100000x32xf32, #tpu.memory_space<hbm>>
        tpu.enqueue_indirect_dma source(%dma_start3A_953 : memref<100000x32xf32, #tpu.memory_space<hbm>>) target(%dma_start3A_945 : memref<80x32xf32, #tpu.memory_space<vmem>>) offsets(%dma_start3A_950 : memref<80xi32, #tpu.memory_space<vmem>>) semaphore(%arg17 : memref<!tpu.dma_semaphore, #tpu.memory_space<semaphore_mem>>)
        %dma_start3A_954 = arith.constant 2 : i32
        %dma_start3A_955 = arith.constant 2 : i32
        %dma_start3A_956 = arith.constant 0 : i32
        %dma_start3A_957 = arith.constant 0 : i32
        %dma_start3A_958 = tpu.memref_slice %arg12[%dma_start3A_955, %dma_start3A_956, %dma_start3A_957] : memref<4x200x32xf32, #tpu.memory_space<vmem>> -> memref<1x200x32xf32, #tpu.memory_space<vmem>>
        %dma_start3A_959 = tpu.memref_squeeze %dma_start3A_958 : memref<1x200x32xf32, #tpu.memory_space<vmem>> -> memref<200x32xf32, #tpu.memory_space<vmem>>
        %dma_start3A_960 = arith.constant 80 : i32
        %dma_start3A_961 = arith.constant 0 : i32
        %dma_start3A_962 = tpu.memref_slice %dma_start3A_959[%dma_start3A_960, %dma_start3A_961] : memref<200x32xf32, #tpu.memory_space<vmem>> -> memref<80x32xf32, #tpu.memory_space<vmem>>
        %dma_start3A_963 = arith.constant 0 : i32
        %dma_start3A_964 = tpu.memref_slice %arg8[%dma_start3A_954, %dma_start3A_963] : memref<4x256xi32, #tpu.memory_space<vmem>> -> memref<1x256xi32, #tpu.memory_space<vmem>>
        %dma_start3A_965 = tpu.memref_squeeze %dma_start3A_964 : memref<1x256xi32, #tpu.memory_space<vmem>> -> memref<256xi32, #tpu.memory_space<vmem>>
        %dma_start3A_966 = arith.constant 80 : i32
        %dma_start3A_967 = tpu.memref_slice %dma_start3A_965[%dma_start3A_966] : memref<256xi32, #tpu.memory_space<vmem>> -> memref<80xi32, #tpu.memory_space<vmem>>
        %dma_start3A_968 = arith.constant 0 : i32
        %dma_start3A_969 = arith.constant 0 : i32
        %dma_start3A_970 = tpu.memref_slice %arg3[%dma_start3A_968, %dma_start3A_969] : memref<100000x32xf32, #tpu.memory_space<hbm>> -> memref<100000x32xf32, #tpu.memory_space<hbm>>
        tpu.enqueue_indirect_dma source(%dma_start3A_970 : memref<100000x32xf32, #tpu.memory_space<hbm>>) target(%dma_start3A_962 : memref<80x32xf32, #tpu.memory_space<vmem>>) offsets(%dma_start3A_967 : memref<80xi32, #tpu.memory_space<vmem>>) semaphore(%arg17 : memref<!tpu.dma_semaphore, #tpu.memory_space<semaphore_mem>>)
        %dma_start3A_971 = arith.constant 2 : i32
        %dma_start3A_972 = arith.constant 2 : i32
        %dma_start3A_973 = arith.constant 0 : i32
        %dma_start3A_974 = arith.constant 0 : i32
        %dma_start3A_975 = tpu.memref_slice %arg12[%dma_start3A_972, %dma_start3A_973, %dma_start3A_974] : memref<4x200x32xf32, #tpu.memory_space<vmem>> -> memref<1x200x32xf32, #tpu.memory_space<vmem>>
        %dma_start3A_976 = tpu.memref_squeeze %dma_start3A_975 : memref<1x200x32xf32, #tpu.memory_space<vmem>> -> memref<200x32xf32, #tpu.memory_space<vmem>>
        %dma_start3A_977 = arith.constant 160 : i32
        %dma_start3A_978 = arith.constant 0 : i32
        %dma_start3A_979 = tpu.memref_slice %dma_start3A_976[%dma_start3A_977, %dma_start3A_978] : memref<200x32xf32, #tpu.memory_space<vmem>> -> memref<40x32xf32, #tpu.memory_space<vmem>>
        %dma_start3A_980 = arith.constant 0 : i32
        %dma_start3A_981 = tpu.memref_slice %arg8[%dma_start3A_971, %dma_start3A_980] : memref<4x256xi32, #tpu.memory_space<vmem>> -> memref<1x256xi32, #tpu.memory_space<vmem>>
        %dma_start3A_982 = tpu.memref_squeeze %dma_start3A_981 : memref<1x256xi32, #tpu.memory_space<vmem>> -> memref<256xi32, #tpu.memory_space<vmem>>
        %dma_start3A_983 = arith.constant 160 : i32
        %dma_start3A_984 = tpu.memref_slice %dma_start3A_982[%dma_start3A_983] : memref<256xi32, #tpu.memory_space<vmem>> -> memref<40xi32, #tpu.memory_space<vmem>>
        %dma_start3A_985 = arith.constant 0 : i32
        %dma_start3A_986 = arith.constant 0 : i32
        %dma_start3A_987 = tpu.memref_slice %arg3[%dma_start3A_985, %dma_start3A_986] : memref<100000x32xf32, #tpu.memory_space<hbm>> -> memref<100000x32xf32, #tpu.memory_space<hbm>>
        tpu.enqueue_indirect_dma source(%dma_start3A_987 : memref<100000x32xf32, #tpu.memory_space<hbm>>) target(%dma_start3A_979 : memref<40x32xf32, #tpu.memory_space<vmem>>) offsets(%dma_start3A_984 : memref<40xi32, #tpu.memory_space<vmem>>) semaphore(%arg17 : memref<!tpu.dma_semaphore, #tpu.memory_space<semaphore_mem>>)
        %dma_start3A_988 = arith.constant 3 : i32
        %dma_start3A_989 = arith.constant 3 : i32
        %dma_start3A_990 = arith.constant 0 : i32
        %dma_start3A_991 = arith.constant 0 : i32
        %dma_start3A_992 = tpu.memref_slice %arg12[%dma_start3A_989, %dma_start3A_990, %dma_start3A_991] : memref<4x200x32xf32, #tpu.memory_space<vmem>> -> memref<1x200x32xf32, #tpu.memory_space<vmem>>
        %dma_start3A_993 = tpu.memref_squeeze %dma_start3A_992 : memref<1x200x32xf32, #tpu.memory_space<vmem>> -> memref<200x32xf32, #tpu.memory_space<vmem>>
        %dma_start3A_994 = arith.constant 0 : i32
        %dma_start3A_995 = arith.constant 0 : i32
        %dma_start3A_996 = tpu.memref_slice %dma_start3A_993[%dma_start3A_994, %dma_start3A_995] : memref<200x32xf32, #tpu.memory_space<vmem>> -> memref<80x32xf32, #tpu.memory_space<vmem>>
        %dma_start3A_997 = arith.constant 0 : i32
        %dma_start3A_998 = tpu.memref_slice %arg8[%dma_start3A_988, %dma_start3A_997] : memref<4x256xi32, #tpu.memory_space<vmem>> -> memref<1x256xi32, #tpu.memory_space<vmem>>
        %dma_start3A_999 = tpu.memref_squeeze %dma_start3A_998 : memref<1x256xi32, #tpu.memory_space<vmem>> -> memref<256xi32, #tpu.memory_space<vmem>>
        %dma_start3A_1000 = arith.constant 0 : i32
        %dma_start3A_1001 = tpu.memref_slice %dma_start3A_999[%dma_start3A_1000] : memref<256xi32, #tpu.memory_space<vmem>> -> memref<80xi32, #tpu.memory_space<vmem>>
        %dma_start3A_1002 = arith.constant 0 : i32
        %dma_start3A_1003 = arith.constant 0 : i32
        %dma_start3A_1004 = tpu.memref_slice %arg3[%dma_start3A_1002, %dma_start3A_1003] : memref<100000x32xf32, #tpu.memory_space<hbm>> -> memref<100000x32xf32, #tpu.memory_space<hbm>>
        tpu.enqueue_indirect_dma source(%dma_start3A_1004 : memref<100000x32xf32, #tpu.memory_space<hbm>>) target(%dma_start3A_996 : memref<80x32xf32, #tpu.memory_space<vmem>>) offsets(%dma_start3A_1001 : memref<80xi32, #tpu.memory_space<vmem>>) semaphore(%arg17 : memref<!tpu.dma_semaphore, #tpu.memory_space<semaphore_mem>>)
        %dma_start3A_1005 = arith.constant 3 : i32
        %dma_start3A_1006 = arith.constant 3 : i32
        %dma_start3A_1007 = arith.constant 0 : i32
        %dma_start3A_1008 = arith.constant 0 : i32
        %dma_start3A_1009 = tpu.memref_slice %arg12[%dma_start3A_1006, %dma_start3A_1007, %dma_start3A_1008] : memref<4x200x32xf32, #tpu.memory_space<vmem>> -> memref<1x200x32xf32, #tpu.memory_space<vmem>>
        %dma_start3A_1010 = tpu.memref_squeeze %dma_start3A_1009 : memref<1x200x32xf32, #tpu.memory_space<vmem>> -> memref<200x32xf32, #tpu.memory_space<vmem>>
        %dma_start3A_1011 = arith.constant 80 : i32
        %dma_start3A_1012 = arith.constant 0 : i32
        %dma_start3A_1013 = tpu.memref_slice %dma_start3A_1010[%dma_start3A_1011, %dma_start3A_1012] : memref<200x32xf32, #tpu.memory_space<vmem>> -> memref<80x32xf32, #tpu.memory_space<vmem>>
        %dma_start3A_1014 = arith.constant 0 : i32
        %dma_start3A_1015 = tpu.memref_slice %arg8[%dma_start3A_1005, %dma_start3A_1014] : memref<4x256xi32, #tpu.memory_space<vmem>> -> memref<1x256xi32, #tpu.memory_space<vmem>>
        %dma_start3A_1016 = tpu.memref_squeeze %dma_start3A_1015 : memref<1x256xi32, #tpu.memory_space<vmem>> -> memref<256xi32, #tpu.memory_space<vmem>>
        %dma_start3A_1017 = arith.constant 80 : i32
        %dma_start3A_1018 = tpu.memref_slice %dma_start3A_1016[%dma_start3A_1017] : memref<256xi32, #tpu.memory_space<vmem>> -> memref<80xi32, #tpu.memory_space<vmem>>
        %dma_start3A_1019 = arith.constant 0 : i32
        %dma_start3A_1020 = arith.constant 0 : i32
        %dma_start3A_1021 = tpu.memref_slice %arg3[%dma_start3A_1019, %dma_start3A_1020] : memref<100000x32xf32, #tpu.memory_space<hbm>> -> memref<100000x32xf32, #tpu.memory_space<hbm>>
        tpu.enqueue_indirect_dma source(%dma_start3A_1021 : memref<100000x32xf32, #tpu.memory_space<hbm>>) target(%dma_start3A_1013 : memref<80x32xf32, #tpu.memory_space<vmem>>) offsets(%dma_start3A_1018 : memref<80xi32, #tpu.memory_space<vmem>>) semaphore(%arg17 : memref<!tpu.dma_semaphore, #tpu.memory_space<semaphore_mem>>)
        %dma_start3A_1022 = arith.constant 3 : i32
        %dma_start3A_1023 = arith.constant 3 : i32
        %dma_start3A_1024 = arith.constant 0 : i32
        %dma_start3A_1025 = arith.constant 0 : i32
        %dma_start3A_1026 = tpu.memref_slice %arg12[%dma_start3A_1023, %dma_start3A_1024, %dma_start3A_1025] : memref<4x200x32xf32, #tpu.memory_space<vmem>> -> memref<1x200x32xf32, #tpu.memory_space<vmem>>
        %dma_start3A_1027 = tpu.memref_squeeze %dma_start3A_1026 : memref<1x200x32xf32, #tpu.memory_space<vmem>> -> memref<200x32xf32, #tpu.memory_space<vmem>>
        %dma_start3A_1028 = arith.constant 160 : i32
        %dma_start3A_1029 = arith.constant 0 : i32
        %dma_start3A_1030 = tpu.memref_slice %dma_start3A_1027[%dma_start3A_1028, %dma_start3A_1029] : memref<200x32xf32, #tpu.memory_space<vmem>> -> memref<40x32xf32, #tpu.memory_space<vmem>>
        %dma_start3A_1031 = arith.constant 0 : i32
        %dma_start3A_1032 = tpu.memref_slice %arg8[%dma_start3A_1022, %dma_start3A_1031] : memref<4x256xi32, #tpu.memory_space<vmem>> -> memref<1x256xi32, #tpu.memory_space<vmem>>
        %dma_start3A_1033 = tpu.memref_squeeze %dma_start3A_1032 : memref<1x256xi32, #tpu.memory_space<vmem>> -> memref<256xi32, #tpu.memory_space<vmem>>
        %dma_start3A_1034 = arith.constant 160 : i32
        %dma_start3A_1035 = tpu.memref_slice %dma_start3A_1033[%dma_start3A_1034] : memref<256xi32, #tpu.memory_space<vmem>> -> memref<40xi32, #tpu.memory_space<vmem>>
        %dma_start3A_1036 = arith.constant 0 : i32
        %dma_start3A_1037 = arith.constant 0 : i32
        %dma_start3A_1038 = tpu.memref_slice %arg3[%dma_start3A_1036, %dma_start3A_1037] : memref<100000x32xf32, #tpu.memory_space<hbm>> -> memref<100000x32xf32, #tpu.memory_space<hbm>>
        tpu.enqueue_indirect_dma source(%dma_start3A_1038 : memref<100000x32xf32, #tpu.memory_space<hbm>>) target(%dma_start3A_1030 : memref<40x32xf32, #tpu.memory_space<vmem>>) offsets(%dma_start3A_1035 : memref<40xi32, #tpu.memory_space<vmem>>) semaphore(%arg17 : memref<!tpu.dma_semaphore, #tpu.memory_space<semaphore_mem>>)
      } else {
      }
      %dma_wait3A_809 = arith.constant 0 : i32
      %dma_wait3A_810 = arith.constant 0 : i32
      %dma_wait3A_811 = arith.constant 0 : i32
      %dma_wait3A_812 = tpu.memref_slice %arg5[%dma_wait3A_809, %dma_wait3A_810, %dma_wait3A_811] : memref<4096x200x128xf32, #tpu.memory_space<hbm>> -> memref<4x200x32xf32, #tpu.memory_space<hbm>>
      %dma_wait3A_813 = arith.constant 0 : i32
      %dma_wait3A_814 = arith.constant 0 : i32
      %dma_wait3A_815 = arith.constant 0 : i32
      %dma_wait3A_816 = tpu.memref_slice %arg5[%dma_wait3A_813, %dma_wait3A_814, %dma_wait3A_815] : memref<4096x200x128xf32, #tpu.memory_space<hbm>> -> memref<4x200x32xf32, #tpu.memory_space<hbm>>
      tpu.wait_dma2 semaphore(%arg18 : memref<!tpu.dma_semaphore, #tpu.memory_space<semaphore_mem>>) src(%dma_wait3A_816 : memref<4x200x32xf32, #tpu.memory_space<hbm>>) dst(%arg13 : memref<4x200x32xf32, #tpu.memory_space<vmem>>)
      %scan3A_817 = arith.constant 0 : i32
      %scan3A_818 = arith.constant 0 : i32
      %scan3A_819 = arith.constant 200 : i32
      %scan3A_820 = arith.addi %scan3A_818, %scan3A_819 : i32
      %scan3A_821 = arith.constant 1 : i32
      scf.for %scan3A_832 = %scan3A_818 to %scan3A_820 step %scan3A_821  : i32 {
        %get3A = arith.index_cast %scan3A_832 : i32 to index
        %get3A_833 = arith.constant 0 : index
        %get3A_834 = tpu.vector_load %arg14[%get3A, %get3A_833] {strides = array<i32>} : memref<200x32xf32, #tpu.memory_space<vmem>>, vector<1x16xf32>,
        %get3A_835 = vector.shape_cast %get3A_834 : vector<1x16xf32> to vector<16xf32>
        %get3A_836 = arith.index_cast %scan3A_832 : i32 to index
        %get3A_837 = arith.constant 16 : index
        %get3A_838 = tpu.vector_load %arg14[%get3A_836, %get3A_837] {strides = array<i32>} : memref<200x32xf32, #tpu.memory_space<vmem>>, vector<1x16xf32>,
        %get3A_839 = vector.shape_cast %get3A_838 : vector<1x16xf32> to vector<16xf32>
        %get3A_840 = arith.constant 0 : i32
        %get3A_841 = arith.index_cast %get3A_840 : i32 to index
        %get3A_842 = arith.index_cast %scan3A_832 : i32 to index
        %get3A_843 = arith.constant 0 : index
        %get3A_844 = tpu.vector_load %arg13[%get3A_841, %get3A_842, %get3A_843] {strides = array<i32>} : memref<4x200x32xf32, #tpu.memory_space<vmem>>, vector<1x1x16xf32>,
        %get3A_845 = vector.shape_cast %get3A_844 : vector<1x1x16xf32> to vector<16xf32>
        %add3A_846 = arith.addf %get3A_845, %get3A_835 : vector<16xf32>
        %swap3A = arith.constant 0 : i32
        %swap3A_847 = arith.index_cast %swap3A : i32 to index
        %swap3A_848 = arith.index_cast %scan3A_832 : i32 to index
        %swap3A_849 = arith.constant 0 : index
        %swap3A_850 = tpu.vector_load %arg13[%swap3A_847, %swap3A_848, %swap3A_849] {strides = array<i32>} : memref<4x200x32xf32, #tpu.memory_space<vmem>>, vector<1x1x16xf32>,
        %swap3A_851 = vector.shape_cast %swap3A_850 : vector<1x1x16xf32> to vector<16xf32>
        %swap3A_852 = vector.shape_cast %add3A_846 : vector<16xf32> to vector<1x1x16xf32>
        tpu.vector_store %arg13[%swap3A_847, %swap3A_848, %swap3A_849], %swap3A_852 {strides = array<i32>} : memref<4x200x32xf32, #tpu.memory_space<vmem>>, vector<1x1x16xf32>,
        %get3A_853 = arith.constant 0 : i32
        %get3A_854 = arith.index_cast %get3A_853 : i32 to index
        %get3A_855 = arith.index_cast %scan3A_832 : i32 to index
        %get3A_856 = arith.constant 16 : index
        %get3A_857 = tpu.vector_load %arg13[%get3A_854, %get3A_855, %get3A_856] {strides = array<i32>} : memref<4x200x32xf32, #tpu.memory_space<vmem>>, vector<1x1x16xf32>,
        %get3A_858 = vector.shape_cast %get3A_857 : vector<1x1x16xf32> to vector<16xf32>
        %add3A_859 = arith.addf %get3A_858, %get3A_839 : vector<16xf32>
        %swap3A_860 = arith.constant 0 : i32
        %swap3A_861 = arith.index_cast %swap3A_860 : i32 to index
        %swap3A_862 = arith.index_cast %scan3A_832 : i32 to index
        %swap3A_863 = arith.constant 16 : index
        %swap3A_864 = tpu.vector_load %arg13[%swap3A_861, %swap3A_862, %swap3A_863] {strides = array<i32>} : memref<4x200x32xf32, #tpu.memory_space<vmem>>, vector<1x1x16xf32>,
        %swap3A_865 = vector.shape_cast %swap3A_864 : vector<1x1x16xf32> to vector<16xf32>
        %swap3A_866 = vector.shape_cast %add3A_859 : vector<16xf32> to vector<1x1x16xf32>
        tpu.vector_store %arg13[%swap3A_861, %swap3A_862, %swap3A_863], %swap3A_866 {strides = array<i32>} : memref<4x200x32xf32, #tpu.memory_space<vmem>>, vector<1x1x16xf32>,
        %get3A_867 = arith.constant 1 : i32
        %get3A_868 = arith.index_cast %get3A_867 : i32 to index
        %get3A_869 = arith.index_cast %scan3A_832 : i32 to index
        %get3A_870 = arith.constant 0 : index
        %get3A_871 = tpu.vector_load %arg13[%get3A_868, %get3A_869, %get3A_870] {strides = array<i32>} : memref<4x200x32xf32, #tpu.memory_space<vmem>>, vector<1x1x16xf32>,
        %get3A_872 = vector.shape_cast %get3A_871 : vector<1x1x16xf32> to vector<16xf32>
        %add3A_873 = arith.addf %get3A_872, %get3A_835 : vector<16xf32>
        %swap3A_874 = arith.constant 1 : i32
        %swap3A_875 = arith.index_cast %swap3A_874 : i32 to index
        %swap3A_876 = arith.index_cast %scan3A_832 : i32 to index
        %swap3A_877 = arith.constant 0 : index
        %swap3A_878 = tpu.vector_load %arg13[%swap3A_875, %swap3A_876, %swap3A_877] {strides = array<i32>} : memref<4x200x32xf32, #tpu.memory_space<vmem>>, vector<1x1x16xf32>,
        %swap3A_879 = vector.shape_cast %swap3A_878 : vector<1x1x16xf32> to vector<16xf32>
        %swap3A_880 = vector.shape_cast %add3A_873 : vector<16xf32> to vector<1x1x16xf32>
        tpu.vector_store %arg13[%swap3A_875, %swap3A_876, %swap3A_877], %swap3A_880 {strides = array<i32>} : memref<4x200x32xf32, #tpu.memory_space<vmem>>, vector<1x1x16xf32>,
        %get3A_881 = arith.constant 1 : i32
        %get3A_882 = arith.index_cast %get3A_881 : i32 to index
        %get3A_883 = arith.index_cast %scan3A_832 : i32 to index
        %get3A_884 = arith.constant 16 : index
        %get3A_885 = tpu.vector_load %arg13[%get3A_882, %get3A_883, %get3A_884] {strides = array<i32>} : memref<4x200x32xf32, #tpu.memory_space<vmem>>, vector<1x1x16xf32>,
        %get3A_886 = vector.shape_cast %get3A_885 : vector<1x1x16xf32> to vector<16xf32>
        %add3A_887 = arith.addf %get3A_886, %get3A_839 : vector<16xf32>
        %swap3A_888 = arith.constant 1 : i32
        %swap3A_889 = arith.index_cast %swap3A_888 : i32 to index
        %swap3A_890 = arith.index_cast %scan3A_832 : i32 to index
        %swap3A_891 = arith.constant 16 : index
        %swap3A_892 = tpu.vector_load %arg13[%swap3A_889, %swap3A_890, %swap3A_891] {strides = array<i32>} : memref<4x200x32xf32, #tpu.memory_space<vmem>>, vector<1x1x16xf32>,
        %swap3A_893 = vector.shape_cast %swap3A_892 : vector<1x1x16xf32> to vector<16xf32>
        %swap3A_894 = vector.shape_cast %add3A_887 : vector<16xf32> to vector<1x1x16xf32>
        tpu.vector_store %arg13[%swap3A_889, %swap3A_890, %swap3A_891], %swap3A_894 {strides = array<i32>} : memref<4x200x32xf32, #tpu.memory_space<vmem>>, vector<1x1x16xf32>,
        %get3A_895 = arith.constant 2 : i32
        %get3A_896 = arith.index_cast %get3A_895 : i32 to index
        %get3A_897 = arith.index_cast %scan3A_832 : i32 to index
        %get3A_898 = arith.constant 0 : index
        %get3A_899 = tpu.vector_load %arg13[%get3A_896, %get3A_897, %get3A_898] {strides = array<i32>} : memref<4x200x32xf32, #tpu.memory_space<vmem>>, vector<1x1x16xf32>,
        %get3A_900 = vector.shape_cast %get3A_899 : vector<1x1x16xf32> to vector<16xf32>
        %add3A_901 = arith.addf %get3A_900, %get3A_835 : vector<16xf32>
        %swap3A_902 = arith.constant 2 : i32
        %swap3A_903 = arith.index_cast %swap3A_902 : i32 to index
        %swap3A_904 = arith.index_cast %scan3A_832 : i32 to index
        %swap3A_905 = arith.constant 0 : index
        %swap3A_906 = tpu.vector_load %arg13[%swap3A_903, %swap3A_904, %swap3A_905] {strides = array<i32>} : memref<4x200x32xf32, #tpu.memory_space<vmem>>, vector<1x1x16xf32>,
        %swap3A_907 = vector.shape_cast %swap3A_906 : vector<1x1x16xf32> to vector<16xf32>
        %swap3A_908 = vector.shape_cast %add3A_901 : vector<16xf32> to vector<1x1x16xf32>
        tpu.vector_store %arg13[%swap3A_903, %swap3A_904, %swap3A_905], %swap3A_908 {strides = array<i32>} : memref<4x200x32xf32, #tpu.memory_space<vmem>>, vector<1x1x16xf32>,
        %get3A_909 = arith.constant 2 : i32
        %get3A_910 = arith.index_cast %get3A_909 : i32 to index
        %get3A_911 = arith.index_cast %scan3A_832 : i32 to index
        %get3A_912 = arith.constant 16 : index
        %get3A_913 = tpu.vector_load %arg13[%get3A_910, %get3A_911, %get3A_912] {strides = array<i32>} : memref<4x200x32xf32, #tpu.memory_space<vmem>>, vector<1x1x16xf32>,
        %get3A_914 = vector.shape_cast %get3A_913 : vector<1x1x16xf32> to vector<16xf32>
        %add3A_915 = arith.addf %get3A_914, %get3A_839 : vector<16xf32>
        %swap3A_916 = arith.constant 2 : i32
        %swap3A_917 = arith.index_cast %swap3A_916 : i32 to index
        %swap3A_918 = arith.index_cast %scan3A_832 : i32 to index
        %swap3A_919 = arith.constant 16 : index
        %swap3A_920 = tpu.vector_load %arg13[%swap3A_917, %swap3A_918, %swap3A_919] {strides = array<i32>} : memref<4x200x32xf32, #tpu.memory_space<vmem>>, vector<1x1x16xf32>,
        %swap3A_921 = vector.shape_cast %swap3A_920 : vector<1x1x16xf32> to vector<16xf32>
        %swap3A_922 = vector.shape_cast %add3A_915 : vector<16xf32> to vector<1x1x16xf32>
        tpu.vector_store %arg13[%swap3A_917, %swap3A_918, %swap3A_919], %swap3A_922 {strides = array<i32>} : memref<4x200x32xf32, #tpu.memory_space<vmem>>, vector<1x1x16xf32>,
        %get3A_923 = arith.constant 3 : i32
        %get3A_924 = arith.index_cast %get3A_923 : i32 to index
        %get3A_925 = arith.index_cast %scan3A_832 : i32 to index
        %get3A_926 = arith.constant 0 : index
        %get3A_927 = tpu.vector_load %arg13[%get3A_924, %get3A_925, %get3A_926] {strides = array<i32>} : memref<4x200x32xf32, #tpu.memory_space<vmem>>, vector<1x1x16xf32>,
        %get3A_928 = vector.shape_cast %get3A_927 : vector<1x1x16xf32> to vector<16xf32>
        %add3A_929 = arith.addf %get3A_928, %get3A_835 : vector<16xf32>
        %swap3A_930 = arith.constant 3 : i32
        %swap3A_931 = arith.index_cast %swap3A_930 : i32 to index
        %swap3A_932 = arith.index_cast %scan3A_832 : i32 to index
        %swap3A_933 = arith.constant 0 : index
        %swap3A_934 = tpu.vector_load %arg13[%swap3A_931, %swap3A_932, %swap3A_933] {strides = array<i32>} : memref<4x200x32xf32, #tpu.memory_space<vmem>>, vector<1x1x16xf32>,
        %swap3A_935 = vector.shape_cast %swap3A_934 : vector<1x1x16xf32> to vector<16xf32>
        %swap3A_936 = vector.shape_cast %add3A_929 : vector<16xf32> to vector<1x1x16xf32>
        tpu.vector_store %arg13[%swap3A_931, %swap3A_932, %swap3A_933], %swap3A_936 {strides = array<i32>} : memref<4x200x32xf32, #tpu.memory_space<vmem>>, vector<1x1x16xf32>,
        %get3A_937 = arith.constant 3 : i32
        %get3A_938 = arith.index_cast %get3A_937 : i32 to index
        %get3A_939 = arith.index_cast %scan3A_832 : i32 to index
        %get3A_940 = arith.constant 16 : index
        %get3A_941 = tpu.vector_load %arg13[%get3A_938, %get3A_939, %get3A_940] {strides = array<i32>} : memref<4x200x32xf32, #tpu.memory_space<vmem>>, vector<1x1x16xf32>,
        %get3A_942 = vector.shape_cast %get3A_941 : vector<1x1x16xf32> to vector<16xf32>
        %add3A_943 = arith.addf %get3A_942, %get3A_839 : vector<16xf32>
        %swap3A_944 = arith.constant 3 : i32
        %swap3A_945 = arith.index_cast %swap3A_944 : i32 to index
        %swap3A_946 = arith.index_cast %scan3A_832 : i32 to index
        %swap3A_947 = arith.constant 16 : index
        %swap3A_948 = tpu.vector_load %arg13[%swap3A_945, %swap3A_946, %swap3A_947] {strides = array<i32>} : memref<4x200x32xf32, #tpu.memory_space<vmem>>, vector<1x1x16xf32>,
        %swap3A_949 = vector.shape_cast %swap3A_948 : vector<1x1x16xf32> to vector<16xf32>
        %swap3A_950 = vector.shape_cast %add3A_943 : vector<16xf32> to vector<1x1x16xf32>
        tpu.vector_store %arg13[%swap3A_945, %swap3A_946, %swap3A_947], %swap3A_950 {strides = array<i32>} : memref<4x200x32xf32, #tpu.memory_space<vmem>>, vector<1x1x16xf32>,
      }
      %scan3A_822 = arith.constant 200 : i32
      %mul3A_823 = arith.constant 4 : i32
      %mul3A_824 = arith.muli %add3A_790, %mul3A_823 : i32
      %add3A_825 = arith.addi %mul3A_2, %mul3A_824 : i32
      %dma_start3A_826 = arith.constant 0 : i32
      %dma_start3A_827 = arith.constant 0 : i32
      %dma_start3A_828 = tpu.memref_slice %arg5[%add3A_825, %dma_start3A_826, %dma_start3A_827] : memref<4096x200x128xf32, #tpu.memory_space<hbm>> -> memref<4x200x32xf32, #tpu.memory_space<hbm>>
      %dma_start3A_829 = arith.constant 0 : i32
      %dma_start3A_830 = arith.constant 0 : i32
      %dma_start3A_831 = tpu.memref_slice %arg5[%add3A_825, %dma_start3A_829, %dma_start3A_830] : memref<4096x200x128xf32, #tpu.memory_space<hbm>> -> memref<4x200x32xf32, #tpu.memory_space<hbm>>
      tpu.enqueue_dma source(%arg13 : memref<4x200x32xf32, #tpu.memory_space<vmem>>) target(%dma_start3A_831 : memref<4x200x32xf32, #tpu.memory_space<hbm>>) target_semaphore(%arg22 : memref<!tpu.dma_semaphore, #tpu.memory_space<semaphore_mem>>)
    }
    %scan3A_624 = arith.constant 8 : i32
    %dma_wait3A = arith.constant 0 : i32
    %dma_wait3A_625 = arith.constant 0 : i32
    %dma_wait3A_626 = arith.constant 0 : i32
    %dma_wait3A_627 = tpu.memref_slice %arg5[%dma_wait3A, %dma_wait3A_625, %dma_wait3A_626] : memref<4096x200x128xf32, #tpu.memory_space<hbm>> -> memref<4x200x32xf32, #tpu.memory_space<hbm>>
    %dma_wait3A_628 = arith.constant 0 : i32
    %dma_wait3A_629 = arith.constant 0 : i32
    %dma_wait3A_630 = arith.constant 0 : i32
    %dma_wait3A_631 = tpu.memref_slice %arg5[%dma_wait3A_628, %dma_wait3A_629, %dma_wait3A_630] : memref<4096x200x128xf32, #tpu.memory_space<hbm>> -> memref<4x200x32xf32, #tpu.memory_space<hbm>>
    tpu.wait_dma2 semaphore(%arg19 : memref<!tpu.dma_semaphore, #tpu.memory_space<semaphore_mem>>) src(%arg10 : memref<4x200x32xf32, #tpu.memory_space<vmem>>) dst(%dma_wait3A_631 : memref<4x200x32xf32, #tpu.memory_space<hbm>>)
    %dma_wait3A_632 = arith.constant 0 : i32
    %dma_wait3A_633 = arith.constant 0 : i32
    %dma_wait3A_634 = arith.constant 0 : i32
    %dma_wait3A_635 = tpu.memref_slice %arg5[%dma_wait3A_632, %dma_wait3A_633, %dma_wait3A_634] : memref<4096x200x128xf32, #tpu.memory_space<hbm>> -> memref<4x200x32xf32, #tpu.memory_space<hbm>>
    %dma_wait3A_636 = arith.constant 0 : i32
    %dma_wait3A_637 = arith.constant 0 : i32
    %dma_wait3A_638 = arith.constant 0 : i32
    %dma_wait3A_639 = tpu.memref_slice %arg5[%dma_wait3A_636, %dma_wait3A_637, %dma_wait3A_638] : memref<4096x200x128xf32, #tpu.memory_space<hbm>> -> memref<4x200x32xf32, #tpu.memory_space<hbm>>
    tpu.wait_dma2 semaphore(%arg20 : memref<!tpu.dma_semaphore, #tpu.memory_space<semaphore_mem>>) src(%arg11 : memref<4x200x32xf32, #tpu.memory_space<vmem>>) dst(%dma_wait3A_639 : memref<4x200x32xf32, #tpu.memory_space<hbm>>)
    %dma_wait3A_640 = arith.constant 0 : i32
    %dma_wait3A_641 = arith.constant 0 : i32
    %dma_wait3A_642 = arith.constant 0 : i32
    %dma_wait3A_643 = tpu.memref_slice %arg5[%dma_wait3A_640, %dma_wait3A_641, %dma_wait3A_642] : memref<4096x200x128xf32, #tpu.memory_space<hbm>> -> memref<4x200x32xf32, #tpu.memory_space<hbm>>
    %dma_wait3A_644 = arith.constant 0 : i32
    %dma_wait3A_645 = arith.constant 0 : i32
    %dma_wait3A_646 = arith.constant 0 : i32
    %dma_wait3A_647 = tpu.memref_slice %arg5[%dma_wait3A_644, %dma_wait3A_645, %dma_wait3A_646] : memref<4096x200x128xf32, #tpu.memory_space<hbm>> -> memref<4x200x32xf32, #tpu.memory_space<hbm>>
    tpu.wait_dma2 semaphore(%arg21 : memref<!tpu.dma_semaphore, #tpu.memory_space<semaphore_mem>>) src(%arg12 : memref<4x200x32xf32, #tpu.memory_space<vmem>>) dst(%dma_wait3A_647 : memref<4x200x32xf32, #tpu.memory_space<hbm>>)
    %dma_wait3A_648 = arith.constant 0 : i32
    %dma_wait3A_649 = arith.constant 0 : i32
    %dma_wait3A_650 = arith.constant 0 : i32
    %dma_wait3A_651 = tpu.memref_slice %arg5[%dma_wait3A_648, %dma_wait3A_649, %dma_wait3A_650] : memref<4096x200x128xf32, #tpu.memory_space<hbm>> -> memref<4x200x32xf32, #tpu.memory_space<hbm>>
    %dma_wait3A_652 = arith.constant 0 : i32
    %dma_wait3A_653 = arith.constant 0 : i32
    %dma_wait3A_654 = arith.constant 0 : i32
    %dma_wait3A_655 = tpu.memref_slice %arg5[%dma_wait3A_652, %dma_wait3A_653, %dma_wait3A_654] : memref<4096x200x128xf32, #tpu.memory_space<hbm>> -> memref<4x200x32xf32, #tpu.memory_space<hbm>>
    tpu.wait_dma2 semaphore(%arg22 : memref<!tpu.dma_semaphore, #tpu.memory_space<semaphore_mem>>) src(%arg13 : memref<4x200x32xf32, #tpu.memory_space<vmem>>) dst(%dma_wait3A_655 : memref<4x200x32xf32, #tpu.memory_space<hbm>>)
    return
  }
}

</mosaic_0001>

<sc_bundles>
// kernel: kernel.3.cloned.1.call-start
scs
__scs_entry_jumppad:
0x0: {  	(pc) =	sbr.rel $0x88, $3  }
0x1: {  	(tag) =	ssettag $0x0;
	lr =	simm.s32 $0x1  }
0x2: {  	[smem:$0x3F9E] =	sst lr;
	_ =	strace $0xD0000000  }
0x3: {  	_ = 	snop  }
0x4: {  	_ = 	snop  }
0x5: {  	_ = 	snop  }
0x6: {  	_ = 	snop  }
0x7: {  	_ = 	snop  }
__scs_overlays_trampoline_lowered:
0x8: {  	[smem:$0x3FAD] =	sst s0  }
0x9: {  	[smem:$0x3FAE] =	sst s1  }
0xa: {  	[smem:$0x3FAF] =	sst s2  }
0xb: {  	[smem:$0x3FB0] =	sst s3  }
0xc: {  	[smem:$0x3FB1] =	sst s4  }
0xd: {  	[smem:$0x3FB2] =	sst s5  }
0xe: {  	[smem:$0x3FB3] =	sst s6  }
0xf: {  	[smem:$0x3FB4] =	sst s7  }
0x10: {  	[smem:$0x3FB5] =	sst s8  }
0x11: {  	[smem:$0x3FB6] =	sst s9;
	s0 =	simm.s32 @!p0 $0x0  }
0x12: {  	s1 =	sld [smem:$0x3F9C];
	s0 =	simm.s32 @p0 $0x1  }
0x13: {  	[smem:$0x3FB7] =	sst s0;
	s0 =	simm.s32 @!p1 $0x0  }
0x14: {  	s2 =	sld [smem:$0x3F9B];
	s0 =	simm.s32 @p1 $0x1  }
0x15: {  	[smem:$0x3FB8] =	sst s0;
	s0 =	simm.s32 @!p2 $0x0  }
0x16: {  	s3 =	sld [smem:$0x3FDB];
	s0 =	simm.s32 @p2 $0x1  }
0x17: {  	s4 =	simm.s32 $0x1BF5;
	[smem:$0x3FBA] =	sst s0  }
0x18: {  	s0 =	sld [smem:$0x3F9D];
	_ =	swait.ge [sflag:s4], $0x0  }
0x19: {  	s7 =	sld [smem:$0x3F9E]  }
0x1a: {  	s8 =	sadd.s32 $0xFFFFE003, lr  }
0x1b: {  	s9 =	sadd.s32 $0xFFFFFEF7, lr;
	s5 =	simm.s32 $0xFFFFFFFF;
	p2 =	slt.u32 s8, $0xFFFFF086  }
0x1c: {  	p1 =	slt.u32 s9, $0xF7A;
	s5 =	simm.s32 @!p2 $0x0  }
0x1d: {  	s5 =	simm.s32 @p1 $0x1;
	p0 =	seq.s32 s7, s2  }
0x1e: {  	s7 =	smul.u32 @!p0 $0xF7A, s2;
	p2 =	seq.s32 @!p0 s5, $0x0  }
0x1f: {  	s9 =	smul.u32 $0xF7A, s1;
	s8 =	simm.s32 @!p0 $0x1BF5;
	p2 =	por !p2, p0  }
0x20: {  	[sflag:s8] =	ssyncset.s32 @!p0 $0xFFFFF086;
	s6 =	sadd.s32 @!p0 s3, s7;
	s7 =	simm.s32 @!p0 $0x108  }
0x21: {  	s3 =	sadd.s32 s3, s9;
	s6 =	sadd.s32 @!p0 $0x88, s6;
	s7 =	simm.s32 @p2 $0x1082  }
0x22: {  	[simem:s7], [sflag:s8] =	dma.local @!p0 [hbm:s6], $0xF7A  }
0x23: {  	s9 =	sor.u32 $0xD0000000, s2;
	s6 =	simm.s32 $0x108;
	_ =	swait.ge @!p0 [sflag:s8], $0x0  }
0x24: {  	s3 =	sadd.s32 $0x88, s3;
	s6 =	simm.s32 @!p1 $0x1082;
	[sflag:s4] =	ssyncset.s32 $0xFFFFF086  }
0x25: {  	[simem:s6], [sflag:s4] =	dma.local [hbm:s3], $0xF7A  }
0x26: {  	[smem:$0x3F9E] =	sst s1;
	(tag) =	ssettag s2;
	_ =	strace s9  }
0x27: {  	s1 =	sld [smem:$0x3FAE]  }
0x28: {  	s2 =	sld [smem:$0x3FAF]  }
0x29: {  	s4 =	sld [smem:$0x3FB1]  }
0x2a: {  	p0 =	seq.s32 s5, $0x0;
	s5 =	sld [smem:$0x3FB2]  }
0x2b: {  	s6 =	sld [smem:$0x3FB3]  }
0x2c: {  	s7 =	sld [smem:$0x3FB4]  }
0x2d: {  	s3 =	simm.s32 $0x108;
	s8 =	sld [smem:$0x3FB5]  }
0x2e: {  	s3 =	simm.s32 @!p0 $0x1082;
	s9 =	sld [smem:$0x3FB6]  }
0x2f: {  	lr =	sadd.s32 s0, s3;
	s0 =	sld [smem:$0x3FAD]  }
0x30: {  	s3 =	sld [smem:$0x3FB0]  }
0x31: {  	[smem:$0x3FB9] =	sst s10  }
0x32: {  	s10 =	sld [smem:$0x3FB7];
	_ =	sdelay $0x3  }
0x33: {  	p0 =	seq.s32 s10, $0x1;
	s10 =	sld [smem:$0x3FB9];
	_ =	sdelay $0x3  }
0x34: {  	[smem:$0x3FB9] =	sst s10  }
0x35: {  	s10 =	sld [smem:$0x3FB8];
	_ =	sdelay $0x3  }
0x36: {  	p1 =	seq.s32 s10, $0x1;
	s10 =	sld [smem:$0x3FB9];
	_ =	sdelay $0x3  }
0x37: {  	[smem:$0x3FB9] =	sst s10  }
0x38: {  	s10 =	sld [smem:$0x3FBA]  }
0x39: {  	_ = 	snop;
	(pc) =	sbr.ind lr, $3  }
0x3a: {  	_ = 	snop  }
0x3b: {  	_ = 	snop  }
0x3c: {  	p2 =	seq.s32 s10, $0x1;
	s10 =	sld [smem:$0x3FB9]  }
0x3d: {  	_ =	shalt  }
0x3e: {  	_ =	shalt  }
0x3f: {  	_ =	shalt  }
0x40: {  	_ =	shalt  }
0x41: {  	_ =	shalt  }
0x42: {  	_ =	shalt  }
0x43: {  	_ =	shalt  }
0x44: {  	_ =	shalt  }
0x45: {  	_ =	shalt  }
0x46: {  	_ =	shalt  }
0x47: {  	_ =	shalt  }
0x48: {  	_ =	shalt  }
0x49: {  	_ =	shalt  }
0x4a: {  	_ =	shalt  }
0x4b: {  	_ =	shalt  }
0x4c: {  	_ =	shalt  }
0x4d: {  	_ =	shalt  }
0x4e: {  	_ =	shalt  }
0x4f: {  	_ =	shalt  }
0x50: {  	_ =	shalt  }
0x51: {  	_ =	shalt  }
0x52: {  	_ =	shalt  }
0x53: {  	_ =	shalt  }
0x54: {  	_ =	shalt  }
0x55: {  	_ =	shalt  }
0x56: {  	_ =	shalt  }
0x57: {  	_ =	shalt  }
0x58: {  	_ =	shalt  }
0x59: {  	_ =	shalt  }
0x5a: {  	_ =	shalt  }
0x5b: {  	_ =	shalt  }
0x5c: {  	_ =	shalt  }
0x5d: {  	_ =	shalt  }
0x5e: {  	_ =	shalt  }
0x5f: {  	_ =	shalt  }
0x60: {  	_ =	shalt  }
0x61: {  	_ =	shalt  }
0x62: {  	_ =	shalt  }
0x63: {  	_ =	shalt  }
0x64: {  	_ =	shalt  }
0x65: {  	_ =	shalt  }
0x66: {  	_ =	shalt  }
0x67: {  	_ =	shalt  }
0x68: {  	_ =	shalt  }
0x69: {  	_ =	shalt  }
0x6a: {  	_ =	shalt  }
0x6b: {  	_ =	shalt  }
0x6c: {  	_ =	shalt  }
0x6d: {  	_ =	shalt  }
0x6e: {  	_ =	shalt  }
0x6f: {  	_ =	shalt  }
0x70: {  	_ =	shalt  }
0x71: {  	_ =	shalt  }
0x72: {  	_ =	shalt  }
0x73: {  	_ =	shalt  }
0x74: {  	_ =	shalt  }
0x75: {  	_ =	shalt  }
0x76: {  	_ =	shalt  }
0x77: {  	_ =	shalt  }
0x78: {  	_ =	shalt  }
0x79: {  	_ =	shalt  }
0x7a: {  	_ =	shalt  }
0x7b: {  	_ =	shalt  }
0x7c: {  	_ =	shalt  }
0x7d: {  	_ =	shalt  }
0x7e: {  	_ =	shalt  }
0x7f: {  	_ =	shalt  }
0x80: {  	_ =	shalt  }
0x81: {  	_ =	shalt  }
0x82: {  	_ =	shalt  }
0x83: {  	_ =	shalt  }
0x84: {  	_ =	shalt  }
0x85: {  	_ =	shalt  }
0x86: {  	_ =	shalt  }
0x87: {  	_ =	shalt  }
.Lfunc_end0:
.L_simem_size_0:
called_computation.1_lowered:
.L_overlay_start_0:
0x88: {  	s2 =	sld [smem:$0x3FD9]  }
0x89: {  	s3 =	sld [smem:$0x3FFE];
	_ =	sdelay $0x1  }
0x8a: {  	s1 =	srdreg.scid  }
0x8b: {  	s0 =	sand.u32 $0x1, s1  }
0x8c: {  	s16 =	sshll.u32 s0, $0xA;
	s2 =	sadd.s32 s3, s2  }
0x8d: {  	s2 =	sadd.s32 s2, s16  }
0x8e: {  	[smem:$0x3FC5] =	sst s2  }
0x8f: {  	_ = 	snop  }
0x90: {  	(tm) =	ssettm $0x1  }
0x91: {  	s17 =	sld [smem:$0x3FFB];
	_ =	sdelay $0x3  }
0x92: {  	_ =	strace s17  }
0x93: {  	s2 =	sld [smem:$0x3FFC];
	_ =	sdelay $0x3  }
0x94: {  	_ =	strace s2  }
0x95: {  	s2 =	sld [smem:$0x3FFD];
	_ =	sdelay $0x3  }
0x96: {  	_ =	strace s2  }
0x97: {  	_ =	strace $0x8FFFFFFF  }
0x98: {  	s18 =	sld [smem:$0x3FDB];
	_ =	sdelay $0x1  }
0x99: {  	s19 =	simm.s32 $_scs_section_size  }
0x9a: {  	s4 =	simm.s32 $_size__tile_overlayer_lowered;
	s5 =	simm.s32 $_tile_overlayer_lowered  }
0x9b: {  	s22 =	simm.s32 $0x1BFF;
	s21 =	sshll.u32 s5, $0x1;
	s2 =	sadd.s32 s19, s18  }
0x9c: {  	s6 =	simm.s32 $0x0;
	s20 =	sshll.u32 s4, $0x1;
	s4 =	sadd.s32 s21, s2  }
0x9d: {  	[timem:s6], [sflag:s22] =	dma.local [hbm:s4], s20  }
0x9e: {  	_ =	swait.ge [sflag:s22], s20  }
0x9f: {  	s3 =	ssub.s32 $0x0, s20;
	[sflag:s22] =	ssyncset.done $0x0  }
0xa0: {  	[sflag:s22] =	ssyncadd.s32 s3;
	_ =	sdelay $0x1  }
0xa1: {  	s23 =	simm.s32 $0x1B8B  }
0xa2: {  	_ =	swait.ge [sflag:s23], $0x1  }
0xa3: {  	[sflag:s23] =	ssyncset.done $0x0  }
0xa4: {  	s25 =	simm.s32 $0x1B8E;
	s24 =	sld [smem:$0x3FFE];
	[sflag:s23] =	ssyncadd.s32 $0xFFFFFFFF  }
0xa5: {  	s26 =	simm.s32 $execute0_lowered;
	[smem:$0x3FD2] =	sst s25  }
0xa6: {  	s4 =	sshll.u32 s26, $0x1;
	_ =	strace $0x80000046;
	[dreg:$0x1] =	wrdreg $0xFFFFFFFF  }
0xa7: {  	s28 =	simm.s32 $_size_execute0_lowered;
	s2 =	sadd.s32 s2, s4;
	[dreg:$0x0] =	wrdreg $0x0  }
0xa8: {  	s4 =	sshll.u32 s28, $0x1;
	[dreg:$0x2] =	wrdreg s2  }
0xa9: {  	[dreg:$0x3] =	wrdreg s4  }
0xaa: {  	[dreg:$0x4] =	wrdreg $0xC0  }
0xab: {  	_ =	task [dreg:s6], $0x5FFFF  }
0xac: {  	[dreg:$0x1] =	wrdreg $0xFFFFFFFF  }
0xad: {  	[dreg:$0x0] =	wrdreg $0x60  }
0xae: {  	[dreg:$0x2] =	wrdreg s24  }
0xaf: {  	[dreg:$0x3] =	wrdreg $0x9  }
0xb0: {  	_ =	task.clear_ibuf [dreg:s6], $0x4FFFF;
	_ =	strace $0x90000046  }
0xb1: {  	s29 =	simm.s32 $0x9;
	_ =	strace $0x80000048  }
0xb2: {  	_ =	swait.ge [sflag:s29], $0x1  }
0xb3: {  	[sflag:s29] =	ssyncadd.s32 $0xFFFFFFFF  }
0xb4: {  	_ =	strace $0x90000048  }
0xb5: {  	_ =	sfence  }
0xb6: {  	s30 =	sld [smem:$0x0];
	_ =	sdelay $0x2  }
0xb7: {  	s31 =	sshll.u32 s1, $0xD;
	s1 =	sshrl.u32 s1, $0x2  }
0xb8: {  	s3 =	sand.u32 $0x4000, s31;
	s1 =	sadd.s32 s1, s30  }
0xb9: {  	s0 =	sor.u32 s3, s0;
	s1 =	sshll.u32 s1, $0x11  }
0xba: {  	s0 =	sor.u32 s1, s0  }
0xbb: {  	s0 =	sadd.s32 $0x8F2B, s0  }
0xbc: {  	[sflag:s0] =	ssyncadd.remote.s32 $0x1  }
0xbd: {  	_ =	sfence.sel $0xFFFF  }
0xbe: {  	[dreg:$0x0] =	wrdreg $0xFFFFFFFF;
	(pc) =	sbr.abs _section_cstart, $3  }
0xbf: {  	[dreg:$0x1] =	wrdreg $0xFFFFFFFF  }
0xc0: {  	_ =	task.clear_ibuf [dreg:s6], $0x2FFFF;
	_ =	strace $0x9FFFFFFF  }
0xc1: {  	(tm) =	ssettm $0x7FFFFFFF  }
tec
execute0_lowered:
.L_overlay_start_1:
0x0: {  	(tag) =	ssettag $0x1  }
0x1: {  	s0 =	rddreg [dreg:$0x0]  }
0x2: {  	s1 =	srdreg.scid;
	s2 =	stileid.u32;
	s4 =	simm.s32 $0x0  }
0x3: {  	s16 =	simm.s32 $0x9;
	s17 =	simm.s32 $0x50;
	s20 =	simm.s32 $0x28  }
0x4: {  	s15 =	simm.s32 $0xF50;
	s19 =	simm.s32 $0x19100;
	s21 =	simm.s32 $0xFA0  }
0x5: {  	s22 =	simm.s32 $0x19B00;
	s23 =	simm.s32 $0x1;
	s24 =	simm.s32 $0x20  }
0x6: {  	s30 =	simm.s32 $0x80;
	s31 =	simm.s32 $0x2;
	s8 =	simm.s32 $0x4  }
0x7: {  	s14 =	simm.s32 $0x0;
	s1 =	sand.u32 $0x1, s1;
	s2 =	sshll.u32 s2, $0x8  }
0x8: {  	[smem:$0x7FF] =	sst s4;
	s4 =	sadd.s32 $0x21C00, s0;
	s6 =	sadd.s32 $0x1800, s0  }
0x9: {  	s3 =	sshll.u32 s1, $0x7;
	_ =	strace $0x80000047;
	s1 =	ssub.s32 $0x2, s1  }
0xa: {  	[dreg:$0x2] =	wrdreg s6;
	s3 =	sor.u32 s3, s2;
	s5 =	sshrl.u32 s1, $0x1  }
0xb: {  	s6 =	sadd.s32 $0x83800, s0;
	s2 =	sshll.u32 s3, $0x5;
	s26 =	ssub.s32 s1, s5  }
0xc: {  	s1 =	simm.s32 $0x13C00;
	s5 =	simm.s32 $0x3;
	s2 =	sadd.s32 s2, s0  }
0xd: {  	s0 =	smax.u32 s26, $0x1;
	s7 =	sadd.s32 $0x1C00, s2;
	s28 =	sadd.s32 $0x1C80, s2  }
0xe: {  	s29 =	sadd.s32 $0x1D00, s2;
	s10 =	sadd.s32 $0x1D80, s2;
	[dreg:$0x5] =	wrdreg s0  }
0xf: {  	s11 =	sadd.s32 $0x1E00, s2;
	s12 =	sadd.s32 $0x1E80, s2;
	[dreg:$0x3] =	wrdreg s28  }
0x10: {  	s13 =	sadd.s32 $0x1F00, s2;
	s0 =	simm.s32 $0xC00;
	[dreg:$0x4] =	wrdreg s29  }
.LBB2_1:
0x11: {  	[dreg:$0x6] =	wrdreg s14  }
0x12: {  	s2 =	simm.s32 $0x0;
	s9 =	rddreg [dreg:$0x2];
	s26 =	simm.s32 $0x1A000  }
0x13: {  	[tilespmem:s26], [sflag:$0x9] =	stream.linear.gather [hbm4b:s9+s2], $0x1900, $0x38;
	[tilespmem:$0x1B900] =	vst v63  }
0x14: {  	_ =	swait.ge [sflag:s16], $0x1900  }
0x15: {  	[sflag:s16] =	ssyncset.done $0x0  }
0x16: {  	[sflag:s16] =	ssyncadd.s32 $0xFFFFE700  }
0x17: {  	[tilespmem:s2], [sflag:$0x9] =	stream.linear.gather [hbm4b:s7+s2], $0x400, $0x38;
	[tilespmem:$0x1B900] =	vst v63  }
0x18: {  	_ =	swait.ge [sflag:s16], $0x400  }
0x19: {  	[sflag:s16] =	ssyncset.done $0x0  }
0x1a: {  	s28 =	simm.s32 $0x1000;
	[sflag:s16] =	ssyncadd.s32 $0xFFFFFC00  }
0x1b: {  	[tilespmem:s28], [sflag:$0x1] =	stream.indirect.gather [hbm4b:s4+s17], $0x20, s2, s17, $0xb8;
	[tilespmem:$0x1B900] =	vst v63  }
0x1c: {  	s29 =	simm.s32 $0x1A00  }
0x1d: {  	[tilespmem:s29], [sflag:$0x1] =	stream.indirect.gather [hbm4b:s4+s17], $0x20, s17, s17, $0xb8;
	[tilespmem:$0x1B900] =	vst v63  }
0x1e: {  	s14 =	simm.s32 $0xA0;
	s18 =	simm.s32 $0x2400  }
0x1f: {  	[tilespmem:s18], [sflag:$0x1] =	stream.indirect.gather [hbm4b:s4+s20], $0x20, s14, s20, $0xb8;
	[tilespmem:$0x1B900] =	vst v63  }
0x20: {  	s25 =	simm.s32 $0x100;
	s26 =	simm.s32 $0x2900  }
0x21: {  	[tilespmem:s26], [sflag:$0x1] =	stream.indirect.gather [hbm4b:s4+s17], $0x20, s25, s17, $0xb8;
	[tilespmem:$0x1B900] =	vst v63  }
0x22: {  	s28 =	simm.s32 $0x150;
	s29 =	simm.s32 $0x3300  }
0x23: {  	[tilespmem:s29], [sflag:$0x1] =	stream.indirect.gather [hbm4b:s4+s17], $0x20, s28, s17, $0xb8;
	[tilespmem:$0x1B900] =	vst v63  }
0x24: {  	s14 =	simm.s32 $0x1A0;
	s18 =	simm.s32 $0x3D00  }
0x25: {  	[tilespmem:s18], [sflag:$0x1] =	stream.indirect.gather [hbm4b:s4+s20], $0x20, s14, s20, $0xb8;
	[tilespmem:$0x1B900] =	vst v63  }
0x26: {  	s25 =	simm.s32 $0x200;
	s26 =	simm.s32 $0x4200  }
0x27: {  	[tilespmem:s26], [sflag:$0x1] =	stream.indirect.gather [hbm4b:s4+s17], $0x20, s25, s17, $0xb8;
	[tilespmem:$0x1B900] =	vst v63  }
0x28: {  	s28 =	simm.s32 $0x250;
	s29 =	simm.s32 $0x4C00  }
0x29: {  	[tilespmem:s29], [sflag:$0x1] =	stream.indirect.gather [hbm4b:s4+s17], $0x20, s28, s17, $0xb8;
	[tilespmem:$0x1B900] =	vst v63  }
0x2a: {  	s14 =	simm.s32 $0x2A0;
	s18 =	simm.s32 $0x5600  }
0x2b: {  	[tilespmem:s18], [sflag:$0x1] =	stream.indirect.gather [hbm4b:s4+s20], $0x20, s14, s20, $0xb8;
	[tilespmem:$0x1B900] =	vst v63  }
0x2c: {  	s25 =	simm.s32 $0x300;
	s26 =	simm.s32 $0x5B00  }
0x2d: {  	[tilespmem:s26], [sflag:$0x1] =	stream.indirect.gather [hbm4b:s4+s17], $0x20, s25, s17, $0xb8;
	[tilespmem:$0x1B900] =	vst v63  }
0x2e: {  	s28 =	simm.s32 $0x350;
	s29 =	simm.s32 $0x6500  }
0x2f: {  	[tilespmem:s29], [sflag:$0x1] =	stream.indirect.gather [hbm4b:s4+s17], $0x20, s28, s17, $0xb8;
	[tilespmem:$0x1B900] =	vst v63  }
0x30: {  	s18 =	simm.s32 $0x3A0;
	s25 =	simm.s32 $0x6F00  }
0x31: {  	[tilespmem:s25], [sflag:$0x1] =	stream.indirect.gather [hbm4b:s4+s20], $0x20, s18, s20, $0xb8;
	[tilespmem:$0x1B900] =	vst v63  }
0x32: {  	s26 =	rddreg [dreg:$0x3];
	s28 =	simm.s32 $0x400  }
0x33: {  	[tilespmem:s28], [sflag:$0x9] =	stream.linear.gather [hbm4b:s26+s2], $0x400, $0x38;
	[tilespmem:$0x1B900] =	vst v63  }
0x34: {  	_ =	swait.ge [sflag:s16], $0x400  }
0x35: {  	[sflag:s16] =	ssyncset.done $0x0  }
0x36: {  	s29 =	simm.s32 $0x7400;
	[sflag:s16] =	ssyncadd.s32 $0xFFFFFC00  }
0x37: {  	[tilespmem:s29], [sflag:$0x2] =	stream.indirect.gather [hbm4b:s4+s17], $0x20, s28, s17, $0xb8;
	[tilespmem:$0x1B900] =	vst v63  }
0x38: {  	s14 =	simm.s32 $0x450;
	s18 =	simm.s32 $0x7E00  }
0x39: {  	[tilespmem:s18], [sflag:$0x2] =	stream.indirect.gather [hbm4b:s4+s17], $0x20, s14, s17, $0xb8;
	[tilespmem:$0x1B900] =	vst v63  }
0x3a: {  	s25 =	simm.s32 $0x4A0;
	s26 =	simm.s32 $0x8800  }
0x3b: {  	[tilespmem:s26], [sflag:$0x2] =	stream.indirect.gather [hbm4b:s4+s20], $0x20, s25, s20, $0xb8;
	[tilespmem:$0x1B900] =	vst v63  }
0x3c: {  	s28 =	simm.s32 $0x500;
	s29 =	simm.s32 $0x8D00  }
0x3d: {  	[tilespmem:s29], [sflag:$0x2] =	stream.indirect.gather [hbm4b:s4+s17], $0x20, s28, s17, $0xb8;
	[tilespmem:$0x1B900] =	vst v63  }
0x3e: {  	s14 =	simm.s32 $0x550;
	s18 =	simm.s32 $0x9700  }
0x3f: {  	[tilespmem:s18], [sflag:$0x2] =	stream.indirect.gather [hbm4b:s4+s17], $0x20, s14, s17, $0xb8;
	[tilespmem:$0x1B900] =	vst v63  }
0x40: {  	s25 =	simm.s32 $0x5A0;
	s26 =	simm.s32 $0xA100  }
0x41: {  	[tilespmem:s26], [sflag:$0x2] =	stream.indirect.gather [hbm4b:s4+s20], $0x20, s25, s20, $0xb8;
	[tilespmem:$0x1B900] =	vst v63  }
0x42: {  	s28 =	simm.s32 $0x600;
	s29 =	simm.s32 $0xA600  }
0x43: {  	[tilespmem:s29], [sflag:$0x2] =	stream.indirect.gather [hbm4b:s4+s17], $0x20, s28, s17, $0xb8;
	[tilespmem:$0x1B900] =	vst v63  }
0x44: {  	s14 =	simm.s32 $0x650;
	s18 =	simm.s32 $0xB000  }
0x45: {  	[tilespmem:s18], [sflag:$0x2] =	stream.indirect.gather [hbm4b:s4+s17], $0x20, s14, s17, $0xb8;
	[tilespmem:$0x1B900] =	vst v63  }
0x46: {  	s25 =	simm.s32 $0x6A0;
	s26 =	simm.s32 $0xBA00  }
0x47: {  	[tilespmem:s26], [sflag:$0x2] =	stream.indirect.gather [hbm4b:s4+s20], $0x20, s25, s20, $0xb8;
	[tilespmem:$0x1B900] =	vst v63  }
0x48: {  	s28 =	simm.s32 $0x700;
	s29 =	simm.s32 $0xBF00  }
0x49: {  	[tilespmem:s29], [sflag:$0x2] =	stream.indirect.gather [hbm4b:s4+s17], $0x20, s28, s17, $0xb8;
	[tilespmem:$0x1B900] =	vst v63  }
0x4a: {  	s14 =	simm.s32 $0x750;
	s18 =	simm.s32 $0xC900  }
0x4b: {  	[tilespmem:s18], [sflag:$0x2] =	stream.indirect.gather [hbm4b:s4+s17], $0x20, s14, s17, $0xb8;
	[tilespmem:$0x1B900] =	vst v63  }
0x4c: {  	s25 =	simm.s32 $0x7A0;
	s26 =	simm.s32 $0xD300  }
0x4d: {  	[tilespmem:s26], [sflag:$0x2] =	stream.indirect.gather [hbm4b:s4+s20], $0x20, s25, s20, $0xb8;
	[tilespmem:$0x1B900] =	vst v63  }
0x4e: {  	s28 =	rddreg [dreg:$0x4];
	s29 =	simm.s32 $0x800  }
0x4f: {  	[tilespmem:s29], [sflag:$0x9] =	stream.linear.gather [hbm4b:s28+s2], $0x400, $0x38;
	[tilespmem:$0x1B900] =	vst v63  }
0x50: {  	_ =	swait.ge [sflag:s16], $0x400  }
0x51: {  	[sflag:s16] =	ssyncset.done $0x0  }
0x52: {  	s18 =	simm.s32 $0xD800;
	[sflag:s16] =	ssyncadd.s32 $0xFFFFFC00  }
0x53: {  	[tilespmem:s18], [sflag:$0x3] =	stream.indirect.gather [hbm4b:s4+s17], $0x20, s29, s17, $0xb8;
	[tilespmem:$0x1B900] =	vst v63  }
0x54: {  	s25 =	simm.s32 $0x850;
	s26 =	simm.s32 $0xE200  }
0x55: {  	[tilespmem:s26], [sflag:$0x3] =	stream.indirect.gather [hbm4b:s4+s17], $0x20, s25, s17, $0xb8;
	[tilespmem:$0x1B900] =	vst v63  }
0x56: {  	s28 =	simm.s32 $0x8A0;
	s29 =	simm.s32 $0xEC00  }
0x57: {  	[tilespmem:s29], [sflag:$0x3] =	stream.indirect.gather [hbm4b:s4+s20], $0x20, s28, s20, $0xb8;
	[tilespmem:$0x1B900] =	vst v63  }
0x58: {  	s14 =	simm.s32 $0x900;
	s18 =	simm.s32 $0xF100  }
0x59: {  	[tilespmem:s18], [sflag:$0x3] =	stream.indirect.gather [hbm4b:s4+s17], $0x20, s14, s17, $0xb8;
	[tilespmem:$0x1B900] =	vst v63  }
0x5a: {  	s25 =	simm.s32 $0x950;
	s26 =	simm.s32 $0xFB00  }
0x5b: {  	[tilespmem:s26], [sflag:$0x3] =	stream.indirect.gather [hbm4b:s4+s17], $0x20, s25, s17, $0xb8;
	[tilespmem:$0x1B900] =	vst v63  }
0x5c: {  	s28 =	simm.s32 $0x9A0;
	s29 =	simm.s32 $0x10500  }
0x5d: {  	[tilespmem:s29], [sflag:$0x3] =	stream.indirect.gather [hbm4b:s4+s20], $0x20, s28, s20, $0xb8;
	[tilespmem:$0x1B900] =	vst v63  }
0x5e: {  	s14 =	simm.s32 $0xA00;
	s18 =	simm.s32 $0x10A00  }
0x5f: {  	[tilespmem:s18], [sflag:$0x3] =	stream.indirect.gather [hbm4b:s4+s17], $0x20, s14, s17, $0xb8;
	[tilespmem:$0x1B900] =	vst v63  }
0x60: {  	s25 =	simm.s32 $0xA50;
	s26 =	simm.s32 $0x11400  }
0x61: {  	[tilespmem:s26], [sflag:$0x3] =	stream.indirect.gather [hbm4b:s4+s17], $0x20, s25, s17, $0xb8;
	[tilespmem:$0x1B900] =	vst v63  }
0x62: {  	s28 =	simm.s32 $0xAA0;
	s29 =	simm.s32 $0x11E00  }
0x63: {  	[tilespmem:s29], [sflag:$0x3] =	stream.indirect.gather [hbm4b:s4+s20], $0x20, s28, s20, $0xb8;
	[tilespmem:$0x1B900] =	vst v63  }
0x64: {  	s14 =	simm.s32 $0xB00;
	s18 =	simm.s32 $0x12300  }
0x65: {  	[tilespmem:s18], [sflag:$0x3] =	stream.indirect.gather [hbm4b:s4+s17], $0x20, s14, s17, $0xb8;
	[tilespmem:$0x1B900] =	vst v63  }
0x66: {  	s25 =	simm.s32 $0xB50;
	s26 =	simm.s32 $0x12D00  }
0x67: {  	[tilespmem:s26], [sflag:$0x3] =	stream.indirect.gather [hbm4b:s4+s17], $0x20, s25, s17, $0xb8;
	[tilespmem:$0x1B900] =	vst v63  }
0x68: {  	s9 =	simm.s32 $0x0;
	s28 =	simm.s32 $0xBA0;
	s29 =	simm.s32 $0x13700  }
0x69: {  	[tilespmem:s29], [sflag:$0x3] =	stream.indirect.gather [hbm4b:s4+s20], $0x20, s28, s20, $0xb8;
	[tilespmem:$0x1B900] =	vst v63  }
.LBB2_2:
0x6a: {  	p0 =	seq.s32 s9, $0x0  }
0x6b: {  	s14 =	sshllo.u32 s9, $0x2;
	s2 =	simm.s32 @!p0 $0x8  }
0x6c: {  	s18 =	sshll.u32 @!p0 s14, $0x7;
	_ =	swait.ge @!p0 [sflag:s2], $0x6400  }
0x6d: {  	s18 =	sadd.s32 @!p0 s18, s7;
	[sflag:s2] =	ssyncset.done @!p0 $0x0  }
0x6e: {  	s25 =	simm.s32 $0x0;
	s18 =	smov.u32 @p0 s10;
	[sflag:s2] =	ssyncadd.s32 @!p0 $0xFFFF9C00  }
0x6f: {  	[tilespmem:s0], [sflag:$0x9] =	stream.linear.gather [hbm4b:s18+s25], $0x400, $0x38;
	[tilespmem:$0x1B900] =	vst v63  }
0x70: {  	_ =	swait.ge [sflag:s16], $0x400  }
0x71: {  	[sflag:s16] =	ssyncset.done $0x0  }
0x72: {  	[sflag:s16] =	ssyncadd.s32 $0xFFFFFC00  }
0x73: {  	[tilespmem:s1], [sflag:$0x4] =	stream.indirect.gather [hbm4b:s4+s17], $0x20, s0, s17, $0xb8;
	[tilespmem:$0x1B900] =	vst v63  }
0x74: {  	s26 =	simm.s32 $0xC50;
	s29 =	simm.s32 $0x14600  }
0x75: {  	[tilespmem:s29], [sflag:$0x4] =	stream.indirect.gather [hbm4b:s4+s17], $0x20, s26, s17, $0xb8;
	[tilespmem:$0x1B900] =	vst v63  }
0x76: {  	s18 =	simm.s32 $0xCA0;
	s25 =	simm.s32 $0x15000  }
0x77: {  	[tilespmem:s25], [sflag:$0x4] =	stream.indirect.gather [hbm4b:s4+s20], $0x20, s18, s20, $0xb8;
	[tilespmem:$0x1B900] =	vst v63  }
0x78: {  	s26 =	simm.s32 $0xD00;
	s29 =	simm.s32 $0x15500  }
0x79: {  	[tilespmem:s29], [sflag:$0x4] =	stream.indirect.gather [hbm4b:s4+s17], $0x20, s26, s17, $0xb8;
	[tilespmem:$0x1B900] =	vst v63  }
0x7a: {  	s18 =	simm.s32 $0xD50;
	s25 =	simm.s32 $0x15F00  }
0x7b: {  	[tilespmem:s25], [sflag:$0x4] =	stream.indirect.gather [hbm4b:s4+s17], $0x20, s18, s17, $0xb8;
	[tilespmem:$0x1B900] =	vst v63  }
0x7c: {  	s26 =	simm.s32 $0xDA0;
	s29 =	simm.s32 $0x16900  }
0x7d: {  	[tilespmem:s29], [sflag:$0x4] =	stream.indirect.gather [hbm4b:s4+s20], $0x20, s26, s20, $0xb8;
	[tilespmem:$0x1B900] =	vst v63  }
0x7e: {  	s18 =	simm.s32 $0xE00;
	s25 =	simm.s32 $0x16E00  }
0x7f: {  	[tilespmem:s25], [sflag:$0x4] =	stream.indirect.gather [hbm4b:s4+s17], $0x20, s18, s17, $0xb8;
	[tilespmem:$0x1B900] =	vst v63  }
0x80: {  	s26 =	simm.s32 $0xE50;
	s29 =	simm.s32 $0x17800  }
0x81: {  	[tilespmem:s29], [sflag:$0x4] =	stream.indirect.gather [hbm4b:s4+s17], $0x20, s26, s17, $0xb8;
	[tilespmem:$0x1B900] =	vst v63  }
0x82: {  	s18 =	simm.s32 $0xEA0;
	s25 =	simm.s32 $0x18200  }
0x83: {  	[tilespmem:s25], [sflag:$0x4] =	stream.indirect.gather [hbm4b:s4+s20], $0x20, s18, s20, $0xb8;
	[tilespmem:$0x1B900] =	vst v63  }
0x84: {  	s26 =	simm.s32 $0xF00;
	s29 =	simm.s32 $0x18700  }
0x85: {  	[tilespmem:s29], [sflag:$0x4] =	stream.indirect.gather [hbm4b:s4+s17], $0x20, s26, s17, $0xb8;
	[tilespmem:$0x1B900] =	vst v63  }
0x86: {  	_ = 	snop  }
0x87: {  	[tilespmem:s19], [sflag:$0x4] =	stream.indirect.gather [hbm4b:s4+s17], $0x20, s15, s17, $0xb8;
	[tilespmem:$0x1B900] =	vst v63  }
0x88: {  	_ = 	snop  }
0x89: {  	[tilespmem:s22], [sflag:$0x4] =	stream.indirect.gather [hbm4b:s4+s20], $0x20, s21, s20, $0xb8;
	[tilespmem:$0x1B900] =	vst v63  }
0x8a: {  	_ =	swait.ge [sflag:s23], $0x6400  }
0x8b: {  	[sflag:s23] =	ssyncset.done $0x0  }
0x8c: {  	s28 =	simm.s32 $0x0;
	[sflag:s23] =	ssyncadd.s32 $0xFFFF9C00  }
0x8d: {  	v1 =	vld [tilespmem:s28+$0x1A000]  }
0x8e: {  	v0 =	vld [tilespmem:s28+$0x1A010]  }
0x8f: {  	v3 =	vld [tilespmem:s28+$0x1000]  }
0x90: {  	v7 =	vld [tilespmem:s28+$0x1010]  }
0x91: {  	v6 =	vld [tilespmem:s28+$0x2900]  }
0x92: {  	v4 =	vld [tilespmem:s28+$0x2910]  }
0x93: {  	v2 =	vld [tilespmem:s28+$0x4200]  }
0x94: {  	v5 =	vld [tilespmem:s28+$0x4210];
	v8 =	vadd.f32 v3, v1  }
0x95: {  	s2 =	simm.s32 $0x80;
	v7 =	vadd.f32 v7, v0;
	v3 =	vld [tilespmem:s28+$0x5B00]  }
.LBB2_3:
0x96: {  	s18 =	sshra.s32 s2, $0x2;
	p0 =	sne.s32 s2, $0x6380;
	[tilespmem:s28+$0x1000] =	vst v8;
	v6 =	vadd.f32 v6, v1;
	v8 =	vld [tilespmem:s28+$0x5B10]  }
0x97: {  	v9 =	vld [tilespmem:s18+$0x1A000];
	[tilespmem:s28+$0x1010] =	vst v7;
	v4 =	vadd.f32 v4, v0  }
0x98: {  	v7 =	vld [tilespmem:s18+$0x1A010];
	[tilespmem:s28+$0x2900] =	vst v6;
	v2 =	vadd.f32 v2, v1  }
0x99: {  	v10 =	vld [tilespmem:s18+$0x1000];
	[tilespmem:s28+$0x2910] =	vst v4;
	v4 =	vadd.f32 v5, v0  }
0x9a: {  	v11 =	vld [tilespmem:s18+$0x1010];
	[tilespmem:s28+$0x4200] =	vst v2;
	v2 =	vadd.f32 v3, v1  }
.Ltmp0:
0x9b: {  	v6 =	vld [tilespmem:s18+$0x2900];
	[tilespmem:s28+$0x4210] =	vst v4;
	v3 =	vadd.f32 v8, v0;
	(pc) =	sbr.rel @p0 .LBB2_3-.Ltmp0, $4  }
0x9c: {  	v4 =	vld [tilespmem:s18+$0x2910];
	[tilespmem:s28+$0x5B00] =	vst v2;
	v1 =	vmov v9  }
0x9d: {  	v2 =	vld [tilespmem:s18+$0x4200];
	[tilespmem:s28+$0x5B10] =	vst v3;
	v0 =	vmov v7;
	s28 =	smov.u32 s18  }
0x9e: {  	v8 =	vadd.f32 v10, v1;
	v5 =	vld [tilespmem:s28+$0x4210]  }
0x9f: {  	s2 =	sadd.s32 $0x80, s2;
	v7 =	vadd.f32 v11, v0;
	v3 =	vld [tilespmem:s28+$0x5B00]  }
0xa0: {  	[tilespmem:s28+$0x1000] =	vst v8;
	v6 =	vadd.f32 v6, v1;
	v8 =	vld [tilespmem:s28+$0x5B10]  }
0xa1: {  	[tilespmem:s28+$0x1010] =	vst v7;
	v4 =	vadd.f32 v4, v0  }
0xa2: {  	[tilespmem:s28+$0x2900] =	vst v6;
	v2 =	vadd.f32 v2, v1  }
0xa3: {  	s25 =	sshll.u32 s9, $0x4;
	[tilespmem:s28+$0x2910] =	vst v4;
	v4 =	vadd.f32 v5, v0  }
0xa4: {  	s2 =	sadd.s32 s3, s25;
	[tilespmem:s28+$0x4200] =	vst v2;
	v1 =	vadd.f32 v3, v1  }
0xa5: {  	s2 =	smul.u32 $0xC80, s2;
	[tilespmem:s28+$0x4210] =	vst v4;
	v0 =	vadd.f32 v8, v0  }
0xa6: {  	[tilespmem:s28+$0x5B00] =	vst v1  }
0xa7: {  	s18 =	simm.s32 $0x1000;
	p0 =	seq.s32 s9, $0x7;
	s2 =	sadd.s32 s6, s2;
	[tilespmem:s28+$0x5B10] =	vst v0  }
0xa8: {  	[hbm4b:s2+s24] =	stream.strided.scatter [tilespmem:s18], [sflag:$0x5], $0x6400, s30, s24, $0x38;
	[tilespmem:$0x1B900] =	vst v63  }
0xa9: {  	s2 =	simm.s32 @!p0 $0x5  }
0xaa: {  	_ =	swait.ge @!p0 [sflag:s2], $0x6400  }
0xab: {  	s28 =	sshll.u32 @!p0 s9, $0x9;
	[sflag:s2] =	ssyncset.done @!p0 $0x0  }
0xac: {  	s18 =	simm.s32 @!p0 $0x0;
	[sflag:s2] =	ssyncadd.s32 @!p0 $0xFFFF9C00;
	s2 =	sadd.s32 @!p0 s28, s11  }
0xad: {  	[tilespmem:s18], [sflag:$0x9] =	stream.linear.gather @!p0 [hbm4b:s2+s18], $0x400, $0x38;
	[tilespmem:$0x1B900] =	vst v63  }
0xae: {  	s2 =	simm.s32 @!p0 $0x9  }
0xaf: {  	_ =	swait.ge @!p0 [sflag:s2], $0x400  }
0xb0: {  	[sflag:s2] =	ssyncset.done @!p0 $0x0  }
0xb1: {  	s29 =	simm.s32 @!p0 $0x1000;
	[sflag:s2] =	ssyncadd.s32 @!p0 $0xFFFFFC00;
	s2 =	simm.s32 @!p0 $0x50  }
0xb2: {  	[tilespmem:s29], [sflag:$0x1] =	stream.indirect.gather @!p0 [hbm4b:s4+s2], $0x20, s18, s2, $0xb8;
	[tilespmem:$0x1B900] =	vst v63  }
0xb3: {  	s18 =	simm.s32 @!p0 $0x1A00  }
0xb4: {  	[tilespmem:s18], [sflag:$0x1] =	stream.indirect.gather @!p0 [hbm4b:s4+s2], $0x20, s2, s2, $0xb8;
	[tilespmem:$0x1B900] =	vst v63  }
0xb5: {  	s26 =	simm.s32 @!p0 $0x2400;
	s29 =	simm.s32 @!p0 $0xA0;
	s18 =	simm.s32 @!p0 $0x28  }
0xb6: {  	[tilespmem:s26], [sflag:$0x1] =	stream.indirect.gather @!p0 [hbm4b:s4+s18], $0x20, s29, s18, $0xb8;
	[tilespmem:$0x1B900] =	vst v63  }
0xb7: {  	s26 =	simm.s32 @!p0 $0x100;
	s29 =	simm.s32 @!p0 $0x2900  }
0xb8: {  	[tilespmem:s29], [sflag:$0x1] =	stream.indirect.gather @!p0 [hbm4b:s4+s2], $0x20, s26, s2, $0xb8;
	[tilespmem:$0x1B900] =	vst v63  }
0xb9: {  	s26 =	simm.s32 @!p0 $0x150;
	s29 =	simm.s32 @!p0 $0x3300  }
0xba: {  	[tilespmem:s29], [sflag:$0x1] =	stream.indirect.gather @!p0 [hbm4b:s4+s2], $0x20, s26, s2, $0xb8;
	[tilespmem:$0x1B900] =	vst v63  }
0xbb: {  	s26 =	simm.s32 @!p0 $0x1A0;
	s29 =	simm.s32 @!p0 $0x3D00  }
0xbc: {  	[tilespmem:s29], [sflag:$0x1] =	stream.indirect.gather @!p0 [hbm4b:s4+s18], $0x20, s26, s18, $0xb8;
	[tilespmem:$0x1B900] =	vst v63  }
0xbd: {  	s26 =	simm.s32 @!p0 $0x200;
	s29 =	simm.s32 @!p0 $0x4200  }
0xbe: {  	[tilespmem:s29], [sflag:$0x1] =	stream.indirect.gather @!p0 [hbm4b:s4+s2], $0x20, s26, s2, $0xb8;
	[tilespmem:$0x1B900] =	vst v63  }
0xbf: {  	s26 =	simm.s32 @!p0 $0x250;
	s29 =	simm.s32 @!p0 $0x4C00  }
0xc0: {  	[tilespmem:s29], [sflag:$0x1] =	stream.indirect.gather @!p0 [hbm4b:s4+s2], $0x20, s26, s2, $0xb8;
	[tilespmem:$0x1B900] =	vst v63  }
0xc1: {  	s26 =	simm.s32 @!p0 $0x2A0;
	s29 =	simm.s32 @!p0 $0x5600  }
0xc2: {  	[tilespmem:s29], [sflag:$0x1] =	stream.indirect.gather @!p0 [hbm4b:s4+s18], $0x20, s26, s18, $0xb8;
	[tilespmem:$0x1B900] =	vst v63  }
0xc3: {  	s26 =	simm.s32 @!p0 $0x300;
	s29 =	simm.s32 @!p0 $0x5B00  }
0xc4: {  	[tilespmem:s29], [sflag:$0x1] =	stream.indirect.gather @!p0 [hbm4b:s4+s2], $0x20, s26, s2, $0xb8;
	[tilespmem:$0x1B900] =	vst v63  }
0xc5: {  	s26 =	simm.s32 @!p0 $0x350;
	s29 =	simm.s32 @!p0 $0x6500  }
0xc6: {  	[tilespmem:s29], [sflag:$0x1] =	stream.indirect.gather @!p0 [hbm4b:s4+s2], $0x20, s26, s2, $0xb8;
	[tilespmem:$0x1B900] =	vst v63  }
0xc7: {  	s2 =	simm.s32 @!p0 $0x3A0;
	s26 =	simm.s32 @!p0 $0x6F00  }
0xc8: {  	[tilespmem:s26], [sflag:$0x1] =	stream.indirect.gather @!p0 [hbm4b:s4+s18], $0x20, s2, s18, $0xb8;
	[tilespmem:$0x1B900] =	vst v63  }
0xc9: {  	_ =	swait.ge [sflag:s31], $0x6400  }
0xca: {  	[sflag:s31] =	ssyncset.done $0x0  }
0xcb: {  	s2 =	simm.s32 $0x0;
	[sflag:s31] =	ssyncadd.s32 $0xFFFF9C00  }
0xcc: {  	v1 =	vld [tilespmem:s2+$0x1A000]  }
0xcd: {  	v0 =	vld [tilespmem:s2+$0x1A010]  }
0xce: {  	v3 =	vld [tilespmem:s2+$0x7400]  }
0xcf: {  	v7 =	vld [tilespmem:s2+$0x7410]  }
0xd0: {  	v6 =	vld [tilespmem:s2+$0x8D00]  }
0xd1: {  	v4 =	vld [tilespmem:s2+$0x8D10]  }
0xd2: {  	v2 =	vld [tilespmem:s2+$0xA600]  }
0xd3: {  	v5 =	vld [tilespmem:s2+$0xA610];
	v8 =	vadd.f32 v3, v1  }
0xd4: {  	s18 =	simm.s32 $0x80;
	v7 =	vadd.f32 v7, v0;
	v3 =	vld [tilespmem:s2+$0xBF00]  }
.LBB2_5:
0xd5: {  	s26 =	sshra.s32 s18, $0x2;
	p1 =	sne.s32 s18, $0x6380;
	[tilespmem:s2+$0x7400] =	vst v8;
	v6 =	vadd.f32 v6, v1;
	v8 =	vld [tilespmem:s2+$0xBF10]  }
0xd6: {  	v9 =	vld [tilespmem:s26+$0x1A000];
	[tilespmem:s2+$0x7410] =	vst v7;
	v4 =	vadd.f32 v4, v0  }
0xd7: {  	v7 =	vld [tilespmem:s26+$0x1A010];
	[tilespmem:s2+$0x8D00] =	vst v6;
	v2 =	vadd.f32 v2, v1  }
0xd8: {  	v10 =	vld [tilespmem:s26+$0x7400];
	[tilespmem:s2+$0x8D10] =	vst v4;
	v4 =	vadd.f32 v5, v0  }
0xd9: {  	v11 =	vld [tilespmem:s26+$0x7410];
	[tilespmem:s2+$0xA600] =	vst v2;
	v2 =	vadd.f32 v3, v1  }
.Ltmp1:
0xda: {  	v6 =	vld [tilespmem:s26+$0x8D00];
	[tilespmem:s2+$0xA610] =	vst v4;
	v3 =	vadd.f32 v8, v0;
	(pc) =	sbr.rel @p1 .LBB2_5-.Ltmp1, $4  }
0xdb: {  	v4 =	vld [tilespmem:s26+$0x8D10];
	[tilespmem:s2+$0xBF00] =	vst v2;
	v1 =	vmov v9  }
0xdc: {  	v2 =	vld [tilespmem:s26+$0xA600];
	[tilespmem:s2+$0xBF10] =	vst v3;
	v0 =	vmov v7;
	s2 =	smov.u32 s26  }
0xdd: {  	v8 =	vadd.f32 v10, v1;
	v5 =	vld [tilespmem:s2+$0xA610]  }
0xde: {  	s18 =	sadd.s32 $0x80, s18;
	v7 =	vadd.f32 v11, v0;
	v3 =	vld [tilespmem:s2+$0xBF00]  }
0xdf: {  	[tilespmem:s2+$0x7400] =	vst v8;
	v6 =	vadd.f32 v6, v1;
	v8 =	vld [tilespmem:s2+$0xBF10]  }
0xe0: {  	[tilespmem:s2+$0x7410] =	vst v7;
	v4 =	vadd.f32 v4, v0  }
0xe1: {  	[tilespmem:s2+$0x8D00] =	vst v6;
	v2 =	vadd.f32 v2, v1  }
0xe2: {  	s18 =	sadd.s32 s25, s3;
	[tilespmem:s2+$0x8D10] =	vst v4;
	v4 =	vadd.f32 v5, v0  }
0xe3: {  	s18 =	smul.u32 $0xC80, s18;
	[tilespmem:s2+$0xA600] =	vst v2;
	v1 =	vadd.f32 v3, v1  }
0xe4: {  	[tilespmem:s2+$0xA610] =	vst v4;
	v0 =	vadd.f32 v8, v0  }
0xe5: {  	s25 =	sadd.s32 s6, s18;
	[tilespmem:s2+$0xBF00] =	vst v1  }
0xe6: {  	s29 =	simm.s32 $0x7400;
	s26 =	sadd.s32 $0x3200, s25;
	[tilespmem:s2+$0xBF10] =	vst v0;
	s2 =	simm.s32 @!p0 $0x6  }
0xe7: {  	[hbm4b:s26+s24] =	stream.strided.scatter [tilespmem:s29], [sflag:$0x6], $0x6400, s30, s24, $0x38;
	[tilespmem:$0x1B900] =	vst v63  }
0xe8: {  	_ =	swait.ge @!p0 [sflag:s2], $0x6400  }
0xe9: {  	s18 =	simm.s32 @!p0 $0x0;
	[sflag:s2] =	ssyncset.done @!p0 $0x0  }
0xea: {  	s26 =	simm.s32 @!p0 $0x400;
	[sflag:s2] =	ssyncadd.s32 @!p0 $0xFFFF9C00;
	s2 =	sadd.s32 @!p0 s28, s12  }
0xeb: {  	[tilespmem:s26], [sflag:$0x9] =	stream.linear.gather @!p0 [hbm4b:s2+s18], $0x400, $0x38;
	[tilespmem:$0x1B900] =	vst v63  }
0xec: {  	s2 =	simm.s32 @!p0 $0x9  }
0xed: {  	_ =	swait.ge @!p0 [sflag:s2], $0x400  }
0xee: {  	[sflag:s2] =	ssyncset.done @!p0 $0x0  }
0xef: {  	s18 =	simm.s32 @!p0 $0x7400;
	[sflag:s2] =	ssyncadd.s32 @!p0 $0xFFFFFC00;
	s2 =	simm.s32 @!p0 $0x50  }
0xf0: {  	[tilespmem:s18], [sflag:$0x2] =	stream.indirect.gather @!p0 [hbm4b:s4+s2], $0x20, s26, s2, $0xb8;
	[tilespmem:$0x1B900] =	vst v63  }
0xf1: {  	s18 =	simm.s32 @!p0 $0x450;
	s26 =	simm.s32 @!p0 $0x7E00  }
0xf2: {  	[tilespmem:s26], [sflag:$0x2] =	stream.indirect.gather @!p0 [hbm4b:s4+s2], $0x20, s18, s2, $0xb8;
	[tilespmem:$0x1B900] =	vst v63  }
0xf3: {  	s29 =	simm.s32 @!p0 $0x8800;
	s18 =	simm.s32 @!p0 $0x28;
	s26 =	simm.s32 @!p0 $0x4A0  }
0xf4: {  	[tilespmem:s29], [sflag:$0x2] =	stream.indirect.gather @!p0 [hbm4b:s4+s18], $0x20, s26, s18, $0xb8;
	[tilespmem:$0x1B900] =	vst v63  }
0xf5: {  	s26 =	simm.s32 @!p0 $0x500;
	s29 =	simm.s32 @!p0 $0x8D00  }
0xf6: {  	[tilespmem:s29], [sflag:$0x2] =	stream.indirect.gather @!p0 [hbm4b:s4+s2], $0x20, s26, s2, $0xb8;
	[tilespmem:$0x1B900] =	vst v63  }
0xf7: {  	s26 =	simm.s32 @!p0 $0x550;
	s29 =	simm.s32 @!p0 $0x9700  }
0xf8: {  	[tilespmem:s29], [sflag:$0x2] =	stream.indirect.gather @!p0 [hbm4b:s4+s2], $0x20, s26, s2, $0xb8;
	[tilespmem:$0x1B900] =	vst v63  }
0xf9: {  	s26 =	simm.s32 @!p0 $0x5A0;
	s29 =	simm.s32 @!p0 $0xA100  }
0xfa: {  	[tilespmem:s29], [sflag:$0x2] =	stream.indirect.gather @!p0 [hbm4b:s4+s18], $0x20, s26, s18, $0xb8;
	[tilespmem:$0x1B900] =	vst v63  }
0xfb: {  	s26 =	simm.s32 @!p0 $0x600;
	s29 =	simm.s32 @!p0 $0xA600  }
0xfc: {  	[tilespmem:s29], [sflag:$0x2] =	stream.indirect.gather @!p0 [hbm4b:s4+s2], $0x20, s26, s2, $0xb8;
	[tilespmem:$0x1B900] =	vst v63  }
0xfd: {  	s26 =	simm.s32 @!p0 $0x650;
	s29 =	simm.s32 @!p0 $0xB000  }
0xfe: {  	[tilespmem:s29], [sflag:$0x2] =	stream.indirect.gather @!p0 [hbm4b:s4+s2], $0x20, s26, s2, $0xb8;
	[tilespmem:$0x1B900] =	vst v63  }
0xff: {  	s26 =	simm.s32 @!p0 $0x6A0;
	s29 =	simm.s32 @!p0 $0xBA00  }
0x100: {  	[tilespmem:s29], [sflag:$0x2] =	stream.indirect.gather @!p0 [hbm4b:s4+s18], $0x20, s26, s18, $0xb8;
	[tilespmem:$0x1B900] =	vst v63  }
0x101: {  	s26 =	simm.s32 @!p0 $0x700;
	s29 =	simm.s32 @!p0 $0xBF00  }
0x102: {  	[tilespmem:s29], [sflag:$0x2] =	stream.indirect.gather @!p0 [hbm4b:s4+s2], $0x20, s26, s2, $0xb8;
	[tilespmem:$0x1B900] =	vst v63  }
0x103: {  	s26 =	simm.s32 @!p0 $0x750;
	s29 =	simm.s32 @!p0 $0xC900  }
0x104: {  	[tilespmem:s29], [sflag:$0x2] =	stream.indirect.gather @!p0 [hbm4b:s4+s2], $0x20, s26, s2, $0xb8;
	[tilespmem:$0x1B900] =	vst v63  }
0x105: {  	s2 =	simm.s32 @!p0 $0x7A0;
	s26 =	simm.s32 @!p0 $0xD300  }
0x106: {  	[tilespmem:s26], [sflag:$0x2] =	stream.indirect.gather @!p0 [hbm4b:s4+s18], $0x20, s2, s18, $0xb8;
	[tilespmem:$0x1B900] =	vst v63  }
0x107: {  	_ =	swait.ge [sflag:s5], $0x6400  }
0x108: {  	[sflag:s5] =	ssyncset.done $0x0  }
0x109: {  	s2 =	simm.s32 $0x0;
	[sflag:s5] =	ssyncadd.s32 $0xFFFF9C00  }
0x10a: {  	v1 =	vld [tilespmem:s2+$0x1A000]  }
0x10b: {  	v0 =	vld [tilespmem:s2+$0x1A010]  }
0x10c: {  	v5 =	vld [tilespmem:s2+$0xD800]  }
0x10d: {  	v7 =	vld [tilespmem:s2+$0xD810]  }
0x10e: {  	v6 =	vld [tilespmem:s2+$0xF100]  }
0x10f: {  	v3 =	vld [tilespmem:s2+$0xF110]  }
0x110: {  	v2 =	vld [tilespmem:s2+$0x10A00]  }
0x111: {  	v4 =	vld [tilespmem:s2+$0x10A10];
	v8 =	vadd.f32 v5, v1  }
0x112: {  	s18 =	simm.s32 $0x80;
	v7 =	vadd.f32 v7, v0;
	v5 =	vld [tilespmem:s2+$0x12300]  }
.LBB2_7:
0x113: {  	s26 =	sshra.s32 s18, $0x2;
	p1 =	sne.s32 s18, $0x6380;
	[tilespmem:s2+$0xD800] =	vst v8;
	v6 =	vadd.f32 v6, v1;
	v8 =	vld [tilespmem:s2+$0x12310]  }
0x114: {  	v9 =	vld [tilespmem:s26+$0x1A000];
	[tilespmem:s2+$0xD810] =	vst v7;
	v3 =	vadd.f32 v3, v0  }
0x115: {  	v7 =	vld [tilespmem:s26+$0x1A010];
	[tilespmem:s2+$0xF100] =	vst v6;
	v2 =	vadd.f32 v2, v1  }
0x116: {  	v10 =	vld [tilespmem:s26+$0xD800];
	[tilespmem:s2+$0xF110] =	vst v3;
	v3 =	vadd.f32 v4, v0  }
0x117: {  	v11 =	vld [tilespmem:s26+$0xD810];
	[tilespmem:s2+$0x10A00] =	vst v2;
	v2 =	vadd.f32 v5, v1  }
.Ltmp2:
0x118: {  	v6 =	vld [tilespmem:s26+$0xF100];
	[tilespmem:s2+$0x10A10] =	vst v3;
	v4 =	vadd.f32 v8, v0;
	(pc) =	sbr.rel @p1 .LBB2_7-.Ltmp2, $4  }
0x119: {  	v3 =	vld [tilespmem:s26+$0xF110];
	[tilespmem:s2+$0x12300] =	vst v2;
	v1 =	vmov v9  }
0x11a: {  	v2 =	vld [tilespmem:s26+$0x10A00];
	[tilespmem:s2+$0x12310] =	vst v4;
	v0 =	vmov v7;
	s2 =	smov.u32 s26  }
0x11b: {  	v8 =	vadd.f32 v10, v1;
	v4 =	vld [tilespmem:s2+$0x10A10]  }
0x11c: {  	s18 =	sadd.s32 $0x80, s18;
	v7 =	vadd.f32 v11, v0;
	v5 =	vld [tilespmem:s2+$0x12300]  }
0x11d: {  	[tilespmem:s2+$0xD800] =	vst v8;
	v6 =	vadd.f32 v6, v1;
	v8 =	vld [tilespmem:s2+$0x12310]  }
0x11e: {  	[tilespmem:s2+$0xD810] =	vst v7;
	v3 =	vadd.f32 v3, v0  }
0x11f: {  	[tilespmem:s2+$0xF100] =	vst v6;
	v2 =	vadd.f32 v2, v1  }
0x120: {  	[tilespmem:s2+$0xF110] =	vst v3;
	v3 =	vadd.f32 v4, v0  }
0x121: {  	[tilespmem:s2+$0x10A00] =	vst v2;
	v1 =	vadd.f32 v5, v1  }
0x122: {  	[tilespmem:s2+$0x10A10] =	vst v3;
	v0 =	vadd.f32 v8, v0  }
0x123: {  	[tilespmem:s2+$0x12300] =	vst v1  }
0x124: {  	s29 =	sadd.s32 $0x6400, s25;
	s18 =	simm.s32 $0xD800;
	[tilespmem:s2+$0x12310] =	vst v0;
	s2 =	simm.s32 @!p0 $0x7  }
0x125: {  	[hbm4b:s29+s24] =	stream.strided.scatter [tilespmem:s18], [sflag:$0x7], $0x6400, s30, s24, $0x38;
	[tilespmem:$0x1B900] =	vst v63  }
0x126: {  	_ =	swait.ge @!p0 [sflag:s2], $0x6400  }
0x127: {  	s25 =	simm.s32 @!p0 $0x800;
	[sflag:s2] =	ssyncset.done @!p0 $0x0  }
0x128: {  	s18 =	simm.s32 @!p0 $0x0;
	[sflag:s2] =	ssyncadd.s32 @!p0 $0xFFFF9C00;
	s2 =	sadd.s32 @!p0 s28, s13  }
0x129: {  	[tilespmem:s25], [sflag:$0x9] =	stream.linear.gather @!p0 [hbm4b:s2+s18], $0x400, $0x38;
	[tilespmem:$0x1B900] =	vst v63  }
0x12a: {  	s2 =	simm.s32 @!p0 $0x9  }
0x12b: {  	_ =	swait.ge @!p0 [sflag:s2], $0x400  }
0x12c: {  	[sflag:s2] =	ssyncset.done @!p0 $0x0  }
0x12d: {  	s18 =	simm.s32 @!p0 $0xD800;
	[sflag:s2] =	ssyncadd.s32 @!p0 $0xFFFFFC00;
	s2 =	simm.s32 @!p0 $0x50  }
0x12e: {  	[tilespmem:s18], [sflag:$0x3] =	stream.indirect.gather @!p0 [hbm4b:s4+s2], $0x20, s25, s2, $0xb8;
	[tilespmem:$0x1B900] =	vst v63  }
0x12f: {  	s18 =	simm.s32 @!p0 $0x850;
	s25 =	simm.s32 @!p0 $0xE200  }
0x130: {  	[tilespmem:s25], [sflag:$0x3] =	stream.indirect.gather @!p0 [hbm4b:s4+s2], $0x20, s18, s2, $0xb8;
	[tilespmem:$0x1B900] =	vst v63  }
0x131: {  	s26 =	simm.s32 @!p0 $0xEC00;
	s18 =	simm.s32 @!p0 $0x28;
	s25 =	simm.s32 @!p0 $0x8A0  }
0x132: {  	[tilespmem:s26], [sflag:$0x3] =	stream.indirect.gather @!p0 [hbm4b:s4+s18], $0x20, s25, s18, $0xb8;
	[tilespmem:$0x1B900] =	vst v63  }
0x133: {  	s25 =	simm.s32 @!p0 $0x900;
	s26 =	simm.s32 @!p0 $0xF100  }
0x134: {  	[tilespmem:s26], [sflag:$0x3] =	stream.indirect.gather @!p0 [hbm4b:s4+s2], $0x20, s25, s2, $0xb8;
	[tilespmem:$0x1B900] =	vst v63  }
0x135: {  	s25 =	simm.s32 @!p0 $0x950;
	s26 =	simm.s32 @!p0 $0xFB00  }
0x136: {  	[tilespmem:s26], [sflag:$0x3] =	stream.indirect.gather @!p0 [hbm4b:s4+s2], $0x20, s25, s2, $0xb8;
	[tilespmem:$0x1B900] =	vst v63  }
0x137: {  	s25 =	simm.s32 @!p0 $0x9A0;
	s26 =	simm.s32 @!p0 $0x10500  }
0x138: {  	[tilespmem:s26], [sflag:$0x3] =	stream.indirect.gather @!p0 [hbm4b:s4+s18], $0x20, s25, s18, $0xb8;
	[tilespmem:$0x1B900] =	vst v63  }
0x139: {  	s25 =	simm.s32 @!p0 $0xA00;
	s26 =	simm.s32 @!p0 $0x10A00  }
0x13a: {  	[tilespmem:s26], [sflag:$0x3] =	stream.indirect.gather @!p0 [hbm4b:s4+s2], $0x20, s25, s2, $0xb8;
	[tilespmem:$0x1B900] =	vst v63  }
0x13b: {  	s25 =	simm.s32 @!p0 $0xA50;
	s26 =	simm.s32 @!p0 $0x11400  }
0x13c: {  	[tilespmem:s26], [sflag:$0x3] =	stream.indirect.gather @!p0 [hbm4b:s4+s2], $0x20, s25, s2, $0xb8;
	[tilespmem:$0x1B900] =	vst v63  }
0x13d: {  	s25 =	simm.s32 @!p0 $0xAA0;
	s26 =	simm.s32 @!p0 $0x11E00  }
0x13e: {  	[tilespmem:s26], [sflag:$0x3] =	stream.indirect.gather @!p0 [hbm4b:s4+s18], $0x20, s25, s18, $0xb8;
	[tilespmem:$0x1B900] =	vst v63  }
0x13f: {  	s25 =	simm.s32 @!p0 $0xB00;
	s26 =	simm.s32 @!p0 $0x12300  }
0x140: {  	[tilespmem:s26], [sflag:$0x3] =	stream.indirect.gather @!p0 [hbm4b:s4+s2], $0x20, s25, s2, $0xb8;
	[tilespmem:$0x1B900] =	vst v63  }
0x141: {  	s25 =	simm.s32 @!p0 $0xB50;
	s26 =	simm.s32 @!p0 $0x12D00  }
0x142: {  	[tilespmem:s26], [sflag:$0x3] =	stream.indirect.gather @!p0 [hbm4b:s4+s2], $0x20, s25, s2, $0xb8;
	[tilespmem:$0x1B900] =	vst v63  }
0x143: {  	s2 =	simm.s32 @!p0 $0xBA0;
	s25 =	simm.s32 @!p0 $0x13700  }
0x144: {  	[tilespmem:s25], [sflag:$0x3] =	stream.indirect.gather @!p0 [hbm4b:s4+s18], $0x20, s2, s18, $0xb8;
	[tilespmem:$0x1B900] =	vst v63  }
0x145: {  	_ =	swait.ge [sflag:s8], $0x6400  }
0x146: {  	[sflag:s8] =	ssyncset.done $0x0  }
0x147: {  	s2 =	simm.s32 $0x0;
	[sflag:s8] =	ssyncadd.s32 $0xFFFF9C00  }
0x148: {  	v1 =	vld [tilespmem:s2+$0x1A000]  }
0x149: {  	v0 =	vld [tilespmem:s2+$0x1A010]  }
0x14a: {  	v3 =	vld [tilespmem:s2+$0x13C00]  }
0x14b: {  	v7 =	vld [tilespmem:s2+$0x13C10]  }
0x14c: {  	v6 =	vld [tilespmem:s2+$0x15500]  }
0x14d: {  	v4 =	vld [tilespmem:s2+$0x15510]  }
0x14e: {  	v2 =	vld [tilespmem:s2+$0x16E00]  }
0x14f: {  	v5 =	vld [tilespmem:s2+$0x16E10];
	v8 =	vadd.f32 v3, v1  }
0x150: {  	s18 =	simm.s32 $0x80;
	v7 =	vadd.f32 v7, v0;
	v3 =	vld [tilespmem:s2+$0x18700]  }
.LBB2_9:
0x151: {  	s25 =	sshra.s32 s18, $0x2;
	p0 =	sne.s32 s18, $0x6380;
	[tilespmem:s2+$0x13C00] =	vst v8;
	v6 =	vadd.f32 v6, v1;
	v8 =	vld [tilespmem:s2+$0x18710]  }
0x152: {  	v9 =	vld [tilespmem:s25+$0x1A000];
	[tilespmem:s2+$0x13C10] =	vst v7;
	v4 =	vadd.f32 v4, v0  }
0x153: {  	v7 =	vld [tilespmem:s25+$0x1A010];
	[tilespmem:s2+$0x15500] =	vst v6;
	v2 =	vadd.f32 v2, v1  }
0x154: {  	v10 =	vld [tilespmem:s25+$0x13C00];
	[tilespmem:s2+$0x15510] =	vst v4;
	v4 =	vadd.f32 v5, v0  }
0x155: {  	v11 =	vld [tilespmem:s25+$0x13C10];
	[tilespmem:s2+$0x16E00] =	vst v2;
	v2 =	vadd.f32 v3, v1  }
.Ltmp3:
0x156: {  	v6 =	vld [tilespmem:s25+$0x15500];
	[tilespmem:s2+$0x16E10] =	vst v4;
	v3 =	vadd.f32 v8, v0;
	(pc) =	sbr.rel @p0 .LBB2_9-.Ltmp3, $4  }
0x157: {  	v4 =	vld [tilespmem:s25+$0x15510];
	[tilespmem:s2+$0x18700] =	vst v2;
	v1 =	vmov v9  }
0x158: {  	v2 =	vld [tilespmem:s25+$0x16E00];
	[tilespmem:s2+$0x18710] =	vst v3;
	v0 =	vmov v7;
	s2 =	smov.u32 s25  }
0x159: {  	v8 =	vadd.f32 v10, v1;
	v5 =	vld [tilespmem:s2+$0x16E10]  }
0x15a: {  	s18 =	sadd.s32 $0x80, s18;
	v7 =	vadd.f32 v11, v0;
	v3 =	vld [tilespmem:s2+$0x18700]  }
0x15b: {  	[tilespmem:s2+$0x13C00] =	vst v8;
	v6 =	vadd.f32 v6, v1;
	v60 =	vld [tilespmem:s2+$0x18710]  }
0x15c: {  	[tilespmem:s2+$0x13C10] =	vst v7;
	v4 =	vadd.f32 v4, v0  }
0x15d: {  	s9 =	sadd.s32 $0x1, s9;
	[tilespmem:s2+$0x15500] =	vst v6;
	v2 =	vadd.f32 v2, v1  }
0x15e: {  	s14 =	sshll.u32 s14, $0x2;
	p0 =	sne.s32 s9, $0x8;
	[tilespmem:s2+$0x15510] =	vst v4;
	v61 =	vadd.f32 v5, v0  }
.Ltmp4:
0x15f: {  	s14 =	sadd.s32 s3, s14;
	[tilespmem:s2+$0x16E00] =	vst v2;
	v62 =	vadd.f32 v3, v1;
	(pc) =	sbr.rel @p0 .LBB2_2-.Ltmp4, $4  }
0x160: {  	s14 =	smul.u32 $0xC80, s14;
	[tilespmem:s2+$0x16E10] =	vst v61;
	v63 =	vadd.f32 v60, v0  }
0x161: {  	[tilespmem:s2+$0x18700] =	vst v62  }
0x162: {  	s29 =	sadd.s32 s6, s14;
	[tilespmem:s2+$0x18710] =	vst v63  }
0x163: {  	[hbm4b:s29+s24] =	stream.strided.scatter [tilespmem:s1], [sflag:$0x8], $0x6400, s30, s24, $0x38;
	[tilespmem:$0x1B900] =	vst v63  }
0x164: {  	s2 =	simm.s32 $0x5  }
0x165: {  	_ =	swait.ge [sflag:s2], $0x6400  }
0x166: {  	[sflag:s2] =	ssyncset.done $0x0  }
0x167: {  	s26 =	simm.s32 $0x6;
	[sflag:s2] =	ssyncadd.s32 $0xFFFF9C00  }
0x168: {  	_ =	swait.ge [sflag:s26], $0x6400  }
0x169: {  	[sflag:s26] =	ssyncset.done $0x0  }
0x16a: {  	s28 =	simm.s32 $0x7;
	[sflag:s26] =	ssyncadd.s32 $0xFFFF9C00  }
0x16b: {  	_ =	swait.ge [sflag:s28], $0x6400  }
0x16c: {  	[sflag:s28] =	ssyncset.done $0x0  }
0x16d: {  	s9 =	simm.s32 $0x8;
	[sflag:s28] =	ssyncadd.s32 $0xFFFF9C00  }
0x16e: {  	_ =	swait.ge [sflag:s9], $0x6400  }
0x16f: {  	s14 =	rddreg [dreg:$0x6]  }
0x170: {  	s29 =	rddreg [dreg:$0x5];
	s14 =	sadd.s32 $0x1, s14  }
0x171: {  	p0 =	sne.s32 s14, s29  }
.Ltmp5:
0x172: {  	_ = 	snop;
	(pc) =	sbr.rel @p0 .LBB2_1-.Ltmp5, $3  }
0x173: {  	_ =	sdelay $0x1  }
0x174: {  	[sflag:s9] =	ssyncset.done $0x0  }
0x175: {  	[sflag:s9] =	ssyncadd.s32 $0xFFFF9C00  }
0x176: {  	_ =	sfence.sel $0x180000  }
0x177: {  	[bflag:$0x0] =	sbarrier.arrive $0xFFFF  }
0x178: {  	_ =	strace $0x90000047  }
0x179: {  	s0 =	stileid.u32;
	[bflag:$0x2] =	sbarrier.arrive $0xFFFF  }
0x17a: {  	p0 =	sne.s32 s0, $0x0;
	s0 =	rddreg [dreg:$0x1]  }
0x17b: {  	s0 =	sadd.s32 @!p0 $0x100000, s0  }
0x17c: {  	[sflag:s0] =	ssyncadd.tile.s32 @!p0 $0x1;
	_ =	shalt  }
.Lfunc_end2:
_tile_overlayer_lowered:
.L_overlay_start_2:
0x17d: {  	(tag) =	ssettag $0x2  }
0x17e: {  	s0 =	rddreg [dreg:$0x0];
	s2 =	stileid.u32  }
0x17f: {  	s1 =	rddreg [dreg:$0x1];
	p0 =	sne.s32 s2, $0x0  }
0x180: {  	s3 =	rddreg [dreg:$0x2];
	[bflag:$0x3] =	sbarrier.arrive $0xFFFF;
	s2 =	simm.s32 @!p0 $0x1C09  }
0x181: {  	[timem:s3], [sflag:s2] =	dma.local @!p0 [hbm:s0], s1  }
0x182: {  	s0 =	simm.s32 @!p0 $0x9  }
0x183: {  	_ =	swait.ge @!p0 [sflag:s0], s1  }
0x184: {  	s1 =	ssub.s32 @!p0 $0x0, s1;
	[sflag:s0] =	ssyncset.done @!p0 $0x0  }
0x185: {  	[sflag:s0] =	ssyncadd.s32 @!p0 s1  }
0x186: {  	[bflag:$0x3] =	sbarrier.arrive $0xFFFF  }
0x187: {  	_ =	shalt  }

// kernel: sparse-core-data-format-call.cloned.1.call-start
scs
called_computation_lowered:
.L_overlay_start_0:
0x0: {  	s2 =	sld [smem:$0x3FD9]  }
0x1: {  	s3 =	sld [smem:$0x3FFE];
	_ =	sdelay $0x1  }
0x2: {  	s1 =	srdreg.scid  }
0x3: {  	s0 =	sand.u32 $0x1, s1  }
0x4: {  	s18 =	sshll.u32 s0, $0xA;
	s2 =	sadd.s32 s3, s2  }
0x5: {  	s2 =	sadd.s32 s2, s18  }
0x6: {  	[smem:$0x3FC5] =	sst s2  }
0x7: {  	_ = 	snop  }
0x8: {  	s2 =	sld [smem:$0x3FD0];
	(tm) =	ssettm $0x1  }
0x9: {  	s19 =	sld [smem:$0x3FFB];
	_ =	sdelay $0x3  }
0xa: {  	_ =	strace s19  }
0xb: {  	s3 =	sld [smem:$0x3FFC];
	_ =	sdelay $0x3  }
0xc: {  	_ =	strace s3  }
0xd: {  	s3 =	sld [smem:$0x3FFD];
	_ =	sdelay $0x3  }
0xe: {  	_ =	strace s3  }
0xf: {  	_ =	strace $0x8FFFFFFF  }
0x10: {  	s20 =	sld [smem:$0x3FDB];
	_ =	sdelay $0x1  }
0x11: {  	s4 =	simm.s32 $_scs_section_size  }
0x12: {  	s5 =	simm.s32 $_size__tile_overlayer_lowered;
	s6 =	simm.s32 $_tile_overlayer_lowered  }
0x13: {  	s23 =	simm.s32 $0x1BFF;
	s22 =	sshll.u32 s6, $0x1;
	s3 =	sadd.s32 s4, s20  }
0x14: {  	s7 =	simm.s32 $0x0;
	s21 =	sshll.u32 s5, $0x1;
	s5 =	sadd.s32 s22, s3  }
0x15: {  	[timem:s7], [sflag:s23] =	dma.local [hbm:s5], s21  }
0x16: {  	_ =	swait.ge [sflag:s23], s21  }
0x17: {  	s4 =	ssub.s32 $0x0, s21;
	[sflag:s23] =	ssyncset.done $0x0  }
0x18: {  	[sflag:s23] =	ssyncadd.s32 s4;
	_ =	sdelay $0x1  }
0x19: {  	s24 =	simm.s32 $0x1B8B  }
0x1a: {  	_ =	swait.ge [sflag:s24], $0x1  }
0x1b: {  	[sflag:s24] =	ssyncset.done $0x0  }
0x1c: {  	s26 =	simm.s32 $0x1B8E;
	s25 =	sld [smem:$0x3FFE];
	[sflag:s24] =	ssyncadd.s32 $0xFFFFFFFF  }
0x1d: {  	s27 =	simm.s32 $execute0_lowered;
	[smem:$0x3FD2] =	sst s26  }
0x1e: {  	s5 =	sshll.u32 s27, $0x1;
	_ =	strace $0x80000049;
	[dreg:$0x1] =	wrdreg $0xFFFFFFFF  }
0x1f: {  	s28 =	simm.s32 $_size_execute0_lowered;
	s3 =	sadd.s32 s3, s5;
	[dreg:$0x0] =	wrdreg $0x0  }
0x20: {  	s5 =	sshll.u32 s28, $0x1;
	[dreg:$0x2] =	wrdreg s3  }
0x21: {  	[dreg:$0x3] =	wrdreg s5  }
0x22: {  	[dreg:$0x4] =	wrdreg $0xC0  }
0x23: {  	_ =	task [dreg:s7], $0x5FFFF  }
0x24: {  	[dreg:$0x1] =	wrdreg $0xFFFFFFFF  }
0x25: {  	[dreg:$0x0] =	wrdreg $0x60  }
0x26: {  	[dreg:$0x2] =	wrdreg s25  }
0x27: {  	[dreg:$0x3] =	wrdreg s2  }
0x28: {  	[dreg:$0x4] =	wrdreg $0x9  }
0x29: {  	_ =	task.clear_ibuf [dreg:s7], $0x5FFFF;
	_ =	strace $0x90000049  }
0x2a: {  	s29 =	simm.s32 $0x9;
	_ =	strace $0x8000004B  }
0x2b: {  	_ =	swait.ge [sflag:s29], $0x1  }
0x2c: {  	[sflag:s29] =	ssyncadd.s32 $0xFFFFFFFF  }
0x2d: {  	_ =	strace $0x9000004B  }
0x2e: {  	_ =	sfence  }
0x2f: {  	s30 =	sld [smem:$0x0];
	_ =	sdelay $0x2  }
0x30: {  	s31 =	sshll.u32 s1, $0xD;
	s1 =	sshrl.u32 s1, $0x2  }
0x31: {  	s3 =	sand.u32 $0x4000, s31;
	s1 =	sadd.s32 s1, s30  }
0x32: {  	s0 =	sor.u32 s3, s0;
	s1 =	sshll.u32 s1, $0x11  }
0x33: {  	s0 =	sor.u32 s1, s0  }
0x34: {  	s0 =	sadd.s32 $0x8F2B, s0  }
0x35: {  	[sflag:s0] =	ssyncadd.remote.s32 $0x1  }
0x36: {  	_ =	sfence.sel $0xFFFF  }
0x37: {  	[dreg:$0x0] =	wrdreg $0xFFFFFFFF;
	(pc) =	sbr.abs _section_cstart, $3  }
0x38: {  	[dreg:$0x1] =	wrdreg $0xFFFFFFFF  }
0x39: {  	_ =	task.clear_ibuf [dreg:s7], $0x2FFFF;
	_ =	strace $0x9FFFFFFF  }
0x3a: {  	(tm) =	ssettm $0x7FFFFFFF  }
0x3b: {  	_ =	shalt  }
tec
execute0_lowered:
.L_overlay_start_1:
0x0: {  	(tag) =	ssettag $0x1  }
0x1: {  	s0 =	srdreg.scid  }
0x2: {  	s1 =	sshll.u32 s0, $0x4  }
0x3: {  	s0 =	stileid.u32;
	s1 =	sand.u32 $0x10, s1  }
0x4: {  	s1 =	sor.u32 s0, s1  }
0x5: {  	s6 =	rddreg [dreg:$0x0];
	s4 =	simm.s32 $0x1;
	s2 =	sshll.u32 s1, $0x7  }
0x6: {  	s7 =	simm.s32 $0x2;
	s12 =	simm.s32 $0x0;
	s1 =	ssub.s32 $0x1000, s2  }
0x7: {  	s8 =	simm.s32 $0x8000;
	s13 =	simm.s32 $0x0;
	s3 =	sand.u32 $0xF80, s1  }
0x8: {  	s9 =	simm.s32 $0x0;
	s5 =	sshrl.u32 s1, $0xC;
	p0 =	sne.s32 s3, $0x0  }
.Ltmp0:
0x9: {  	s1 =	rddreg [dreg:$0x2];
	s4 =	simm.s32 @!p0 $0x0;
	(pc) =	sbr.rel .LBB1_1-.Ltmp0, $4  }
0xa: {  	s11 =	simm.s32 $0x0;
	s3 =	rddreg [dreg:$0x1];
	s5 =	sadd.s32 s4, s5  }
0xb: {  	_ =	strace $0x8000004A;
	s4 =	simm.s32 $0x1;
	s5 =	smul.u32 $0xC8, s5  }
0xc: {  	s6 =	sadd.s32 $0x83800, s6;
	s10 =	smov.u32 s2;
	[sflag:s4] =	ssyncpa.u1 $0x0  }
0xd: {  	p0 =	por $0x0, $0x0;
	[sflag:s7] =	ssyncpa.u1 $0x0;
	s7 =	sor.u32 $0x1, s5  }
.LBB1_4:
0xe: {  	s16 =	sshll.u32 s13, $0x3;
	s17 =	sand.u32 $0x78, s13  }
0xf: {  	s30 =	sand.u32 $0x3E00, s13;
	s12 =	sshll.u32 s12, $0xE;
	s16 =	sand.u32 $0xC00, s16  }
0x10: {  	s31 =	sand.u32 $0x7, s13;
	s16 =	sor.u32 s17, s16;
	s17 =	sadd.s32 s3, s30  }
0x11: {  	s13 =	sshll.u32 s31, $0x12;
	s16 =	sshrl.u32 s16, $0x3;
	s12 =	sadd.s32 s12, s17  }
0x12: {  	[tilespmem:s15+$0x0 ss:$0x81] =	vst.msk $0xffff, v0;
	s13 =	sor.u32 $0x400, s13;
	s12 =	sadd.s32 s16, s12  }
0x13: {  	[hbm4b:s12+s13] =	stream.strided.scatter [tilespmem:s14], [sflag:$0x2], $0x1000, s8, s13, $0x20;
	[tilespmem:$0x4040] =	vst v63  }
.LBB1_5:
0x14: {  	s14 =	sadd.s32 $0x1, s9  }
0x15: {  	s12 =	sadd.s32 $0x1000, s10;
	s16 =	smov.u32 s10;
	p2 =	sgt.s32 s14, $0xC7  }
0x16: {  	s16 =	smov.u32 @p2 s12  }
0x17: {  	s14 =	simm.s32 @p2 $0x0;
	p2 =	sgt.s32 s16, $0xFFF  }
0x18: {  	s16 =	smov.u32 @p2 s2;
	p2 =	sne.s32 s11, s7  }
.Ltmp1:
0x19: {  	p1 =	slt.u32 s11, $0x2;
	(pc) =	sbr.rel @!p2 .LBB1_6-.Ltmp1, $4  }
0x1a: {  	s15 =	simm.s32 @!p1 $0x2  }
0x1b: {  	s13 =	smov.u32 s10;
	p0 =	por !p0, !p0;
	_ =	swait.ge @!p1 [sflag:s15], $0x1000  }
0x1c: {  	s12 =	smov.u32 s9;
	[sflag:s15] =	ssyncset.done @!p1 $0x0;
	s9 =	smov.u32 s14  }
0x1d: {  	s11 =	sadd.s32 $0x1, s11;
	[sflag:s15] =	ssyncadd.s32 @!p1 $0xFFFFF000;
	s10 =	smov.u32 s16  }
.LBB1_1:
0x1e: {  	p1 =	sge.u32 s11, s5  }
0x1f: {  	s14 =	sand.u32 @!p1 $0x1FFFFFF, s9  }
0x20: {  	s15 =	smulhi.u32 @!p1 $0x147AE15, s14;
	_ =	sdelay $0x1  }
0x21: {  	s15 =	smul.u32 @!p1 $0xC8, s15  }
0x22: {  	s16 =	sxor.u32 @!p1 $0xFFFFFFFF, s11;
	s17 =	smul.u32 @!p1 $0xC80, s10  }
0x23: {  	s31 =	sadd.s32 $0xFFFFFFFF, s11;
	s16 =	sshll.u32 @!p1 s16, $0xC;
	s14 =	ssub.s32 @!p1 s14, s15  }
0x24: {  	s15 =	sand.u32 @!p1 $0x1000, s16;
	s16 =	sadd.s32 @!p1 s6, s17;
	s14 =	sshll.u32 @!p1 s14, $0x4  }
0x25: {  	s17 =	simm.s32 @!p1 $0x6400;
	s14 =	sadd.s32 @!p1 s14, s16;
	s16 =	simm.s32 @!p1 $0x20  }
0x26: {  	[tilespmem:s15], [sflag:$0x1] =	stream.strided.gather @!p1 [hbm4b:s14+s16], $0x1000, s17, s16, $0x38;
	[tilespmem:$0x4040] =	vst v63  }
0x27: {  	p1 =	sge.u32 s31, s5  }
.Ltmp2:
0x28: {  	_ = 	snop;
	(pc) =	sbr.rel @p1 .LBB1_5-.Ltmp2, $1  }
0x29: {  	_ =	sdelay $0x3  }
0x2a: {  	s14 =	simm.s32 $0x1  }
0x2b: {  	_ =	swait.ge [sflag:s4], $0x1000;
	s14 =	simm.s32 @!p0 $0x0  }
0x2c: {  	[sflag:s4] =	ssyncset.done $0x0;
	s15 =	sshll.u32 s14, $0xC  }
0x2d: {  	[sflag:s4] =	ssyncadd.s32 $0xFFFFF000;
	s18 =	sor.u32 $0x10, s15  }
0x2e: {  	s14 =	smul.u32 $0x4080, s14;
	v1 =	vld [tilespmem:s18+$0x0]  }
0x2f: {  	s30 =	sand.u32 $0x1, s11;
	v0 =	vld [tilespmem:s18+$0xFFFFFFF0]  }
0x30: {  	s15 =	smul.u32 $0x4080, s30;
	s14 =	sshrl.u32 s14, $0x2  }
0x31: {  	s16 =	sor.u32 $0x2000, s14  }
0x32: {  	s31 =	sshrl.u32 s15, $0x2;
	s15 =	sadd.s32 $0x0, s16  }
0x33: {  	s17 =	simm.s32 $0x4;
	s18 =	sadd.s32 $0x20, s18;
	s14 =	sor.u32 $0x2000, s31;
	[tilespmem:s15+$0x810 ss:$0x81] =	vst.msk $0xffff, v1  }
.LBB1_3:
0x34: {  	v1 =	vld [tilespmem:s18+$0x0];
	p1 =	sne.s32 s17, $0x1FC;
	[tilespmem:s15+$0x0 ss:$0x81] =	vst.msk $0xffff, v0;
	s15 =	smov.u32 s17;
	s17 =	sadd.s32 $0x4, s17  }
.Ltmp3:
0x35: {  	v0 =	vld [tilespmem:s18+$0xFFFFFFF0];
	(pc) =	sbr.rel @p1 .LBB1_3-.Ltmp3, $4  }
0x36: {  	_ = 	snop  }
0x37: {  	s15 =	sshra.s32 s15, $0x2  }
0x38: {  	s15 =	sadd.s32 s15, s16  }
0x39: {  	s18 =	sadd.s32 $0x20, s18;
	[tilespmem:s15+$0x810 ss:$0x81] =	vst.msk $0xffff, v1  }
.Ltmp4:
0x3a: {  	_ = 	snop;
	(pc) =	sbr.rel .LBB1_4-.Ltmp4, $1  }
0x3b: {  	_ =	sdelay $0x3  }
.LBB1_6:
0x3c: {  	_ =	sfence.sel $0x180000  }
0x3d: {  	s2 =	simm.s32 $0x1;
	[bflag:$0x0] =	sbarrier.arrive $0xFFFF  }
0x3e: {  	s31 =	simm.s32 $0x2;
	[sflag:s2] =	ssyncpa.u1 $0x1  }
0x3f: {  	[sflag:s31] =	ssyncpa.u1 $0x1  }
0x40: {  	p0 =	sne.s32 s0, $0x0;
	_ =	strace $0x9000004A  }
0x41: {  	s0 =	sadd.s32 @!p0 $0x100000, s1;
	[bflag:$0x2] =	sbarrier.arrive $0xFFFF  }
0x42: {  	[sflag:s0] =	ssyncadd.tile.s32 @!p0 $0x1;
	_ =	shalt  }
.Lfunc_end1:
_tile_overlayer_lowered:
.L_overlay_start_2:
0x43: {  	(tag) =	ssettag $0x2  }
0x44: {  	s0 =	rddreg [dreg:$0x0];
	s2 =	stileid.u32  }
0x45: {  	s1 =	rddreg [dreg:$0x1];
	p0 =	sne.s32 s2, $0x0  }
0x46: {  	s3 =	rddreg [dreg:$0x2];
	[bflag:$0x3] =	sbarrier.arrive $0xFFFF;
	s2 =	simm.s32 @!p0 $0x1C01  }
0x47: {  	[timem:s3], [sflag:s2] =	dma.local @!p0 [hbm:s0], s1  }
0x48: {  	s0 =	simm.s32 @!p0 $0x1  }
0x49: {  	_ =	swait.ge @!p0 [sflag:s0], s1  }
0x4a: {  	s1 =	ssub.s32 @!p0 $0x0, s1;
	[sflag:s0] =	ssyncset.done @!p0 $0x0  }
0x4b: {  	[sflag:s0] =	ssyncadd.s32 @!p0 s1  }
0x4c: {  	[bflag:$0x3] =	sbarrier.arrive $0xFFFF  }
0x4d: {  	_ =	shalt  }

</sc_bundles>
